<compile_context>
chip_gen: v7x
topology: tpu7x:2x2x1
jax: 0.10.2.dev20260603
libtpu: 0.0.44.dev20260713+nightly
codegen_flags: <defaults>
</compile_context>

<pallas_src>
import jax
import jax.numpy as jnp
from jax import lax
from jax.experimental import pallas as pl
from jax.experimental.pallas import tpu as pltpu
from jax.experimental.pallas import tpu_sc as plsc

N_NODES = 10000
R_ACC = 10240
STRIPE = R_ACC // 16
CHUNK = 64
NC, NS = 2, 16
NW = NC * NS
SB = 8
NB = 4
LOOKAHEAD = 3


def _sc_aggregate_body(x_hbm, adj_hbm, out_hbm, src_v, dst_v, msg_v, agg,
                       gsems, ssems, slsem):
    cid = lax.axis_index("c")
    sid = lax.axis_index("s")
    wid = sid * NC + cid

    n_chunks = adj_hbm.shape[1]
    n_blocks = n_chunks // SB
    base_blocks = n_blocks // NW
    rem_blocks = n_blocks - NW * base_blocks
    start = (wid * base_blocks + jnp.minimum(wid, rem_blocks)) * SB
    k_w = (base_blocks + jnp.where(wid < rem_blocks, 1, 0)) * SB

    def zrow(r, carry):
        for col in range(128 // 16):
            msg_v[0, r, pl.ds(col * 16, 16)] = jnp.zeros((16,), jnp.float32)
        return carry

    lax.fori_loop(0, CHUNK, zrow, 0)

    def zcopy(j, carry):
        pltpu.async_copy(msg_v.at[0],
                         agg.at[pl.ds(sid * STRIPE + j * CHUNK, CHUNK)],
                         slsem)
        return carry

    lax.fori_loop(0, STRIPE // CHUNK, zcopy, 0)

    def zdrain(j, carry):
        pltpu.make_async_copy(msg_v.at[0],
                              agg.at[pl.ds(sid * STRIPE + j * CHUNK, CHUNK)],
                              slsem).wait()
        return carry

    lax.fori_loop(0, STRIPE // CHUNK, zdrain, 0)
    plsc.subcore_barrier()

    def slab_load(j, slot):
        off = start + j * SB
        pltpu.sync_copy(adj_hbm.at[0, pl.ds(off, SB)], src_v.at[slot])
        pltpu.sync_copy(adj_hbm.at[1, pl.ds(off, SB)], dst_v.at[slot])

    def fire_slab(j, slot):
        off = start + j * SB
        pltpu.async_copy(adj_hbm.at[0, pl.ds(off, SB)], src_v.at[slot], slsem)
        pltpu.async_copy(adj_hbm.at[1, pl.ds(off, SB)], dst_v.at[slot], slsem)

    def wait_slab(j, slot):
        off = start + j * SB
        pltpu.make_async_copy(adj_hbm.at[0, pl.ds(off, SB)],
                              src_v.at[slot], slsem).wait()
        pltpu.make_async_copy(adj_hbm.at[1, pl.ds(off, SB)],
                              dst_v.at[slot], slsem).wait()

    def idx_ref(ref, c):
        return ref.at[(c // SB) % 2, c % SB]

    def fire_gather(c, b):
        pltpu.async_copy(x_hbm.at[idx_ref(src_v, c)], msg_v.at[b], gsems[b])

    def wait_gather(c, b):
        pltpu.make_async_copy(x_hbm.at[idx_ref(src_v, c)],
                              msg_v.at[b], gsems[b]).wait()

    def fire_scatter(c, b):
        pltpu.async_copy(msg_v.at[b], agg.at[idx_ref(dst_v, c)],
                         ssems[b], add=True)

    def wait_scatter(c, b):
        pltpu.make_async_copy(msg_v.at[b], agg.at[idx_ref(dst_v, c)],
                              ssems[b]).wait()

    slab_load(0, 0)
    for c in range(LOOKAHEAD):
        fire_gather(c, c % NB)

    def quad(q, carry):
        for u in range(NB):
            c = q * NB + u
            b = u
            wait_gather(c, b)
            fire_scatter(c, b)

            @pl.when(c >= NB - LOOKAHEAD)
            def _():
                wait_scatter(c - (NB - LOOKAHEAD), (b + LOOKAHEAD) % NB)

            cg = c + LOOKAHEAD

            @pl.when(jnp.logical_and(c % SB == 2, c < k_w - SB))
            def _():
                jn = c // SB + 1
                fire_slab(jn, jn % 2)

            @pl.when(jnp.logical_and(cg % SB == 0, cg < k_w))
            def _():
                wait_slab(cg // SB, (cg // SB) % 2)

            @pl.when(cg < k_w)
            def _():
                fire_gather(cg, (b + LOOKAHEAD) % NB)

        return carry

    lax.fori_loop(0, k_w // NB, quad, 0)
    for i in range(1, NB - LOOKAHEAD + 1):
        wait_scatter(k_w - i, NB - i)
    plsc.subcore_barrier()

    off = cid * R_ACC + sid * STRIPE
    pltpu.sync_copy(agg.at[pl.ds(sid * STRIPE, STRIPE)],
                    out_hbm.at[pl.ds(off, STRIPE)])


def _sc_aggregate(x, adj3):
    mesh = plsc.VectorSubcoreMesh(core_axis_name="c", subcore_axis_name="s",
                                  num_cores=NC, num_subcores=NS)
    return pl.kernel(
        _sc_aggregate_body,
        out_type=jax.ShapeDtypeStruct((NC * R_ACC, 128), jnp.float32),
        mesh=mesh,
        scratch_types=[
            pltpu.VMEM((2, SB, CHUNK), jnp.int32),
            pltpu.VMEM((2, SB, CHUNK), jnp.int32),
            pltpu.VMEM((NB, CHUNK, 128), jnp.float32),
            pltpu.VMEM_SHARED((R_ACC, 128), jnp.float32),
            [pltpu.SemaphoreType.DMA] * NB,
            [pltpu.SemaphoreType.DMA] * NB,
            pltpu.SemaphoreType.DMA,
        ],
    )(x, adj3)


def _tc_head_body(p_ref, w_ref, b_ref, mw_ref, mb_ref, o_ref):
    s = p_ref[0] + p_ref[1]
    h = jnp.dot(s, w_ref[...], preferred_element_type=jnp.float32,
                precision=lax.Precision.HIGHEST)
    h = jnp.maximum(h + b_ref[...], 0.0)
    o = lax.dot_general(h, mw_ref[...], (((1,), (1,)), ((), ())),
                        preferred_element_type=jnp.float32,
                        precision=lax.Precision.HIGHEST)
    o_ref[...] = o + mb_ref[...]


def _tc_head(partials, W, b, mlp_W, mlp_b):
    blk = 2000
    grid = (N_NODES // blk,)
    return pl.pallas_call(
        _tc_head_body,
        grid=grid,
        in_specs=[
            pl.BlockSpec((2, blk, 128), lambda i: (0, i, 0)),
            pl.BlockSpec((128, 128), lambda i: (0, 0)),
            pl.BlockSpec((1, 128), lambda i: (0, 0)),
            pl.BlockSpec((64, 128), lambda i: (0, 0)),
            pl.BlockSpec((1, 64), lambda i: (0, 0)),
        ],
        out_specs=pl.BlockSpec((blk, 64), lambda i: (i, 0)),
        out_shape=jax.ShapeDtypeStruct((N_NODES, 64), jnp.float32),
    )(partials, W, b, mlp_W, mlp_b)


def kernel(x, adj, W, b, mlp_W, mlp_b):
    e = adj.shape[1]
    adj3 = adj.reshape(2, e // CHUNK, CHUNK)
    partials = _sc_aggregate(x, adj3)
    partials = partials.reshape(NC, R_ACC, 128)
    return _tc_head(partials, W, b.reshape(1, 128), mlp_W, mlp_b.reshape(1, 64))

# --- scband reference (transcript-rebuilt; emitter-appended) ---
"""Pipeline reference for scband-classifier-13151189860953 (READ-ONLY COPY).

The authoritative reference and input builder live on the scoring server;
editing this copy changes nothing except your own understanding.
"""

import jax, jax.numpy as jnp
import numpy as np

N = 10000
E = 320000
NHID = 128
NCLASS = 64

def setup_inputs(seed: int = 0) -> dict:
    key = jax.random.key(seed)
    k1, k2, k3, k4 = jax.random.split(key, 4)
    x = jax.random.normal(k1, (N, NHID), dtype=jnp.float32)
    adj = jax.random.randint(k2, (2, E), 0, N, dtype=jnp.int32)
    # GraphConvolution params: support = x @ W; out = spmm(adj, support) + b
    W = jax.random.normal(k3, (NHID, NHID), dtype=jnp.float32) * 0.05
    b = jnp.zeros((NHID,), dtype=jnp.float32)
    # mlp = nn.Linear(nhid, nclass), weight init normal std=0.05
    mlp_W = jax.random.normal(k4, (NCLASS, NHID), dtype=jnp.float32) * 0.05
    mlp_b = jnp.zeros((NCLASS,), dtype=jnp.float32)
    return {"x": x, "adj": adj, "W": W, "b": b, "mlp_W": mlp_W, "mlp_b": mlp_b}

def reference(x, adj, W, b, mlp_W, mlp_b):
    # GraphConvolution (gcn branch): out = A @ (x @ W) + b
    support = x @ W
    src = adj[0]
    dst = adj[1]
    messages = jnp.take(support, src, axis=0)          # gather along edges
    agg = jax.ops.segment_sum(messages, dst, num_segments=N)  # scatter-add by dst node
    h = agg + b
    # activation = ReLU (gcn branch)
    h = jax.nn.relu(h)
    # dropout is identity at inference (eval mode)
    # mlp: torch Linear -> x @ W.T + b
    out = h @ mlp_W.T + mlp_b
    return out

if __name__ == "__main__":
    import jax
    _d = setup_inputs()
    print(jax.jit(kernel)(*tuple(_d.values())))

</pallas_src>

<mosaic_0001>
#map = affine_map<(d0, d1) -> (0, 0)>
#map1 = affine_map<(d0, d1) -> (0, 0, 0)>
module attributes {stable_mosaic.version = 14 : i64} {
  func.func @_sc_aggregate_body(%arg0: i32, %arg1: i32, %arg2: memref<10000x128xf32, #tpu.memory_space<hbm>>, %arg3: memref<2x5000x64xi32, #tpu.memory_space<hbm>>, %arg4: memref<20480x128xf32, #tpu.memory_space<hbm>>, %arg5: memref<2x8x64xi32, #tpu.memory_space<vmem>>, %arg6: memref<2x8x64xi32, #tpu.memory_space<vmem>>, %arg7: memref<4x64x128xf32, #tpu.memory_space<vmem>>, %arg8: memref<10240x128xf32, #tpu.memory_space<vmem_shared>>, %arg9: memref<!tpu.dma_semaphore, #tpu.memory_space<semaphore_mem>>, %arg10: memref<!tpu.dma_semaphore, #tpu.memory_space<semaphore_mem>>, %arg11: memref<!tpu.dma_semaphore, #tpu.memory_space<semaphore_mem>>, %arg12: memref<!tpu.dma_semaphore, #tpu.memory_space<semaphore_mem>>, %arg13: memref<!tpu.dma_semaphore, #tpu.memory_space<semaphore_mem>>, %arg14: memref<!tpu.dma_semaphore, #tpu.memory_space<semaphore_mem>>, %arg15: memref<!tpu.dma_semaphore, #tpu.memory_space<semaphore_mem>>, %arg16: memref<!tpu.dma_semaphore, #tpu.memory_space<semaphore_mem>>, %arg17: memref<!tpu.dma_semaphore, #tpu.memory_space<semaphore_mem>>) attributes {dimension_semantics = [#tpu.dimension_semantics<core_parallel>, #tpu.dimension_semantics<subcore_parallel>], iteration_bounds = array<i64: 2, 16>, scalar_prefetch = 0 : i64, scratch_operands = 13 : i64, tpu.core_type = #tpu.core_type<sc_vector_subcore>, window_params = [{transform_indices = #map}, {transform_indices = #map1}, {transform_indices = #map}]} {
    %mul3A = arith.constant 2 : i32
    %mul3A_0 = arith.muli %arg1, %mul3A : i32
    %add3A = arith.addi %mul3A_0, %arg0 : i32
    %mul3A_1 = arith.constant 19 : i32
    %mul3A_2 = arith.muli %add3A, %mul3A_1 : i32
    %min3A = arith.constant 17 : i32
    %min3A_3 = arith.minsi %add3A, %min3A : i32
    %add3A_4 = arith.addi %mul3A_2, %min3A_3 : i32
    %mul3A_5 = arith.constant 8 : i32
    %mul3A_6 = arith.muli %add3A_4, %mul3A_5 : i32
    %lt3A = arith.constant 17 : i32
    %lt3A_7 = arith.cmpi slt, %add3A, %lt3A : i32
    %jit3A = arith.constant 1 : i32
    %jit3A_8 = arith.constant 0 : i32
    %select_n3A = arith.select %lt3A_7, %jit3A, %jit3A_8 : i32
    %add3A_9 = arith.constant 19 : i32
    %add3A_10 = arith.addi %add3A_9, %select_n3A : i32
    %mul3A_11 = arith.constant 8 : i32
    %mul3A_12 = arith.muli %add3A_10, %mul3A_11 : i32
    %scan3A = arith.constant 0 : i32
    %scan3A_13 = arith.constant 0 : i32
    %scan3A_14 = arith.constant 64 : i32
    %scan3A_15 = arith.addi %scan3A_13, %scan3A_14 : i32
    %scan3A_16 = arith.constant 1 : i32
    scf.for %scan3A_175 = %scan3A_13 to %scan3A_15 step %scan3A_16  : i32 {
      %broadcast_in_dim3A = arith.constant 0.000000e+00 : f32
      %broadcast_in_dim3A_176 = vector.broadcast %broadcast_in_dim3A : f32 to vector<16xf32>
      %swap3A = arith.constant 0 : i32
      %swap3A_177 = arith.index_cast %swap3A : i32 to index
      %swap3A_178 = arith.index_cast %scan3A_175 : i32 to index
      %swap3A_179 = arith.constant 0 : index
      %swap3A_180 = tpu.vector_load %arg7[%swap3A_177, %swap3A_178, %swap3A_179] {strides = array<i32>} : memref<4x64x128xf32, #tpu.memory_space<vmem>>, vector<1x1x16xf32>,
      %swap3A_181 = vector.shape_cast %swap3A_180 : vector<1x1x16xf32> to vector<16xf32>
      %swap3A_182 = vector.shape_cast %broadcast_in_dim3A_176 : vector<16xf32> to vector<1x1x16xf32>
      tpu.vector_store %arg7[%swap3A_177, %swap3A_178, %swap3A_179], %swap3A_182 {strides = array<i32>} : memref<4x64x128xf32, #tpu.memory_space<vmem>>, vector<1x1x16xf32>,
      %broadcast_in_dim3A_183 = arith.constant 0.000000e+00 : f32
      %broadcast_in_dim3A_184 = vector.broadcast %broadcast_in_dim3A_183 : f32 to vector<16xf32>
      %swap3A_185 = arith.constant 0 : i32
      %swap3A_186 = arith.index_cast %swap3A_185 : i32 to index
      %swap3A_187 = arith.index_cast %scan3A_175 : i32 to index
      %swap3A_188 = arith.constant 16 : index
      %swap3A_189 = tpu.vector_load %arg7[%swap3A_186, %swap3A_187, %swap3A_188] {strides = array<i32>} : memref<4x64x128xf32, #tpu.memory_space<vmem>>, vector<1x1x16xf32>,
      %swap3A_190 = vector.shape_cast %swap3A_189 : vector<1x1x16xf32> to vector<16xf32>
      %swap3A_191 = vector.shape_cast %broadcast_in_dim3A_184 : vector<16xf32> to vector<1x1x16xf32>
      tpu.vector_store %arg7[%swap3A_186, %swap3A_187, %swap3A_188], %swap3A_191 {strides = array<i32>} : memref<4x64x128xf32, #tpu.memory_space<vmem>>, vector<1x1x16xf32>,
      %broadcast_in_dim3A_192 = arith.constant 0.000000e+00 : f32
      %broadcast_in_dim3A_193 = vector.broadcast %broadcast_in_dim3A_192 : f32 to vector<16xf32>
      %swap3A_194 = arith.constant 0 : i32
      %swap3A_195 = arith.index_cast %swap3A_194 : i32 to index
      %swap3A_196 = arith.index_cast %scan3A_175 : i32 to index
      %swap3A_197 = arith.constant 32 : index
      %swap3A_198 = tpu.vector_load %arg7[%swap3A_195, %swap3A_196, %swap3A_197] {strides = array<i32>} : memref<4x64x128xf32, #tpu.memory_space<vmem>>, vector<1x1x16xf32>,
      %swap3A_199 = vector.shape_cast %swap3A_198 : vector<1x1x16xf32> to vector<16xf32>
      %swap3A_200 = vector.shape_cast %broadcast_in_dim3A_193 : vector<16xf32> to vector<1x1x16xf32>
      tpu.vector_store %arg7[%swap3A_195, %swap3A_196, %swap3A_197], %swap3A_200 {strides = array<i32>} : memref<4x64x128xf32, #tpu.memory_space<vmem>>, vector<1x1x16xf32>,
      %broadcast_in_dim3A_201 = arith.constant 0.000000e+00 : f32
      %broadcast_in_dim3A_202 = vector.broadcast %broadcast_in_dim3A_201 : f32 to vector<16xf32>
      %swap3A_203 = arith.constant 0 : i32
      %swap3A_204 = arith.index_cast %swap3A_203 : i32 to index
      %swap3A_205 = arith.index_cast %scan3A_175 : i32 to index
      %swap3A_206 = arith.constant 48 : index
      %swap3A_207 = tpu.vector_load %arg7[%swap3A_204, %swap3A_205, %swap3A_206] {strides = array<i32>} : memref<4x64x128xf32, #tpu.memory_space<vmem>>, vector<1x1x16xf32>,
      %swap3A_208 = vector.shape_cast %swap3A_207 : vector<1x1x16xf32> to vector<16xf32>
      %swap3A_209 = vector.shape_cast %broadcast_in_dim3A_202 : vector<16xf32> to vector<1x1x16xf32>
      tpu.vector_store %arg7[%swap3A_204, %swap3A_205, %swap3A_206], %swap3A_209 {strides = array<i32>} : memref<4x64x128xf32, #tpu.memory_space<vmem>>, vector<1x1x16xf32>,
      %broadcast_in_dim3A_210 = arith.constant 0.000000e+00 : f32
      %broadcast_in_dim3A_211 = vector.broadcast %broadcast_in_dim3A_210 : f32 to vector<16xf32>
      %swap3A_212 = arith.constant 0 : i32
      %swap3A_213 = arith.index_cast %swap3A_212 : i32 to index
      %swap3A_214 = arith.index_cast %scan3A_175 : i32 to index
      %swap3A_215 = arith.constant 64 : index
      %swap3A_216 = tpu.vector_load %arg7[%swap3A_213, %swap3A_214, %swap3A_215] {strides = array<i32>} : memref<4x64x128xf32, #tpu.memory_space<vmem>>, vector<1x1x16xf32>,
      %swap3A_217 = vector.shape_cast %swap3A_216 : vector<1x1x16xf32> to vector<16xf32>
      %swap3A_218 = vector.shape_cast %broadcast_in_dim3A_211 : vector<16xf32> to vector<1x1x16xf32>
      tpu.vector_store %arg7[%swap3A_213, %swap3A_214, %swap3A_215], %swap3A_218 {strides = array<i32>} : memref<4x64x128xf32, #tpu.memory_space<vmem>>, vector<1x1x16xf32>,
      %broadcast_in_dim3A_219 = arith.constant 0.000000e+00 : f32
      %broadcast_in_dim3A_220 = vector.broadcast %broadcast_in_dim3A_219 : f32 to vector<16xf32>
      %swap3A_221 = arith.constant 0 : i32
      %swap3A_222 = arith.index_cast %swap3A_221 : i32 to index
      %swap3A_223 = arith.index_cast %scan3A_175 : i32 to index
      %swap3A_224 = arith.constant 80 : index
      %swap3A_225 = tpu.vector_load %arg7[%swap3A_222, %swap3A_223, %swap3A_224] {strides = array<i32>} : memref<4x64x128xf32, #tpu.memory_space<vmem>>, vector<1x1x16xf32>,
      %swap3A_226 = vector.shape_cast %swap3A_225 : vector<1x1x16xf32> to vector<16xf32>
      %swap3A_227 = vector.shape_cast %broadcast_in_dim3A_220 : vector<16xf32> to vector<1x1x16xf32>
      tpu.vector_store %arg7[%swap3A_222, %swap3A_223, %swap3A_224], %swap3A_227 {strides = array<i32>} : memref<4x64x128xf32, #tpu.memory_space<vmem>>, vector<1x1x16xf32>,
      %broadcast_in_dim3A_228 = arith.constant 0.000000e+00 : f32
      %broadcast_in_dim3A_229 = vector.broadcast %broadcast_in_dim3A_228 : f32 to vector<16xf32>
      %swap3A_230 = arith.constant 0 : i32
      %swap3A_231 = arith.index_cast %swap3A_230 : i32 to index
      %swap3A_232 = arith.index_cast %scan3A_175 : i32 to index
      %swap3A_233 = arith.constant 96 : index
      %swap3A_234 = tpu.vector_load %arg7[%swap3A_231, %swap3A_232, %swap3A_233] {strides = array<i32>} : memref<4x64x128xf32, #tpu.memory_space<vmem>>, vector<1x1x16xf32>,
      %swap3A_235 = vector.shape_cast %swap3A_234 : vector<1x1x16xf32> to vector<16xf32>
      %swap3A_236 = vector.shape_cast %broadcast_in_dim3A_229 : vector<16xf32> to vector<1x1x16xf32>
      tpu.vector_store %arg7[%swap3A_231, %swap3A_232, %swap3A_233], %swap3A_236 {strides = array<i32>} : memref<4x64x128xf32, #tpu.memory_space<vmem>>, vector<1x1x16xf32>,
      %broadcast_in_dim3A_237 = arith.constant 0.000000e+00 : f32
      %broadcast_in_dim3A_238 = vector.broadcast %broadcast_in_dim3A_237 : f32 to vector<16xf32>
      %swap3A_239 = arith.constant 0 : i32
      %swap3A_240 = arith.index_cast %swap3A_239 : i32 to index
      %swap3A_241 = arith.index_cast %scan3A_175 : i32 to index
      %swap3A_242 = arith.constant 112 : index
      %swap3A_243 = tpu.vector_load %arg7[%swap3A_240, %swap3A_241, %swap3A_242] {strides = array<i32>} : memref<4x64x128xf32, #tpu.memory_space<vmem>>, vector<1x1x16xf32>,
      %swap3A_244 = vector.shape_cast %swap3A_243 : vector<1x1x16xf32> to vector<16xf32>
      %swap3A_245 = vector.shape_cast %broadcast_in_dim3A_238 : vector<16xf32> to vector<1x1x16xf32>
      tpu.vector_store %arg7[%swap3A_240, %swap3A_241, %swap3A_242], %swap3A_245 {strides = array<i32>} : memref<4x64x128xf32, #tpu.memory_space<vmem>>, vector<1x1x16xf32>,
    }
    %scan3A_17 = arith.constant 64 : i32
    %scan3A_18 = arith.constant 0 : i32
    %scan3A_19 = arith.constant 0 : i32
    %scan3A_20 = arith.constant 10 : i32
    %scan3A_21 = arith.addi %scan3A_19, %scan3A_20 : i32
    %scan3A_22 = arith.constant 1 : i32
    scf.for %scan3A_175 = %scan3A_19 to %scan3A_21 step %scan3A_22  : i32 {
      %mul3A_176 = arith.constant 640 : i32
      %mul3A_177 = arith.muli %arg1, %mul3A_176 : i32
      %mul3A_178 = arith.constant 64 : i32
      %mul3A_179 = arith.muli %scan3A_175, %mul3A_178 : i32
      %add3A_180 = arith.addi %mul3A_177, %mul3A_179 : i32
      %dma_start3A_181 = arith.constant 0 : i32
      %dma_start3A_182 = arith.constant 0 : i32
      %dma_start3A_183 = arith.constant 0 : i32
      %dma_start3A_184 = tpu.memref_slice %arg7[%dma_start3A_181, %dma_start3A_182, %dma_start3A_183] : memref<4x64x128xf32, #tpu.memory_space<vmem>> -> memref<1x64x128xf32, #tpu.memory_space<vmem>>
      %dma_start3A_185 = tpu.memref_squeeze %dma_start3A_184 : memref<1x64x128xf32, #tpu.memory_space<vmem>> -> memref<64x128xf32, #tpu.memory_space<vmem>>
      %dma_start3A_186 = arith.constant 0 : i32
      %dma_start3A_187 = tpu.memref_slice %arg8[%add3A_180, %dma_start3A_186] : memref<10240x128xf32, #tpu.memory_space<vmem_shared>> -> memref<64x128xf32, #tpu.memory_space<vmem_shared>>
      %dma_start3A_188 = arith.constant 0 : i32
      %dma_start3A_189 = tpu.memref_slice %arg8[%add3A_180, %dma_start3A_188] : memref<10240x128xf32, #tpu.memory_space<vmem_shared>> -> memref<64x128xf32, #tpu.memory_space<vmem_shared>>
      %dma_start3A_190 = arith.constant 0 : i32
      %dma_start3A_191 = arith.constant 0 : i32
      %dma_start3A_192 = tpu.memref_slice %arg7[%dma_start3A_181, %dma_start3A_190, %dma_start3A_191] : memref<4x64x128xf32, #tpu.memory_space<vmem>> -> memref<1x64x128xf32, #tpu.memory_space<vmem>>
      %dma_start3A_193 = tpu.memref_squeeze %dma_start3A_192 : memref<1x64x128xf32, #tpu.memory_space<vmem>> -> memref<64x128xf32, #tpu.memory_space<vmem>>
      tpu.enqueue_dma source(%dma_start3A_193 : memref<64x128xf32, #tpu.memory_space<vmem>>) target(%dma_start3A_189 : memref<64x128xf32, #tpu.memory_space<vmem_shared>>) target_semaphore(%arg17 : memref<!tpu.dma_semaphore, #tpu.memory_space<semaphore_mem>>)
    }
    %scan3A_23 = arith.constant 10 : i32
    %scan3A_24 = arith.constant 0 : i32
    %scan3A_25 = arith.constant 0 : i32
    %scan3A_26 = arith.constant 10 : i32
    %scan3A_27 = arith.addi %scan3A_25, %scan3A_26 : i32
    %scan3A_28 = arith.constant 1 : i32
    scf.for %scan3A_175 = %scan3A_25 to %scan3A_27 step %scan3A_28  : i32 {
      %mul3A_176 = arith.constant 640 : i32
      %mul3A_177 = arith.muli %arg1, %mul3A_176 : i32
      %mul3A_178 = arith.constant 64 : i32
      %mul3A_179 = arith.muli %scan3A_175, %mul3A_178 : i32
      %add3A_180 = arith.addi %mul3A_177, %mul3A_179 : i32
      %dma_wait3A_181 = arith.constant 0 : i32
      %dma_wait3A_182 = arith.constant 0 : i32
      %dma_wait3A_183 = arith.constant 0 : i32
      %dma_wait3A_184 = tpu.memref_slice %arg7[%dma_wait3A_181, %dma_wait3A_182, %dma_wait3A_183] : memref<4x64x128xf32, #tpu.memory_space<vmem>> -> memref<1x64x128xf32, #tpu.memory_space<vmem>>
      %dma_wait3A_185 = tpu.memref_squeeze %dma_wait3A_184 : memref<1x64x128xf32, #tpu.memory_space<vmem>> -> memref<64x128xf32, #tpu.memory_space<vmem>>
      %dma_wait3A_186 = arith.constant 0 : i32
      %dma_wait3A_187 = tpu.memref_slice %arg8[%add3A_180, %dma_wait3A_186] : memref<10240x128xf32, #tpu.memory_space<vmem_shared>> -> memref<64x128xf32, #tpu.memory_space<vmem_shared>>
      %dma_wait3A_188 = arith.constant 0 : i32
      %dma_wait3A_189 = tpu.memref_slice %arg8[%add3A_180, %dma_wait3A_188] : memref<10240x128xf32, #tpu.memory_space<vmem_shared>> -> memref<64x128xf32, #tpu.memory_space<vmem_shared>>
      %dma_wait3A_190 = arith.constant 0 : i32
      %dma_wait3A_191 = arith.constant 0 : i32
      %dma_wait3A_192 = tpu.memref_slice %arg7[%dma_wait3A_181, %dma_wait3A_190, %dma_wait3A_191] : memref<4x64x128xf32, #tpu.memory_space<vmem>> -> memref<1x64x128xf32, #tpu.memory_space<vmem>>
      %dma_wait3A_193 = tpu.memref_squeeze %dma_wait3A_192 : memref<1x64x128xf32, #tpu.memory_space<vmem>> -> memref<64x128xf32, #tpu.memory_space<vmem>>
      tpu.wait_dma2 semaphore(%arg17 : memref<!tpu.dma_semaphore, #tpu.memory_space<semaphore_mem>>) src(%dma_wait3A_193 : memref<64x128xf32, #tpu.memory_space<vmem>>) dst(%dma_wait3A_189 : memref<64x128xf32, #tpu.memory_space<vmem_shared>>)
    }
    %scan3A_29 = arith.constant 10 : i32
    %barrier3A = arith.constant 0 : index
    tpu.barrier barrier_id(%barrier3A)
    %add3A_30 = arith.constant 0 : i32
    %add3A_31 = arith.addi %mul3A_6, %add3A_30 : i32
    %run_scoped3A = arith.constant 0 : i32
    %run_scoped3A_32 = arith.constant 0 : i32
    "tpu.region"() ({
      %run_scoped3A_175 = tpu.sem_alloc : memref<!tpu.dma_semaphore, #tpu.memory_space<semaphore_mem>>
      %dma_start3A_176 = arith.constant 0 : i32
      %dma_start3A_177 = arith.constant 0 : i32
      %dma_start3A_178 = tpu.memref_slice %arg5[%run_scoped3A_32, %dma_start3A_176, %dma_start3A_177] : memref<2x8x64xi32, #tpu.memory_space<vmem>> -> memref<1x8x64xi32, #tpu.memory_space<vmem>>
      %dma_start3A_179 = tpu.memref_squeeze %dma_start3A_178 : memref<1x8x64xi32, #tpu.memory_space<vmem>> -> memref<8x64xi32, #tpu.memory_space<vmem>>
      %dma_start3A_180 = arith.constant 0 : i32
      %dma_start3A_181 = tpu.memref_slice %arg3[%run_scoped3A, %add3A_31, %dma_start3A_180] : memref<2x5000x64xi32, #tpu.memory_space<hbm>> -> memref<1x8x64xi32, #tpu.memory_space<hbm>>
      %dma_start3A_182 = tpu.memref_squeeze %dma_start3A_181 : memref<1x8x64xi32, #tpu.memory_space<hbm>> -> memref<8x64xi32, #tpu.memory_space<hbm>>
      %dma_start3A_183 = arith.constant 0 : i32
      %dma_start3A_184 = arith.constant 0 : i32
      %dma_start3A_185 = tpu.memref_slice %arg5[%run_scoped3A_32, %dma_start3A_183, %dma_start3A_184] : memref<2x8x64xi32, #tpu.memory_space<vmem>> -> memref<1x8x64xi32, #tpu.memory_space<vmem>>
      %dma_start3A_186 = tpu.memref_squeeze %dma_start3A_185 : memref<1x8x64xi32, #tpu.memory_space<vmem>> -> memref<8x64xi32, #tpu.memory_space<vmem>>
      %dma_start3A_187 = arith.constant 0 : i32
      %dma_start3A_188 = tpu.memref_slice %arg3[%run_scoped3A, %add3A_31, %dma_start3A_187] : memref<2x5000x64xi32, #tpu.memory_space<hbm>> -> memref<1x8x64xi32, #tpu.memory_space<hbm>>
      %dma_start3A_189 = tpu.memref_squeeze %dma_start3A_188 : memref<1x8x64xi32, #tpu.memory_space<hbm>> -> memref<8x64xi32, #tpu.memory_space<hbm>>
      tpu.enqueue_dma source(%dma_start3A_189 : memref<8x64xi32, #tpu.memory_space<hbm>>) target(%dma_start3A_186 : memref<8x64xi32, #tpu.memory_space<vmem>>) target_semaphore(%run_scoped3A_175 : memref<!tpu.dma_semaphore, #tpu.memory_space<semaphore_mem>>)
      %dma_wait3A_190 = arith.constant 0 : i32
      %dma_wait3A_191 = arith.constant 0 : i32
      %dma_wait3A_192 = tpu.memref_slice %arg5[%run_scoped3A_32, %dma_wait3A_190, %dma_wait3A_191] : memref<2x8x64xi32, #tpu.memory_space<vmem>> -> memref<1x8x64xi32, #tpu.memory_space<vmem>>
      %dma_wait3A_193 = tpu.memref_squeeze %dma_wait3A_192 : memref<1x8x64xi32, #tpu.memory_space<vmem>> -> memref<8x64xi32, #tpu.memory_space<vmem>>
      %dma_wait3A_194 = arith.constant 0 : i32
      %dma_wait3A_195 = tpu.memref_slice %arg3[%run_scoped3A, %add3A_31, %dma_wait3A_194] : memref<2x5000x64xi32, #tpu.memory_space<hbm>> -> memref<1x8x64xi32, #tpu.memory_space<hbm>>
      %dma_wait3A_196 = tpu.memref_squeeze %dma_wait3A_195 : memref<1x8x64xi32, #tpu.memory_space<hbm>> -> memref<8x64xi32, #tpu.memory_space<hbm>>
      %dma_wait3A_197 = arith.constant 0 : i32
      %dma_wait3A_198 = arith.constant 0 : i32
      %dma_wait3A_199 = tpu.memref_slice %arg5[%run_scoped3A_32, %dma_wait3A_197, %dma_wait3A_198] : memref<2x8x64xi32, #tpu.memory_space<vmem>> -> memref<1x8x64xi32, #tpu.memory_space<vmem>>
      %dma_wait3A_200 = tpu.memref_squeeze %dma_wait3A_199 : memref<1x8x64xi32, #tpu.memory_space<vmem>> -> memref<8x64xi32, #tpu.memory_space<vmem>>
      %dma_wait3A_201 = arith.constant 0 : i32
      %dma_wait3A_202 = tpu.memref_slice %arg3[%run_scoped3A, %add3A_31, %dma_wait3A_201] : memref<2x5000x64xi32, #tpu.memory_space<hbm>> -> memref<1x8x64xi32, #tpu.memory_space<hbm>>
      %dma_wait3A_203 = tpu.memref_squeeze %dma_wait3A_202 : memref<1x8x64xi32, #tpu.memory_space<hbm>> -> memref<8x64xi32, #tpu.memory_space<hbm>>
      tpu.wait_dma2 semaphore(%run_scoped3A_175 : memref<!tpu.dma_semaphore, #tpu.memory_space<semaphore_mem>>) src(%dma_wait3A_203 : memref<8x64xi32, #tpu.memory_space<hbm>>) dst(%dma_wait3A_200 : memref<8x64xi32, #tpu.memory_space<vmem>>)
      tpu.yield
    }) : () -> ()
    %run_scoped3A_33 = arith.constant 1 : i32
    %run_scoped3A_34 = arith.constant 0 : i32
    "tpu.region"() ({
      %run_scoped3A_175 = tpu.sem_alloc : memref<!tpu.dma_semaphore, #tpu.memory_space<semaphore_mem>>
      %dma_start3A_176 = arith.constant 0 : i32
      %dma_start3A_177 = arith.constant 0 : i32
      %dma_start3A_178 = tpu.memref_slice %arg6[%run_scoped3A_34, %dma_start3A_176, %dma_start3A_177] : memref<2x8x64xi32, #tpu.memory_space<vmem>> -> memref<1x8x64xi32, #tpu.memory_space<vmem>>
      %dma_start3A_179 = tpu.memref_squeeze %dma_start3A_178 : memref<1x8x64xi32, #tpu.memory_space<vmem>> -> memref<8x64xi32, #tpu.memory_space<vmem>>
      %dma_start3A_180 = arith.constant 0 : i32
      %dma_start3A_181 = tpu.memref_slice %arg3[%run_scoped3A_33, %add3A_31, %dma_start3A_180] : memref<2x5000x64xi32, #tpu.memory_space<hbm>> -> memref<1x8x64xi32, #tpu.memory_space<hbm>>
      %dma_start3A_182 = tpu.memref_squeeze %dma_start3A_181 : memref<1x8x64xi32, #tpu.memory_space<hbm>> -> memref<8x64xi32, #tpu.memory_space<hbm>>
      %dma_start3A_183 = arith.constant 0 : i32
      %dma_start3A_184 = arith.constant 0 : i32
      %dma_start3A_185 = tpu.memref_slice %arg6[%run_scoped3A_34, %dma_start3A_183, %dma_start3A_184] : memref<2x8x64xi32, #tpu.memory_space<vmem>> -> memref<1x8x64xi32, #tpu.memory_space<vmem>>
      %dma_start3A_186 = tpu.memref_squeeze %dma_start3A_185 : memref<1x8x64xi32, #tpu.memory_space<vmem>> -> memref<8x64xi32, #tpu.memory_space<vmem>>
      %dma_start3A_187 = arith.constant 0 : i32
      %dma_start3A_188 = tpu.memref_slice %arg3[%run_scoped3A_33, %add3A_31, %dma_start3A_187] : memref<2x5000x64xi32, #tpu.memory_space<hbm>> -> memref<1x8x64xi32, #tpu.memory_space<hbm>>
      %dma_start3A_189 = tpu.memref_squeeze %dma_start3A_188 : memref<1x8x64xi32, #tpu.memory_space<hbm>> -> memref<8x64xi32, #tpu.memory_space<hbm>>
      tpu.enqueue_dma source(%dma_start3A_189 : memref<8x64xi32, #tpu.memory_space<hbm>>) target(%dma_start3A_186 : memref<8x64xi32, #tpu.memory_space<vmem>>) target_semaphore(%run_scoped3A_175 : memref<!tpu.dma_semaphore, #tpu.memory_space<semaphore_mem>>)
      %dma_wait3A_190 = arith.constant 0 : i32
      %dma_wait3A_191 = arith.constant 0 : i32
      %dma_wait3A_192 = tpu.memref_slice %arg6[%run_scoped3A_34, %dma_wait3A_190, %dma_wait3A_191] : memref<2x8x64xi32, #tpu.memory_space<vmem>> -> memref<1x8x64xi32, #tpu.memory_space<vmem>>
      %dma_wait3A_193 = tpu.memref_squeeze %dma_wait3A_192 : memref<1x8x64xi32, #tpu.memory_space<vmem>> -> memref<8x64xi32, #tpu.memory_space<vmem>>
      %dma_wait3A_194 = arith.constant 0 : i32
      %dma_wait3A_195 = tpu.memref_slice %arg3[%run_scoped3A_33, %add3A_31, %dma_wait3A_194] : memref<2x5000x64xi32, #tpu.memory_space<hbm>> -> memref<1x8x64xi32, #tpu.memory_space<hbm>>
      %dma_wait3A_196 = tpu.memref_squeeze %dma_wait3A_195 : memref<1x8x64xi32, #tpu.memory_space<hbm>> -> memref<8x64xi32, #tpu.memory_space<hbm>>
      %dma_wait3A_197 = arith.constant 0 : i32
      %dma_wait3A_198 = arith.constant 0 : i32
      %dma_wait3A_199 = tpu.memref_slice %arg6[%run_scoped3A_34, %dma_wait3A_197, %dma_wait3A_198] : memref<2x8x64xi32, #tpu.memory_space<vmem>> -> memref<1x8x64xi32, #tpu.memory_space<vmem>>
      %dma_wait3A_200 = tpu.memref_squeeze %dma_wait3A_199 : memref<1x8x64xi32, #tpu.memory_space<vmem>> -> memref<8x64xi32, #tpu.memory_space<vmem>>
      %dma_wait3A_201 = arith.constant 0 : i32
      %dma_wait3A_202 = tpu.memref_slice %arg3[%run_scoped3A_33, %add3A_31, %dma_wait3A_201] : memref<2x5000x64xi32, #tpu.memory_space<hbm>> -> memref<1x8x64xi32, #tpu.memory_space<hbm>>
      %dma_wait3A_203 = tpu.memref_squeeze %dma_wait3A_202 : memref<1x8x64xi32, #tpu.memory_space<hbm>> -> memref<8x64xi32, #tpu.memory_space<hbm>>
      tpu.wait_dma2 semaphore(%run_scoped3A_175 : memref<!tpu.dma_semaphore, #tpu.memory_space<semaphore_mem>>) src(%dma_wait3A_203 : memref<8x64xi32, #tpu.memory_space<hbm>>) dst(%dma_wait3A_200 : memref<8x64xi32, #tpu.memory_space<vmem>>)
      tpu.yield
    }) : () -> ()
    %dma_start3A = arith.constant 0 : i32
    %dma_start3A_35 = arith.constant 0 : i32
    %dma_start3A_36 = arith.constant 0 : i32
    %dma_start3A_37 = arith.constant 0 : i32
    %dma_start3A_38 = arith.constant 0 : i32
    %dma_start3A_39 = tpu.memref_slice %arg7[%dma_start3A_36, %dma_start3A_37, %dma_start3A_38] : memref<4x64x128xf32, #tpu.memory_space<vmem>> -> memref<1x64x128xf32, #tpu.memory_space<vmem>>
    %dma_start3A_40 = tpu.memref_squeeze %dma_start3A_39 : memref<1x64x128xf32, #tpu.memory_space<vmem>> -> memref<64x128xf32, #tpu.memory_space<vmem>>
    %dma_start3A_41 = arith.constant 0 : i32
    %dma_start3A_42 = tpu.memref_slice %arg5[%dma_start3A, %dma_start3A_35, %dma_start3A_41] : memref<2x8x64xi32, #tpu.memory_space<vmem>> -> memref<1x1x64xi32, #tpu.memory_space<vmem>>
    %dma_start3A_43 = tpu.memref_squeeze %dma_start3A_42 : memref<1x1x64xi32, #tpu.memory_space<vmem>> -> memref<64xi32, #tpu.memory_space<vmem>>
    %dma_start3A_44 = arith.constant 0 : i32
    %dma_start3A_45 = arith.constant 0 : i32
    %dma_start3A_46 = tpu.memref_slice %arg2[%dma_start3A_44, %dma_start3A_45] : memref<10000x128xf32, #tpu.memory_space<hbm>> -> memref<10000x128xf32, #tpu.memory_space<hbm>>
    tpu.enqueue_indirect_dma source(%dma_start3A_46 : memref<10000x128xf32, #tpu.memory_space<hbm>>) target(%dma_start3A_40 : memref<64x128xf32, #tpu.memory_space<vmem>>) offsets(%dma_start3A_43 : memref<64xi32, #tpu.memory_space<vmem>>) semaphore(%arg9 : memref<!tpu.dma_semaphore, #tpu.memory_space<semaphore_mem>>)
    %dma_start3A_47 = arith.constant 0 : i32
    %dma_start3A_48 = arith.constant 1 : i32
    %dma_start3A_49 = arith.constant 1 : i32
    %dma_start3A_50 = arith.constant 0 : i32
    %dma_start3A_51 = arith.constant 0 : i32
    %dma_start3A_52 = tpu.memref_slice %arg7[%dma_start3A_49, %dma_start3A_50, %dma_start3A_51] : memref<4x64x128xf32, #tpu.memory_space<vmem>> -> memref<1x64x128xf32, #tpu.memory_space<vmem>>
    %dma_start3A_53 = tpu.memref_squeeze %dma_start3A_52 : memref<1x64x128xf32, #tpu.memory_space<vmem>> -> memref<64x128xf32, #tpu.memory_space<vmem>>
    %dma_start3A_54 = arith.constant 0 : i32
    %dma_start3A_55 = tpu.memref_slice %arg5[%dma_start3A_47, %dma_start3A_48, %dma_start3A_54] : memref<2x8x64xi32, #tpu.memory_space<vmem>> -> memref<1x1x64xi32, #tpu.memory_space<vmem>>
    %dma_start3A_56 = tpu.memref_squeeze %dma_start3A_55 : memref<1x1x64xi32, #tpu.memory_space<vmem>> -> memref<64xi32, #tpu.memory_space<vmem>>
    %dma_start3A_57 = arith.constant 0 : i32
    %dma_start3A_58 = arith.constant 0 : i32
    %dma_start3A_59 = tpu.memref_slice %arg2[%dma_start3A_57, %dma_start3A_58] : memref<10000x128xf32, #tpu.memory_space<hbm>> -> memref<10000x128xf32, #tpu.memory_space<hbm>>
    tpu.enqueue_indirect_dma source(%dma_start3A_59 : memref<10000x128xf32, #tpu.memory_space<hbm>>) target(%dma_start3A_53 : memref<64x128xf32, #tpu.memory_space<vmem>>) offsets(%dma_start3A_56 : memref<64xi32, #tpu.memory_space<vmem>>) semaphore(%arg10 : memref<!tpu.dma_semaphore, #tpu.memory_space<semaphore_mem>>)
    %dma_start3A_60 = arith.constant 0 : i32
    %dma_start3A_61 = arith.constant 2 : i32
    %dma_start3A_62 = arith.constant 2 : i32
    %dma_start3A_63 = arith.constant 0 : i32
    %dma_start3A_64 = arith.constant 0 : i32
    %dma_start3A_65 = tpu.memref_slice %arg7[%dma_start3A_62, %dma_start3A_63, %dma_start3A_64] : memref<4x64x128xf32, #tpu.memory_space<vmem>> -> memref<1x64x128xf32, #tpu.memory_space<vmem>>
    %dma_start3A_66 = tpu.memref_squeeze %dma_start3A_65 : memref<1x64x128xf32, #tpu.memory_space<vmem>> -> memref<64x128xf32, #tpu.memory_space<vmem>>
    %dma_start3A_67 = arith.constant 0 : i32
    %dma_start3A_68 = tpu.memref_slice %arg5[%dma_start3A_60, %dma_start3A_61, %dma_start3A_67] : memref<2x8x64xi32, #tpu.memory_space<vmem>> -> memref<1x1x64xi32, #tpu.memory_space<vmem>>
    %dma_start3A_69 = tpu.memref_squeeze %dma_start3A_68 : memref<1x1x64xi32, #tpu.memory_space<vmem>> -> memref<64xi32, #tpu.memory_space<vmem>>
    %dma_start3A_70 = arith.constant 0 : i32
    %dma_start3A_71 = arith.constant 0 : i32
    %dma_start3A_72 = tpu.memref_slice %arg2[%dma_start3A_70, %dma_start3A_71] : memref<10000x128xf32, #tpu.memory_space<hbm>> -> memref<10000x128xf32, #tpu.memory_space<hbm>>
    tpu.enqueue_indirect_dma source(%dma_start3A_72 : memref<10000x128xf32, #tpu.memory_space<hbm>>) target(%dma_start3A_66 : memref<64x128xf32, #tpu.memory_space<vmem>>) offsets(%dma_start3A_69 : memref<64xi32, #tpu.memory_space<vmem>>) semaphore(%arg11 : memref<!tpu.dma_semaphore, #tpu.memory_space<semaphore_mem>>)
    %jit3A_73 = arith.constant 4 : i32
    %div3A = arith.divsi %mul3A_12, %jit3A_73 : i32
    %sign3A = arith.constant 0 : i32
    %sign3A_74 = arith.cmpi sgt, %mul3A_12, %sign3A : i32
    %sign3A_75 = arith.extui %sign3A_74 : i1 to i32
    %sign3A_76 = arith.constant 0 : i32
    %sign3A_77 = arith.cmpi slt, %mul3A_12, %sign3A_76 : i32
    %sign3A_78 = arith.extui %sign3A_77 : i1 to i32
    %sign3A_79 = arith.subi %sign3A_75, %sign3A_78 : i32
    %sign3A_80 = arith.constant 0 : i32
    %sign3A_81 = arith.cmpi sgt, %jit3A_73, %sign3A_80 : i32
    %sign3A_82 = arith.extui %sign3A_81 : i1 to i32
    %sign3A_83 = arith.constant 0 : i32
    %sign3A_84 = arith.cmpi slt, %jit3A_73, %sign3A_83 : i32
    %sign3A_85 = arith.extui %sign3A_84 : i1 to i32
    %sign3A_86 = arith.subi %sign3A_82, %sign3A_85 : i32
    %ne3A = arith.cmpi ne, %sign3A_79, %sign3A_86 : i32
    %rem3A = arith.remsi %mul3A_12, %jit3A_73 : i32
    %ne3A_87 = arith.constant 0 : i32
    %ne3A_88 = arith.cmpi ne, %rem3A, %ne3A_87 : i32
    %and3A = arith.andi %ne3A, %ne3A_88 : i1
    %sub3A = arith.constant 1 : i32
    %sub3A_89 = arith.subi %div3A, %sub3A : i32
    %select_n3A_90 = arith.select %and3A, %sub3A_89, %div3A : i32
    %while3A = arith.constant 0 : i32
    %while3A_91 = arith.constant 0 : i32
    %while3A_92 = arith.subi %select_n3A_90, %while3A_91 : i32
    %while3A_93 = arith.addi %while3A_91, %while3A_92 : i32
    %while3A_94 = arith.constant 1 : i32
    %while3A_95 = arith.divsi %while3A_92, %while3A_94 : i32
    %while3A_96 = arith.muli %while3A_95, %while3A_94 : i32
    %while3A_97 = arith.addi %while3A_91, %while3A_96 : i32
    %while3A_98 = arith.constant 1 : i32
    scf.for %while3A_175 = %while3A_91 to %while3A_97 step %while3A_98  : i32 {
      %mul3A_176 = arith.constant 4 : i32
      %mul3A_177 = arith.muli %while3A_175, %mul3A_176 : i32
      %add3A_178 = arith.constant 0 : i32
      %add3A_179 = arith.addi %mul3A_177, %add3A_178 : i32
      %jit3A_180 = arith.constant 8 : i32
      %div3A_181 = arith.divsi %add3A_179, %jit3A_180 : i32
      %sign3A_182 = arith.constant 0 : i32
      %sign3A_183 = arith.cmpi sgt, %add3A_179, %sign3A_182 : i32
      %sign3A_184 = arith.extui %sign3A_183 : i1 to i32
      %sign3A_185 = arith.constant 0 : i32
      %sign3A_186 = arith.cmpi slt, %add3A_179, %sign3A_185 : i32
      %sign3A_187 = arith.extui %sign3A_186 : i1 to i32
      %sign3A_188 = arith.subi %sign3A_184, %sign3A_187 : i32
      %sign3A_189 = arith.constant 0 : i32
      %sign3A_190 = arith.cmpi sgt, %jit3A_180, %sign3A_189 : i32
      %sign3A_191 = arith.extui %sign3A_190 : i1 to i32
      %sign3A_192 = arith.constant 0 : i32
      %sign3A_193 = arith.cmpi slt, %jit3A_180, %sign3A_192 : i32
      %sign3A_194 = arith.extui %sign3A_193 : i1 to i32
      %sign3A_195 = arith.subi %sign3A_191, %sign3A_194 : i32
      %ne3A_196 = arith.cmpi ne, %sign3A_188, %sign3A_195 : i32
      %rem3A_197 = arith.remsi %add3A_179, %jit3A_180 : i32
      %ne3A_198 = arith.constant 0 : i32
      %ne3A_199 = arith.cmpi ne, %rem3A_197, %ne3A_198 : i32
      %and3A_200 = arith.andi %ne3A_196, %ne3A_199 : i1
      %sub3A_201 = arith.constant 1 : i32
      %sub3A_202 = arith.subi %div3A_181, %sub3A_201 : i32
      %select_n3A_203 = arith.select %and3A_200, %sub3A_202, %div3A_181 : i32
      %jit3A_204 = arith.constant 2 : i32
      %eq3A_205 = arith.constant 0 : i32
      %eq3A_206 = arith.cmpi eq, %jit3A_204, %eq3A_205 : i32
      %jit3A_207 = arith.constant 1 : i32
      %select_n3A_208 = arith.select %eq3A_206, %jit3A_207, %jit3A_204 : i32
      %rem3A_209 = arith.remsi %select_n3A_203, %select_n3A_208 : i32
      %ne3A_210 = arith.constant 0 : i32
      %ne3A_211 = arith.cmpi ne, %rem3A_209, %ne3A_210 : i32
      %lt3A_212 = arith.constant 0 : i32
      %lt3A_213 = arith.cmpi slt, %rem3A_209, %lt3A_212 : i32
      %lt3A_214 = arith.constant 0 : i32
      %lt3A_215 = arith.cmpi slt, %select_n3A_208, %lt3A_214 : i32
      %ne3A_216 = arith.xori %lt3A_213, %lt3A_215 : i1
      %and3A_217 = arith.andi %ne3A_216, %ne3A_211 : i1
      %add3A_218 = arith.addi %rem3A_209, %select_n3A_208 : i32
      %select_n3A_219 = arith.select %and3A_217, %add3A_218, %rem3A_209 : i32
      %jit3A_220 = arith.constant 8 : i32
      %eq3A_221 = arith.constant 0 : i32
      %eq3A_222 = arith.cmpi eq, %jit3A_220, %eq3A_221 : i32
      %jit3A_223 = arith.constant 1 : i32
      %select_n3A_224 = arith.select %eq3A_222, %jit3A_223, %jit3A_220 : i32
      %rem3A_225 = arith.remsi %add3A_179, %select_n3A_224 : i32
      %ne3A_226 = arith.constant 0 : i32
      %ne3A_227 = arith.cmpi ne, %rem3A_225, %ne3A_226 : i32
      %lt3A_228 = arith.constant 0 : i32
      %lt3A_229 = arith.cmpi slt, %rem3A_225, %lt3A_228 : i32
      %lt3A_230 = arith.constant 0 : i32
      %lt3A_231 = arith.cmpi slt, %select_n3A_224, %lt3A_230 : i32
      %ne3A_232 = arith.xori %lt3A_229, %lt3A_231 : i1
      %and3A_233 = arith.andi %ne3A_232, %ne3A_227 : i1
      %add3A_234 = arith.addi %rem3A_225, %select_n3A_224 : i32
      %select_n3A_235 = arith.select %and3A_233, %add3A_234, %rem3A_225 : i32
      %dma_wait3A_236 = arith.constant 0 : i32
      %dma_wait3A_237 = arith.constant 0 : i32
      %dma_wait3A_238 = arith.constant 0 : i32
      %dma_wait3A_239 = tpu.memref_slice %arg7[%dma_wait3A_236, %dma_wait3A_237, %dma_wait3A_238] : memref<4x64x128xf32, #tpu.memory_space<vmem>> -> memref<1x64x128xf32, #tpu.memory_space<vmem>>
      %dma_wait3A_240 = tpu.memref_squeeze %dma_wait3A_239 : memref<1x64x128xf32, #tpu.memory_space<vmem>> -> memref<64x128xf32, #tpu.memory_space<vmem>>
      %dma_wait3A_241 = arith.constant 0 : i32
      %dma_wait3A_242 = tpu.memref_slice %arg5[%select_n3A_219, %select_n3A_235, %dma_wait3A_241] : memref<2x8x64xi32, #tpu.memory_space<vmem>> -> memref<1x1x64xi32, #tpu.memory_space<vmem>>
      %dma_wait3A_243 = tpu.memref_squeeze %dma_wait3A_242 : memref<1x1x64xi32, #tpu.memory_space<vmem>> -> memref<64xi32, #tpu.memory_space<vmem>>
      %dma_wait3A_244 = arith.constant 0 : i32
      %dma_wait3A_245 = arith.constant 0 : i32
      %dma_wait3A_246 = tpu.memref_slice %arg2[%dma_wait3A_244, %dma_wait3A_245] : memref<10000x128xf32, #tpu.memory_space<hbm>> -> memref<10000x128xf32, #tpu.memory_space<hbm>>
      tpu.wait_indirect_dma semaphore(%arg9 : memref<!tpu.dma_semaphore, #tpu.memory_space<semaphore_mem>>) src(%dma_wait3A_246 : memref<10000x128xf32, #tpu.memory_space<hbm>>) dst(%dma_wait3A_240 : memref<64x128xf32, #tpu.memory_space<vmem>>)
      %jit3A_247 = arith.constant 8 : i32
      %div3A_248 = arith.divsi %add3A_179, %jit3A_247 : i32
      %sign3A_249 = arith.constant 0 : i32
      %sign3A_250 = arith.cmpi sgt, %add3A_179, %sign3A_249 : i32
      %sign3A_251 = arith.extui %sign3A_250 : i1 to i32
      %sign3A_252 = arith.constant 0 : i32
      %sign3A_253 = arith.cmpi slt, %add3A_179, %sign3A_252 : i32
      %sign3A_254 = arith.extui %sign3A_253 : i1 to i32
      %sign3A_255 = arith.subi %sign3A_251, %sign3A_254 : i32
      %sign3A_256 = arith.constant 0 : i32
      %sign3A_257 = arith.cmpi sgt, %jit3A_247, %sign3A_256 : i32
      %sign3A_258 = arith.extui %sign3A_257 : i1 to i32
      %sign3A_259 = arith.constant 0 : i32
      %sign3A_260 = arith.cmpi slt, %jit3A_247, %sign3A_259 : i32
      %sign3A_261 = arith.extui %sign3A_260 : i1 to i32
      %sign3A_262 = arith.subi %sign3A_258, %sign3A_261 : i32
      %ne3A_263 = arith.cmpi ne, %sign3A_255, %sign3A_262 : i32
      %rem3A_264 = arith.remsi %add3A_179, %jit3A_247 : i32
      %ne3A_265 = arith.constant 0 : i32
      %ne3A_266 = arith.cmpi ne, %rem3A_264, %ne3A_265 : i32
      %and3A_267 = arith.andi %ne3A_263, %ne3A_266 : i1
      %sub3A_268 = arith.constant 1 : i32
      %sub3A_269 = arith.subi %div3A_248, %sub3A_268 : i32
      %select_n3A_270 = arith.select %and3A_267, %sub3A_269, %div3A_248 : i32
      %jit3A_271 = arith.constant 2 : i32
      %eq3A_272 = arith.constant 0 : i32
      %eq3A_273 = arith.cmpi eq, %jit3A_271, %eq3A_272 : i32
      %jit3A_274 = arith.constant 1 : i32
      %select_n3A_275 = arith.select %eq3A_273, %jit3A_274, %jit3A_271 : i32
      %rem3A_276 = arith.remsi %select_n3A_270, %select_n3A_275 : i32
      %ne3A_277 = arith.constant 0 : i32
      %ne3A_278 = arith.cmpi ne, %rem3A_276, %ne3A_277 : i32
      %lt3A_279 = arith.constant 0 : i32
      %lt3A_280 = arith.cmpi slt, %rem3A_276, %lt3A_279 : i32
      %lt3A_281 = arith.constant 0 : i32
      %lt3A_282 = arith.cmpi slt, %select_n3A_275, %lt3A_281 : i32
      %ne3A_283 = arith.xori %lt3A_280, %lt3A_282 : i1
      %and3A_284 = arith.andi %ne3A_283, %ne3A_278 : i1
      %add3A_285 = arith.addi %rem3A_276, %select_n3A_275 : i32
      %select_n3A_286 = arith.select %and3A_284, %add3A_285, %rem3A_276 : i32
      %jit3A_287 = arith.constant 8 : i32
      %eq3A_288 = arith.constant 0 : i32
      %eq3A_289 = arith.cmpi eq, %jit3A_287, %eq3A_288 : i32
      %jit3A_290 = arith.constant 1 : i32
      %select_n3A_291 = arith.select %eq3A_289, %jit3A_290, %jit3A_287 : i32
      %rem3A_292 = arith.remsi %add3A_179, %select_n3A_291 : i32
      %ne3A_293 = arith.constant 0 : i32
      %ne3A_294 = arith.cmpi ne, %rem3A_292, %ne3A_293 : i32
      %lt3A_295 = arith.constant 0 : i32
      %lt3A_296 = arith.cmpi slt, %rem3A_292, %lt3A_295 : i32
      %lt3A_297 = arith.constant 0 : i32
      %lt3A_298 = arith.cmpi slt, %select_n3A_291, %lt3A_297 : i32
      %ne3A_299 = arith.xori %lt3A_296, %lt3A_298 : i1
      %and3A_300 = arith.andi %ne3A_299, %ne3A_294 : i1
      %add3A_301 = arith.addi %rem3A_292, %select_n3A_291 : i32
      %select_n3A_302 = arith.select %and3A_300, %add3A_301, %rem3A_292 : i32
      %dma_start3A_303 = arith.constant 0 : i32
      %dma_start3A_304 = arith.constant 0 : i32
      %dma_start3A_305 = arith.constant 0 : i32
      %dma_start3A_306 = tpu.memref_slice %arg7[%dma_start3A_303, %dma_start3A_304, %dma_start3A_305] : memref<4x64x128xf32, #tpu.memory_space<vmem>> -> memref<1x64x128xf32, #tpu.memory_space<vmem>>
      %dma_start3A_307 = tpu.memref_squeeze %dma_start3A_306 : memref<1x64x128xf32, #tpu.memory_space<vmem>> -> memref<64x128xf32, #tpu.memory_space<vmem>>
      %dma_start3A_308 = arith.constant 0 : i32
      %dma_start3A_309 = tpu.memref_slice %arg6[%select_n3A_286, %select_n3A_302, %dma_start3A_308] : memref<2x8x64xi32, #tpu.memory_space<vmem>> -> memref<1x1x64xi32, #tpu.memory_space<vmem>>
      %dma_start3A_310 = tpu.memref_squeeze %dma_start3A_309 : memref<1x1x64xi32, #tpu.memory_space<vmem>> -> memref<64xi32, #tpu.memory_space<vmem>>
      %dma_start3A_311 = arith.constant 0 : i32
      %dma_start3A_312 = arith.constant 0 : i32
      %dma_start3A_313 = tpu.memref_slice %arg8[%dma_start3A_311, %dma_start3A_312] : memref<10240x128xf32, #tpu.memory_space<vmem_shared>> -> memref<10240x128xf32, #tpu.memory_space<vmem_shared>>
      tpu.enqueue_indirect_dma source(%dma_start3A_307 : memref<64x128xf32, #tpu.memory_space<vmem>>) target(%dma_start3A_313 : memref<10240x128xf32, #tpu.memory_space<vmem_shared>>) offsets(%dma_start3A_310 : memref<64xi32, #tpu.memory_space<vmem>>) semaphore(%arg13 : memref<!tpu.dma_semaphore, #tpu.memory_space<semaphore_mem>>) {add = true}
      %ge3A = arith.constant 1 : i32
      %ge3A_314 = arith.cmpi sge, %add3A_179, %ge3A : i32
      %convert_element_type3A = arith.extui %ge3A_314 : i1 to i32
      %cond3A = arith.constant 0 : i32
      %cond3A_315 = arith.cmpi ne, %convert_element_type3A, %cond3A : i32
      scf.if %cond3A_315 {
        %sub3A_961 = arith.constant 1 : i32
        %sub3A_962 = arith.subi %add3A_179, %sub3A_961 : i32
        %jit3A_963 = arith.constant 8 : i32
        %div3A_964 = arith.divsi %sub3A_962, %jit3A_963 : i32
        %sign3A_965 = arith.constant 0 : i32
        %sign3A_966 = arith.cmpi sgt, %sub3A_962, %sign3A_965 : i32
        %sign3A_967 = arith.extui %sign3A_966 : i1 to i32
        %sign3A_968 = arith.constant 0 : i32
        %sign3A_969 = arith.cmpi slt, %sub3A_962, %sign3A_968 : i32
        %sign3A_970 = arith.extui %sign3A_969 : i1 to i32
        %sign3A_971 = arith.subi %sign3A_967, %sign3A_970 : i32
        %sign3A_972 = arith.constant 0 : i32
        %sign3A_973 = arith.cmpi sgt, %jit3A_963, %sign3A_972 : i32
        %sign3A_974 = arith.extui %sign3A_973 : i1 to i32
        %sign3A_975 = arith.constant 0 : i32
        %sign3A_976 = arith.cmpi slt, %jit3A_963, %sign3A_975 : i32
        %sign3A_977 = arith.extui %sign3A_976 : i1 to i32
        %sign3A_978 = arith.subi %sign3A_974, %sign3A_977 : i32
        %ne3A_979 = arith.cmpi ne, %sign3A_971, %sign3A_978 : i32
        %rem3A_980 = arith.remsi %sub3A_962, %jit3A_963 : i32
        %ne3A_981 = arith.constant 0 : i32
        %ne3A_982 = arith.cmpi ne, %rem3A_980, %ne3A_981 : i32
        %and3A_983 = arith.andi %ne3A_979, %ne3A_982 : i1
        %sub3A_984 = arith.constant 1 : i32
        %sub3A_985 = arith.subi %div3A_964, %sub3A_984 : i32
        %select_n3A_986 = arith.select %and3A_983, %sub3A_985, %div3A_964 : i32
        %jit3A_987 = arith.constant 2 : i32
        %eq3A_988 = arith.constant 0 : i32
        %eq3A_989 = arith.cmpi eq, %jit3A_987, %eq3A_988 : i32
        %jit3A_990 = arith.constant 1 : i32
        %select_n3A_991 = arith.select %eq3A_989, %jit3A_990, %jit3A_987 : i32
        %rem3A_992 = arith.remsi %select_n3A_986, %select_n3A_991 : i32
        %ne3A_993 = arith.constant 0 : i32
        %ne3A_994 = arith.cmpi ne, %rem3A_992, %ne3A_993 : i32
        %lt3A_995 = arith.constant 0 : i32
        %lt3A_996 = arith.cmpi slt, %rem3A_992, %lt3A_995 : i32
        %lt3A_997 = arith.constant 0 : i32
        %lt3A_998 = arith.cmpi slt, %select_n3A_991, %lt3A_997 : i32
        %ne3A_999 = arith.xori %lt3A_996, %lt3A_998 : i1
        %and3A_1000 = arith.andi %ne3A_999, %ne3A_994 : i1
        %add3A_1001 = arith.addi %rem3A_992, %select_n3A_991 : i32
        %select_n3A_1002 = arith.select %and3A_1000, %add3A_1001, %rem3A_992 : i32
        %jit3A_1003 = arith.constant 8 : i32
        %eq3A_1004 = arith.constant 0 : i32
        %eq3A_1005 = arith.cmpi eq, %jit3A_1003, %eq3A_1004 : i32
        %jit3A_1006 = arith.constant 1 : i32
        %select_n3A_1007 = arith.select %eq3A_1005, %jit3A_1006, %jit3A_1003 : i32
        %rem3A_1008 = arith.remsi %sub3A_962, %select_n3A_1007 : i32
        %ne3A_1009 = arith.constant 0 : i32
        %ne3A_1010 = arith.cmpi ne, %rem3A_1008, %ne3A_1009 : i32
        %lt3A_1011 = arith.constant 0 : i32
        %lt3A_1012 = arith.cmpi slt, %rem3A_1008, %lt3A_1011 : i32
        %lt3A_1013 = arith.constant 0 : i32
        %lt3A_1014 = arith.cmpi slt, %select_n3A_1007, %lt3A_1013 : i32
        %ne3A_1015 = arith.xori %lt3A_1012, %lt3A_1014 : i1
        %and3A_1016 = arith.andi %ne3A_1015, %ne3A_1010 : i1
        %add3A_1017 = arith.addi %rem3A_1008, %select_n3A_1007 : i32
        %select_n3A_1018 = arith.select %and3A_1016, %add3A_1017, %rem3A_1008 : i32
        %dma_wait3A_1019 = arith.constant 3 : i32
        %dma_wait3A_1020 = arith.constant 0 : i32
        %dma_wait3A_1021 = arith.constant 0 : i32
        %dma_wait3A_1022 = tpu.memref_slice %arg7[%dma_wait3A_1019, %dma_wait3A_1020, %dma_wait3A_1021] : memref<4x64x128xf32, #tpu.memory_space<vmem>> -> memref<1x64x128xf32, #tpu.memory_space<vmem>>
        %dma_wait3A_1023 = tpu.memref_squeeze %dma_wait3A_1022 : memref<1x64x128xf32, #tpu.memory_space<vmem>> -> memref<64x128xf32, #tpu.memory_space<vmem>>
        %dma_wait3A_1024 = arith.constant 0 : i32
        %dma_wait3A_1025 = tpu.memref_slice %arg6[%select_n3A_1002, %select_n3A_1018, %dma_wait3A_1024] : memref<2x8x64xi32, #tpu.memory_space<vmem>> -> memref<1x1x64xi32, #tpu.memory_space<vmem>>
        %dma_wait3A_1026 = tpu.memref_squeeze %dma_wait3A_1025 : memref<1x1x64xi32, #tpu.memory_space<vmem>> -> memref<64xi32, #tpu.memory_space<vmem>>
        %dma_wait3A_1027 = arith.constant 0 : i32
        %dma_wait3A_1028 = arith.constant 0 : i32
        %dma_wait3A_1029 = tpu.memref_slice %arg8[%dma_wait3A_1027, %dma_wait3A_1028] : memref<10240x128xf32, #tpu.memory_space<vmem_shared>> -> memref<10240x128xf32, #tpu.memory_space<vmem_shared>>
        tpu.wait_indirect_dma semaphore(%arg16 : memref<!tpu.dma_semaphore, #tpu.memory_space<semaphore_mem>>) src(%dma_wait3A_1023 : memref<64x128xf32, #tpu.memory_space<vmem>>) dst(%dma_wait3A_1029 : memref<10240x128xf32, #tpu.memory_space<vmem_shared>>)
      } else {
      }
      %add3A_316 = arith.constant 3 : i32
      %add3A_317 = arith.addi %add3A_179, %add3A_316 : i32
      %jit3A_318 = arith.constant 8 : i32
      %eq3A_319 = arith.constant 0 : i32
      %eq3A_320 = arith.cmpi eq, %jit3A_318, %eq3A_319 : i32
      %jit3A_321 = arith.constant 1 : i32
      %select_n3A_322 = arith.select %eq3A_320, %jit3A_321, %jit3A_318 : i32
      %rem3A_323 = arith.remsi %add3A_179, %select_n3A_322 : i32
      %ne3A_324 = arith.constant 0 : i32
      %ne3A_325 = arith.cmpi ne, %rem3A_323, %ne3A_324 : i32
      %lt3A_326 = arith.constant 0 : i32
      %lt3A_327 = arith.cmpi slt, %rem3A_323, %lt3A_326 : i32
      %lt3A_328 = arith.constant 0 : i32
      %lt3A_329 = arith.cmpi slt, %select_n3A_322, %lt3A_328 : i32
      %ne3A_330 = arith.xori %lt3A_327, %lt3A_329 : i1
      %and3A_331 = arith.andi %ne3A_330, %ne3A_325 : i1
      %add3A_332 = arith.addi %rem3A_323, %select_n3A_322 : i32
      %select_n3A_333 = arith.select %and3A_331, %add3A_332, %rem3A_323 : i32
      %eq3A_334 = arith.constant 2 : i32
      %eq3A_335 = arith.cmpi eq, %select_n3A_333, %eq3A_334 : i32
      %sub3A_336 = arith.constant 8 : i32
      %sub3A_337 = arith.subi %mul3A_12, %sub3A_336 : i32
      %lt3A_338 = arith.cmpi slt, %add3A_179, %sub3A_337 : i32
      %and3A_339 = arith.andi %eq3A_335, %lt3A_338 : i1
      %convert_element_type3A_340 = arith.extui %and3A_339 : i1 to i32
      %cond3A_341 = arith.constant 0 : i32
      %cond3A_342 = arith.cmpi ne, %convert_element_type3A_340, %cond3A_341 : i32
      scf.if %cond3A_342 {
        %jit3A_961 = arith.constant 8 : i32
        %div3A_962 = arith.divsi %add3A_179, %jit3A_961 : i32
        %sign3A_963 = arith.constant 0 : i32
        %sign3A_964 = arith.cmpi sgt, %add3A_179, %sign3A_963 : i32
        %sign3A_965 = arith.extui %sign3A_964 : i1 to i32
        %sign3A_966 = arith.constant 0 : i32
        %sign3A_967 = arith.cmpi slt, %add3A_179, %sign3A_966 : i32
        %sign3A_968 = arith.extui %sign3A_967 : i1 to i32
        %sign3A_969 = arith.subi %sign3A_965, %sign3A_968 : i32
        %sign3A_970 = arith.constant 0 : i32
        %sign3A_971 = arith.cmpi sgt, %jit3A_961, %sign3A_970 : i32
        %sign3A_972 = arith.extui %sign3A_971 : i1 to i32
        %sign3A_973 = arith.constant 0 : i32
        %sign3A_974 = arith.cmpi slt, %jit3A_961, %sign3A_973 : i32
        %sign3A_975 = arith.extui %sign3A_974 : i1 to i32
        %sign3A_976 = arith.subi %sign3A_972, %sign3A_975 : i32
        %ne3A_977 = arith.cmpi ne, %sign3A_969, %sign3A_976 : i32
        %rem3A_978 = arith.remsi %add3A_179, %jit3A_961 : i32
        %ne3A_979 = arith.constant 0 : i32
        %ne3A_980 = arith.cmpi ne, %rem3A_978, %ne3A_979 : i32
        %and3A_981 = arith.andi %ne3A_977, %ne3A_980 : i1
        %sub3A_982 = arith.constant 1 : i32
        %sub3A_983 = arith.subi %div3A_962, %sub3A_982 : i32
        %select_n3A_984 = arith.select %and3A_981, %sub3A_983, %div3A_962 : i32
        %add3A_985 = arith.constant 1 : i32
        %add3A_986 = arith.addi %select_n3A_984, %add3A_985 : i32
        %jit3A_987 = arith.constant 2 : i32
        %eq3A_988 = arith.constant 0 : i32
        %eq3A_989 = arith.cmpi eq, %jit3A_987, %eq3A_988 : i32
        %jit3A_990 = arith.constant 1 : i32
        %select_n3A_991 = arith.select %eq3A_989, %jit3A_990, %jit3A_987 : i32
        %rem3A_992 = arith.remsi %add3A_986, %select_n3A_991 : i32
        %ne3A_993 = arith.constant 0 : i32
        %ne3A_994 = arith.cmpi ne, %rem3A_992, %ne3A_993 : i32
        %lt3A_995 = arith.constant 0 : i32
        %lt3A_996 = arith.cmpi slt, %rem3A_992, %lt3A_995 : i32
        %lt3A_997 = arith.constant 0 : i32
        %lt3A_998 = arith.cmpi slt, %select_n3A_991, %lt3A_997 : i32
        %ne3A_999 = arith.xori %lt3A_996, %lt3A_998 : i1
        %and3A_1000 = arith.andi %ne3A_999, %ne3A_994 : i1
        %add3A_1001 = arith.addi %rem3A_992, %select_n3A_991 : i32
        %select_n3A_1002 = arith.select %and3A_1000, %add3A_1001, %rem3A_992 : i32
        %mul3A_1003 = arith.constant 8 : i32
        %mul3A_1004 = arith.muli %add3A_986, %mul3A_1003 : i32
        %add3A_1005 = arith.addi %mul3A_6, %mul3A_1004 : i32
        %dma_start3A_1006 = arith.constant 0 : i32
        %dma_start3A_1007 = arith.constant 0 : i32
        %dma_start3A_1008 = arith.constant 0 : i32
        %dma_start3A_1009 = tpu.memref_slice %arg5[%select_n3A_1002, %dma_start3A_1007, %dma_start3A_1008] : memref<2x8x64xi32, #tpu.memory_space<vmem>> -> memref<1x8x64xi32, #tpu.memory_space<vmem>>
        %dma_start3A_1010 = tpu.memref_squeeze %dma_start3A_1009 : memref<1x8x64xi32, #tpu.memory_space<vmem>> -> memref<8x64xi32, #tpu.memory_space<vmem>>
        %dma_start3A_1011 = arith.constant 0 : i32
        %dma_start3A_1012 = tpu.memref_slice %arg3[%dma_start3A_1006, %add3A_1005, %dma_start3A_1011] : memref<2x5000x64xi32, #tpu.memory_space<hbm>> -> memref<1x8x64xi32, #tpu.memory_space<hbm>>
        %dma_start3A_1013 = tpu.memref_squeeze %dma_start3A_1012 : memref<1x8x64xi32, #tpu.memory_space<hbm>> -> memref<8x64xi32, #tpu.memory_space<hbm>>
        %dma_start3A_1014 = arith.constant 0 : i32
        %dma_start3A_1015 = arith.constant 0 : i32
        %dma_start3A_1016 = tpu.memref_slice %arg5[%select_n3A_1002, %dma_start3A_1014, %dma_start3A_1015] : memref<2x8x64xi32, #tpu.memory_space<vmem>> -> memref<1x8x64xi32, #tpu.memory_space<vmem>>
        %dma_start3A_1017 = tpu.memref_squeeze %dma_start3A_1016 : memref<1x8x64xi32, #tpu.memory_space<vmem>> -> memref<8x64xi32, #tpu.memory_space<vmem>>
        %dma_start3A_1018 = arith.constant 0 : i32
        %dma_start3A_1019 = tpu.memref_slice %arg3[%dma_start3A_1006, %add3A_1005, %dma_start3A_1018] : memref<2x5000x64xi32, #tpu.memory_space<hbm>> -> memref<1x8x64xi32, #tpu.memory_space<hbm>>
        %dma_start3A_1020 = tpu.memref_squeeze %dma_start3A_1019 : memref<1x8x64xi32, #tpu.memory_space<hbm>> -> memref<8x64xi32, #tpu.memory_space<hbm>>
        tpu.enqueue_dma source(%dma_start3A_1020 : memref<8x64xi32, #tpu.memory_space<hbm>>) target(%dma_start3A_1017 : memref<8x64xi32, #tpu.memory_space<vmem>>) target_semaphore(%arg17 : memref<!tpu.dma_semaphore, #tpu.memory_space<semaphore_mem>>)
        %dma_start3A_1021 = arith.constant 1 : i32
        %dma_start3A_1022 = arith.constant 0 : i32
        %dma_start3A_1023 = arith.constant 0 : i32
        %dma_start3A_1024 = tpu.memref_slice %arg6[%select_n3A_1002, %dma_start3A_1022, %dma_start3A_1023] : memref<2x8x64xi32, #tpu.memory_space<vmem>> -> memref<1x8x64xi32, #tpu.memory_space<vmem>>
        %dma_start3A_1025 = tpu.memref_squeeze %dma_start3A_1024 : memref<1x8x64xi32, #tpu.memory_space<vmem>> -> memref<8x64xi32, #tpu.memory_space<vmem>>
        %dma_start3A_1026 = arith.constant 0 : i32
        %dma_start3A_1027 = tpu.memref_slice %arg3[%dma_start3A_1021, %add3A_1005, %dma_start3A_1026] : memref<2x5000x64xi32, #tpu.memory_space<hbm>> -> memref<1x8x64xi32, #tpu.memory_space<hbm>>
        %dma_start3A_1028 = tpu.memref_squeeze %dma_start3A_1027 : memref<1x8x64xi32, #tpu.memory_space<hbm>> -> memref<8x64xi32, #tpu.memory_space<hbm>>
        %dma_start3A_1029 = arith.constant 0 : i32
        %dma_start3A_1030 = arith.constant 0 : i32
        %dma_start3A_1031 = tpu.memref_slice %arg6[%select_n3A_1002, %dma_start3A_1029, %dma_start3A_1030] : memref<2x8x64xi32, #tpu.memory_space<vmem>> -> memref<1x8x64xi32, #tpu.memory_space<vmem>>
        %dma_start3A_1032 = tpu.memref_squeeze %dma_start3A_1031 : memref<1x8x64xi32, #tpu.memory_space<vmem>> -> memref<8x64xi32, #tpu.memory_space<vmem>>
        %dma_start3A_1033 = arith.constant 0 : i32
        %dma_start3A_1034 = tpu.memref_slice %arg3[%dma_start3A_1021, %add3A_1005, %dma_start3A_1033] : memref<2x5000x64xi32, #tpu.memory_space<hbm>> -> memref<1x8x64xi32, #tpu.memory_space<hbm>>
        %dma_start3A_1035 = tpu.memref_squeeze %dma_start3A_1034 : memref<1x8x64xi32, #tpu.memory_space<hbm>> -> memref<8x64xi32, #tpu.memory_space<hbm>>
        tpu.enqueue_dma source(%dma_start3A_1035 : memref<8x64xi32, #tpu.memory_space<hbm>>) target(%dma_start3A_1032 : memref<8x64xi32, #tpu.memory_space<vmem>>) target_semaphore(%arg17 : memref<!tpu.dma_semaphore, #tpu.memory_space<semaphore_mem>>)
      } else {
      }
      %jit3A_343 = arith.constant 8 : i32
      %eq3A_344 = arith.constant 0 : i32
      %eq3A_345 = arith.cmpi eq, %jit3A_343, %eq3A_344 : i32
      %jit3A_346 = arith.constant 1 : i32
      %select_n3A_347 = arith.select %eq3A_345, %jit3A_346, %jit3A_343 : i32
      %rem3A_348 = arith.remsi %add3A_317, %select_n3A_347 : i32
      %ne3A_349 = arith.constant 0 : i32
      %ne3A_350 = arith.cmpi ne, %rem3A_348, %ne3A_349 : i32
      %lt3A_351 = arith.constant 0 : i32
      %lt3A_352 = arith.cmpi slt, %rem3A_348, %lt3A_351 : i32
      %lt3A_353 = arith.constant 0 : i32
      %lt3A_354 = arith.cmpi slt, %select_n3A_347, %lt3A_353 : i32
      %ne3A_355 = arith.xori %lt3A_352, %lt3A_354 : i1
      %and3A_356 = arith.andi %ne3A_355, %ne3A_350 : i1
      %add3A_357 = arith.addi %rem3A_348, %select_n3A_347 : i32
      %select_n3A_358 = arith.select %and3A_356, %add3A_357, %rem3A_348 : i32
      %eq3A_359 = arith.constant 0 : i32
      %eq3A_360 = arith.cmpi eq, %select_n3A_358, %eq3A_359 : i32
      %lt3A_361 = arith.cmpi slt, %add3A_317, %mul3A_12 : i32
      %and3A_362 = arith.andi %eq3A_360, %lt3A_361 : i1
      %convert_element_type3A_363 = arith.extui %and3A_362 : i1 to i32
      %cond3A_364 = arith.constant 0 : i32
      %cond3A_365 = arith.cmpi ne, %convert_element_type3A_363, %cond3A_364 : i32
      scf.if %cond3A_365 {
        %jit3A_961 = arith.constant 8 : i32
        %div3A_962 = arith.divsi %add3A_317, %jit3A_961 : i32
        %sign3A_963 = arith.constant 0 : i32
        %sign3A_964 = arith.cmpi sgt, %add3A_317, %sign3A_963 : i32
        %sign3A_965 = arith.extui %sign3A_964 : i1 to i32
        %sign3A_966 = arith.constant 0 : i32
        %sign3A_967 = arith.cmpi slt, %add3A_317, %sign3A_966 : i32
        %sign3A_968 = arith.extui %sign3A_967 : i1 to i32
        %sign3A_969 = arith.subi %sign3A_965, %sign3A_968 : i32
        %sign3A_970 = arith.constant 0 : i32
        %sign3A_971 = arith.cmpi sgt, %jit3A_961, %sign3A_970 : i32
        %sign3A_972 = arith.extui %sign3A_971 : i1 to i32
        %sign3A_973 = arith.constant 0 : i32
        %sign3A_974 = arith.cmpi slt, %jit3A_961, %sign3A_973 : i32
        %sign3A_975 = arith.extui %sign3A_974 : i1 to i32
        %sign3A_976 = arith.subi %sign3A_972, %sign3A_975 : i32
        %ne3A_977 = arith.cmpi ne, %sign3A_969, %sign3A_976 : i32
        %rem3A_978 = arith.remsi %add3A_317, %jit3A_961 : i32
        %ne3A_979 = arith.constant 0 : i32
        %ne3A_980 = arith.cmpi ne, %rem3A_978, %ne3A_979 : i32
        %and3A_981 = arith.andi %ne3A_977, %ne3A_980 : i1
        %sub3A_982 = arith.constant 1 : i32
        %sub3A_983 = arith.subi %div3A_962, %sub3A_982 : i32
        %select_n3A_984 = arith.select %and3A_981, %sub3A_983, %div3A_962 : i32
        %jit3A_985 = arith.constant 8 : i32
        %div3A_986 = arith.divsi %add3A_317, %jit3A_985 : i32
        %sign3A_987 = arith.constant 0 : i32
        %sign3A_988 = arith.cmpi sgt, %add3A_317, %sign3A_987 : i32
        %sign3A_989 = arith.extui %sign3A_988 : i1 to i32
        %sign3A_990 = arith.constant 0 : i32
        %sign3A_991 = arith.cmpi slt, %add3A_317, %sign3A_990 : i32
        %sign3A_992 = arith.extui %sign3A_991 : i1 to i32
        %sign3A_993 = arith.subi %sign3A_989, %sign3A_992 : i32
        %sign3A_994 = arith.constant 0 : i32
        %sign3A_995 = arith.cmpi sgt, %jit3A_985, %sign3A_994 : i32
        %sign3A_996 = arith.extui %sign3A_995 : i1 to i32
        %sign3A_997 = arith.constant 0 : i32
        %sign3A_998 = arith.cmpi slt, %jit3A_985, %sign3A_997 : i32
        %sign3A_999 = arith.extui %sign3A_998 : i1 to i32
        %sign3A_1000 = arith.subi %sign3A_996, %sign3A_999 : i32
        %ne3A_1001 = arith.cmpi ne, %sign3A_993, %sign3A_1000 : i32
        %rem3A_1002 = arith.remsi %add3A_317, %jit3A_985 : i32
        %ne3A_1003 = arith.constant 0 : i32
        %ne3A_1004 = arith.cmpi ne, %rem3A_1002, %ne3A_1003 : i32
        %and3A_1005 = arith.andi %ne3A_1001, %ne3A_1004 : i1
        %sub3A_1006 = arith.constant 1 : i32
        %sub3A_1007 = arith.subi %div3A_986, %sub3A_1006 : i32
        %select_n3A_1008 = arith.select %and3A_1005, %sub3A_1007, %div3A_986 : i32
        %jit3A_1009 = arith.constant 2 : i32
        %eq3A_1010 = arith.constant 0 : i32
        %eq3A_1011 = arith.cmpi eq, %jit3A_1009, %eq3A_1010 : i32
        %jit3A_1012 = arith.constant 1 : i32
        %select_n3A_1013 = arith.select %eq3A_1011, %jit3A_1012, %jit3A_1009 : i32
        %rem3A_1014 = arith.remsi %select_n3A_1008, %select_n3A_1013 : i32
        %ne3A_1015 = arith.constant 0 : i32
        %ne3A_1016 = arith.cmpi ne, %rem3A_1014, %ne3A_1015 : i32
        %lt3A_1017 = arith.constant 0 : i32
        %lt3A_1018 = arith.cmpi slt, %rem3A_1014, %lt3A_1017 : i32
        %lt3A_1019 = arith.constant 0 : i32
        %lt3A_1020 = arith.cmpi slt, %select_n3A_1013, %lt3A_1019 : i32
        %ne3A_1021 = arith.xori %lt3A_1018, %lt3A_1020 : i1
        %and3A_1022 = arith.andi %ne3A_1021, %ne3A_1016 : i1
        %add3A_1023 = arith.addi %rem3A_1014, %select_n3A_1013 : i32
        %select_n3A_1024 = arith.select %and3A_1022, %add3A_1023, %rem3A_1014 : i32
        %mul3A_1025 = arith.constant 8 : i32
        %mul3A_1026 = arith.muli %select_n3A_984, %mul3A_1025 : i32
        %add3A_1027 = arith.addi %mul3A_6, %mul3A_1026 : i32
        %dma_wait3A_1028 = arith.constant 0 : i32
        %dma_wait3A_1029 = arith.constant 0 : i32
        %dma_wait3A_1030 = arith.constant 0 : i32
        %dma_wait3A_1031 = tpu.memref_slice %arg5[%select_n3A_1024, %dma_wait3A_1029, %dma_wait3A_1030] : memref<2x8x64xi32, #tpu.memory_space<vmem>> -> memref<1x8x64xi32, #tpu.memory_space<vmem>>
        %dma_wait3A_1032 = tpu.memref_squeeze %dma_wait3A_1031 : memref<1x8x64xi32, #tpu.memory_space<vmem>> -> memref<8x64xi32, #tpu.memory_space<vmem>>
        %dma_wait3A_1033 = arith.constant 0 : i32
        %dma_wait3A_1034 = tpu.memref_slice %arg3[%dma_wait3A_1028, %add3A_1027, %dma_wait3A_1033] : memref<2x5000x64xi32, #tpu.memory_space<hbm>> -> memref<1x8x64xi32, #tpu.memory_space<hbm>>
        %dma_wait3A_1035 = tpu.memref_squeeze %dma_wait3A_1034 : memref<1x8x64xi32, #tpu.memory_space<hbm>> -> memref<8x64xi32, #tpu.memory_space<hbm>>
        %dma_wait3A_1036 = arith.constant 0 : i32
        %dma_wait3A_1037 = arith.constant 0 : i32
        %dma_wait3A_1038 = tpu.memref_slice %arg5[%select_n3A_1024, %dma_wait3A_1036, %dma_wait3A_1037] : memref<2x8x64xi32, #tpu.memory_space<vmem>> -> memref<1x8x64xi32, #tpu.memory_space<vmem>>
        %dma_wait3A_1039 = tpu.memref_squeeze %dma_wait3A_1038 : memref<1x8x64xi32, #tpu.memory_space<vmem>> -> memref<8x64xi32, #tpu.memory_space<vmem>>
        %dma_wait3A_1040 = arith.constant 0 : i32
        %dma_wait3A_1041 = tpu.memref_slice %arg3[%dma_wait3A_1028, %add3A_1027, %dma_wait3A_1040] : memref<2x5000x64xi32, #tpu.memory_space<hbm>> -> memref<1x8x64xi32, #tpu.memory_space<hbm>>
        %dma_wait3A_1042 = tpu.memref_squeeze %dma_wait3A_1041 : memref<1x8x64xi32, #tpu.memory_space<hbm>> -> memref<8x64xi32, #tpu.memory_space<hbm>>
        tpu.wait_dma2 semaphore(%arg17 : memref<!tpu.dma_semaphore, #tpu.memory_space<semaphore_mem>>) src(%dma_wait3A_1042 : memref<8x64xi32, #tpu.memory_space<hbm>>) dst(%dma_wait3A_1039 : memref<8x64xi32, #tpu.memory_space<vmem>>)
        %dma_wait3A_1043 = arith.constant 1 : i32
        %dma_wait3A_1044 = arith.constant 0 : i32
        %dma_wait3A_1045 = arith.constant 0 : i32
        %dma_wait3A_1046 = tpu.memref_slice %arg6[%select_n3A_1024, %dma_wait3A_1044, %dma_wait3A_1045] : memref<2x8x64xi32, #tpu.memory_space<vmem>> -> memref<1x8x64xi32, #tpu.memory_space<vmem>>
        %dma_wait3A_1047 = tpu.memref_squeeze %dma_wait3A_1046 : memref<1x8x64xi32, #tpu.memory_space<vmem>> -> memref<8x64xi32, #tpu.memory_space<vmem>>
        %dma_wait3A_1048 = arith.constant 0 : i32
        %dma_wait3A_1049 = tpu.memref_slice %arg3[%dma_wait3A_1043, %add3A_1027, %dma_wait3A_1048] : memref<2x5000x64xi32, #tpu.memory_space<hbm>> -> memref<1x8x64xi32, #tpu.memory_space<hbm>>
        %dma_wait3A_1050 = tpu.memref_squeeze %dma_wait3A_1049 : memref<1x8x64xi32, #tpu.memory_space<hbm>> -> memref<8x64xi32, #tpu.memory_space<hbm>>
        %dma_wait3A_1051 = arith.constant 0 : i32
        %dma_wait3A_1052 = arith.constant 0 : i32
        %dma_wait3A_1053 = tpu.memref_slice %arg6[%select_n3A_1024, %dma_wait3A_1051, %dma_wait3A_1052] : memref<2x8x64xi32, #tpu.memory_space<vmem>> -> memref<1x8x64xi32, #tpu.memory_space<vmem>>
        %dma_wait3A_1054 = tpu.memref_squeeze %dma_wait3A_1053 : memref<1x8x64xi32, #tpu.memory_space<vmem>> -> memref<8x64xi32, #tpu.memory_space<vmem>>
        %dma_wait3A_1055 = arith.constant 0 : i32
        %dma_wait3A_1056 = tpu.memref_slice %arg3[%dma_wait3A_1043, %add3A_1027, %dma_wait3A_1055] : memref<2x5000x64xi32, #tpu.memory_space<hbm>> -> memref<1x8x64xi32, #tpu.memory_space<hbm>>
        %dma_wait3A_1057 = tpu.memref_squeeze %dma_wait3A_1056 : memref<1x8x64xi32, #tpu.memory_space<hbm>> -> memref<8x64xi32, #tpu.memory_space<hbm>>
        tpu.wait_dma2 semaphore(%arg17 : memref<!tpu.dma_semaphore, #tpu.memory_space<semaphore_mem>>) src(%dma_wait3A_1057 : memref<8x64xi32, #tpu.memory_space<hbm>>) dst(%dma_wait3A_1054 : memref<8x64xi32, #tpu.memory_space<vmem>>)
      } else {
      }
      %lt3A_366 = arith.cmpi slt, %add3A_317, %mul3A_12 : i32
      %convert_element_type3A_367 = arith.extui %lt3A_366 : i1 to i32
      %cond3A_368 = arith.constant 0 : i32
      %cond3A_369 = arith.cmpi ne, %convert_element_type3A_367, %cond3A_368 : i32
      scf.if %cond3A_369 {
        %jit3A_961 = arith.constant 8 : i32
        %div3A_962 = arith.divsi %add3A_317, %jit3A_961 : i32
        %sign3A_963 = arith.constant 0 : i32
        %sign3A_964 = arith.cmpi sgt, %add3A_317, %sign3A_963 : i32
        %sign3A_965 = arith.extui %sign3A_964 : i1 to i32
        %sign3A_966 = arith.constant 0 : i32
        %sign3A_967 = arith.cmpi slt, %add3A_317, %sign3A_966 : i32
        %sign3A_968 = arith.extui %sign3A_967 : i1 to i32
        %sign3A_969 = arith.subi %sign3A_965, %sign3A_968 : i32
        %sign3A_970 = arith.constant 0 : i32
        %sign3A_971 = arith.cmpi sgt, %jit3A_961, %sign3A_970 : i32
        %sign3A_972 = arith.extui %sign3A_971 : i1 to i32
        %sign3A_973 = arith.constant 0 : i32
        %sign3A_974 = arith.cmpi slt, %jit3A_961, %sign3A_973 : i32
        %sign3A_975 = arith.extui %sign3A_974 : i1 to i32
        %sign3A_976 = arith.subi %sign3A_972, %sign3A_975 : i32
        %ne3A_977 = arith.cmpi ne, %sign3A_969, %sign3A_976 : i32
        %rem3A_978 = arith.remsi %add3A_317, %jit3A_961 : i32
        %ne3A_979 = arith.constant 0 : i32
        %ne3A_980 = arith.cmpi ne, %rem3A_978, %ne3A_979 : i32
        %and3A_981 = arith.andi %ne3A_977, %ne3A_980 : i1
        %sub3A_982 = arith.constant 1 : i32
        %sub3A_983 = arith.subi %div3A_962, %sub3A_982 : i32
        %select_n3A_984 = arith.select %and3A_981, %sub3A_983, %div3A_962 : i32
        %jit3A_985 = arith.constant 2 : i32
        %eq3A_986 = arith.constant 0 : i32
        %eq3A_987 = arith.cmpi eq, %jit3A_985, %eq3A_986 : i32
        %jit3A_988 = arith.constant 1 : i32
        %select_n3A_989 = arith.select %eq3A_987, %jit3A_988, %jit3A_985 : i32
        %rem3A_990 = arith.remsi %select_n3A_984, %select_n3A_989 : i32
        %ne3A_991 = arith.constant 0 : i32
        %ne3A_992 = arith.cmpi ne, %rem3A_990, %ne3A_991 : i32
        %lt3A_993 = arith.constant 0 : i32
        %lt3A_994 = arith.cmpi slt, %rem3A_990, %lt3A_993 : i32
        %lt3A_995 = arith.constant 0 : i32
        %lt3A_996 = arith.cmpi slt, %select_n3A_989, %lt3A_995 : i32
        %ne3A_997 = arith.xori %lt3A_994, %lt3A_996 : i1
        %and3A_998 = arith.andi %ne3A_997, %ne3A_992 : i1
        %add3A_999 = arith.addi %rem3A_990, %select_n3A_989 : i32
        %select_n3A_1000 = arith.select %and3A_998, %add3A_999, %rem3A_990 : i32
        %jit3A_1001 = arith.constant 8 : i32
        %eq3A_1002 = arith.constant 0 : i32
        %eq3A_1003 = arith.cmpi eq, %jit3A_1001, %eq3A_1002 : i32
        %jit3A_1004 = arith.constant 1 : i32
        %select_n3A_1005 = arith.select %eq3A_1003, %jit3A_1004, %jit3A_1001 : i32
        %rem3A_1006 = arith.remsi %add3A_317, %select_n3A_1005 : i32
        %ne3A_1007 = arith.constant 0 : i32
        %ne3A_1008 = arith.cmpi ne, %rem3A_1006, %ne3A_1007 : i32
        %lt3A_1009 = arith.constant 0 : i32
        %lt3A_1010 = arith.cmpi slt, %rem3A_1006, %lt3A_1009 : i32
        %lt3A_1011 = arith.constant 0 : i32
        %lt3A_1012 = arith.cmpi slt, %select_n3A_1005, %lt3A_1011 : i32
        %ne3A_1013 = arith.xori %lt3A_1010, %lt3A_1012 : i1
        %and3A_1014 = arith.andi %ne3A_1013, %ne3A_1008 : i1
        %add3A_1015 = arith.addi %rem3A_1006, %select_n3A_1005 : i32
        %select_n3A_1016 = arith.select %and3A_1014, %add3A_1015, %rem3A_1006 : i32
        %dma_start3A_1017 = arith.constant 3 : i32
        %dma_start3A_1018 = arith.constant 0 : i32
        %dma_start3A_1019 = arith.constant 0 : i32
        %dma_start3A_1020 = tpu.memref_slice %arg7[%dma_start3A_1017, %dma_start3A_1018, %dma_start3A_1019] : memref<4x64x128xf32, #tpu.memory_space<vmem>> -> memref<1x64x128xf32, #tpu.memory_space<vmem>>
        %dma_start3A_1021 = tpu.memref_squeeze %dma_start3A_1020 : memref<1x64x128xf32, #tpu.memory_space<vmem>> -> memref<64x128xf32, #tpu.memory_space<vmem>>
        %dma_start3A_1022 = arith.constant 0 : i32
        %dma_start3A_1023 = tpu.memref_slice %arg5[%select_n3A_1000, %select_n3A_1016, %dma_start3A_1022] : memref<2x8x64xi32, #tpu.memory_space<vmem>> -> memref<1x1x64xi32, #tpu.memory_space<vmem>>
        %dma_start3A_1024 = tpu.memref_squeeze %dma_start3A_1023 : memref<1x1x64xi32, #tpu.memory_space<vmem>> -> memref<64xi32, #tpu.memory_space<vmem>>
        %dma_start3A_1025 = arith.constant 0 : i32
        %dma_start3A_1026 = arith.constant 0 : i32
        %dma_start3A_1027 = tpu.memref_slice %arg2[%dma_start3A_1025, %dma_start3A_1026] : memref<10000x128xf32, #tpu.memory_space<hbm>> -> memref<10000x128xf32, #tpu.memory_space<hbm>>
        tpu.enqueue_indirect_dma source(%dma_start3A_1027 : memref<10000x128xf32, #tpu.memory_space<hbm>>) target(%dma_start3A_1021 : memref<64x128xf32, #tpu.memory_space<vmem>>) offsets(%dma_start3A_1024 : memref<64xi32, #tpu.memory_space<vmem>>) semaphore(%arg12 : memref<!tpu.dma_semaphore, #tpu.memory_space<semaphore_mem>>)
      } else {
      }
      %mul3A_370 = arith.constant 4 : i32
      %mul3A_371 = arith.muli %while3A_175, %mul3A_370 : i32
      %add3A_372 = arith.constant 1 : i32
      %add3A_373 = arith.addi %mul3A_371, %add3A_372 : i32
      %jit3A_374 = arith.constant 8 : i32
      %div3A_375 = arith.divsi %add3A_373, %jit3A_374 : i32
      %sign3A_376 = arith.constant 0 : i32
      %sign3A_377 = arith.cmpi sgt, %add3A_373, %sign3A_376 : i32
      %sign3A_378 = arith.extui %sign3A_377 : i1 to i32
      %sign3A_379 = arith.constant 0 : i32
      %sign3A_380 = arith.cmpi slt, %add3A_373, %sign3A_379 : i32
      %sign3A_381 = arith.extui %sign3A_380 : i1 to i32
      %sign3A_382 = arith.subi %sign3A_378, %sign3A_381 : i32
      %sign3A_383 = arith.constant 0 : i32
      %sign3A_384 = arith.cmpi sgt, %jit3A_374, %sign3A_383 : i32
      %sign3A_385 = arith.extui %sign3A_384 : i1 to i32
      %sign3A_386 = arith.constant 0 : i32
      %sign3A_387 = arith.cmpi slt, %jit3A_374, %sign3A_386 : i32
      %sign3A_388 = arith.extui %sign3A_387 : i1 to i32
      %sign3A_389 = arith.subi %sign3A_385, %sign3A_388 : i32
      %ne3A_390 = arith.cmpi ne, %sign3A_382, %sign3A_389 : i32
      %rem3A_391 = arith.remsi %add3A_373, %jit3A_374 : i32
      %ne3A_392 = arith.constant 0 : i32
      %ne3A_393 = arith.cmpi ne, %rem3A_391, %ne3A_392 : i32
      %and3A_394 = arith.andi %ne3A_390, %ne3A_393 : i1
      %sub3A_395 = arith.constant 1 : i32
      %sub3A_396 = arith.subi %div3A_375, %sub3A_395 : i32
      %select_n3A_397 = arith.select %and3A_394, %sub3A_396, %div3A_375 : i32
      %jit3A_398 = arith.constant 2 : i32
      %eq3A_399 = arith.constant 0 : i32
      %eq3A_400 = arith.cmpi eq, %jit3A_398, %eq3A_399 : i32
      %jit3A_401 = arith.constant 1 : i32
      %select_n3A_402 = arith.select %eq3A_400, %jit3A_401, %jit3A_398 : i32
      %rem3A_403 = arith.remsi %select_n3A_397, %select_n3A_402 : i32
      %ne3A_404 = arith.constant 0 : i32
      %ne3A_405 = arith.cmpi ne, %rem3A_403, %ne3A_404 : i32
      %lt3A_406 = arith.constant 0 : i32
      %lt3A_407 = arith.cmpi slt, %rem3A_403, %lt3A_406 : i32
      %lt3A_408 = arith.constant 0 : i32
      %lt3A_409 = arith.cmpi slt, %select_n3A_402, %lt3A_408 : i32
      %ne3A_410 = arith.xori %lt3A_407, %lt3A_409 : i1
      %and3A_411 = arith.andi %ne3A_410, %ne3A_405 : i1
      %add3A_412 = arith.addi %rem3A_403, %select_n3A_402 : i32
      %select_n3A_413 = arith.select %and3A_411, %add3A_412, %rem3A_403 : i32
      %jit3A_414 = arith.constant 8 : i32
      %eq3A_415 = arith.constant 0 : i32
      %eq3A_416 = arith.cmpi eq, %jit3A_414, %eq3A_415 : i32
      %jit3A_417 = arith.constant 1 : i32
      %select_n3A_418 = arith.select %eq3A_416, %jit3A_417, %jit3A_414 : i32
      %rem3A_419 = arith.remsi %add3A_373, %select_n3A_418 : i32
      %ne3A_420 = arith.constant 0 : i32
      %ne3A_421 = arith.cmpi ne, %rem3A_419, %ne3A_420 : i32
      %lt3A_422 = arith.constant 0 : i32
      %lt3A_423 = arith.cmpi slt, %rem3A_419, %lt3A_422 : i32
      %lt3A_424 = arith.constant 0 : i32
      %lt3A_425 = arith.cmpi slt, %select_n3A_418, %lt3A_424 : i32
      %ne3A_426 = arith.xori %lt3A_423, %lt3A_425 : i1
      %and3A_427 = arith.andi %ne3A_426, %ne3A_421 : i1
      %add3A_428 = arith.addi %rem3A_419, %select_n3A_418 : i32
      %select_n3A_429 = arith.select %and3A_427, %add3A_428, %rem3A_419 : i32
      %dma_wait3A_430 = arith.constant 1 : i32
      %dma_wait3A_431 = arith.constant 0 : i32
      %dma_wait3A_432 = arith.constant 0 : i32
      %dma_wait3A_433 = tpu.memref_slice %arg7[%dma_wait3A_430, %dma_wait3A_431, %dma_wait3A_432] : memref<4x64x128xf32, #tpu.memory_space<vmem>> -> memref<1x64x128xf32, #tpu.memory_space<vmem>>
      %dma_wait3A_434 = tpu.memref_squeeze %dma_wait3A_433 : memref<1x64x128xf32, #tpu.memory_space<vmem>> -> memref<64x128xf32, #tpu.memory_space<vmem>>
      %dma_wait3A_435 = arith.constant 0 : i32
      %dma_wait3A_436 = tpu.memref_slice %arg5[%select_n3A_413, %select_n3A_429, %dma_wait3A_435] : memref<2x8x64xi32, #tpu.memory_space<vmem>> -> memref<1x1x64xi32, #tpu.memory_space<vmem>>
      %dma_wait3A_437 = tpu.memref_squeeze %dma_wait3A_436 : memref<1x1x64xi32, #tpu.memory_space<vmem>> -> memref<64xi32, #tpu.memory_space<vmem>>
      %dma_wait3A_438 = arith.constant 0 : i32
      %dma_wait3A_439 = arith.constant 0 : i32
      %dma_wait3A_440 = tpu.memref_slice %arg2[%dma_wait3A_438, %dma_wait3A_439] : memref<10000x128xf32, #tpu.memory_space<hbm>> -> memref<10000x128xf32, #tpu.memory_space<hbm>>
      tpu.wait_indirect_dma semaphore(%arg10 : memref<!tpu.dma_semaphore, #tpu.memory_space<semaphore_mem>>) src(%dma_wait3A_440 : memref<10000x128xf32, #tpu.memory_space<hbm>>) dst(%dma_wait3A_434 : memref<64x128xf32, #tpu.memory_space<vmem>>)
      %jit3A_441 = arith.constant 8 : i32
      %div3A_442 = arith.divsi %add3A_373, %jit3A_441 : i32
      %sign3A_443 = arith.constant 0 : i32
      %sign3A_444 = arith.cmpi sgt, %add3A_373, %sign3A_443 : i32
      %sign3A_445 = arith.extui %sign3A_444 : i1 to i32
      %sign3A_446 = arith.constant 0 : i32
      %sign3A_447 = arith.cmpi slt, %add3A_373, %sign3A_446 : i32
      %sign3A_448 = arith.extui %sign3A_447 : i1 to i32
      %sign3A_449 = arith.subi %sign3A_445, %sign3A_448 : i32
      %sign3A_450 = arith.constant 0 : i32
      %sign3A_451 = arith.cmpi sgt, %jit3A_441, %sign3A_450 : i32
      %sign3A_452 = arith.extui %sign3A_451 : i1 to i32
      %sign3A_453 = arith.constant 0 : i32
      %sign3A_454 = arith.cmpi slt, %jit3A_441, %sign3A_453 : i32
      %sign3A_455 = arith.extui %sign3A_454 : i1 to i32
      %sign3A_456 = arith.subi %sign3A_452, %sign3A_455 : i32
      %ne3A_457 = arith.cmpi ne, %sign3A_449, %sign3A_456 : i32
      %rem3A_458 = arith.remsi %add3A_373, %jit3A_441 : i32
      %ne3A_459 = arith.constant 0 : i32
      %ne3A_460 = arith.cmpi ne, %rem3A_458, %ne3A_459 : i32
      %and3A_461 = arith.andi %ne3A_457, %ne3A_460 : i1
      %sub3A_462 = arith.constant 1 : i32
      %sub3A_463 = arith.subi %div3A_442, %sub3A_462 : i32
      %select_n3A_464 = arith.select %and3A_461, %sub3A_463, %div3A_442 : i32
      %jit3A_465 = arith.constant 2 : i32
      %eq3A_466 = arith.constant 0 : i32
      %eq3A_467 = arith.cmpi eq, %jit3A_465, %eq3A_466 : i32
      %jit3A_468 = arith.constant 1 : i32
      %select_n3A_469 = arith.select %eq3A_467, %jit3A_468, %jit3A_465 : i32
      %rem3A_470 = arith.remsi %select_n3A_464, %select_n3A_469 : i32
      %ne3A_471 = arith.constant 0 : i32
      %ne3A_472 = arith.cmpi ne, %rem3A_470, %ne3A_471 : i32
      %lt3A_473 = arith.constant 0 : i32
      %lt3A_474 = arith.cmpi slt, %rem3A_470, %lt3A_473 : i32
      %lt3A_475 = arith.constant 0 : i32
      %lt3A_476 = arith.cmpi slt, %select_n3A_469, %lt3A_475 : i32
      %ne3A_477 = arith.xori %lt3A_474, %lt3A_476 : i1
      %and3A_478 = arith.andi %ne3A_477, %ne3A_472 : i1
      %add3A_479 = arith.addi %rem3A_470, %select_n3A_469 : i32
      %select_n3A_480 = arith.select %and3A_478, %add3A_479, %rem3A_470 : i32
      %jit3A_481 = arith.constant 8 : i32
      %eq3A_482 = arith.constant 0 : i32
      %eq3A_483 = arith.cmpi eq, %jit3A_481, %eq3A_482 : i32
      %jit3A_484 = arith.constant 1 : i32
      %select_n3A_485 = arith.select %eq3A_483, %jit3A_484, %jit3A_481 : i32
      %rem3A_486 = arith.remsi %add3A_373, %select_n3A_485 : i32
      %ne3A_487 = arith.constant 0 : i32
      %ne3A_488 = arith.cmpi ne, %rem3A_486, %ne3A_487 : i32
      %lt3A_489 = arith.constant 0 : i32
      %lt3A_490 = arith.cmpi slt, %rem3A_486, %lt3A_489 : i32
      %lt3A_491 = arith.constant 0 : i32
      %lt3A_492 = arith.cmpi slt, %select_n3A_485, %lt3A_491 : i32
      %ne3A_493 = arith.xori %lt3A_490, %lt3A_492 : i1
      %and3A_494 = arith.andi %ne3A_493, %ne3A_488 : i1
      %add3A_495 = arith.addi %rem3A_486, %select_n3A_485 : i32
      %select_n3A_496 = arith.select %and3A_494, %add3A_495, %rem3A_486 : i32
      %dma_start3A_497 = arith.constant 1 : i32
      %dma_start3A_498 = arith.constant 0 : i32
      %dma_start3A_499 = arith.constant 0 : i32
      %dma_start3A_500 = tpu.memref_slice %arg7[%dma_start3A_497, %dma_start3A_498, %dma_start3A_499] : memref<4x64x128xf32, #tpu.memory_space<vmem>> -> memref<1x64x128xf32, #tpu.memory_space<vmem>>
      %dma_start3A_501 = tpu.memref_squeeze %dma_start3A_500 : memref<1x64x128xf32, #tpu.memory_space<vmem>> -> memref<64x128xf32, #tpu.memory_space<vmem>>
      %dma_start3A_502 = arith.constant 0 : i32
      %dma_start3A_503 = tpu.memref_slice %arg6[%select_n3A_480, %select_n3A_496, %dma_start3A_502] : memref<2x8x64xi32, #tpu.memory_space<vmem>> -> memref<1x1x64xi32, #tpu.memory_space<vmem>>
      %dma_start3A_504 = tpu.memref_squeeze %dma_start3A_503 : memref<1x1x64xi32, #tpu.memory_space<vmem>> -> memref<64xi32, #tpu.memory_space<vmem>>
      %dma_start3A_505 = arith.constant 0 : i32
      %dma_start3A_506 = arith.constant 0 : i32
      %dma_start3A_507 = tpu.memref_slice %arg8[%dma_start3A_505, %dma_start3A_506] : memref<10240x128xf32, #tpu.memory_space<vmem_shared>> -> memref<10240x128xf32, #tpu.memory_space<vmem_shared>>
      tpu.enqueue_indirect_dma source(%dma_start3A_501 : memref<64x128xf32, #tpu.memory_space<vmem>>) target(%dma_start3A_507 : memref<10240x128xf32, #tpu.memory_space<vmem_shared>>) offsets(%dma_start3A_504 : memref<64xi32, #tpu.memory_space<vmem>>) semaphore(%arg14 : memref<!tpu.dma_semaphore, #tpu.memory_space<semaphore_mem>>) {add = true}
      %ge3A_508 = arith.constant 1 : i32
      %ge3A_509 = arith.cmpi sge, %add3A_373, %ge3A_508 : i32
      %convert_element_type3A_510 = arith.extui %ge3A_509 : i1 to i32
      %cond3A_511 = arith.constant 0 : i32
      %cond3A_512 = arith.cmpi ne, %convert_element_type3A_510, %cond3A_511 : i32
      scf.if %cond3A_512 {
        %sub3A_961 = arith.constant 1 : i32
        %sub3A_962 = arith.subi %add3A_373, %sub3A_961 : i32
        %jit3A_963 = arith.constant 8 : i32
        %div3A_964 = arith.divsi %sub3A_962, %jit3A_963 : i32
        %sign3A_965 = arith.constant 0 : i32
        %sign3A_966 = arith.cmpi sgt, %sub3A_962, %sign3A_965 : i32
        %sign3A_967 = arith.extui %sign3A_966 : i1 to i32
        %sign3A_968 = arith.constant 0 : i32
        %sign3A_969 = arith.cmpi slt, %sub3A_962, %sign3A_968 : i32
        %sign3A_970 = arith.extui %sign3A_969 : i1 to i32
        %sign3A_971 = arith.subi %sign3A_967, %sign3A_970 : i32
        %sign3A_972 = arith.constant 0 : i32
        %sign3A_973 = arith.cmpi sgt, %jit3A_963, %sign3A_972 : i32
        %sign3A_974 = arith.extui %sign3A_973 : i1 to i32
        %sign3A_975 = arith.constant 0 : i32
        %sign3A_976 = arith.cmpi slt, %jit3A_963, %sign3A_975 : i32
        %sign3A_977 = arith.extui %sign3A_976 : i1 to i32
        %sign3A_978 = arith.subi %sign3A_974, %sign3A_977 : i32
        %ne3A_979 = arith.cmpi ne, %sign3A_971, %sign3A_978 : i32
        %rem3A_980 = arith.remsi %sub3A_962, %jit3A_963 : i32
        %ne3A_981 = arith.constant 0 : i32
        %ne3A_982 = arith.cmpi ne, %rem3A_980, %ne3A_981 : i32
        %and3A_983 = arith.andi %ne3A_979, %ne3A_982 : i1
        %sub3A_984 = arith.constant 1 : i32
        %sub3A_985 = arith.subi %div3A_964, %sub3A_984 : i32
        %select_n3A_986 = arith.select %and3A_983, %sub3A_985, %div3A_964 : i32
        %jit3A_987 = arith.constant 2 : i32
        %eq3A_988 = arith.constant 0 : i32
        %eq3A_989 = arith.cmpi eq, %jit3A_987, %eq3A_988 : i32
        %jit3A_990 = arith.constant 1 : i32
        %select_n3A_991 = arith.select %eq3A_989, %jit3A_990, %jit3A_987 : i32
        %rem3A_992 = arith.remsi %select_n3A_986, %select_n3A_991 : i32
        %ne3A_993 = arith.constant 0 : i32
        %ne3A_994 = arith.cmpi ne, %rem3A_992, %ne3A_993 : i32
        %lt3A_995 = arith.constant 0 : i32
        %lt3A_996 = arith.cmpi slt, %rem3A_992, %lt3A_995 : i32
        %lt3A_997 = arith.constant 0 : i32
        %lt3A_998 = arith.cmpi slt, %select_n3A_991, %lt3A_997 : i32
        %ne3A_999 = arith.xori %lt3A_996, %lt3A_998 : i1
        %and3A_1000 = arith.andi %ne3A_999, %ne3A_994 : i1
        %add3A_1001 = arith.addi %rem3A_992, %select_n3A_991 : i32
        %select_n3A_1002 = arith.select %and3A_1000, %add3A_1001, %rem3A_992 : i32
        %jit3A_1003 = arith.constant 8 : i32
        %eq3A_1004 = arith.constant 0 : i32
        %eq3A_1005 = arith.cmpi eq, %jit3A_1003, %eq3A_1004 : i32
        %jit3A_1006 = arith.constant 1 : i32
        %select_n3A_1007 = arith.select %eq3A_1005, %jit3A_1006, %jit3A_1003 : i32
        %rem3A_1008 = arith.remsi %sub3A_962, %select_n3A_1007 : i32
        %ne3A_1009 = arith.constant 0 : i32
        %ne3A_1010 = arith.cmpi ne, %rem3A_1008, %ne3A_1009 : i32
        %lt3A_1011 = arith.constant 0 : i32
        %lt3A_1012 = arith.cmpi slt, %rem3A_1008, %lt3A_1011 : i32
        %lt3A_1013 = arith.constant 0 : i32
        %lt3A_1014 = arith.cmpi slt, %select_n3A_1007, %lt3A_1013 : i32
        %ne3A_1015 = arith.xori %lt3A_1012, %lt3A_1014 : i1
        %and3A_1016 = arith.andi %ne3A_1015, %ne3A_1010 : i1
        %add3A_1017 = arith.addi %rem3A_1008, %select_n3A_1007 : i32
        %select_n3A_1018 = arith.select %and3A_1016, %add3A_1017, %rem3A_1008 : i32
        %dma_wait3A_1019 = arith.constant 0 : i32
        %dma_wait3A_1020 = arith.constant 0 : i32
        %dma_wait3A_1021 = arith.constant 0 : i32
        %dma_wait3A_1022 = tpu.memref_slice %arg7[%dma_wait3A_1019, %dma_wait3A_1020, %dma_wait3A_1021] : memref<4x64x128xf32, #tpu.memory_space<vmem>> -> memref<1x64x128xf32, #tpu.memory_space<vmem>>
        %dma_wait3A_1023 = tpu.memref_squeeze %dma_wait3A_1022 : memref<1x64x128xf32, #tpu.memory_space<vmem>> -> memref<64x128xf32, #tpu.memory_space<vmem>>
        %dma_wait3A_1024 = arith.constant 0 : i32
        %dma_wait3A_1025 = tpu.memref_slice %arg6[%select_n3A_1002, %select_n3A_1018, %dma_wait3A_1024] : memref<2x8x64xi32, #tpu.memory_space<vmem>> -> memref<1x1x64xi32, #tpu.memory_space<vmem>>
        %dma_wait3A_1026 = tpu.memref_squeeze %dma_wait3A_1025 : memref<1x1x64xi32, #tpu.memory_space<vmem>> -> memref<64xi32, #tpu.memory_space<vmem>>
        %dma_wait3A_1027 = arith.constant 0 : i32
        %dma_wait3A_1028 = arith.constant 0 : i32
        %dma_wait3A_1029 = tpu.memref_slice %arg8[%dma_wait3A_1027, %dma_wait3A_1028] : memref<10240x128xf32, #tpu.memory_space<vmem_shared>> -> memref<10240x128xf32, #tpu.memory_space<vmem_shared>>
        tpu.wait_indirect_dma semaphore(%arg13 : memref<!tpu.dma_semaphore, #tpu.memory_space<semaphore_mem>>) src(%dma_wait3A_1023 : memref<64x128xf32, #tpu.memory_space<vmem>>) dst(%dma_wait3A_1029 : memref<10240x128xf32, #tpu.memory_space<vmem_shared>>)
      } else {
      }
      %add3A_513 = arith.constant 3 : i32
      %add3A_514 = arith.addi %add3A_373, %add3A_513 : i32
      %jit3A_515 = arith.constant 8 : i32
      %eq3A_516 = arith.constant 0 : i32
      %eq3A_517 = arith.cmpi eq, %jit3A_515, %eq3A_516 : i32
      %jit3A_518 = arith.constant 1 : i32
      %select_n3A_519 = arith.select %eq3A_517, %jit3A_518, %jit3A_515 : i32
      %rem3A_520 = arith.remsi %add3A_373, %select_n3A_519 : i32
      %ne3A_521 = arith.constant 0 : i32
      %ne3A_522 = arith.cmpi ne, %rem3A_520, %ne3A_521 : i32
      %lt3A_523 = arith.constant 0 : i32
      %lt3A_524 = arith.cmpi slt, %rem3A_520, %lt3A_523 : i32
      %lt3A_525 = arith.constant 0 : i32
      %lt3A_526 = arith.cmpi slt, %select_n3A_519, %lt3A_525 : i32
      %ne3A_527 = arith.xori %lt3A_524, %lt3A_526 : i1
      %and3A_528 = arith.andi %ne3A_527, %ne3A_522 : i1
      %add3A_529 = arith.addi %rem3A_520, %select_n3A_519 : i32
      %select_n3A_530 = arith.select %and3A_528, %add3A_529, %rem3A_520 : i32
      %eq3A_531 = arith.constant 2 : i32
      %eq3A_532 = arith.cmpi eq, %select_n3A_530, %eq3A_531 : i32
      %sub3A_533 = arith.constant 8 : i32
      %sub3A_534 = arith.subi %mul3A_12, %sub3A_533 : i32
      %lt3A_535 = arith.cmpi slt, %add3A_373, %sub3A_534 : i32
      %and3A_536 = arith.andi %eq3A_532, %lt3A_535 : i1
      %convert_element_type3A_537 = arith.extui %and3A_536 : i1 to i32
      %cond3A_538 = arith.constant 0 : i32
      %cond3A_539 = arith.cmpi ne, %convert_element_type3A_537, %cond3A_538 : i32
      scf.if %cond3A_539 {
        %jit3A_961 = arith.constant 8 : i32
        %div3A_962 = arith.divsi %add3A_373, %jit3A_961 : i32
        %sign3A_963 = arith.constant 0 : i32
        %sign3A_964 = arith.cmpi sgt, %add3A_373, %sign3A_963 : i32
        %sign3A_965 = arith.extui %sign3A_964 : i1 to i32
        %sign3A_966 = arith.constant 0 : i32
        %sign3A_967 = arith.cmpi slt, %add3A_373, %sign3A_966 : i32
        %sign3A_968 = arith.extui %sign3A_967 : i1 to i32
        %sign3A_969 = arith.subi %sign3A_965, %sign3A_968 : i32
        %sign3A_970 = arith.constant 0 : i32
        %sign3A_971 = arith.cmpi sgt, %jit3A_961, %sign3A_970 : i32
        %sign3A_972 = arith.extui %sign3A_971 : i1 to i32
        %sign3A_973 = arith.constant 0 : i32
        %sign3A_974 = arith.cmpi slt, %jit3A_961, %sign3A_973 : i32
        %sign3A_975 = arith.extui %sign3A_974 : i1 to i32
        %sign3A_976 = arith.subi %sign3A_972, %sign3A_975 : i32
        %ne3A_977 = arith.cmpi ne, %sign3A_969, %sign3A_976 : i32
        %rem3A_978 = arith.remsi %add3A_373, %jit3A_961 : i32
        %ne3A_979 = arith.constant 0 : i32
        %ne3A_980 = arith.cmpi ne, %rem3A_978, %ne3A_979 : i32
        %and3A_981 = arith.andi %ne3A_977, %ne3A_980 : i1
        %sub3A_982 = arith.constant 1 : i32
        %sub3A_983 = arith.subi %div3A_962, %sub3A_982 : i32
        %select_n3A_984 = arith.select %and3A_981, %sub3A_983, %div3A_962 : i32
        %add3A_985 = arith.constant 1 : i32
        %add3A_986 = arith.addi %select_n3A_984, %add3A_985 : i32
        %jit3A_987 = arith.constant 2 : i32
        %eq3A_988 = arith.constant 0 : i32
        %eq3A_989 = arith.cmpi eq, %jit3A_987, %eq3A_988 : i32
        %jit3A_990 = arith.constant 1 : i32
        %select_n3A_991 = arith.select %eq3A_989, %jit3A_990, %jit3A_987 : i32
        %rem3A_992 = arith.remsi %add3A_986, %select_n3A_991 : i32
        %ne3A_993 = arith.constant 0 : i32
        %ne3A_994 = arith.cmpi ne, %rem3A_992, %ne3A_993 : i32
        %lt3A_995 = arith.constant 0 : i32
        %lt3A_996 = arith.cmpi slt, %rem3A_992, %lt3A_995 : i32
        %lt3A_997 = arith.constant 0 : i32
        %lt3A_998 = arith.cmpi slt, %select_n3A_991, %lt3A_997 : i32
        %ne3A_999 = arith.xori %lt3A_996, %lt3A_998 : i1
        %and3A_1000 = arith.andi %ne3A_999, %ne3A_994 : i1
        %add3A_1001 = arith.addi %rem3A_992, %select_n3A_991 : i32
        %select_n3A_1002 = arith.select %and3A_1000, %add3A_1001, %rem3A_992 : i32
        %mul3A_1003 = arith.constant 8 : i32
        %mul3A_1004 = arith.muli %add3A_986, %mul3A_1003 : i32
        %add3A_1005 = arith.addi %mul3A_6, %mul3A_1004 : i32
        %dma_start3A_1006 = arith.constant 0 : i32
        %dma_start3A_1007 = arith.constant 0 : i32
        %dma_start3A_1008 = arith.constant 0 : i32
        %dma_start3A_1009 = tpu.memref_slice %arg5[%select_n3A_1002, %dma_start3A_1007, %dma_start3A_1008] : memref<2x8x64xi32, #tpu.memory_space<vmem>> -> memref<1x8x64xi32, #tpu.memory_space<vmem>>
        %dma_start3A_1010 = tpu.memref_squeeze %dma_start3A_1009 : memref<1x8x64xi32, #tpu.memory_space<vmem>> -> memref<8x64xi32, #tpu.memory_space<vmem>>
        %dma_start3A_1011 = arith.constant 0 : i32
        %dma_start3A_1012 = tpu.memref_slice %arg3[%dma_start3A_1006, %add3A_1005, %dma_start3A_1011] : memref<2x5000x64xi32, #tpu.memory_space<hbm>> -> memref<1x8x64xi32, #tpu.memory_space<hbm>>
        %dma_start3A_1013 = tpu.memref_squeeze %dma_start3A_1012 : memref<1x8x64xi32, #tpu.memory_space<hbm>> -> memref<8x64xi32, #tpu.memory_space<hbm>>
        %dma_start3A_1014 = arith.constant 0 : i32
        %dma_start3A_1015 = arith.constant 0 : i32
        %dma_start3A_1016 = tpu.memref_slice %arg5[%select_n3A_1002, %dma_start3A_1014, %dma_start3A_1015] : memref<2x8x64xi32, #tpu.memory_space<vmem>> -> memref<1x8x64xi32, #tpu.memory_space<vmem>>
        %dma_start3A_1017 = tpu.memref_squeeze %dma_start3A_1016 : memref<1x8x64xi32, #tpu.memory_space<vmem>> -> memref<8x64xi32, #tpu.memory_space<vmem>>
        %dma_start3A_1018 = arith.constant 0 : i32
        %dma_start3A_1019 = tpu.memref_slice %arg3[%dma_start3A_1006, %add3A_1005, %dma_start3A_1018] : memref<2x5000x64xi32, #tpu.memory_space<hbm>> -> memref<1x8x64xi32, #tpu.memory_space<hbm>>
        %dma_start3A_1020 = tpu.memref_squeeze %dma_start3A_1019 : memref<1x8x64xi32, #tpu.memory_space<hbm>> -> memref<8x64xi32, #tpu.memory_space<hbm>>
        tpu.enqueue_dma source(%dma_start3A_1020 : memref<8x64xi32, #tpu.memory_space<hbm>>) target(%dma_start3A_1017 : memref<8x64xi32, #tpu.memory_space<vmem>>) target_semaphore(%arg17 : memref<!tpu.dma_semaphore, #tpu.memory_space<semaphore_mem>>)
        %dma_start3A_1021 = arith.constant 1 : i32
        %dma_start3A_1022 = arith.constant 0 : i32
        %dma_start3A_1023 = arith.constant 0 : i32
        %dma_start3A_1024 = tpu.memref_slice %arg6[%select_n3A_1002, %dma_start3A_1022, %dma_start3A_1023] : memref<2x8x64xi32, #tpu.memory_space<vmem>> -> memref<1x8x64xi32, #tpu.memory_space<vmem>>
        %dma_start3A_1025 = tpu.memref_squeeze %dma_start3A_1024 : memref<1x8x64xi32, #tpu.memory_space<vmem>> -> memref<8x64xi32, #tpu.memory_space<vmem>>
        %dma_start3A_1026 = arith.constant 0 : i32
        %dma_start3A_1027 = tpu.memref_slice %arg3[%dma_start3A_1021, %add3A_1005, %dma_start3A_1026] : memref<2x5000x64xi32, #tpu.memory_space<hbm>> -> memref<1x8x64xi32, #tpu.memory_space<hbm>>
        %dma_start3A_1028 = tpu.memref_squeeze %dma_start3A_1027 : memref<1x8x64xi32, #tpu.memory_space<hbm>> -> memref<8x64xi32, #tpu.memory_space<hbm>>
        %dma_start3A_1029 = arith.constant 0 : i32
        %dma_start3A_1030 = arith.constant 0 : i32
        %dma_start3A_1031 = tpu.memref_slice %arg6[%select_n3A_1002, %dma_start3A_1029, %dma_start3A_1030] : memref<2x8x64xi32, #tpu.memory_space<vmem>> -> memref<1x8x64xi32, #tpu.memory_space<vmem>>
        %dma_start3A_1032 = tpu.memref_squeeze %dma_start3A_1031 : memref<1x8x64xi32, #tpu.memory_space<vmem>> -> memref<8x64xi32, #tpu.memory_space<vmem>>
        %dma_start3A_1033 = arith.constant 0 : i32
        %dma_start3A_1034 = tpu.memref_slice %arg3[%dma_start3A_1021, %add3A_1005, %dma_start3A_1033] : memref<2x5000x64xi32, #tpu.memory_space<hbm>> -> memref<1x8x64xi32, #tpu.memory_space<hbm>>
        %dma_start3A_1035 = tpu.memref_squeeze %dma_start3A_1034 : memref<1x8x64xi32, #tpu.memory_space<hbm>> -> memref<8x64xi32, #tpu.memory_space<hbm>>
        tpu.enqueue_dma source(%dma_start3A_1035 : memref<8x64xi32, #tpu.memory_space<hbm>>) target(%dma_start3A_1032 : memref<8x64xi32, #tpu.memory_space<vmem>>) target_semaphore(%arg17 : memref<!tpu.dma_semaphore, #tpu.memory_space<semaphore_mem>>)
      } else {
      }
      %jit3A_540 = arith.constant 8 : i32
      %eq3A_541 = arith.constant 0 : i32
      %eq3A_542 = arith.cmpi eq, %jit3A_540, %eq3A_541 : i32
      %jit3A_543 = arith.constant 1 : i32
      %select_n3A_544 = arith.select %eq3A_542, %jit3A_543, %jit3A_540 : i32
      %rem3A_545 = arith.remsi %add3A_514, %select_n3A_544 : i32
      %ne3A_546 = arith.constant 0 : i32
      %ne3A_547 = arith.cmpi ne, %rem3A_545, %ne3A_546 : i32
      %lt3A_548 = arith.constant 0 : i32
      %lt3A_549 = arith.cmpi slt, %rem3A_545, %lt3A_548 : i32
      %lt3A_550 = arith.constant 0 : i32
      %lt3A_551 = arith.cmpi slt, %select_n3A_544, %lt3A_550 : i32
      %ne3A_552 = arith.xori %lt3A_549, %lt3A_551 : i1
      %and3A_553 = arith.andi %ne3A_552, %ne3A_547 : i1
      %add3A_554 = arith.addi %rem3A_545, %select_n3A_544 : i32
      %select_n3A_555 = arith.select %and3A_553, %add3A_554, %rem3A_545 : i32
      %eq3A_556 = arith.constant 0 : i32
      %eq3A_557 = arith.cmpi eq, %select_n3A_555, %eq3A_556 : i32
      %lt3A_558 = arith.cmpi slt, %add3A_514, %mul3A_12 : i32
      %and3A_559 = arith.andi %eq3A_557, %lt3A_558 : i1
      %convert_element_type3A_560 = arith.extui %and3A_559 : i1 to i32
      %cond3A_561 = arith.constant 0 : i32
      %cond3A_562 = arith.cmpi ne, %convert_element_type3A_560, %cond3A_561 : i32
      scf.if %cond3A_562 {
        %jit3A_961 = arith.constant 8 : i32
        %div3A_962 = arith.divsi %add3A_514, %jit3A_961 : i32
        %sign3A_963 = arith.constant 0 : i32
        %sign3A_964 = arith.cmpi sgt, %add3A_514, %sign3A_963 : i32
        %sign3A_965 = arith.extui %sign3A_964 : i1 to i32
        %sign3A_966 = arith.constant 0 : i32
        %sign3A_967 = arith.cmpi slt, %add3A_514, %sign3A_966 : i32
        %sign3A_968 = arith.extui %sign3A_967 : i1 to i32
        %sign3A_969 = arith.subi %sign3A_965, %sign3A_968 : i32
        %sign3A_970 = arith.constant 0 : i32
        %sign3A_971 = arith.cmpi sgt, %jit3A_961, %sign3A_970 : i32
        %sign3A_972 = arith.extui %sign3A_971 : i1 to i32
        %sign3A_973 = arith.constant 0 : i32
        %sign3A_974 = arith.cmpi slt, %jit3A_961, %sign3A_973 : i32
        %sign3A_975 = arith.extui %sign3A_974 : i1 to i32
        %sign3A_976 = arith.subi %sign3A_972, %sign3A_975 : i32
        %ne3A_977 = arith.cmpi ne, %sign3A_969, %sign3A_976 : i32
        %rem3A_978 = arith.remsi %add3A_514, %jit3A_961 : i32
        %ne3A_979 = arith.constant 0 : i32
        %ne3A_980 = arith.cmpi ne, %rem3A_978, %ne3A_979 : i32
        %and3A_981 = arith.andi %ne3A_977, %ne3A_980 : i1
        %sub3A_982 = arith.constant 1 : i32
        %sub3A_983 = arith.subi %div3A_962, %sub3A_982 : i32
        %select_n3A_984 = arith.select %and3A_981, %sub3A_983, %div3A_962 : i32
        %jit3A_985 = arith.constant 8 : i32
        %div3A_986 = arith.divsi %add3A_514, %jit3A_985 : i32
        %sign3A_987 = arith.constant 0 : i32
        %sign3A_988 = arith.cmpi sgt, %add3A_514, %sign3A_987 : i32
        %sign3A_989 = arith.extui %sign3A_988 : i1 to i32
        %sign3A_990 = arith.constant 0 : i32
        %sign3A_991 = arith.cmpi slt, %add3A_514, %sign3A_990 : i32
        %sign3A_992 = arith.extui %sign3A_991 : i1 to i32
        %sign3A_993 = arith.subi %sign3A_989, %sign3A_992 : i32
        %sign3A_994 = arith.constant 0 : i32
        %sign3A_995 = arith.cmpi sgt, %jit3A_985, %sign3A_994 : i32
        %sign3A_996 = arith.extui %sign3A_995 : i1 to i32
        %sign3A_997 = arith.constant 0 : i32
        %sign3A_998 = arith.cmpi slt, %jit3A_985, %sign3A_997 : i32
        %sign3A_999 = arith.extui %sign3A_998 : i1 to i32
        %sign3A_1000 = arith.subi %sign3A_996, %sign3A_999 : i32
        %ne3A_1001 = arith.cmpi ne, %sign3A_993, %sign3A_1000 : i32
        %rem3A_1002 = arith.remsi %add3A_514, %jit3A_985 : i32
        %ne3A_1003 = arith.constant 0 : i32
        %ne3A_1004 = arith.cmpi ne, %rem3A_1002, %ne3A_1003 : i32
        %and3A_1005 = arith.andi %ne3A_1001, %ne3A_1004 : i1
        %sub3A_1006 = arith.constant 1 : i32
        %sub3A_1007 = arith.subi %div3A_986, %sub3A_1006 : i32
        %select_n3A_1008 = arith.select %and3A_1005, %sub3A_1007, %div3A_986 : i32
        %jit3A_1009 = arith.constant 2 : i32
        %eq3A_1010 = arith.constant 0 : i32
        %eq3A_1011 = arith.cmpi eq, %jit3A_1009, %eq3A_1010 : i32
        %jit3A_1012 = arith.constant 1 : i32
        %select_n3A_1013 = arith.select %eq3A_1011, %jit3A_1012, %jit3A_1009 : i32
        %rem3A_1014 = arith.remsi %select_n3A_1008, %select_n3A_1013 : i32
        %ne3A_1015 = arith.constant 0 : i32
        %ne3A_1016 = arith.cmpi ne, %rem3A_1014, %ne3A_1015 : i32
        %lt3A_1017 = arith.constant 0 : i32
        %lt3A_1018 = arith.cmpi slt, %rem3A_1014, %lt3A_1017 : i32
        %lt3A_1019 = arith.constant 0 : i32
        %lt3A_1020 = arith.cmpi slt, %select_n3A_1013, %lt3A_1019 : i32
        %ne3A_1021 = arith.xori %lt3A_1018, %lt3A_1020 : i1
        %and3A_1022 = arith.andi %ne3A_1021, %ne3A_1016 : i1
        %add3A_1023 = arith.addi %rem3A_1014, %select_n3A_1013 : i32
        %select_n3A_1024 = arith.select %and3A_1022, %add3A_1023, %rem3A_1014 : i32
        %mul3A_1025 = arith.constant 8 : i32
        %mul3A_1026 = arith.muli %select_n3A_984, %mul3A_1025 : i32
        %add3A_1027 = arith.addi %mul3A_6, %mul3A_1026 : i32
        %dma_wait3A_1028 = arith.constant 0 : i32
        %dma_wait3A_1029 = arith.constant 0 : i32
        %dma_wait3A_1030 = arith.constant 0 : i32
        %dma_wait3A_1031 = tpu.memref_slice %arg5[%select_n3A_1024, %dma_wait3A_1029, %dma_wait3A_1030] : memref<2x8x64xi32, #tpu.memory_space<vmem>> -> memref<1x8x64xi32, #tpu.memory_space<vmem>>
        %dma_wait3A_1032 = tpu.memref_squeeze %dma_wait3A_1031 : memref<1x8x64xi32, #tpu.memory_space<vmem>> -> memref<8x64xi32, #tpu.memory_space<vmem>>
        %dma_wait3A_1033 = arith.constant 0 : i32
        %dma_wait3A_1034 = tpu.memref_slice %arg3[%dma_wait3A_1028, %add3A_1027, %dma_wait3A_1033] : memref<2x5000x64xi32, #tpu.memory_space<hbm>> -> memref<1x8x64xi32, #tpu.memory_space<hbm>>
        %dma_wait3A_1035 = tpu.memref_squeeze %dma_wait3A_1034 : memref<1x8x64xi32, #tpu.memory_space<hbm>> -> memref<8x64xi32, #tpu.memory_space<hbm>>
        %dma_wait3A_1036 = arith.constant 0 : i32
        %dma_wait3A_1037 = arith.constant 0 : i32
        %dma_wait3A_1038 = tpu.memref_slice %arg5[%select_n3A_1024, %dma_wait3A_1036, %dma_wait3A_1037] : memref<2x8x64xi32, #tpu.memory_space<vmem>> -> memref<1x8x64xi32, #tpu.memory_space<vmem>>
        %dma_wait3A_1039 = tpu.memref_squeeze %dma_wait3A_1038 : memref<1x8x64xi32, #tpu.memory_space<vmem>> -> memref<8x64xi32, #tpu.memory_space<vmem>>
        %dma_wait3A_1040 = arith.constant 0 : i32
        %dma_wait3A_1041 = tpu.memref_slice %arg3[%dma_wait3A_1028, %add3A_1027, %dma_wait3A_1040] : memref<2x5000x64xi32, #tpu.memory_space<hbm>> -> memref<1x8x64xi32, #tpu.memory_space<hbm>>
        %dma_wait3A_1042 = tpu.memref_squeeze %dma_wait3A_1041 : memref<1x8x64xi32, #tpu.memory_space<hbm>> -> memref<8x64xi32, #tpu.memory_space<hbm>>
        tpu.wait_dma2 semaphore(%arg17 : memref<!tpu.dma_semaphore, #tpu.memory_space<semaphore_mem>>) src(%dma_wait3A_1042 : memref<8x64xi32, #tpu.memory_space<hbm>>) dst(%dma_wait3A_1039 : memref<8x64xi32, #tpu.memory_space<vmem>>)
        %dma_wait3A_1043 = arith.constant 1 : i32
        %dma_wait3A_1044 = arith.constant 0 : i32
        %dma_wait3A_1045 = arith.constant 0 : i32
        %dma_wait3A_1046 = tpu.memref_slice %arg6[%select_n3A_1024, %dma_wait3A_1044, %dma_wait3A_1045] : memref<2x8x64xi32, #tpu.memory_space<vmem>> -> memref<1x8x64xi32, #tpu.memory_space<vmem>>
        %dma_wait3A_1047 = tpu.memref_squeeze %dma_wait3A_1046 : memref<1x8x64xi32, #tpu.memory_space<vmem>> -> memref<8x64xi32, #tpu.memory_space<vmem>>
        %dma_wait3A_1048 = arith.constant 0 : i32
        %dma_wait3A_1049 = tpu.memref_slice %arg3[%dma_wait3A_1043, %add3A_1027, %dma_wait3A_1048] : memref<2x5000x64xi32, #tpu.memory_space<hbm>> -> memref<1x8x64xi32, #tpu.memory_space<hbm>>
        %dma_wait3A_1050 = tpu.memref_squeeze %dma_wait3A_1049 : memref<1x8x64xi32, #tpu.memory_space<hbm>> -> memref<8x64xi32, #tpu.memory_space<hbm>>
        %dma_wait3A_1051 = arith.constant 0 : i32
        %dma_wait3A_1052 = arith.constant 0 : i32
        %dma_wait3A_1053 = tpu.memref_slice %arg6[%select_n3A_1024, %dma_wait3A_1051, %dma_wait3A_1052] : memref<2x8x64xi32, #tpu.memory_space<vmem>> -> memref<1x8x64xi32, #tpu.memory_space<vmem>>
        %dma_wait3A_1054 = tpu.memref_squeeze %dma_wait3A_1053 : memref<1x8x64xi32, #tpu.memory_space<vmem>> -> memref<8x64xi32, #tpu.memory_space<vmem>>
        %dma_wait3A_1055 = arith.constant 0 : i32
        %dma_wait3A_1056 = tpu.memref_slice %arg3[%dma_wait3A_1043, %add3A_1027, %dma_wait3A_1055] : memref<2x5000x64xi32, #tpu.memory_space<hbm>> -> memref<1x8x64xi32, #tpu.memory_space<hbm>>
        %dma_wait3A_1057 = tpu.memref_squeeze %dma_wait3A_1056 : memref<1x8x64xi32, #tpu.memory_space<hbm>> -> memref<8x64xi32, #tpu.memory_space<hbm>>
        tpu.wait_dma2 semaphore(%arg17 : memref<!tpu.dma_semaphore, #tpu.memory_space<semaphore_mem>>) src(%dma_wait3A_1057 : memref<8x64xi32, #tpu.memory_space<hbm>>) dst(%dma_wait3A_1054 : memref<8x64xi32, #tpu.memory_space<vmem>>)
      } else {
      }
      %lt3A_563 = arith.cmpi slt, %add3A_514, %mul3A_12 : i32
      %convert_element_type3A_564 = arith.extui %lt3A_563 : i1 to i32
      %cond3A_565 = arith.constant 0 : i32
      %cond3A_566 = arith.cmpi ne, %convert_element_type3A_564, %cond3A_565 : i32
      scf.if %cond3A_566 {
        %jit3A_961 = arith.constant 8 : i32
        %div3A_962 = arith.divsi %add3A_514, %jit3A_961 : i32
        %sign3A_963 = arith.constant 0 : i32
        %sign3A_964 = arith.cmpi sgt, %add3A_514, %sign3A_963 : i32
        %sign3A_965 = arith.extui %sign3A_964 : i1 to i32
        %sign3A_966 = arith.constant 0 : i32
        %sign3A_967 = arith.cmpi slt, %add3A_514, %sign3A_966 : i32
        %sign3A_968 = arith.extui %sign3A_967 : i1 to i32
        %sign3A_969 = arith.subi %sign3A_965, %sign3A_968 : i32
        %sign3A_970 = arith.constant 0 : i32
        %sign3A_971 = arith.cmpi sgt, %jit3A_961, %sign3A_970 : i32
        %sign3A_972 = arith.extui %sign3A_971 : i1 to i32
        %sign3A_973 = arith.constant 0 : i32
        %sign3A_974 = arith.cmpi slt, %jit3A_961, %sign3A_973 : i32
        %sign3A_975 = arith.extui %sign3A_974 : i1 to i32
        %sign3A_976 = arith.subi %sign3A_972, %sign3A_975 : i32
        %ne3A_977 = arith.cmpi ne, %sign3A_969, %sign3A_976 : i32
        %rem3A_978 = arith.remsi %add3A_514, %jit3A_961 : i32
        %ne3A_979 = arith.constant 0 : i32
        %ne3A_980 = arith.cmpi ne, %rem3A_978, %ne3A_979 : i32
        %and3A_981 = arith.andi %ne3A_977, %ne3A_980 : i1
        %sub3A_982 = arith.constant 1 : i32
        %sub3A_983 = arith.subi %div3A_962, %sub3A_982 : i32
        %select_n3A_984 = arith.select %and3A_981, %sub3A_983, %div3A_962 : i32
        %jit3A_985 = arith.constant 2 : i32
        %eq3A_986 = arith.constant 0 : i32
        %eq3A_987 = arith.cmpi eq, %jit3A_985, %eq3A_986 : i32
        %jit3A_988 = arith.constant 1 : i32
        %select_n3A_989 = arith.select %eq3A_987, %jit3A_988, %jit3A_985 : i32
        %rem3A_990 = arith.remsi %select_n3A_984, %select_n3A_989 : i32
        %ne3A_991 = arith.constant 0 : i32
        %ne3A_992 = arith.cmpi ne, %rem3A_990, %ne3A_991 : i32
        %lt3A_993 = arith.constant 0 : i32
        %lt3A_994 = arith.cmpi slt, %rem3A_990, %lt3A_993 : i32
        %lt3A_995 = arith.constant 0 : i32
        %lt3A_996 = arith.cmpi slt, %select_n3A_989, %lt3A_995 : i32
        %ne3A_997 = arith.xori %lt3A_994, %lt3A_996 : i1
        %and3A_998 = arith.andi %ne3A_997, %ne3A_992 : i1
        %add3A_999 = arith.addi %rem3A_990, %select_n3A_989 : i32
        %select_n3A_1000 = arith.select %and3A_998, %add3A_999, %rem3A_990 : i32
        %jit3A_1001 = arith.constant 8 : i32
        %eq3A_1002 = arith.constant 0 : i32
        %eq3A_1003 = arith.cmpi eq, %jit3A_1001, %eq3A_1002 : i32
        %jit3A_1004 = arith.constant 1 : i32
        %select_n3A_1005 = arith.select %eq3A_1003, %jit3A_1004, %jit3A_1001 : i32
        %rem3A_1006 = arith.remsi %add3A_514, %select_n3A_1005 : i32
        %ne3A_1007 = arith.constant 0 : i32
        %ne3A_1008 = arith.cmpi ne, %rem3A_1006, %ne3A_1007 : i32
        %lt3A_1009 = arith.constant 0 : i32
        %lt3A_1010 = arith.cmpi slt, %rem3A_1006, %lt3A_1009 : i32
        %lt3A_1011 = arith.constant 0 : i32
        %lt3A_1012 = arith.cmpi slt, %select_n3A_1005, %lt3A_1011 : i32
        %ne3A_1013 = arith.xori %lt3A_1010, %lt3A_1012 : i1
        %and3A_1014 = arith.andi %ne3A_1013, %ne3A_1008 : i1
        %add3A_1015 = arith.addi %rem3A_1006, %select_n3A_1005 : i32
        %select_n3A_1016 = arith.select %and3A_1014, %add3A_1015, %rem3A_1006 : i32
        %dma_start3A_1017 = arith.constant 0 : i32
        %dma_start3A_1018 = arith.constant 0 : i32
        %dma_start3A_1019 = arith.constant 0 : i32
        %dma_start3A_1020 = tpu.memref_slice %arg7[%dma_start3A_1017, %dma_start3A_1018, %dma_start3A_1019] : memref<4x64x128xf32, #tpu.memory_space<vmem>> -> memref<1x64x128xf32, #tpu.memory_space<vmem>>
        %dma_start3A_1021 = tpu.memref_squeeze %dma_start3A_1020 : memref<1x64x128xf32, #tpu.memory_space<vmem>> -> memref<64x128xf32, #tpu.memory_space<vmem>>
        %dma_start3A_1022 = arith.constant 0 : i32
        %dma_start3A_1023 = tpu.memref_slice %arg5[%select_n3A_1000, %select_n3A_1016, %dma_start3A_1022] : memref<2x8x64xi32, #tpu.memory_space<vmem>> -> memref<1x1x64xi32, #tpu.memory_space<vmem>>
        %dma_start3A_1024 = tpu.memref_squeeze %dma_start3A_1023 : memref<1x1x64xi32, #tpu.memory_space<vmem>> -> memref<64xi32, #tpu.memory_space<vmem>>
        %dma_start3A_1025 = arith.constant 0 : i32
        %dma_start3A_1026 = arith.constant 0 : i32
        %dma_start3A_1027 = tpu.memref_slice %arg2[%dma_start3A_1025, %dma_start3A_1026] : memref<10000x128xf32, #tpu.memory_space<hbm>> -> memref<10000x128xf32, #tpu.memory_space<hbm>>
        tpu.enqueue_indirect_dma source(%dma_start3A_1027 : memref<10000x128xf32, #tpu.memory_space<hbm>>) target(%dma_start3A_1021 : memref<64x128xf32, #tpu.memory_space<vmem>>) offsets(%dma_start3A_1024 : memref<64xi32, #tpu.memory_space<vmem>>) semaphore(%arg9 : memref<!tpu.dma_semaphore, #tpu.memory_space<semaphore_mem>>)
      } else {
      }
      %mul3A_567 = arith.constant 4 : i32
      %mul3A_568 = arith.muli %while3A_175, %mul3A_567 : i32
      %add3A_569 = arith.constant 2 : i32
      %add3A_570 = arith.addi %mul3A_568, %add3A_569 : i32
      %jit3A_571 = arith.constant 8 : i32
      %div3A_572 = arith.divsi %add3A_570, %jit3A_571 : i32
      %sign3A_573 = arith.constant 0 : i32
      %sign3A_574 = arith.cmpi sgt, %add3A_570, %sign3A_573 : i32
      %sign3A_575 = arith.extui %sign3A_574 : i1 to i32
      %sign3A_576 = arith.constant 0 : i32
      %sign3A_577 = arith.cmpi slt, %add3A_570, %sign3A_576 : i32
      %sign3A_578 = arith.extui %sign3A_577 : i1 to i32
      %sign3A_579 = arith.subi %sign3A_575, %sign3A_578 : i32
      %sign3A_580 = arith.constant 0 : i32
      %sign3A_581 = arith.cmpi sgt, %jit3A_571, %sign3A_580 : i32
      %sign3A_582 = arith.extui %sign3A_581 : i1 to i32
      %sign3A_583 = arith.constant 0 : i32
      %sign3A_584 = arith.cmpi slt, %jit3A_571, %sign3A_583 : i32
      %sign3A_585 = arith.extui %sign3A_584 : i1 to i32
      %sign3A_586 = arith.subi %sign3A_582, %sign3A_585 : i32
      %ne3A_587 = arith.cmpi ne, %sign3A_579, %sign3A_586 : i32
      %rem3A_588 = arith.remsi %add3A_570, %jit3A_571 : i32
      %ne3A_589 = arith.constant 0 : i32
      %ne3A_590 = arith.cmpi ne, %rem3A_588, %ne3A_589 : i32
      %and3A_591 = arith.andi %ne3A_587, %ne3A_590 : i1
      %sub3A_592 = arith.constant 1 : i32
      %sub3A_593 = arith.subi %div3A_572, %sub3A_592 : i32
      %select_n3A_594 = arith.select %and3A_591, %sub3A_593, %div3A_572 : i32
      %jit3A_595 = arith.constant 2 : i32
      %eq3A_596 = arith.constant 0 : i32
      %eq3A_597 = arith.cmpi eq, %jit3A_595, %eq3A_596 : i32
      %jit3A_598 = arith.constant 1 : i32
      %select_n3A_599 = arith.select %eq3A_597, %jit3A_598, %jit3A_595 : i32
      %rem3A_600 = arith.remsi %select_n3A_594, %select_n3A_599 : i32
      %ne3A_601 = arith.constant 0 : i32
      %ne3A_602 = arith.cmpi ne, %rem3A_600, %ne3A_601 : i32
      %lt3A_603 = arith.constant 0 : i32
      %lt3A_604 = arith.cmpi slt, %rem3A_600, %lt3A_603 : i32
      %lt3A_605 = arith.constant 0 : i32
      %lt3A_606 = arith.cmpi slt, %select_n3A_599, %lt3A_605 : i32
      %ne3A_607 = arith.xori %lt3A_604, %lt3A_606 : i1
      %and3A_608 = arith.andi %ne3A_607, %ne3A_602 : i1
      %add3A_609 = arith.addi %rem3A_600, %select_n3A_599 : i32
      %select_n3A_610 = arith.select %and3A_608, %add3A_609, %rem3A_600 : i32
      %jit3A_611 = arith.constant 8 : i32
      %eq3A_612 = arith.constant 0 : i32
      %eq3A_613 = arith.cmpi eq, %jit3A_611, %eq3A_612 : i32
      %jit3A_614 = arith.constant 1 : i32
      %select_n3A_615 = arith.select %eq3A_613, %jit3A_614, %jit3A_611 : i32
      %rem3A_616 = arith.remsi %add3A_570, %select_n3A_615 : i32
      %ne3A_617 = arith.constant 0 : i32
      %ne3A_618 = arith.cmpi ne, %rem3A_616, %ne3A_617 : i32
      %lt3A_619 = arith.constant 0 : i32
      %lt3A_620 = arith.cmpi slt, %rem3A_616, %lt3A_619 : i32
      %lt3A_621 = arith.constant 0 : i32
      %lt3A_622 = arith.cmpi slt, %select_n3A_615, %lt3A_621 : i32
      %ne3A_623 = arith.xori %lt3A_620, %lt3A_622 : i1
      %and3A_624 = arith.andi %ne3A_623, %ne3A_618 : i1
      %add3A_625 = arith.addi %rem3A_616, %select_n3A_615 : i32
      %select_n3A_626 = arith.select %and3A_624, %add3A_625, %rem3A_616 : i32
      %dma_wait3A_627 = arith.constant 2 : i32
      %dma_wait3A_628 = arith.constant 0 : i32
      %dma_wait3A_629 = arith.constant 0 : i32
      %dma_wait3A_630 = tpu.memref_slice %arg7[%dma_wait3A_627, %dma_wait3A_628, %dma_wait3A_629] : memref<4x64x128xf32, #tpu.memory_space<vmem>> -> memref<1x64x128xf32, #tpu.memory_space<vmem>>
      %dma_wait3A_631 = tpu.memref_squeeze %dma_wait3A_630 : memref<1x64x128xf32, #tpu.memory_space<vmem>> -> memref<64x128xf32, #tpu.memory_space<vmem>>
      %dma_wait3A_632 = arith.constant 0 : i32
      %dma_wait3A_633 = tpu.memref_slice %arg5[%select_n3A_610, %select_n3A_626, %dma_wait3A_632] : memref<2x8x64xi32, #tpu.memory_space<vmem>> -> memref<1x1x64xi32, #tpu.memory_space<vmem>>
      %dma_wait3A_634 = tpu.memref_squeeze %dma_wait3A_633 : memref<1x1x64xi32, #tpu.memory_space<vmem>> -> memref<64xi32, #tpu.memory_space<vmem>>
      %dma_wait3A_635 = arith.constant 0 : i32
      %dma_wait3A_636 = arith.constant 0 : i32
      %dma_wait3A_637 = tpu.memref_slice %arg2[%dma_wait3A_635, %dma_wait3A_636] : memref<10000x128xf32, #tpu.memory_space<hbm>> -> memref<10000x128xf32, #tpu.memory_space<hbm>>
      tpu.wait_indirect_dma semaphore(%arg11 : memref<!tpu.dma_semaphore, #tpu.memory_space<semaphore_mem>>) src(%dma_wait3A_637 : memref<10000x128xf32, #tpu.memory_space<hbm>>) dst(%dma_wait3A_631 : memref<64x128xf32, #tpu.memory_space<vmem>>)
      %jit3A_638 = arith.constant 8 : i32
      %div3A_639 = arith.divsi %add3A_570, %jit3A_638 : i32
      %sign3A_640 = arith.constant 0 : i32
      %sign3A_641 = arith.cmpi sgt, %add3A_570, %sign3A_640 : i32
      %sign3A_642 = arith.extui %sign3A_641 : i1 to i32
      %sign3A_643 = arith.constant 0 : i32
      %sign3A_644 = arith.cmpi slt, %add3A_570, %sign3A_643 : i32
      %sign3A_645 = arith.extui %sign3A_644 : i1 to i32
      %sign3A_646 = arith.subi %sign3A_642, %sign3A_645 : i32
      %sign3A_647 = arith.constant 0 : i32
      %sign3A_648 = arith.cmpi sgt, %jit3A_638, %sign3A_647 : i32
      %sign3A_649 = arith.extui %sign3A_648 : i1 to i32
      %sign3A_650 = arith.constant 0 : i32
      %sign3A_651 = arith.cmpi slt, %jit3A_638, %sign3A_650 : i32
      %sign3A_652 = arith.extui %sign3A_651 : i1 to i32
      %sign3A_653 = arith.subi %sign3A_649, %sign3A_652 : i32
      %ne3A_654 = arith.cmpi ne, %sign3A_646, %sign3A_653 : i32
      %rem3A_655 = arith.remsi %add3A_570, %jit3A_638 : i32
      %ne3A_656 = arith.constant 0 : i32
      %ne3A_657 = arith.cmpi ne, %rem3A_655, %ne3A_656 : i32
      %and3A_658 = arith.andi %ne3A_654, %ne3A_657 : i1
      %sub3A_659 = arith.constant 1 : i32
      %sub3A_660 = arith.subi %div3A_639, %sub3A_659 : i32
      %select_n3A_661 = arith.select %and3A_658, %sub3A_660, %div3A_639 : i32
      %jit3A_662 = arith.constant 2 : i32
      %eq3A_663 = arith.constant 0 : i32
      %eq3A_664 = arith.cmpi eq, %jit3A_662, %eq3A_663 : i32
      %jit3A_665 = arith.constant 1 : i32
      %select_n3A_666 = arith.select %eq3A_664, %jit3A_665, %jit3A_662 : i32
      %rem3A_667 = arith.remsi %select_n3A_661, %select_n3A_666 : i32
      %ne3A_668 = arith.constant 0 : i32
      %ne3A_669 = arith.cmpi ne, %rem3A_667, %ne3A_668 : i32
      %lt3A_670 = arith.constant 0 : i32
      %lt3A_671 = arith.cmpi slt, %rem3A_667, %lt3A_670 : i32
      %lt3A_672 = arith.constant 0 : i32
      %lt3A_673 = arith.cmpi slt, %select_n3A_666, %lt3A_672 : i32
      %ne3A_674 = arith.xori %lt3A_671, %lt3A_673 : i1
      %and3A_675 = arith.andi %ne3A_674, %ne3A_669 : i1
      %add3A_676 = arith.addi %rem3A_667, %select_n3A_666 : i32
      %select_n3A_677 = arith.select %and3A_675, %add3A_676, %rem3A_667 : i32
      %jit3A_678 = arith.constant 8 : i32
      %eq3A_679 = arith.constant 0 : i32
      %eq3A_680 = arith.cmpi eq, %jit3A_678, %eq3A_679 : i32
      %jit3A_681 = arith.constant 1 : i32
      %select_n3A_682 = arith.select %eq3A_680, %jit3A_681, %jit3A_678 : i32
      %rem3A_683 = arith.remsi %add3A_570, %select_n3A_682 : i32
      %ne3A_684 = arith.constant 0 : i32
      %ne3A_685 = arith.cmpi ne, %rem3A_683, %ne3A_684 : i32
      %lt3A_686 = arith.constant 0 : i32
      %lt3A_687 = arith.cmpi slt, %rem3A_683, %lt3A_686 : i32
      %lt3A_688 = arith.constant 0 : i32
      %lt3A_689 = arith.cmpi slt, %select_n3A_682, %lt3A_688 : i32
      %ne3A_690 = arith.xori %lt3A_687, %lt3A_689 : i1
      %and3A_691 = arith.andi %ne3A_690, %ne3A_685 : i1
      %add3A_692 = arith.addi %rem3A_683, %select_n3A_682 : i32
      %select_n3A_693 = arith.select %and3A_691, %add3A_692, %rem3A_683 : i32
      %dma_start3A_694 = arith.constant 2 : i32
      %dma_start3A_695 = arith.constant 0 : i32
      %dma_start3A_696 = arith.constant 0 : i32
      %dma_start3A_697 = tpu.memref_slice %arg7[%dma_start3A_694, %dma_start3A_695, %dma_start3A_696] : memref<4x64x128xf32, #tpu.memory_space<vmem>> -> memref<1x64x128xf32, #tpu.memory_space<vmem>>
      %dma_start3A_698 = tpu.memref_squeeze %dma_start3A_697 : memref<1x64x128xf32, #tpu.memory_space<vmem>> -> memref<64x128xf32, #tpu.memory_space<vmem>>
      %dma_start3A_699 = arith.constant 0 : i32
      %dma_start3A_700 = tpu.memref_slice %arg6[%select_n3A_677, %select_n3A_693, %dma_start3A_699] : memref<2x8x64xi32, #tpu.memory_space<vmem>> -> memref<1x1x64xi32, #tpu.memory_space<vmem>>
      %dma_start3A_701 = tpu.memref_squeeze %dma_start3A_700 : memref<1x1x64xi32, #tpu.memory_space<vmem>> -> memref<64xi32, #tpu.memory_space<vmem>>
      %dma_start3A_702 = arith.constant 0 : i32
      %dma_start3A_703 = arith.constant 0 : i32
      %dma_start3A_704 = tpu.memref_slice %arg8[%dma_start3A_702, %dma_start3A_703] : memref<10240x128xf32, #tpu.memory_space<vmem_shared>> -> memref<10240x128xf32, #tpu.memory_space<vmem_shared>>
      tpu.enqueue_indirect_dma source(%dma_start3A_698 : memref<64x128xf32, #tpu.memory_space<vmem>>) target(%dma_start3A_704 : memref<10240x128xf32, #tpu.memory_space<vmem_shared>>) offsets(%dma_start3A_701 : memref<64xi32, #tpu.memory_space<vmem>>) semaphore(%arg15 : memref<!tpu.dma_semaphore, #tpu.memory_space<semaphore_mem>>) {add = true}
      %ge3A_705 = arith.constant 1 : i32
      %ge3A_706 = arith.cmpi sge, %add3A_570, %ge3A_705 : i32
      %convert_element_type3A_707 = arith.extui %ge3A_706 : i1 to i32
      %cond3A_708 = arith.constant 0 : i32
      %cond3A_709 = arith.cmpi ne, %convert_element_type3A_707, %cond3A_708 : i32
      scf.if %cond3A_709 {
        %sub3A_961 = arith.constant 1 : i32
        %sub3A_962 = arith.subi %add3A_570, %sub3A_961 : i32
        %jit3A_963 = arith.constant 8 : i32
        %div3A_964 = arith.divsi %sub3A_962, %jit3A_963 : i32
        %sign3A_965 = arith.constant 0 : i32
        %sign3A_966 = arith.cmpi sgt, %sub3A_962, %sign3A_965 : i32
        %sign3A_967 = arith.extui %sign3A_966 : i1 to i32
        %sign3A_968 = arith.constant 0 : i32
        %sign3A_969 = arith.cmpi slt, %sub3A_962, %sign3A_968 : i32
        %sign3A_970 = arith.extui %sign3A_969 : i1 to i32
        %sign3A_971 = arith.subi %sign3A_967, %sign3A_970 : i32
        %sign3A_972 = arith.constant 0 : i32
        %sign3A_973 = arith.cmpi sgt, %jit3A_963, %sign3A_972 : i32
        %sign3A_974 = arith.extui %sign3A_973 : i1 to i32
        %sign3A_975 = arith.constant 0 : i32
        %sign3A_976 = arith.cmpi slt, %jit3A_963, %sign3A_975 : i32
        %sign3A_977 = arith.extui %sign3A_976 : i1 to i32
        %sign3A_978 = arith.subi %sign3A_974, %sign3A_977 : i32
        %ne3A_979 = arith.cmpi ne, %sign3A_971, %sign3A_978 : i32
        %rem3A_980 = arith.remsi %sub3A_962, %jit3A_963 : i32
        %ne3A_981 = arith.constant 0 : i32
        %ne3A_982 = arith.cmpi ne, %rem3A_980, %ne3A_981 : i32
        %and3A_983 = arith.andi %ne3A_979, %ne3A_982 : i1
        %sub3A_984 = arith.constant 1 : i32
        %sub3A_985 = arith.subi %div3A_964, %sub3A_984 : i32
        %select_n3A_986 = arith.select %and3A_983, %sub3A_985, %div3A_964 : i32
        %jit3A_987 = arith.constant 2 : i32
        %eq3A_988 = arith.constant 0 : i32
        %eq3A_989 = arith.cmpi eq, %jit3A_987, %eq3A_988 : i32
        %jit3A_990 = arith.constant 1 : i32
        %select_n3A_991 = arith.select %eq3A_989, %jit3A_990, %jit3A_987 : i32
        %rem3A_992 = arith.remsi %select_n3A_986, %select_n3A_991 : i32
        %ne3A_993 = arith.constant 0 : i32
        %ne3A_994 = arith.cmpi ne, %rem3A_992, %ne3A_993 : i32
        %lt3A_995 = arith.constant 0 : i32
        %lt3A_996 = arith.cmpi slt, %rem3A_992, %lt3A_995 : i32
        %lt3A_997 = arith.constant 0 : i32
        %lt3A_998 = arith.cmpi slt, %select_n3A_991, %lt3A_997 : i32
        %ne3A_999 = arith.xori %lt3A_996, %lt3A_998 : i1
        %and3A_1000 = arith.andi %ne3A_999, %ne3A_994 : i1
        %add3A_1001 = arith.addi %rem3A_992, %select_n3A_991 : i32
        %select_n3A_1002 = arith.select %and3A_1000, %add3A_1001, %rem3A_992 : i32
        %jit3A_1003 = arith.constant 8 : i32
        %eq3A_1004 = arith.constant 0 : i32
        %eq3A_1005 = arith.cmpi eq, %jit3A_1003, %eq3A_1004 : i32
        %jit3A_1006 = arith.constant 1 : i32
        %select_n3A_1007 = arith.select %eq3A_1005, %jit3A_1006, %jit3A_1003 : i32
        %rem3A_1008 = arith.remsi %sub3A_962, %select_n3A_1007 : i32
        %ne3A_1009 = arith.constant 0 : i32
        %ne3A_1010 = arith.cmpi ne, %rem3A_1008, %ne3A_1009 : i32
        %lt3A_1011 = arith.constant 0 : i32
        %lt3A_1012 = arith.cmpi slt, %rem3A_1008, %lt3A_1011 : i32
        %lt3A_1013 = arith.constant 0 : i32
        %lt3A_1014 = arith.cmpi slt, %select_n3A_1007, %lt3A_1013 : i32
        %ne3A_1015 = arith.xori %lt3A_1012, %lt3A_1014 : i1
        %and3A_1016 = arith.andi %ne3A_1015, %ne3A_1010 : i1
        %add3A_1017 = arith.addi %rem3A_1008, %select_n3A_1007 : i32
        %select_n3A_1018 = arith.select %and3A_1016, %add3A_1017, %rem3A_1008 : i32
        %dma_wait3A_1019 = arith.constant 1 : i32
        %dma_wait3A_1020 = arith.constant 0 : i32
        %dma_wait3A_1021 = arith.constant 0 : i32
        %dma_wait3A_1022 = tpu.memref_slice %arg7[%dma_wait3A_1019, %dma_wait3A_1020, %dma_wait3A_1021] : memref<4x64x128xf32, #tpu.memory_space<vmem>> -> memref<1x64x128xf32, #tpu.memory_space<vmem>>
        %dma_wait3A_1023 = tpu.memref_squeeze %dma_wait3A_1022 : memref<1x64x128xf32, #tpu.memory_space<vmem>> -> memref<64x128xf32, #tpu.memory_space<vmem>>
        %dma_wait3A_1024 = arith.constant 0 : i32
        %dma_wait3A_1025 = tpu.memref_slice %arg6[%select_n3A_1002, %select_n3A_1018, %dma_wait3A_1024] : memref<2x8x64xi32, #tpu.memory_space<vmem>> -> memref<1x1x64xi32, #tpu.memory_space<vmem>>
        %dma_wait3A_1026 = tpu.memref_squeeze %dma_wait3A_1025 : memref<1x1x64xi32, #tpu.memory_space<vmem>> -> memref<64xi32, #tpu.memory_space<vmem>>
        %dma_wait3A_1027 = arith.constant 0 : i32
        %dma_wait3A_1028 = arith.constant 0 : i32
        %dma_wait3A_1029 = tpu.memref_slice %arg8[%dma_wait3A_1027, %dma_wait3A_1028] : memref<10240x128xf32, #tpu.memory_space<vmem_shared>> -> memref<10240x128xf32, #tpu.memory_space<vmem_shared>>
        tpu.wait_indirect_dma semaphore(%arg14 : memref<!tpu.dma_semaphore, #tpu.memory_space<semaphore_mem>>) src(%dma_wait3A_1023 : memref<64x128xf32, #tpu.memory_space<vmem>>) dst(%dma_wait3A_1029 : memref<10240x128xf32, #tpu.memory_space<vmem_shared>>)
      } else {
      }
      %add3A_710 = arith.constant 3 : i32
      %add3A_711 = arith.addi %add3A_570, %add3A_710 : i32
      %jit3A_712 = arith.constant 8 : i32
      %eq3A_713 = arith.constant 0 : i32
      %eq3A_714 = arith.cmpi eq, %jit3A_712, %eq3A_713 : i32
      %jit3A_715 = arith.constant 1 : i32
      %select_n3A_716 = arith.select %eq3A_714, %jit3A_715, %jit3A_712 : i32
      %rem3A_717 = arith.remsi %add3A_570, %select_n3A_716 : i32
      %ne3A_718 = arith.constant 0 : i32
      %ne3A_719 = arith.cmpi ne, %rem3A_717, %ne3A_718 : i32
      %lt3A_720 = arith.constant 0 : i32
      %lt3A_721 = arith.cmpi slt, %rem3A_717, %lt3A_720 : i32
      %lt3A_722 = arith.constant 0 : i32
      %lt3A_723 = arith.cmpi slt, %select_n3A_716, %lt3A_722 : i32
      %ne3A_724 = arith.xori %lt3A_721, %lt3A_723 : i1
      %and3A_725 = arith.andi %ne3A_724, %ne3A_719 : i1
      %add3A_726 = arith.addi %rem3A_717, %select_n3A_716 : i32
      %select_n3A_727 = arith.select %and3A_725, %add3A_726, %rem3A_717 : i32
      %eq3A_728 = arith.constant 2 : i32
      %eq3A_729 = arith.cmpi eq, %select_n3A_727, %eq3A_728 : i32
      %sub3A_730 = arith.constant 8 : i32
      %sub3A_731 = arith.subi %mul3A_12, %sub3A_730 : i32
      %lt3A_732 = arith.cmpi slt, %add3A_570, %sub3A_731 : i32
      %and3A_733 = arith.andi %eq3A_729, %lt3A_732 : i1
      %convert_element_type3A_734 = arith.extui %and3A_733 : i1 to i32
      %cond3A_735 = arith.constant 0 : i32
      %cond3A_736 = arith.cmpi ne, %convert_element_type3A_734, %cond3A_735 : i32
      scf.if %cond3A_736 {
        %jit3A_961 = arith.constant 8 : i32
        %div3A_962 = arith.divsi %add3A_570, %jit3A_961 : i32
        %sign3A_963 = arith.constant 0 : i32
        %sign3A_964 = arith.cmpi sgt, %add3A_570, %sign3A_963 : i32
        %sign3A_965 = arith.extui %sign3A_964 : i1 to i32
        %sign3A_966 = arith.constant 0 : i32
        %sign3A_967 = arith.cmpi slt, %add3A_570, %sign3A_966 : i32
        %sign3A_968 = arith.extui %sign3A_967 : i1 to i32
        %sign3A_969 = arith.subi %sign3A_965, %sign3A_968 : i32
        %sign3A_970 = arith.constant 0 : i32
        %sign3A_971 = arith.cmpi sgt, %jit3A_961, %sign3A_970 : i32
        %sign3A_972 = arith.extui %sign3A_971 : i1 to i32
        %sign3A_973 = arith.constant 0 : i32
        %sign3A_974 = arith.cmpi slt, %jit3A_961, %sign3A_973 : i32
        %sign3A_975 = arith.extui %sign3A_974 : i1 to i32
        %sign3A_976 = arith.subi %sign3A_972, %sign3A_975 : i32
        %ne3A_977 = arith.cmpi ne, %sign3A_969, %sign3A_976 : i32
        %rem3A_978 = arith.remsi %add3A_570, %jit3A_961 : i32
        %ne3A_979 = arith.constant 0 : i32
        %ne3A_980 = arith.cmpi ne, %rem3A_978, %ne3A_979 : i32
        %and3A_981 = arith.andi %ne3A_977, %ne3A_980 : i1
        %sub3A_982 = arith.constant 1 : i32
        %sub3A_983 = arith.subi %div3A_962, %sub3A_982 : i32
        %select_n3A_984 = arith.select %and3A_981, %sub3A_983, %div3A_962 : i32
        %add3A_985 = arith.constant 1 : i32
        %add3A_986 = arith.addi %select_n3A_984, %add3A_985 : i32
        %jit3A_987 = arith.constant 2 : i32
        %eq3A_988 = arith.constant 0 : i32
        %eq3A_989 = arith.cmpi eq, %jit3A_987, %eq3A_988 : i32
        %jit3A_990 = arith.constant 1 : i32
        %select_n3A_991 = arith.select %eq3A_989, %jit3A_990, %jit3A_987 : i32
        %rem3A_992 = arith.remsi %add3A_986, %select_n3A_991 : i32
        %ne3A_993 = arith.constant 0 : i32
        %ne3A_994 = arith.cmpi ne, %rem3A_992, %ne3A_993 : i32
        %lt3A_995 = arith.constant 0 : i32
        %lt3A_996 = arith.cmpi slt, %rem3A_992, %lt3A_995 : i32
        %lt3A_997 = arith.constant 0 : i32
        %lt3A_998 = arith.cmpi slt, %select_n3A_991, %lt3A_997 : i32
        %ne3A_999 = arith.xori %lt3A_996, %lt3A_998 : i1
        %and3A_1000 = arith.andi %ne3A_999, %ne3A_994 : i1
        %add3A_1001 = arith.addi %rem3A_992, %select_n3A_991 : i32
        %select_n3A_1002 = arith.select %and3A_1000, %add3A_1001, %rem3A_992 : i32
        %mul3A_1003 = arith.constant 8 : i32
        %mul3A_1004 = arith.muli %add3A_986, %mul3A_1003 : i32
        %add3A_1005 = arith.addi %mul3A_6, %mul3A_1004 : i32
        %dma_start3A_1006 = arith.constant 0 : i32
        %dma_start3A_1007 = arith.constant 0 : i32
        %dma_start3A_1008 = arith.constant 0 : i32
        %dma_start3A_1009 = tpu.memref_slice %arg5[%select_n3A_1002, %dma_start3A_1007, %dma_start3A_1008] : memref<2x8x64xi32, #tpu.memory_space<vmem>> -> memref<1x8x64xi32, #tpu.memory_space<vmem>>
        %dma_start3A_1010 = tpu.memref_squeeze %dma_start3A_1009 : memref<1x8x64xi32, #tpu.memory_space<vmem>> -> memref<8x64xi32, #tpu.memory_space<vmem>>
        %dma_start3A_1011 = arith.constant 0 : i32
        %dma_start3A_1012 = tpu.memref_slice %arg3[%dma_start3A_1006, %add3A_1005, %dma_start3A_1011] : memref<2x5000x64xi32, #tpu.memory_space<hbm>> -> memref<1x8x64xi32, #tpu.memory_space<hbm>>
        %dma_start3A_1013 = tpu.memref_squeeze %dma_start3A_1012 : memref<1x8x64xi32, #tpu.memory_space<hbm>> -> memref<8x64xi32, #tpu.memory_space<hbm>>
        %dma_start3A_1014 = arith.constant 0 : i32
        %dma_start3A_1015 = arith.constant 0 : i32
        %dma_start3A_1016 = tpu.memref_slice %arg5[%select_n3A_1002, %dma_start3A_1014, %dma_start3A_1015] : memref<2x8x64xi32, #tpu.memory_space<vmem>> -> memref<1x8x64xi32, #tpu.memory_space<vmem>>
        %dma_start3A_1017 = tpu.memref_squeeze %dma_start3A_1016 : memref<1x8x64xi32, #tpu.memory_space<vmem>> -> memref<8x64xi32, #tpu.memory_space<vmem>>
        %dma_start3A_1018 = arith.constant 0 : i32
        %dma_start3A_1019 = tpu.memref_slice %arg3[%dma_start3A_1006, %add3A_1005, %dma_start3A_1018] : memref<2x5000x64xi32, #tpu.memory_space<hbm>> -> memref<1x8x64xi32, #tpu.memory_space<hbm>>
        %dma_start3A_1020 = tpu.memref_squeeze %dma_start3A_1019 : memref<1x8x64xi32, #tpu.memory_space<hbm>> -> memref<8x64xi32, #tpu.memory_space<hbm>>
        tpu.enqueue_dma source(%dma_start3A_1020 : memref<8x64xi32, #tpu.memory_space<hbm>>) target(%dma_start3A_1017 : memref<8x64xi32, #tpu.memory_space<vmem>>) target_semaphore(%arg17 : memref<!tpu.dma_semaphore, #tpu.memory_space<semaphore_mem>>)
        %dma_start3A_1021 = arith.constant 1 : i32
        %dma_start3A_1022 = arith.constant 0 : i32
        %dma_start3A_1023 = arith.constant 0 : i32
        %dma_start3A_1024 = tpu.memref_slice %arg6[%select_n3A_1002, %dma_start3A_1022, %dma_start3A_1023] : memref<2x8x64xi32, #tpu.memory_space<vmem>> -> memref<1x8x64xi32, #tpu.memory_space<vmem>>
        %dma_start3A_1025 = tpu.memref_squeeze %dma_start3A_1024 : memref<1x8x64xi32, #tpu.memory_space<vmem>> -> memref<8x64xi32, #tpu.memory_space<vmem>>
        %dma_start3A_1026 = arith.constant 0 : i32
        %dma_start3A_1027 = tpu.memref_slice %arg3[%dma_start3A_1021, %add3A_1005, %dma_start3A_1026] : memref<2x5000x64xi32, #tpu.memory_space<hbm>> -> memref<1x8x64xi32, #tpu.memory_space<hbm>>
        %dma_start3A_1028 = tpu.memref_squeeze %dma_start3A_1027 : memref<1x8x64xi32, #tpu.memory_space<hbm>> -> memref<8x64xi32, #tpu.memory_space<hbm>>
        %dma_start3A_1029 = arith.constant 0 : i32
        %dma_start3A_1030 = arith.constant 0 : i32
        %dma_start3A_1031 = tpu.memref_slice %arg6[%select_n3A_1002, %dma_start3A_1029, %dma_start3A_1030] : memref<2x8x64xi32, #tpu.memory_space<vmem>> -> memref<1x8x64xi32, #tpu.memory_space<vmem>>
        %dma_start3A_1032 = tpu.memref_squeeze %dma_start3A_1031 : memref<1x8x64xi32, #tpu.memory_space<vmem>> -> memref<8x64xi32, #tpu.memory_space<vmem>>
        %dma_start3A_1033 = arith.constant 0 : i32
        %dma_start3A_1034 = tpu.memref_slice %arg3[%dma_start3A_1021, %add3A_1005, %dma_start3A_1033] : memref<2x5000x64xi32, #tpu.memory_space<hbm>> -> memref<1x8x64xi32, #tpu.memory_space<hbm>>
        %dma_start3A_1035 = tpu.memref_squeeze %dma_start3A_1034 : memref<1x8x64xi32, #tpu.memory_space<hbm>> -> memref<8x64xi32, #tpu.memory_space<hbm>>
        tpu.enqueue_dma source(%dma_start3A_1035 : memref<8x64xi32, #tpu.memory_space<hbm>>) target(%dma_start3A_1032 : memref<8x64xi32, #tpu.memory_space<vmem>>) target_semaphore(%arg17 : memref<!tpu.dma_semaphore, #tpu.memory_space<semaphore_mem>>)
      } else {
      }
      %jit3A_737 = arith.constant 8 : i32
      %eq3A_738 = arith.constant 0 : i32
      %eq3A_739 = arith.cmpi eq, %jit3A_737, %eq3A_738 : i32
      %jit3A_740 = arith.constant 1 : i32
      %select_n3A_741 = arith.select %eq3A_739, %jit3A_740, %jit3A_737 : i32
      %rem3A_742 = arith.remsi %add3A_711, %select_n3A_741 : i32
      %ne3A_743 = arith.constant 0 : i32
      %ne3A_744 = arith.cmpi ne, %rem3A_742, %ne3A_743 : i32
      %lt3A_745 = arith.constant 0 : i32
      %lt3A_746 = arith.cmpi slt, %rem3A_742, %lt3A_745 : i32
      %lt3A_747 = arith.constant 0 : i32
      %lt3A_748 = arith.cmpi slt, %select_n3A_741, %lt3A_747 : i32
      %ne3A_749 = arith.xori %lt3A_746, %lt3A_748 : i1
      %and3A_750 = arith.andi %ne3A_749, %ne3A_744 : i1
      %add3A_751 = arith.addi %rem3A_742, %select_n3A_741 : i32
      %select_n3A_752 = arith.select %and3A_750, %add3A_751, %rem3A_742 : i32
      %eq3A_753 = arith.constant 0 : i32
      %eq3A_754 = arith.cmpi eq, %select_n3A_752, %eq3A_753 : i32
      %lt3A_755 = arith.cmpi slt, %add3A_711, %mul3A_12 : i32
      %and3A_756 = arith.andi %eq3A_754, %lt3A_755 : i1
      %convert_element_type3A_757 = arith.extui %and3A_756 : i1 to i32
      %cond3A_758 = arith.constant 0 : i32
      %cond3A_759 = arith.cmpi ne, %convert_element_type3A_757, %cond3A_758 : i32
      scf.if %cond3A_759 {
        %jit3A_961 = arith.constant 8 : i32
        %div3A_962 = arith.divsi %add3A_711, %jit3A_961 : i32
        %sign3A_963 = arith.constant 0 : i32
        %sign3A_964 = arith.cmpi sgt, %add3A_711, %sign3A_963 : i32
        %sign3A_965 = arith.extui %sign3A_964 : i1 to i32
        %sign3A_966 = arith.constant 0 : i32
        %sign3A_967 = arith.cmpi slt, %add3A_711, %sign3A_966 : i32
        %sign3A_968 = arith.extui %sign3A_967 : i1 to i32
        %sign3A_969 = arith.subi %sign3A_965, %sign3A_968 : i32
        %sign3A_970 = arith.constant 0 : i32
        %sign3A_971 = arith.cmpi sgt, %jit3A_961, %sign3A_970 : i32
        %sign3A_972 = arith.extui %sign3A_971 : i1 to i32
        %sign3A_973 = arith.constant 0 : i32
        %sign3A_974 = arith.cmpi slt, %jit3A_961, %sign3A_973 : i32
        %sign3A_975 = arith.extui %sign3A_974 : i1 to i32
        %sign3A_976 = arith.subi %sign3A_972, %sign3A_975 : i32
        %ne3A_977 = arith.cmpi ne, %sign3A_969, %sign3A_976 : i32
        %rem3A_978 = arith.remsi %add3A_711, %jit3A_961 : i32
        %ne3A_979 = arith.constant 0 : i32
        %ne3A_980 = arith.cmpi ne, %rem3A_978, %ne3A_979 : i32
        %and3A_981 = arith.andi %ne3A_977, %ne3A_980 : i1
        %sub3A_982 = arith.constant 1 : i32
        %sub3A_983 = arith.subi %div3A_962, %sub3A_982 : i32
        %select_n3A_984 = arith.select %and3A_981, %sub3A_983, %div3A_962 : i32
        %jit3A_985 = arith.constant 8 : i32
        %div3A_986 = arith.divsi %add3A_711, %jit3A_985 : i32
        %sign3A_987 = arith.constant 0 : i32
        %sign3A_988 = arith.cmpi sgt, %add3A_711, %sign3A_987 : i32
        %sign3A_989 = arith.extui %sign3A_988 : i1 to i32
        %sign3A_990 = arith.constant 0 : i32
        %sign3A_991 = arith.cmpi slt, %add3A_711, %sign3A_990 : i32
        %sign3A_992 = arith.extui %sign3A_991 : i1 to i32
        %sign3A_993 = arith.subi %sign3A_989, %sign3A_992 : i32
        %sign3A_994 = arith.constant 0 : i32
        %sign3A_995 = arith.cmpi sgt, %jit3A_985, %sign3A_994 : i32
        %sign3A_996 = arith.extui %sign3A_995 : i1 to i32
        %sign3A_997 = arith.constant 0 : i32
        %sign3A_998 = arith.cmpi slt, %jit3A_985, %sign3A_997 : i32
        %sign3A_999 = arith.extui %sign3A_998 : i1 to i32
        %sign3A_1000 = arith.subi %sign3A_996, %sign3A_999 : i32
        %ne3A_1001 = arith.cmpi ne, %sign3A_993, %sign3A_1000 : i32
        %rem3A_1002 = arith.remsi %add3A_711, %jit3A_985 : i32
        %ne3A_1003 = arith.constant 0 : i32
        %ne3A_1004 = arith.cmpi ne, %rem3A_1002, %ne3A_1003 : i32
        %and3A_1005 = arith.andi %ne3A_1001, %ne3A_1004 : i1
        %sub3A_1006 = arith.constant 1 : i32
        %sub3A_1007 = arith.subi %div3A_986, %sub3A_1006 : i32
        %select_n3A_1008 = arith.select %and3A_1005, %sub3A_1007, %div3A_986 : i32
        %jit3A_1009 = arith.constant 2 : i32
        %eq3A_1010 = arith.constant 0 : i32
        %eq3A_1011 = arith.cmpi eq, %jit3A_1009, %eq3A_1010 : i32
        %jit3A_1012 = arith.constant 1 : i32
        %select_n3A_1013 = arith.select %eq3A_1011, %jit3A_1012, %jit3A_1009 : i32
        %rem3A_1014 = arith.remsi %select_n3A_1008, %select_n3A_1013 : i32
        %ne3A_1015 = arith.constant 0 : i32
        %ne3A_1016 = arith.cmpi ne, %rem3A_1014, %ne3A_1015 : i32
        %lt3A_1017 = arith.constant 0 : i32
        %lt3A_1018 = arith.cmpi slt, %rem3A_1014, %lt3A_1017 : i32
        %lt3A_1019 = arith.constant 0 : i32
        %lt3A_1020 = arith.cmpi slt, %select_n3A_1013, %lt3A_1019 : i32
        %ne3A_1021 = arith.xori %lt3A_1018, %lt3A_1020 : i1
        %and3A_1022 = arith.andi %ne3A_1021, %ne3A_1016 : i1
        %add3A_1023 = arith.addi %rem3A_1014, %select_n3A_1013 : i32
        %select_n3A_1024 = arith.select %and3A_1022, %add3A_1023, %rem3A_1014 : i32
        %mul3A_1025 = arith.constant 8 : i32
        %mul3A_1026 = arith.muli %select_n3A_984, %mul3A_1025 : i32
        %add3A_1027 = arith.addi %mul3A_6, %mul3A_1026 : i32
        %dma_wait3A_1028 = arith.constant 0 : i32
        %dma_wait3A_1029 = arith.constant 0 : i32
        %dma_wait3A_1030 = arith.constant 0 : i32
        %dma_wait3A_1031 = tpu.memref_slice %arg5[%select_n3A_1024, %dma_wait3A_1029, %dma_wait3A_1030] : memref<2x8x64xi32, #tpu.memory_space<vmem>> -> memref<1x8x64xi32, #tpu.memory_space<vmem>>
        %dma_wait3A_1032 = tpu.memref_squeeze %dma_wait3A_1031 : memref<1x8x64xi32, #tpu.memory_space<vmem>> -> memref<8x64xi32, #tpu.memory_space<vmem>>
        %dma_wait3A_1033 = arith.constant 0 : i32
        %dma_wait3A_1034 = tpu.memref_slice %arg3[%dma_wait3A_1028, %add3A_1027, %dma_wait3A_1033] : memref<2x5000x64xi32, #tpu.memory_space<hbm>> -> memref<1x8x64xi32, #tpu.memory_space<hbm>>
        %dma_wait3A_1035 = tpu.memref_squeeze %dma_wait3A_1034 : memref<1x8x64xi32, #tpu.memory_space<hbm>> -> memref<8x64xi32, #tpu.memory_space<hbm>>
        %dma_wait3A_1036 = arith.constant 0 : i32
        %dma_wait3A_1037 = arith.constant 0 : i32
        %dma_wait3A_1038 = tpu.memref_slice %arg5[%select_n3A_1024, %dma_wait3A_1036, %dma_wait3A_1037] : memref<2x8x64xi32, #tpu.memory_space<vmem>> -> memref<1x8x64xi32, #tpu.memory_space<vmem>>
        %dma_wait3A_1039 = tpu.memref_squeeze %dma_wait3A_1038 : memref<1x8x64xi32, #tpu.memory_space<vmem>> -> memref<8x64xi32, #tpu.memory_space<vmem>>
        %dma_wait3A_1040 = arith.constant 0 : i32
        %dma_wait3A_1041 = tpu.memref_slice %arg3[%dma_wait3A_1028, %add3A_1027, %dma_wait3A_1040] : memref<2x5000x64xi32, #tpu.memory_space<hbm>> -> memref<1x8x64xi32, #tpu.memory_space<hbm>>
        %dma_wait3A_1042 = tpu.memref_squeeze %dma_wait3A_1041 : memref<1x8x64xi32, #tpu.memory_space<hbm>> -> memref<8x64xi32, #tpu.memory_space<hbm>>
        tpu.wait_dma2 semaphore(%arg17 : memref<!tpu.dma_semaphore, #tpu.memory_space<semaphore_mem>>) src(%dma_wait3A_1042 : memref<8x64xi32, #tpu.memory_space<hbm>>) dst(%dma_wait3A_1039 : memref<8x64xi32, #tpu.memory_space<vmem>>)
        %dma_wait3A_1043 = arith.constant 1 : i32
        %dma_wait3A_1044 = arith.constant 0 : i32
        %dma_wait3A_1045 = arith.constant 0 : i32
        %dma_wait3A_1046 = tpu.memref_slice %arg6[%select_n3A_1024, %dma_wait3A_1044, %dma_wait3A_1045] : memref<2x8x64xi32, #tpu.memory_space<vmem>> -> memref<1x8x64xi32, #tpu.memory_space<vmem>>
        %dma_wait3A_1047 = tpu.memref_squeeze %dma_wait3A_1046 : memref<1x8x64xi32, #tpu.memory_space<vmem>> -> memref<8x64xi32, #tpu.memory_space<vmem>>
        %dma_wait3A_1048 = arith.constant 0 : i32
        %dma_wait3A_1049 = tpu.memref_slice %arg3[%dma_wait3A_1043, %add3A_1027, %dma_wait3A_1048] : memref<2x5000x64xi32, #tpu.memory_space<hbm>> -> memref<1x8x64xi32, #tpu.memory_space<hbm>>
        %dma_wait3A_1050 = tpu.memref_squeeze %dma_wait3A_1049 : memref<1x8x64xi32, #tpu.memory_space<hbm>> -> memref<8x64xi32, #tpu.memory_space<hbm>>
        %dma_wait3A_1051 = arith.constant 0 : i32
        %dma_wait3A_1052 = arith.constant 0 : i32
        %dma_wait3A_1053 = tpu.memref_slice %arg6[%select_n3A_1024, %dma_wait3A_1051, %dma_wait3A_1052] : memref<2x8x64xi32, #tpu.memory_space<vmem>> -> memref<1x8x64xi32, #tpu.memory_space<vmem>>
        %dma_wait3A_1054 = tpu.memref_squeeze %dma_wait3A_1053 : memref<1x8x64xi32, #tpu.memory_space<vmem>> -> memref<8x64xi32, #tpu.memory_space<vmem>>
        %dma_wait3A_1055 = arith.constant 0 : i32
        %dma_wait3A_1056 = tpu.memref_slice %arg3[%dma_wait3A_1043, %add3A_1027, %dma_wait3A_1055] : memref<2x5000x64xi32, #tpu.memory_space<hbm>> -> memref<1x8x64xi32, #tpu.memory_space<hbm>>
        %dma_wait3A_1057 = tpu.memref_squeeze %dma_wait3A_1056 : memref<1x8x64xi32, #tpu.memory_space<hbm>> -> memref<8x64xi32, #tpu.memory_space<hbm>>
        tpu.wait_dma2 semaphore(%arg17 : memref<!tpu.dma_semaphore, #tpu.memory_space<semaphore_mem>>) src(%dma_wait3A_1057 : memref<8x64xi32, #tpu.memory_space<hbm>>) dst(%dma_wait3A_1054 : memref<8x64xi32, #tpu.memory_space<vmem>>)
      } else {
      }
      %lt3A_760 = arith.cmpi slt, %add3A_711, %mul3A_12 : i32
      %convert_element_type3A_761 = arith.extui %lt3A_760 : i1 to i32
      %cond3A_762 = arith.constant 0 : i32
      %cond3A_763 = arith.cmpi ne, %convert_element_type3A_761, %cond3A_762 : i32
      scf.if %cond3A_763 {
        %jit3A_961 = arith.constant 8 : i32
        %div3A_962 = arith.divsi %add3A_711, %jit3A_961 : i32
        %sign3A_963 = arith.constant 0 : i32
        %sign3A_964 = arith.cmpi sgt, %add3A_711, %sign3A_963 : i32
        %sign3A_965 = arith.extui %sign3A_964 : i1 to i32
        %sign3A_966 = arith.constant 0 : i32
        %sign3A_967 = arith.cmpi slt, %add3A_711, %sign3A_966 : i32
        %sign3A_968 = arith.extui %sign3A_967 : i1 to i32
        %sign3A_969 = arith.subi %sign3A_965, %sign3A_968 : i32
        %sign3A_970 = arith.constant 0 : i32
        %sign3A_971 = arith.cmpi sgt, %jit3A_961, %sign3A_970 : i32
        %sign3A_972 = arith.extui %sign3A_971 : i1 to i32
        %sign3A_973 = arith.constant 0 : i32
        %sign3A_974 = arith.cmpi slt, %jit3A_961, %sign3A_973 : i32
        %sign3A_975 = arith.extui %sign3A_974 : i1 to i32
        %sign3A_976 = arith.subi %sign3A_972, %sign3A_975 : i32
        %ne3A_977 = arith.cmpi ne, %sign3A_969, %sign3A_976 : i32
        %rem3A_978 = arith.remsi %add3A_711, %jit3A_961 : i32
        %ne3A_979 = arith.constant 0 : i32
        %ne3A_980 = arith.cmpi ne, %rem3A_978, %ne3A_979 : i32
        %and3A_981 = arith.andi %ne3A_977, %ne3A_980 : i1
        %sub3A_982 = arith.constant 1 : i32
        %sub3A_983 = arith.subi %div3A_962, %sub3A_982 : i32
        %select_n3A_984 = arith.select %and3A_981, %sub3A_983, %div3A_962 : i32
        %jit3A_985 = arith.constant 2 : i32
        %eq3A_986 = arith.constant 0 : i32
        %eq3A_987 = arith.cmpi eq, %jit3A_985, %eq3A_986 : i32
        %jit3A_988 = arith.constant 1 : i32
        %select_n3A_989 = arith.select %eq3A_987, %jit3A_988, %jit3A_985 : i32
        %rem3A_990 = arith.remsi %select_n3A_984, %select_n3A_989 : i32
        %ne3A_991 = arith.constant 0 : i32
        %ne3A_992 = arith.cmpi ne, %rem3A_990, %ne3A_991 : i32
        %lt3A_993 = arith.constant 0 : i32
        %lt3A_994 = arith.cmpi slt, %rem3A_990, %lt3A_993 : i32
        %lt3A_995 = arith.constant 0 : i32
        %lt3A_996 = arith.cmpi slt, %select_n3A_989, %lt3A_995 : i32
        %ne3A_997 = arith.xori %lt3A_994, %lt3A_996 : i1
        %and3A_998 = arith.andi %ne3A_997, %ne3A_992 : i1
        %add3A_999 = arith.addi %rem3A_990, %select_n3A_989 : i32
        %select_n3A_1000 = arith.select %and3A_998, %add3A_999, %rem3A_990 : i32
        %jit3A_1001 = arith.constant 8 : i32
        %eq3A_1002 = arith.constant 0 : i32
        %eq3A_1003 = arith.cmpi eq, %jit3A_1001, %eq3A_1002 : i32
        %jit3A_1004 = arith.constant 1 : i32
        %select_n3A_1005 = arith.select %eq3A_1003, %jit3A_1004, %jit3A_1001 : i32
        %rem3A_1006 = arith.remsi %add3A_711, %select_n3A_1005 : i32
        %ne3A_1007 = arith.constant 0 : i32
        %ne3A_1008 = arith.cmpi ne, %rem3A_1006, %ne3A_1007 : i32
        %lt3A_1009 = arith.constant 0 : i32
        %lt3A_1010 = arith.cmpi slt, %rem3A_1006, %lt3A_1009 : i32
        %lt3A_1011 = arith.constant 0 : i32
        %lt3A_1012 = arith.cmpi slt, %select_n3A_1005, %lt3A_1011 : i32
        %ne3A_1013 = arith.xori %lt3A_1010, %lt3A_1012 : i1
        %and3A_1014 = arith.andi %ne3A_1013, %ne3A_1008 : i1
        %add3A_1015 = arith.addi %rem3A_1006, %select_n3A_1005 : i32
        %select_n3A_1016 = arith.select %and3A_1014, %add3A_1015, %rem3A_1006 : i32
        %dma_start3A_1017 = arith.constant 1 : i32
        %dma_start3A_1018 = arith.constant 0 : i32
        %dma_start3A_1019 = arith.constant 0 : i32
        %dma_start3A_1020 = tpu.memref_slice %arg7[%dma_start3A_1017, %dma_start3A_1018, %dma_start3A_1019] : memref<4x64x128xf32, #tpu.memory_space<vmem>> -> memref<1x64x128xf32, #tpu.memory_space<vmem>>
        %dma_start3A_1021 = tpu.memref_squeeze %dma_start3A_1020 : memref<1x64x128xf32, #tpu.memory_space<vmem>> -> memref<64x128xf32, #tpu.memory_space<vmem>>
        %dma_start3A_1022 = arith.constant 0 : i32
        %dma_start3A_1023 = tpu.memref_slice %arg5[%select_n3A_1000, %select_n3A_1016, %dma_start3A_1022] : memref<2x8x64xi32, #tpu.memory_space<vmem>> -> memref<1x1x64xi32, #tpu.memory_space<vmem>>
        %dma_start3A_1024 = tpu.memref_squeeze %dma_start3A_1023 : memref<1x1x64xi32, #tpu.memory_space<vmem>> -> memref<64xi32, #tpu.memory_space<vmem>>
        %dma_start3A_1025 = arith.constant 0 : i32
        %dma_start3A_1026 = arith.constant 0 : i32
        %dma_start3A_1027 = tpu.memref_slice %arg2[%dma_start3A_1025, %dma_start3A_1026] : memref<10000x128xf32, #tpu.memory_space<hbm>> -> memref<10000x128xf32, #tpu.memory_space<hbm>>
        tpu.enqueue_indirect_dma source(%dma_start3A_1027 : memref<10000x128xf32, #tpu.memory_space<hbm>>) target(%dma_start3A_1021 : memref<64x128xf32, #tpu.memory_space<vmem>>) offsets(%dma_start3A_1024 : memref<64xi32, #tpu.memory_space<vmem>>) semaphore(%arg10 : memref<!tpu.dma_semaphore, #tpu.memory_space<semaphore_mem>>)
      } else {
      }
      %mul3A_764 = arith.constant 4 : i32
      %mul3A_765 = arith.muli %while3A_175, %mul3A_764 : i32
      %add3A_766 = arith.constant 3 : i32
      %add3A_767 = arith.addi %mul3A_765, %add3A_766 : i32
      %jit3A_768 = arith.constant 8 : i32
      %div3A_769 = arith.divsi %add3A_767, %jit3A_768 : i32
      %sign3A_770 = arith.constant 0 : i32
      %sign3A_771 = arith.cmpi sgt, %add3A_767, %sign3A_770 : i32
      %sign3A_772 = arith.extui %sign3A_771 : i1 to i32
      %sign3A_773 = arith.constant 0 : i32
      %sign3A_774 = arith.cmpi slt, %add3A_767, %sign3A_773 : i32
      %sign3A_775 = arith.extui %sign3A_774 : i1 to i32
      %sign3A_776 = arith.subi %sign3A_772, %sign3A_775 : i32
      %sign3A_777 = arith.constant 0 : i32
      %sign3A_778 = arith.cmpi sgt, %jit3A_768, %sign3A_777 : i32
      %sign3A_779 = arith.extui %sign3A_778 : i1 to i32
      %sign3A_780 = arith.constant 0 : i32
      %sign3A_781 = arith.cmpi slt, %jit3A_768, %sign3A_780 : i32
      %sign3A_782 = arith.extui %sign3A_781 : i1 to i32
      %sign3A_783 = arith.subi %sign3A_779, %sign3A_782 : i32
      %ne3A_784 = arith.cmpi ne, %sign3A_776, %sign3A_783 : i32
      %rem3A_785 = arith.remsi %add3A_767, %jit3A_768 : i32
      %ne3A_786 = arith.constant 0 : i32
      %ne3A_787 = arith.cmpi ne, %rem3A_785, %ne3A_786 : i32
      %and3A_788 = arith.andi %ne3A_784, %ne3A_787 : i1
      %sub3A_789 = arith.constant 1 : i32
      %sub3A_790 = arith.subi %div3A_769, %sub3A_789 : i32
      %select_n3A_791 = arith.select %and3A_788, %sub3A_790, %div3A_769 : i32
      %jit3A_792 = arith.constant 2 : i32
      %eq3A_793 = arith.constant 0 : i32
      %eq3A_794 = arith.cmpi eq, %jit3A_792, %eq3A_793 : i32
      %jit3A_795 = arith.constant 1 : i32
      %select_n3A_796 = arith.select %eq3A_794, %jit3A_795, %jit3A_792 : i32
      %rem3A_797 = arith.remsi %select_n3A_791, %select_n3A_796 : i32
      %ne3A_798 = arith.constant 0 : i32
      %ne3A_799 = arith.cmpi ne, %rem3A_797, %ne3A_798 : i32
      %lt3A_800 = arith.constant 0 : i32
      %lt3A_801 = arith.cmpi slt, %rem3A_797, %lt3A_800 : i32
      %lt3A_802 = arith.constant 0 : i32
      %lt3A_803 = arith.cmpi slt, %select_n3A_796, %lt3A_802 : i32
      %ne3A_804 = arith.xori %lt3A_801, %lt3A_803 : i1
      %and3A_805 = arith.andi %ne3A_804, %ne3A_799 : i1
      %add3A_806 = arith.addi %rem3A_797, %select_n3A_796 : i32
      %select_n3A_807 = arith.select %and3A_805, %add3A_806, %rem3A_797 : i32
      %jit3A_808 = arith.constant 8 : i32
      %eq3A_809 = arith.constant 0 : i32
      %eq3A_810 = arith.cmpi eq, %jit3A_808, %eq3A_809 : i32
      %jit3A_811 = arith.constant 1 : i32
      %select_n3A_812 = arith.select %eq3A_810, %jit3A_811, %jit3A_808 : i32
      %rem3A_813 = arith.remsi %add3A_767, %select_n3A_812 : i32
      %ne3A_814 = arith.constant 0 : i32
      %ne3A_815 = arith.cmpi ne, %rem3A_813, %ne3A_814 : i32
      %lt3A_816 = arith.constant 0 : i32
      %lt3A_817 = arith.cmpi slt, %rem3A_813, %lt3A_816 : i32
      %lt3A_818 = arith.constant 0 : i32
      %lt3A_819 = arith.cmpi slt, %select_n3A_812, %lt3A_818 : i32
      %ne3A_820 = arith.xori %lt3A_817, %lt3A_819 : i1
      %and3A_821 = arith.andi %ne3A_820, %ne3A_815 : i1
      %add3A_822 = arith.addi %rem3A_813, %select_n3A_812 : i32
      %select_n3A_823 = arith.select %and3A_821, %add3A_822, %rem3A_813 : i32
      %dma_wait3A_824 = arith.constant 3 : i32
      %dma_wait3A_825 = arith.constant 0 : i32
      %dma_wait3A_826 = arith.constant 0 : i32
      %dma_wait3A_827 = tpu.memref_slice %arg7[%dma_wait3A_824, %dma_wait3A_825, %dma_wait3A_826] : memref<4x64x128xf32, #tpu.memory_space<vmem>> -> memref<1x64x128xf32, #tpu.memory_space<vmem>>
      %dma_wait3A_828 = tpu.memref_squeeze %dma_wait3A_827 : memref<1x64x128xf32, #tpu.memory_space<vmem>> -> memref<64x128xf32, #tpu.memory_space<vmem>>
      %dma_wait3A_829 = arith.constant 0 : i32
      %dma_wait3A_830 = tpu.memref_slice %arg5[%select_n3A_807, %select_n3A_823, %dma_wait3A_829] : memref<2x8x64xi32, #tpu.memory_space<vmem>> -> memref<1x1x64xi32, #tpu.memory_space<vmem>>
      %dma_wait3A_831 = tpu.memref_squeeze %dma_wait3A_830 : memref<1x1x64xi32, #tpu.memory_space<vmem>> -> memref<64xi32, #tpu.memory_space<vmem>>
      %dma_wait3A_832 = arith.constant 0 : i32
      %dma_wait3A_833 = arith.constant 0 : i32
      %dma_wait3A_834 = tpu.memref_slice %arg2[%dma_wait3A_832, %dma_wait3A_833] : memref<10000x128xf32, #tpu.memory_space<hbm>> -> memref<10000x128xf32, #tpu.memory_space<hbm>>
      tpu.wait_indirect_dma semaphore(%arg12 : memref<!tpu.dma_semaphore, #tpu.memory_space<semaphore_mem>>) src(%dma_wait3A_834 : memref<10000x128xf32, #tpu.memory_space<hbm>>) dst(%dma_wait3A_828 : memref<64x128xf32, #tpu.memory_space<vmem>>)
      %jit3A_835 = arith.constant 8 : i32
      %div3A_836 = arith.divsi %add3A_767, %jit3A_835 : i32
      %sign3A_837 = arith.constant 0 : i32
      %sign3A_838 = arith.cmpi sgt, %add3A_767, %sign3A_837 : i32
      %sign3A_839 = arith.extui %sign3A_838 : i1 to i32
      %sign3A_840 = arith.constant 0 : i32
      %sign3A_841 = arith.cmpi slt, %add3A_767, %sign3A_840 : i32
      %sign3A_842 = arith.extui %sign3A_841 : i1 to i32
      %sign3A_843 = arith.subi %sign3A_839, %sign3A_842 : i32
      %sign3A_844 = arith.constant 0 : i32
      %sign3A_845 = arith.cmpi sgt, %jit3A_835, %sign3A_844 : i32
      %sign3A_846 = arith.extui %sign3A_845 : i1 to i32
      %sign3A_847 = arith.constant 0 : i32
      %sign3A_848 = arith.cmpi slt, %jit3A_835, %sign3A_847 : i32
      %sign3A_849 = arith.extui %sign3A_848 : i1 to i32
      %sign3A_850 = arith.subi %sign3A_846, %sign3A_849 : i32
      %ne3A_851 = arith.cmpi ne, %sign3A_843, %sign3A_850 : i32
      %rem3A_852 = arith.remsi %add3A_767, %jit3A_835 : i32
      %ne3A_853 = arith.constant 0 : i32
      %ne3A_854 = arith.cmpi ne, %rem3A_852, %ne3A_853 : i32
      %and3A_855 = arith.andi %ne3A_851, %ne3A_854 : i1
      %sub3A_856 = arith.constant 1 : i32
      %sub3A_857 = arith.subi %div3A_836, %sub3A_856 : i32
      %select_n3A_858 = arith.select %and3A_855, %sub3A_857, %div3A_836 : i32
      %jit3A_859 = arith.constant 2 : i32
      %eq3A_860 = arith.constant 0 : i32
      %eq3A_861 = arith.cmpi eq, %jit3A_859, %eq3A_860 : i32
      %jit3A_862 = arith.constant 1 : i32
      %select_n3A_863 = arith.select %eq3A_861, %jit3A_862, %jit3A_859 : i32
      %rem3A_864 = arith.remsi %select_n3A_858, %select_n3A_863 : i32
      %ne3A_865 = arith.constant 0 : i32
      %ne3A_866 = arith.cmpi ne, %rem3A_864, %ne3A_865 : i32
      %lt3A_867 = arith.constant 0 : i32
      %lt3A_868 = arith.cmpi slt, %rem3A_864, %lt3A_867 : i32
      %lt3A_869 = arith.constant 0 : i32
      %lt3A_870 = arith.cmpi slt, %select_n3A_863, %lt3A_869 : i32
      %ne3A_871 = arith.xori %lt3A_868, %lt3A_870 : i1
      %and3A_872 = arith.andi %ne3A_871, %ne3A_866 : i1
      %add3A_873 = arith.addi %rem3A_864, %select_n3A_863 : i32
      %select_n3A_874 = arith.select %and3A_872, %add3A_873, %rem3A_864 : i32
      %jit3A_875 = arith.constant 8 : i32
      %eq3A_876 = arith.constant 0 : i32
      %eq3A_877 = arith.cmpi eq, %jit3A_875, %eq3A_876 : i32
      %jit3A_878 = arith.constant 1 : i32
      %select_n3A_879 = arith.select %eq3A_877, %jit3A_878, %jit3A_875 : i32
      %rem3A_880 = arith.remsi %add3A_767, %select_n3A_879 : i32
      %ne3A_881 = arith.constant 0 : i32
      %ne3A_882 = arith.cmpi ne, %rem3A_880, %ne3A_881 : i32
      %lt3A_883 = arith.constant 0 : i32
      %lt3A_884 = arith.cmpi slt, %rem3A_880, %lt3A_883 : i32
      %lt3A_885 = arith.constant 0 : i32
      %lt3A_886 = arith.cmpi slt, %select_n3A_879, %lt3A_885 : i32
      %ne3A_887 = arith.xori %lt3A_884, %lt3A_886 : i1
      %and3A_888 = arith.andi %ne3A_887, %ne3A_882 : i1
      %add3A_889 = arith.addi %rem3A_880, %select_n3A_879 : i32
      %select_n3A_890 = arith.select %and3A_888, %add3A_889, %rem3A_880 : i32
      %dma_start3A_891 = arith.constant 3 : i32
      %dma_start3A_892 = arith.constant 0 : i32
      %dma_start3A_893 = arith.constant 0 : i32
      %dma_start3A_894 = tpu.memref_slice %arg7[%dma_start3A_891, %dma_start3A_892, %dma_start3A_893] : memref<4x64x128xf32, #tpu.memory_space<vmem>> -> memref<1x64x128xf32, #tpu.memory_space<vmem>>
      %dma_start3A_895 = tpu.memref_squeeze %dma_start3A_894 : memref<1x64x128xf32, #tpu.memory_space<vmem>> -> memref<64x128xf32, #tpu.memory_space<vmem>>
      %dma_start3A_896 = arith.constant 0 : i32
      %dma_start3A_897 = tpu.memref_slice %arg6[%select_n3A_874, %select_n3A_890, %dma_start3A_896] : memref<2x8x64xi32, #tpu.memory_space<vmem>> -> memref<1x1x64xi32, #tpu.memory_space<vmem>>
      %dma_start3A_898 = tpu.memref_squeeze %dma_start3A_897 : memref<1x1x64xi32, #tpu.memory_space<vmem>> -> memref<64xi32, #tpu.memory_space<vmem>>
      %dma_start3A_899 = arith.constant 0 : i32
      %dma_start3A_900 = arith.constant 0 : i32
      %dma_start3A_901 = tpu.memref_slice %arg8[%dma_start3A_899, %dma_start3A_900] : memref<10240x128xf32, #tpu.memory_space<vmem_shared>> -> memref<10240x128xf32, #tpu.memory_space<vmem_shared>>
      tpu.enqueue_indirect_dma source(%dma_start3A_895 : memref<64x128xf32, #tpu.memory_space<vmem>>) target(%dma_start3A_901 : memref<10240x128xf32, #tpu.memory_space<vmem_shared>>) offsets(%dma_start3A_898 : memref<64xi32, #tpu.memory_space<vmem>>) semaphore(%arg16 : memref<!tpu.dma_semaphore, #tpu.memory_space<semaphore_mem>>) {add = true}
      %ge3A_902 = arith.constant 1 : i32
      %ge3A_903 = arith.cmpi sge, %add3A_767, %ge3A_902 : i32
      %convert_element_type3A_904 = arith.extui %ge3A_903 : i1 to i32
      %cond3A_905 = arith.constant 0 : i32
      %cond3A_906 = arith.cmpi ne, %convert_element_type3A_904, %cond3A_905 : i32
      scf.if %cond3A_906 {
        %sub3A_961 = arith.constant 1 : i32
        %sub3A_962 = arith.subi %add3A_767, %sub3A_961 : i32
        %jit3A_963 = arith.constant 8 : i32
        %div3A_964 = arith.divsi %sub3A_962, %jit3A_963 : i32
        %sign3A_965 = arith.constant 0 : i32
        %sign3A_966 = arith.cmpi sgt, %sub3A_962, %sign3A_965 : i32
        %sign3A_967 = arith.extui %sign3A_966 : i1 to i32
        %sign3A_968 = arith.constant 0 : i32
        %sign3A_969 = arith.cmpi slt, %sub3A_962, %sign3A_968 : i32
        %sign3A_970 = arith.extui %sign3A_969 : i1 to i32
        %sign3A_971 = arith.subi %sign3A_967, %sign3A_970 : i32
        %sign3A_972 = arith.constant 0 : i32
        %sign3A_973 = arith.cmpi sgt, %jit3A_963, %sign3A_972 : i32
        %sign3A_974 = arith.extui %sign3A_973 : i1 to i32
        %sign3A_975 = arith.constant 0 : i32
        %sign3A_976 = arith.cmpi slt, %jit3A_963, %sign3A_975 : i32
        %sign3A_977 = arith.extui %sign3A_976 : i1 to i32
        %sign3A_978 = arith.subi %sign3A_974, %sign3A_977 : i32
        %ne3A_979 = arith.cmpi ne, %sign3A_971, %sign3A_978 : i32
        %rem3A_980 = arith.remsi %sub3A_962, %jit3A_963 : i32
        %ne3A_981 = arith.constant 0 : i32
        %ne3A_982 = arith.cmpi ne, %rem3A_980, %ne3A_981 : i32
        %and3A_983 = arith.andi %ne3A_979, %ne3A_982 : i1
        %sub3A_984 = arith.constant 1 : i32
        %sub3A_985 = arith.subi %div3A_964, %sub3A_984 : i32
        %select_n3A_986 = arith.select %and3A_983, %sub3A_985, %div3A_964 : i32
        %jit3A_987 = arith.constant 2 : i32
        %eq3A_988 = arith.constant 0 : i32
        %eq3A_989 = arith.cmpi eq, %jit3A_987, %eq3A_988 : i32
        %jit3A_990 = arith.constant 1 : i32
        %select_n3A_991 = arith.select %eq3A_989, %jit3A_990, %jit3A_987 : i32
        %rem3A_992 = arith.remsi %select_n3A_986, %select_n3A_991 : i32
        %ne3A_993 = arith.constant 0 : i32
        %ne3A_994 = arith.cmpi ne, %rem3A_992, %ne3A_993 : i32
        %lt3A_995 = arith.constant 0 : i32
        %lt3A_996 = arith.cmpi slt, %rem3A_992, %lt3A_995 : i32
        %lt3A_997 = arith.constant 0 : i32
        %lt3A_998 = arith.cmpi slt, %select_n3A_991, %lt3A_997 : i32
        %ne3A_999 = arith.xori %lt3A_996, %lt3A_998 : i1
        %and3A_1000 = arith.andi %ne3A_999, %ne3A_994 : i1
        %add3A_1001 = arith.addi %rem3A_992, %select_n3A_991 : i32
        %select_n3A_1002 = arith.select %and3A_1000, %add3A_1001, %rem3A_992 : i32
        %jit3A_1003 = arith.constant 8 : i32
        %eq3A_1004 = arith.constant 0 : i32
        %eq3A_1005 = arith.cmpi eq, %jit3A_1003, %eq3A_1004 : i32
        %jit3A_1006 = arith.constant 1 : i32
        %select_n3A_1007 = arith.select %eq3A_1005, %jit3A_1006, %jit3A_1003 : i32
        %rem3A_1008 = arith.remsi %sub3A_962, %select_n3A_1007 : i32
        %ne3A_1009 = arith.constant 0 : i32
        %ne3A_1010 = arith.cmpi ne, %rem3A_1008, %ne3A_1009 : i32
        %lt3A_1011 = arith.constant 0 : i32
        %lt3A_1012 = arith.cmpi slt, %rem3A_1008, %lt3A_1011 : i32
        %lt3A_1013 = arith.constant 0 : i32
        %lt3A_1014 = arith.cmpi slt, %select_n3A_1007, %lt3A_1013 : i32
        %ne3A_1015 = arith.xori %lt3A_1012, %lt3A_1014 : i1
        %and3A_1016 = arith.andi %ne3A_1015, %ne3A_1010 : i1
        %add3A_1017 = arith.addi %rem3A_1008, %select_n3A_1007 : i32
        %select_n3A_1018 = arith.select %and3A_1016, %add3A_1017, %rem3A_1008 : i32
        %dma_wait3A_1019 = arith.constant 2 : i32
        %dma_wait3A_1020 = arith.constant 0 : i32
        %dma_wait3A_1021 = arith.constant 0 : i32
        %dma_wait3A_1022 = tpu.memref_slice %arg7[%dma_wait3A_1019, %dma_wait3A_1020, %dma_wait3A_1021] : memref<4x64x128xf32, #tpu.memory_space<vmem>> -> memref<1x64x128xf32, #tpu.memory_space<vmem>>
        %dma_wait3A_1023 = tpu.memref_squeeze %dma_wait3A_1022 : memref<1x64x128xf32, #tpu.memory_space<vmem>> -> memref<64x128xf32, #tpu.memory_space<vmem>>
        %dma_wait3A_1024 = arith.constant 0 : i32
        %dma_wait3A_1025 = tpu.memref_slice %arg6[%select_n3A_1002, %select_n3A_1018, %dma_wait3A_1024] : memref<2x8x64xi32, #tpu.memory_space<vmem>> -> memref<1x1x64xi32, #tpu.memory_space<vmem>>
        %dma_wait3A_1026 = tpu.memref_squeeze %dma_wait3A_1025 : memref<1x1x64xi32, #tpu.memory_space<vmem>> -> memref<64xi32, #tpu.memory_space<vmem>>
        %dma_wait3A_1027 = arith.constant 0 : i32
        %dma_wait3A_1028 = arith.constant 0 : i32
        %dma_wait3A_1029 = tpu.memref_slice %arg8[%dma_wait3A_1027, %dma_wait3A_1028] : memref<10240x128xf32, #tpu.memory_space<vmem_shared>> -> memref<10240x128xf32, #tpu.memory_space<vmem_shared>>
        tpu.wait_indirect_dma semaphore(%arg15 : memref<!tpu.dma_semaphore, #tpu.memory_space<semaphore_mem>>) src(%dma_wait3A_1023 : memref<64x128xf32, #tpu.memory_space<vmem>>) dst(%dma_wait3A_1029 : memref<10240x128xf32, #tpu.memory_space<vmem_shared>>)
      } else {
      }
      %add3A_907 = arith.constant 3 : i32
      %add3A_908 = arith.addi %add3A_767, %add3A_907 : i32
      %jit3A_909 = arith.constant 8 : i32
      %eq3A_910 = arith.constant 0 : i32
      %eq3A_911 = arith.cmpi eq, %jit3A_909, %eq3A_910 : i32
      %jit3A_912 = arith.constant 1 : i32
      %select_n3A_913 = arith.select %eq3A_911, %jit3A_912, %jit3A_909 : i32
      %rem3A_914 = arith.remsi %add3A_767, %select_n3A_913 : i32
      %ne3A_915 = arith.constant 0 : i32
      %ne3A_916 = arith.cmpi ne, %rem3A_914, %ne3A_915 : i32
      %lt3A_917 = arith.constant 0 : i32
      %lt3A_918 = arith.cmpi slt, %rem3A_914, %lt3A_917 : i32
      %lt3A_919 = arith.constant 0 : i32
      %lt3A_920 = arith.cmpi slt, %select_n3A_913, %lt3A_919 : i32
      %ne3A_921 = arith.xori %lt3A_918, %lt3A_920 : i1
      %and3A_922 = arith.andi %ne3A_921, %ne3A_916 : i1
      %add3A_923 = arith.addi %rem3A_914, %select_n3A_913 : i32
      %select_n3A_924 = arith.select %and3A_922, %add3A_923, %rem3A_914 : i32
      %eq3A_925 = arith.constant 2 : i32
      %eq3A_926 = arith.cmpi eq, %select_n3A_924, %eq3A_925 : i32
      %sub3A_927 = arith.constant 8 : i32
      %sub3A_928 = arith.subi %mul3A_12, %sub3A_927 : i32
      %lt3A_929 = arith.cmpi slt, %add3A_767, %sub3A_928 : i32
      %and3A_930 = arith.andi %eq3A_926, %lt3A_929 : i1
      %convert_element_type3A_931 = arith.extui %and3A_930 : i1 to i32
      %cond3A_932 = arith.constant 0 : i32
      %cond3A_933 = arith.cmpi ne, %convert_element_type3A_931, %cond3A_932 : i32
      scf.if %cond3A_933 {
        %jit3A_961 = arith.constant 8 : i32
        %div3A_962 = arith.divsi %add3A_767, %jit3A_961 : i32
        %sign3A_963 = arith.constant 0 : i32
        %sign3A_964 = arith.cmpi sgt, %add3A_767, %sign3A_963 : i32
        %sign3A_965 = arith.extui %sign3A_964 : i1 to i32
        %sign3A_966 = arith.constant 0 : i32
        %sign3A_967 = arith.cmpi slt, %add3A_767, %sign3A_966 : i32
        %sign3A_968 = arith.extui %sign3A_967 : i1 to i32
        %sign3A_969 = arith.subi %sign3A_965, %sign3A_968 : i32
        %sign3A_970 = arith.constant 0 : i32
        %sign3A_971 = arith.cmpi sgt, %jit3A_961, %sign3A_970 : i32
        %sign3A_972 = arith.extui %sign3A_971 : i1 to i32
        %sign3A_973 = arith.constant 0 : i32
        %sign3A_974 = arith.cmpi slt, %jit3A_961, %sign3A_973 : i32
        %sign3A_975 = arith.extui %sign3A_974 : i1 to i32
        %sign3A_976 = arith.subi %sign3A_972, %sign3A_975 : i32
        %ne3A_977 = arith.cmpi ne, %sign3A_969, %sign3A_976 : i32
        %rem3A_978 = arith.remsi %add3A_767, %jit3A_961 : i32
        %ne3A_979 = arith.constant 0 : i32
        %ne3A_980 = arith.cmpi ne, %rem3A_978, %ne3A_979 : i32
        %and3A_981 = arith.andi %ne3A_977, %ne3A_980 : i1
        %sub3A_982 = arith.constant 1 : i32
        %sub3A_983 = arith.subi %div3A_962, %sub3A_982 : i32
        %select_n3A_984 = arith.select %and3A_981, %sub3A_983, %div3A_962 : i32
        %add3A_985 = arith.constant 1 : i32
        %add3A_986 = arith.addi %select_n3A_984, %add3A_985 : i32
        %jit3A_987 = arith.constant 2 : i32
        %eq3A_988 = arith.constant 0 : i32
        %eq3A_989 = arith.cmpi eq, %jit3A_987, %eq3A_988 : i32
        %jit3A_990 = arith.constant 1 : i32
        %select_n3A_991 = arith.select %eq3A_989, %jit3A_990, %jit3A_987 : i32
        %rem3A_992 = arith.remsi %add3A_986, %select_n3A_991 : i32
        %ne3A_993 = arith.constant 0 : i32
        %ne3A_994 = arith.cmpi ne, %rem3A_992, %ne3A_993 : i32
        %lt3A_995 = arith.constant 0 : i32
        %lt3A_996 = arith.cmpi slt, %rem3A_992, %lt3A_995 : i32
        %lt3A_997 = arith.constant 0 : i32
        %lt3A_998 = arith.cmpi slt, %select_n3A_991, %lt3A_997 : i32
        %ne3A_999 = arith.xori %lt3A_996, %lt3A_998 : i1
        %and3A_1000 = arith.andi %ne3A_999, %ne3A_994 : i1
        %add3A_1001 = arith.addi %rem3A_992, %select_n3A_991 : i32
        %select_n3A_1002 = arith.select %and3A_1000, %add3A_1001, %rem3A_992 : i32
        %mul3A_1003 = arith.constant 8 : i32
        %mul3A_1004 = arith.muli %add3A_986, %mul3A_1003 : i32
        %add3A_1005 = arith.addi %mul3A_6, %mul3A_1004 : i32
        %dma_start3A_1006 = arith.constant 0 : i32
        %dma_start3A_1007 = arith.constant 0 : i32
        %dma_start3A_1008 = arith.constant 0 : i32
        %dma_start3A_1009 = tpu.memref_slice %arg5[%select_n3A_1002, %dma_start3A_1007, %dma_start3A_1008] : memref<2x8x64xi32, #tpu.memory_space<vmem>> -> memref<1x8x64xi32, #tpu.memory_space<vmem>>
        %dma_start3A_1010 = tpu.memref_squeeze %dma_start3A_1009 : memref<1x8x64xi32, #tpu.memory_space<vmem>> -> memref<8x64xi32, #tpu.memory_space<vmem>>
        %dma_start3A_1011 = arith.constant 0 : i32
        %dma_start3A_1012 = tpu.memref_slice %arg3[%dma_start3A_1006, %add3A_1005, %dma_start3A_1011] : memref<2x5000x64xi32, #tpu.memory_space<hbm>> -> memref<1x8x64xi32, #tpu.memory_space<hbm>>
        %dma_start3A_1013 = tpu.memref_squeeze %dma_start3A_1012 : memref<1x8x64xi32, #tpu.memory_space<hbm>> -> memref<8x64xi32, #tpu.memory_space<hbm>>
        %dma_start3A_1014 = arith.constant 0 : i32
        %dma_start3A_1015 = arith.constant 0 : i32
        %dma_start3A_1016 = tpu.memref_slice %arg5[%select_n3A_1002, %dma_start3A_1014, %dma_start3A_1015] : memref<2x8x64xi32, #tpu.memory_space<vmem>> -> memref<1x8x64xi32, #tpu.memory_space<vmem>>
        %dma_start3A_1017 = tpu.memref_squeeze %dma_start3A_1016 : memref<1x8x64xi32, #tpu.memory_space<vmem>> -> memref<8x64xi32, #tpu.memory_space<vmem>>
        %dma_start3A_1018 = arith.constant 0 : i32
        %dma_start3A_1019 = tpu.memref_slice %arg3[%dma_start3A_1006, %add3A_1005, %dma_start3A_1018] : memref<2x5000x64xi32, #tpu.memory_space<hbm>> -> memref<1x8x64xi32, #tpu.memory_space<hbm>>
        %dma_start3A_1020 = tpu.memref_squeeze %dma_start3A_1019 : memref<1x8x64xi32, #tpu.memory_space<hbm>> -> memref<8x64xi32, #tpu.memory_space<hbm>>
        tpu.enqueue_dma source(%dma_start3A_1020 : memref<8x64xi32, #tpu.memory_space<hbm>>) target(%dma_start3A_1017 : memref<8x64xi32, #tpu.memory_space<vmem>>) target_semaphore(%arg17 : memref<!tpu.dma_semaphore, #tpu.memory_space<semaphore_mem>>)
        %dma_start3A_1021 = arith.constant 1 : i32
        %dma_start3A_1022 = arith.constant 0 : i32
        %dma_start3A_1023 = arith.constant 0 : i32
        %dma_start3A_1024 = tpu.memref_slice %arg6[%select_n3A_1002, %dma_start3A_1022, %dma_start3A_1023] : memref<2x8x64xi32, #tpu.memory_space<vmem>> -> memref<1x8x64xi32, #tpu.memory_space<vmem>>
        %dma_start3A_1025 = tpu.memref_squeeze %dma_start3A_1024 : memref<1x8x64xi32, #tpu.memory_space<vmem>> -> memref<8x64xi32, #tpu.memory_space<vmem>>
        %dma_start3A_1026 = arith.constant 0 : i32
        %dma_start3A_1027 = tpu.memref_slice %arg3[%dma_start3A_1021, %add3A_1005, %dma_start3A_1026] : memref<2x5000x64xi32, #tpu.memory_space<hbm>> -> memref<1x8x64xi32, #tpu.memory_space<hbm>>
        %dma_start3A_1028 = tpu.memref_squeeze %dma_start3A_1027 : memref<1x8x64xi32, #tpu.memory_space<hbm>> -> memref<8x64xi32, #tpu.memory_space<hbm>>
        %dma_start3A_1029 = arith.constant 0 : i32
        %dma_start3A_1030 = arith.constant 0 : i32
        %dma_start3A_1031 = tpu.memref_slice %arg6[%select_n3A_1002, %dma_start3A_1029, %dma_start3A_1030] : memref<2x8x64xi32, #tpu.memory_space<vmem>> -> memref<1x8x64xi32, #tpu.memory_space<vmem>>
        %dma_start3A_1032 = tpu.memref_squeeze %dma_start3A_1031 : memref<1x8x64xi32, #tpu.memory_space<vmem>> -> memref<8x64xi32, #tpu.memory_space<vmem>>
        %dma_start3A_1033 = arith.constant 0 : i32
        %dma_start3A_1034 = tpu.memref_slice %arg3[%dma_start3A_1021, %add3A_1005, %dma_start3A_1033] : memref<2x5000x64xi32, #tpu.memory_space<hbm>> -> memref<1x8x64xi32, #tpu.memory_space<hbm>>
        %dma_start3A_1035 = tpu.memref_squeeze %dma_start3A_1034 : memref<1x8x64xi32, #tpu.memory_space<hbm>> -> memref<8x64xi32, #tpu.memory_space<hbm>>
        tpu.enqueue_dma source(%dma_start3A_1035 : memref<8x64xi32, #tpu.memory_space<hbm>>) target(%dma_start3A_1032 : memref<8x64xi32, #tpu.memory_space<vmem>>) target_semaphore(%arg17 : memref<!tpu.dma_semaphore, #tpu.memory_space<semaphore_mem>>)
      } else {
      }
      %jit3A_934 = arith.constant 8 : i32
      %eq3A_935 = arith.constant 0 : i32
      %eq3A_936 = arith.cmpi eq, %jit3A_934, %eq3A_935 : i32
      %jit3A_937 = arith.constant 1 : i32
      %select_n3A_938 = arith.select %eq3A_936, %jit3A_937, %jit3A_934 : i32
      %rem3A_939 = arith.remsi %add3A_908, %select_n3A_938 : i32
      %ne3A_940 = arith.constant 0 : i32
      %ne3A_941 = arith.cmpi ne, %rem3A_939, %ne3A_940 : i32
      %lt3A_942 = arith.constant 0 : i32
      %lt3A_943 = arith.cmpi slt, %rem3A_939, %lt3A_942 : i32
      %lt3A_944 = arith.constant 0 : i32
      %lt3A_945 = arith.cmpi slt, %select_n3A_938, %lt3A_944 : i32
      %ne3A_946 = arith.xori %lt3A_943, %lt3A_945 : i1
      %and3A_947 = arith.andi %ne3A_946, %ne3A_941 : i1
      %add3A_948 = arith.addi %rem3A_939, %select_n3A_938 : i32
      %select_n3A_949 = arith.select %and3A_947, %add3A_948, %rem3A_939 : i32
      %eq3A_950 = arith.constant 0 : i32
      %eq3A_951 = arith.cmpi eq, %select_n3A_949, %eq3A_950 : i32
      %lt3A_952 = arith.cmpi slt, %add3A_908, %mul3A_12 : i32
      %and3A_953 = arith.andi %eq3A_951, %lt3A_952 : i1
      %convert_element_type3A_954 = arith.extui %and3A_953 : i1 to i32
      %cond3A_955 = arith.constant 0 : i32
      %cond3A_956 = arith.cmpi ne, %convert_element_type3A_954, %cond3A_955 : i32
      scf.if %cond3A_956 {
        %jit3A_961 = arith.constant 8 : i32
        %div3A_962 = arith.divsi %add3A_908, %jit3A_961 : i32
        %sign3A_963 = arith.constant 0 : i32
        %sign3A_964 = arith.cmpi sgt, %add3A_908, %sign3A_963 : i32
        %sign3A_965 = arith.extui %sign3A_964 : i1 to i32
        %sign3A_966 = arith.constant 0 : i32
        %sign3A_967 = arith.cmpi slt, %add3A_908, %sign3A_966 : i32
        %sign3A_968 = arith.extui %sign3A_967 : i1 to i32
        %sign3A_969 = arith.subi %sign3A_965, %sign3A_968 : i32
        %sign3A_970 = arith.constant 0 : i32
        %sign3A_971 = arith.cmpi sgt, %jit3A_961, %sign3A_970 : i32
        %sign3A_972 = arith.extui %sign3A_971 : i1 to i32
        %sign3A_973 = arith.constant 0 : i32
        %sign3A_974 = arith.cmpi slt, %jit3A_961, %sign3A_973 : i32
        %sign3A_975 = arith.extui %sign3A_974 : i1 to i32
        %sign3A_976 = arith.subi %sign3A_972, %sign3A_975 : i32
        %ne3A_977 = arith.cmpi ne, %sign3A_969, %sign3A_976 : i32
        %rem3A_978 = arith.remsi %add3A_908, %jit3A_961 : i32
        %ne3A_979 = arith.constant 0 : i32
        %ne3A_980 = arith.cmpi ne, %rem3A_978, %ne3A_979 : i32
        %and3A_981 = arith.andi %ne3A_977, %ne3A_980 : i1
        %sub3A_982 = arith.constant 1 : i32
        %sub3A_983 = arith.subi %div3A_962, %sub3A_982 : i32
        %select_n3A_984 = arith.select %and3A_981, %sub3A_983, %div3A_962 : i32
        %jit3A_985 = arith.constant 8 : i32
        %div3A_986 = arith.divsi %add3A_908, %jit3A_985 : i32
        %sign3A_987 = arith.constant 0 : i32
        %sign3A_988 = arith.cmpi sgt, %add3A_908, %sign3A_987 : i32
        %sign3A_989 = arith.extui %sign3A_988 : i1 to i32
        %sign3A_990 = arith.constant 0 : i32
        %sign3A_991 = arith.cmpi slt, %add3A_908, %sign3A_990 : i32
        %sign3A_992 = arith.extui %sign3A_991 : i1 to i32
        %sign3A_993 = arith.subi %sign3A_989, %sign3A_992 : i32
        %sign3A_994 = arith.constant 0 : i32
        %sign3A_995 = arith.cmpi sgt, %jit3A_985, %sign3A_994 : i32
        %sign3A_996 = arith.extui %sign3A_995 : i1 to i32
        %sign3A_997 = arith.constant 0 : i32
        %sign3A_998 = arith.cmpi slt, %jit3A_985, %sign3A_997 : i32
        %sign3A_999 = arith.extui %sign3A_998 : i1 to i32
        %sign3A_1000 = arith.subi %sign3A_996, %sign3A_999 : i32
        %ne3A_1001 = arith.cmpi ne, %sign3A_993, %sign3A_1000 : i32
        %rem3A_1002 = arith.remsi %add3A_908, %jit3A_985 : i32
        %ne3A_1003 = arith.constant 0 : i32
        %ne3A_1004 = arith.cmpi ne, %rem3A_1002, %ne3A_1003 : i32
        %and3A_1005 = arith.andi %ne3A_1001, %ne3A_1004 : i1
        %sub3A_1006 = arith.constant 1 : i32
        %sub3A_1007 = arith.subi %div3A_986, %sub3A_1006 : i32
        %select_n3A_1008 = arith.select %and3A_1005, %sub3A_1007, %div3A_986 : i32
        %jit3A_1009 = arith.constant 2 : i32
        %eq3A_1010 = arith.constant 0 : i32
        %eq3A_1011 = arith.cmpi eq, %jit3A_1009, %eq3A_1010 : i32
        %jit3A_1012 = arith.constant 1 : i32
        %select_n3A_1013 = arith.select %eq3A_1011, %jit3A_1012, %jit3A_1009 : i32
        %rem3A_1014 = arith.remsi %select_n3A_1008, %select_n3A_1013 : i32
        %ne3A_1015 = arith.constant 0 : i32
        %ne3A_1016 = arith.cmpi ne, %rem3A_1014, %ne3A_1015 : i32
        %lt3A_1017 = arith.constant 0 : i32
        %lt3A_1018 = arith.cmpi slt, %rem3A_1014, %lt3A_1017 : i32
        %lt3A_1019 = arith.constant 0 : i32
        %lt3A_1020 = arith.cmpi slt, %select_n3A_1013, %lt3A_1019 : i32
        %ne3A_1021 = arith.xori %lt3A_1018, %lt3A_1020 : i1
        %and3A_1022 = arith.andi %ne3A_1021, %ne3A_1016 : i1
        %add3A_1023 = arith.addi %rem3A_1014, %select_n3A_1013 : i32
        %select_n3A_1024 = arith.select %and3A_1022, %add3A_1023, %rem3A_1014 : i32
        %mul3A_1025 = arith.constant 8 : i32
        %mul3A_1026 = arith.muli %select_n3A_984, %mul3A_1025 : i32
        %add3A_1027 = arith.addi %mul3A_6, %mul3A_1026 : i32
        %dma_wait3A_1028 = arith.constant 0 : i32
        %dma_wait3A_1029 = arith.constant 0 : i32
        %dma_wait3A_1030 = arith.constant 0 : i32
        %dma_wait3A_1031 = tpu.memref_slice %arg5[%select_n3A_1024, %dma_wait3A_1029, %dma_wait3A_1030] : memref<2x8x64xi32, #tpu.memory_space<vmem>> -> memref<1x8x64xi32, #tpu.memory_space<vmem>>
        %dma_wait3A_1032 = tpu.memref_squeeze %dma_wait3A_1031 : memref<1x8x64xi32, #tpu.memory_space<vmem>> -> memref<8x64xi32, #tpu.memory_space<vmem>>
        %dma_wait3A_1033 = arith.constant 0 : i32
        %dma_wait3A_1034 = tpu.memref_slice %arg3[%dma_wait3A_1028, %add3A_1027, %dma_wait3A_1033] : memref<2x5000x64xi32, #tpu.memory_space<hbm>> -> memref<1x8x64xi32, #tpu.memory_space<hbm>>
        %dma_wait3A_1035 = tpu.memref_squeeze %dma_wait3A_1034 : memref<1x8x64xi32, #tpu.memory_space<hbm>> -> memref<8x64xi32, #tpu.memory_space<hbm>>
        %dma_wait3A_1036 = arith.constant 0 : i32
        %dma_wait3A_1037 = arith.constant 0 : i32
        %dma_wait3A_1038 = tpu.memref_slice %arg5[%select_n3A_1024, %dma_wait3A_1036, %dma_wait3A_1037] : memref<2x8x64xi32, #tpu.memory_space<vmem>> -> memref<1x8x64xi32, #tpu.memory_space<vmem>>
        %dma_wait3A_1039 = tpu.memref_squeeze %dma_wait3A_1038 : memref<1x8x64xi32, #tpu.memory_space<vmem>> -> memref<8x64xi32, #tpu.memory_space<vmem>>
        %dma_wait3A_1040 = arith.constant 0 : i32
        %dma_wait3A_1041 = tpu.memref_slice %arg3[%dma_wait3A_1028, %add3A_1027, %dma_wait3A_1040] : memref<2x5000x64xi32, #tpu.memory_space<hbm>> -> memref<1x8x64xi32, #tpu.memory_space<hbm>>
        %dma_wait3A_1042 = tpu.memref_squeeze %dma_wait3A_1041 : memref<1x8x64xi32, #tpu.memory_space<hbm>> -> memref<8x64xi32, #tpu.memory_space<hbm>>
        tpu.wait_dma2 semaphore(%arg17 : memref<!tpu.dma_semaphore, #tpu.memory_space<semaphore_mem>>) src(%dma_wait3A_1042 : memref<8x64xi32, #tpu.memory_space<hbm>>) dst(%dma_wait3A_1039 : memref<8x64xi32, #tpu.memory_space<vmem>>)
        %dma_wait3A_1043 = arith.constant 1 : i32
        %dma_wait3A_1044 = arith.constant 0 : i32
        %dma_wait3A_1045 = arith.constant 0 : i32
        %dma_wait3A_1046 = tpu.memref_slice %arg6[%select_n3A_1024, %dma_wait3A_1044, %dma_wait3A_1045] : memref<2x8x64xi32, #tpu.memory_space<vmem>> -> memref<1x8x64xi32, #tpu.memory_space<vmem>>
        %dma_wait3A_1047 = tpu.memref_squeeze %dma_wait3A_1046 : memref<1x8x64xi32, #tpu.memory_space<vmem>> -> memref<8x64xi32, #tpu.memory_space<vmem>>
        %dma_wait3A_1048 = arith.constant 0 : i32
        %dma_wait3A_1049 = tpu.memref_slice %arg3[%dma_wait3A_1043, %add3A_1027, %dma_wait3A_1048] : memref<2x5000x64xi32, #tpu.memory_space<hbm>> -> memref<1x8x64xi32, #tpu.memory_space<hbm>>
        %dma_wait3A_1050 = tpu.memref_squeeze %dma_wait3A_1049 : memref<1x8x64xi32, #tpu.memory_space<hbm>> -> memref<8x64xi32, #tpu.memory_space<hbm>>
        %dma_wait3A_1051 = arith.constant 0 : i32
        %dma_wait3A_1052 = arith.constant 0 : i32
        %dma_wait3A_1053 = tpu.memref_slice %arg6[%select_n3A_1024, %dma_wait3A_1051, %dma_wait3A_1052] : memref<2x8x64xi32, #tpu.memory_space<vmem>> -> memref<1x8x64xi32, #tpu.memory_space<vmem>>
        %dma_wait3A_1054 = tpu.memref_squeeze %dma_wait3A_1053 : memref<1x8x64xi32, #tpu.memory_space<vmem>> -> memref<8x64xi32, #tpu.memory_space<vmem>>
        %dma_wait3A_1055 = arith.constant 0 : i32
        %dma_wait3A_1056 = tpu.memref_slice %arg3[%dma_wait3A_1043, %add3A_1027, %dma_wait3A_1055] : memref<2x5000x64xi32, #tpu.memory_space<hbm>> -> memref<1x8x64xi32, #tpu.memory_space<hbm>>
        %dma_wait3A_1057 = tpu.memref_squeeze %dma_wait3A_1056 : memref<1x8x64xi32, #tpu.memory_space<hbm>> -> memref<8x64xi32, #tpu.memory_space<hbm>>
        tpu.wait_dma2 semaphore(%arg17 : memref<!tpu.dma_semaphore, #tpu.memory_space<semaphore_mem>>) src(%dma_wait3A_1057 : memref<8x64xi32, #tpu.memory_space<hbm>>) dst(%dma_wait3A_1054 : memref<8x64xi32, #tpu.memory_space<vmem>>)
      } else {
      }
      %lt3A_957 = arith.cmpi slt, %add3A_908, %mul3A_12 : i32
      %convert_element_type3A_958 = arith.extui %lt3A_957 : i1 to i32
      %cond3A_959 = arith.constant 0 : i32
      %cond3A_960 = arith.cmpi ne, %convert_element_type3A_958, %cond3A_959 : i32
      scf.if %cond3A_960 {
        %jit3A_961 = arith.constant 8 : i32
        %div3A_962 = arith.divsi %add3A_908, %jit3A_961 : i32
        %sign3A_963 = arith.constant 0 : i32
        %sign3A_964 = arith.cmpi sgt, %add3A_908, %sign3A_963 : i32
        %sign3A_965 = arith.extui %sign3A_964 : i1 to i32
        %sign3A_966 = arith.constant 0 : i32
        %sign3A_967 = arith.cmpi slt, %add3A_908, %sign3A_966 : i32
        %sign3A_968 = arith.extui %sign3A_967 : i1 to i32
        %sign3A_969 = arith.subi %sign3A_965, %sign3A_968 : i32
        %sign3A_970 = arith.constant 0 : i32
        %sign3A_971 = arith.cmpi sgt, %jit3A_961, %sign3A_970 : i32
        %sign3A_972 = arith.extui %sign3A_971 : i1 to i32
        %sign3A_973 = arith.constant 0 : i32
        %sign3A_974 = arith.cmpi slt, %jit3A_961, %sign3A_973 : i32
        %sign3A_975 = arith.extui %sign3A_974 : i1 to i32
        %sign3A_976 = arith.subi %sign3A_972, %sign3A_975 : i32
        %ne3A_977 = arith.cmpi ne, %sign3A_969, %sign3A_976 : i32
        %rem3A_978 = arith.remsi %add3A_908, %jit3A_961 : i32
        %ne3A_979 = arith.constant 0 : i32
        %ne3A_980 = arith.cmpi ne, %rem3A_978, %ne3A_979 : i32
        %and3A_981 = arith.andi %ne3A_977, %ne3A_980 : i1
        %sub3A_982 = arith.constant 1 : i32
        %sub3A_983 = arith.subi %div3A_962, %sub3A_982 : i32
        %select_n3A_984 = arith.select %and3A_981, %sub3A_983, %div3A_962 : i32
        %jit3A_985 = arith.constant 2 : i32
        %eq3A_986 = arith.constant 0 : i32
        %eq3A_987 = arith.cmpi eq, %jit3A_985, %eq3A_986 : i32
        %jit3A_988 = arith.constant 1 : i32
        %select_n3A_989 = arith.select %eq3A_987, %jit3A_988, %jit3A_985 : i32
        %rem3A_990 = arith.remsi %select_n3A_984, %select_n3A_989 : i32
        %ne3A_991 = arith.constant 0 : i32
        %ne3A_992 = arith.cmpi ne, %rem3A_990, %ne3A_991 : i32
        %lt3A_993 = arith.constant 0 : i32
        %lt3A_994 = arith.cmpi slt, %rem3A_990, %lt3A_993 : i32
        %lt3A_995 = arith.constant 0 : i32
        %lt3A_996 = arith.cmpi slt, %select_n3A_989, %lt3A_995 : i32
        %ne3A_997 = arith.xori %lt3A_994, %lt3A_996 : i1
        %and3A_998 = arith.andi %ne3A_997, %ne3A_992 : i1
        %add3A_999 = arith.addi %rem3A_990, %select_n3A_989 : i32
        %select_n3A_1000 = arith.select %and3A_998, %add3A_999, %rem3A_990 : i32
        %jit3A_1001 = arith.constant 8 : i32
        %eq3A_1002 = arith.constant 0 : i32
        %eq3A_1003 = arith.cmpi eq, %jit3A_1001, %eq3A_1002 : i32
        %jit3A_1004 = arith.constant 1 : i32
        %select_n3A_1005 = arith.select %eq3A_1003, %jit3A_1004, %jit3A_1001 : i32
        %rem3A_1006 = arith.remsi %add3A_908, %select_n3A_1005 : i32
        %ne3A_1007 = arith.constant 0 : i32
        %ne3A_1008 = arith.cmpi ne, %rem3A_1006, %ne3A_1007 : i32
        %lt3A_1009 = arith.constant 0 : i32
        %lt3A_1010 = arith.cmpi slt, %rem3A_1006, %lt3A_1009 : i32
        %lt3A_1011 = arith.constant 0 : i32
        %lt3A_1012 = arith.cmpi slt, %select_n3A_1005, %lt3A_1011 : i32
        %ne3A_1013 = arith.xori %lt3A_1010, %lt3A_1012 : i1
        %and3A_1014 = arith.andi %ne3A_1013, %ne3A_1008 : i1
        %add3A_1015 = arith.addi %rem3A_1006, %select_n3A_1005 : i32
        %select_n3A_1016 = arith.select %and3A_1014, %add3A_1015, %rem3A_1006 : i32
        %dma_start3A_1017 = arith.constant 2 : i32
        %dma_start3A_1018 = arith.constant 0 : i32
        %dma_start3A_1019 = arith.constant 0 : i32
        %dma_start3A_1020 = tpu.memref_slice %arg7[%dma_start3A_1017, %dma_start3A_1018, %dma_start3A_1019] : memref<4x64x128xf32, #tpu.memory_space<vmem>> -> memref<1x64x128xf32, #tpu.memory_space<vmem>>
        %dma_start3A_1021 = tpu.memref_squeeze %dma_start3A_1020 : memref<1x64x128xf32, #tpu.memory_space<vmem>> -> memref<64x128xf32, #tpu.memory_space<vmem>>
        %dma_start3A_1022 = arith.constant 0 : i32
        %dma_start3A_1023 = tpu.memref_slice %arg5[%select_n3A_1000, %select_n3A_1016, %dma_start3A_1022] : memref<2x8x64xi32, #tpu.memory_space<vmem>> -> memref<1x1x64xi32, #tpu.memory_space<vmem>>
        %dma_start3A_1024 = tpu.memref_squeeze %dma_start3A_1023 : memref<1x1x64xi32, #tpu.memory_space<vmem>> -> memref<64xi32, #tpu.memory_space<vmem>>
        %dma_start3A_1025 = arith.constant 0 : i32
        %dma_start3A_1026 = arith.constant 0 : i32
        %dma_start3A_1027 = tpu.memref_slice %arg2[%dma_start3A_1025, %dma_start3A_1026] : memref<10000x128xf32, #tpu.memory_space<hbm>> -> memref<10000x128xf32, #tpu.memory_space<hbm>>
        tpu.enqueue_indirect_dma source(%dma_start3A_1027 : memref<10000x128xf32, #tpu.memory_space<hbm>>) target(%dma_start3A_1021 : memref<64x128xf32, #tpu.memory_space<vmem>>) offsets(%dma_start3A_1024 : memref<64xi32, #tpu.memory_space<vmem>>) semaphore(%arg11 : memref<!tpu.dma_semaphore, #tpu.memory_space<semaphore_mem>>)
      } else {
      }
    }
    %while3A_99 = arith.constant 1 : i32
    scf.for %while3A_175 = %while3A_97 to %while3A_93 step %while3A_99  : i32 {
      %mul3A_176 = arith.constant 4 : i32
      %mul3A_177 = arith.muli %while3A_175, %mul3A_176 : i32
      %add3A_178 = arith.constant 0 : i32
      %add3A_179 = arith.addi %mul3A_177, %add3A_178 : i32
      %jit3A_180 = arith.constant 8 : i32
      %div3A_181 = arith.divsi %add3A_179, %jit3A_180 : i32
      %sign3A_182 = arith.constant 0 : i32
      %sign3A_183 = arith.cmpi sgt, %add3A_179, %sign3A_182 : i32
      %sign3A_184 = arith.extui %sign3A_183 : i1 to i32
      %sign3A_185 = arith.constant 0 : i32
      %sign3A_186 = arith.cmpi slt, %add3A_179, %sign3A_185 : i32
      %sign3A_187 = arith.extui %sign3A_186 : i1 to i32
      %sign3A_188 = arith.subi %sign3A_184, %sign3A_187 : i32
      %sign3A_189 = arith.constant 0 : i32
      %sign3A_190 = arith.cmpi sgt, %jit3A_180, %sign3A_189 : i32
      %sign3A_191 = arith.extui %sign3A_190 : i1 to i32
      %sign3A_192 = arith.constant 0 : i32
      %sign3A_193 = arith.cmpi slt, %jit3A_180, %sign3A_192 : i32
      %sign3A_194 = arith.extui %sign3A_193 : i1 to i32
      %sign3A_195 = arith.subi %sign3A_191, %sign3A_194 : i32
      %ne3A_196 = arith.cmpi ne, %sign3A_188, %sign3A_195 : i32
      %rem3A_197 = arith.remsi %add3A_179, %jit3A_180 : i32
      %ne3A_198 = arith.constant 0 : i32
      %ne3A_199 = arith.cmpi ne, %rem3A_197, %ne3A_198 : i32
      %and3A_200 = arith.andi %ne3A_196, %ne3A_199 : i1
      %sub3A_201 = arith.constant 1 : i32
      %sub3A_202 = arith.subi %div3A_181, %sub3A_201 : i32
      %select_n3A_203 = arith.select %and3A_200, %sub3A_202, %div3A_181 : i32
      %jit3A_204 = arith.constant 2 : i32
      %eq3A_205 = arith.constant 0 : i32
      %eq3A_206 = arith.cmpi eq, %jit3A_204, %eq3A_205 : i32
      %jit3A_207 = arith.constant 1 : i32
      %select_n3A_208 = arith.select %eq3A_206, %jit3A_207, %jit3A_204 : i32
      %rem3A_209 = arith.remsi %select_n3A_203, %select_n3A_208 : i32
      %ne3A_210 = arith.constant 0 : i32
      %ne3A_211 = arith.cmpi ne, %rem3A_209, %ne3A_210 : i32
      %lt3A_212 = arith.constant 0 : i32
      %lt3A_213 = arith.cmpi slt, %rem3A_209, %lt3A_212 : i32
      %lt3A_214 = arith.constant 0 : i32
      %lt3A_215 = arith.cmpi slt, %select_n3A_208, %lt3A_214 : i32
      %ne3A_216 = arith.xori %lt3A_213, %lt3A_215 : i1
      %and3A_217 = arith.andi %ne3A_216, %ne3A_211 : i1
      %add3A_218 = arith.addi %rem3A_209, %select_n3A_208 : i32
      %select_n3A_219 = arith.select %and3A_217, %add3A_218, %rem3A_209 : i32
      %jit3A_220 = arith.constant 8 : i32
      %eq3A_221 = arith.constant 0 : i32
      %eq3A_222 = arith.cmpi eq, %jit3A_220, %eq3A_221 : i32
      %jit3A_223 = arith.constant 1 : i32
      %select_n3A_224 = arith.select %eq3A_222, %jit3A_223, %jit3A_220 : i32
      %rem3A_225 = arith.remsi %add3A_179, %select_n3A_224 : i32
      %ne3A_226 = arith.constant 0 : i32
      %ne3A_227 = arith.cmpi ne, %rem3A_225, %ne3A_226 : i32
      %lt3A_228 = arith.constant 0 : i32
      %lt3A_229 = arith.cmpi slt, %rem3A_225, %lt3A_228 : i32
      %lt3A_230 = arith.constant 0 : i32
      %lt3A_231 = arith.cmpi slt, %select_n3A_224, %lt3A_230 : i32
      %ne3A_232 = arith.xori %lt3A_229, %lt3A_231 : i1
      %and3A_233 = arith.andi %ne3A_232, %ne3A_227 : i1
      %add3A_234 = arith.addi %rem3A_225, %select_n3A_224 : i32
      %select_n3A_235 = arith.select %and3A_233, %add3A_234, %rem3A_225 : i32
      %dma_wait3A_236 = arith.constant 0 : i32
      %dma_wait3A_237 = arith.constant 0 : i32
      %dma_wait3A_238 = arith.constant 0 : i32
      %dma_wait3A_239 = tpu.memref_slice %arg7[%dma_wait3A_236, %dma_wait3A_237, %dma_wait3A_238] : memref<4x64x128xf32, #tpu.memory_space<vmem>> -> memref<1x64x128xf32, #tpu.memory_space<vmem>>
      %dma_wait3A_240 = tpu.memref_squeeze %dma_wait3A_239 : memref<1x64x128xf32, #tpu.memory_space<vmem>> -> memref<64x128xf32, #tpu.memory_space<vmem>>
      %dma_wait3A_241 = arith.constant 0 : i32
      %dma_wait3A_242 = tpu.memref_slice %arg5[%select_n3A_219, %select_n3A_235, %dma_wait3A_241] : memref<2x8x64xi32, #tpu.memory_space<vmem>> -> memref<1x1x64xi32, #tpu.memory_space<vmem>>
      %dma_wait3A_243 = tpu.memref_squeeze %dma_wait3A_242 : memref<1x1x64xi32, #tpu.memory_space<vmem>> -> memref<64xi32, #tpu.memory_space<vmem>>
      %dma_wait3A_244 = arith.constant 0 : i32
      %dma_wait3A_245 = arith.constant 0 : i32
      %dma_wait3A_246 = tpu.memref_slice %arg2[%dma_wait3A_244, %dma_wait3A_245] : memref<10000x128xf32, #tpu.memory_space<hbm>> -> memref<10000x128xf32, #tpu.memory_space<hbm>>
      tpu.wait_indirect_dma semaphore(%arg9 : memref<!tpu.dma_semaphore, #tpu.memory_space<semaphore_mem>>) src(%dma_wait3A_246 : memref<10000x128xf32, #tpu.memory_space<hbm>>) dst(%dma_wait3A_240 : memref<64x128xf32, #tpu.memory_space<vmem>>)
      %jit3A_247 = arith.constant 8 : i32
      %div3A_248 = arith.divsi %add3A_179, %jit3A_247 : i32
      %sign3A_249 = arith.constant 0 : i32
      %sign3A_250 = arith.cmpi sgt, %add3A_179, %sign3A_249 : i32
      %sign3A_251 = arith.extui %sign3A_250 : i1 to i32
      %sign3A_252 = arith.constant 0 : i32
      %sign3A_253 = arith.cmpi slt, %add3A_179, %sign3A_252 : i32
      %sign3A_254 = arith.extui %sign3A_253 : i1 to i32
      %sign3A_255 = arith.subi %sign3A_251, %sign3A_254 : i32
      %sign3A_256 = arith.constant 0 : i32
      %sign3A_257 = arith.cmpi sgt, %jit3A_247, %sign3A_256 : i32
      %sign3A_258 = arith.extui %sign3A_257 : i1 to i32
      %sign3A_259 = arith.constant 0 : i32
      %sign3A_260 = arith.cmpi slt, %jit3A_247, %sign3A_259 : i32
      %sign3A_261 = arith.extui %sign3A_260 : i1 to i32
      %sign3A_262 = arith.subi %sign3A_258, %sign3A_261 : i32
      %ne3A_263 = arith.cmpi ne, %sign3A_255, %sign3A_262 : i32
      %rem3A_264 = arith.remsi %add3A_179, %jit3A_247 : i32
      %ne3A_265 = arith.constant 0 : i32
      %ne3A_266 = arith.cmpi ne, %rem3A_264, %ne3A_265 : i32
      %and3A_267 = arith.andi %ne3A_263, %ne3A_266 : i1
      %sub3A_268 = arith.constant 1 : i32
      %sub3A_269 = arith.subi %div3A_248, %sub3A_268 : i32
      %select_n3A_270 = arith.select %and3A_267, %sub3A_269, %div3A_248 : i32
      %jit3A_271 = arith.constant 2 : i32
      %eq3A_272 = arith.constant 0 : i32
      %eq3A_273 = arith.cmpi eq, %jit3A_271, %eq3A_272 : i32
      %jit3A_274 = arith.constant 1 : i32
      %select_n3A_275 = arith.select %eq3A_273, %jit3A_274, %jit3A_271 : i32
      %rem3A_276 = arith.remsi %select_n3A_270, %select_n3A_275 : i32
      %ne3A_277 = arith.constant 0 : i32
      %ne3A_278 = arith.cmpi ne, %rem3A_276, %ne3A_277 : i32
      %lt3A_279 = arith.constant 0 : i32
      %lt3A_280 = arith.cmpi slt, %rem3A_276, %lt3A_279 : i32
      %lt3A_281 = arith.constant 0 : i32
      %lt3A_282 = arith.cmpi slt, %select_n3A_275, %lt3A_281 : i32
      %ne3A_283 = arith.xori %lt3A_280, %lt3A_282 : i1
      %and3A_284 = arith.andi %ne3A_283, %ne3A_278 : i1
      %add3A_285 = arith.addi %rem3A_276, %select_n3A_275 : i32
      %select_n3A_286 = arith.select %and3A_284, %add3A_285, %rem3A_276 : i32
      %jit3A_287 = arith.constant 8 : i32
      %eq3A_288 = arith.constant 0 : i32
      %eq3A_289 = arith.cmpi eq, %jit3A_287, %eq3A_288 : i32
      %jit3A_290 = arith.constant 1 : i32
      %select_n3A_291 = arith.select %eq3A_289, %jit3A_290, %jit3A_287 : i32
      %rem3A_292 = arith.remsi %add3A_179, %select_n3A_291 : i32
      %ne3A_293 = arith.constant 0 : i32
      %ne3A_294 = arith.cmpi ne, %rem3A_292, %ne3A_293 : i32
      %lt3A_295 = arith.constant 0 : i32
      %lt3A_296 = arith.cmpi slt, %rem3A_292, %lt3A_295 : i32
      %lt3A_297 = arith.constant 0 : i32
      %lt3A_298 = arith.cmpi slt, %select_n3A_291, %lt3A_297 : i32
      %ne3A_299 = arith.xori %lt3A_296, %lt3A_298 : i1
      %and3A_300 = arith.andi %ne3A_299, %ne3A_294 : i1
      %add3A_301 = arith.addi %rem3A_292, %select_n3A_291 : i32
      %select_n3A_302 = arith.select %and3A_300, %add3A_301, %rem3A_292 : i32
      %dma_start3A_303 = arith.constant 0 : i32
      %dma_start3A_304 = arith.constant 0 : i32
      %dma_start3A_305 = arith.constant 0 : i32
      %dma_start3A_306 = tpu.memref_slice %arg7[%dma_start3A_303, %dma_start3A_304, %dma_start3A_305] : memref<4x64x128xf32, #tpu.memory_space<vmem>> -> memref<1x64x128xf32, #tpu.memory_space<vmem>>
      %dma_start3A_307 = tpu.memref_squeeze %dma_start3A_306 : memref<1x64x128xf32, #tpu.memory_space<vmem>> -> memref<64x128xf32, #tpu.memory_space<vmem>>
      %dma_start3A_308 = arith.constant 0 : i32
      %dma_start3A_309 = tpu.memref_slice %arg6[%select_n3A_286, %select_n3A_302, %dma_start3A_308] : memref<2x8x64xi32, #tpu.memory_space<vmem>> -> memref<1x1x64xi32, #tpu.memory_space<vmem>>
      %dma_start3A_310 = tpu.memref_squeeze %dma_start3A_309 : memref<1x1x64xi32, #tpu.memory_space<vmem>> -> memref<64xi32, #tpu.memory_space<vmem>>
      %dma_start3A_311 = arith.constant 0 : i32
      %dma_start3A_312 = arith.constant 0 : i32
      %dma_start3A_313 = tpu.memref_slice %arg8[%dma_start3A_311, %dma_start3A_312] : memref<10240x128xf32, #tpu.memory_space<vmem_shared>> -> memref<10240x128xf32, #tpu.memory_space<vmem_shared>>
      tpu.enqueue_indirect_dma source(%dma_start3A_307 : memref<64x128xf32, #tpu.memory_space<vmem>>) target(%dma_start3A_313 : memref<10240x128xf32, #tpu.memory_space<vmem_shared>>) offsets(%dma_start3A_310 : memref<64xi32, #tpu.memory_space<vmem>>) semaphore(%arg13 : memref<!tpu.dma_semaphore, #tpu.memory_space<semaphore_mem>>) {add = true}
      %ge3A = arith.constant 1 : i32
      %ge3A_314 = arith.cmpi sge, %add3A_179, %ge3A : i32
      %convert_element_type3A = arith.extui %ge3A_314 : i1 to i32
      %cond3A = arith.constant 0 : i32
      %cond3A_315 = arith.cmpi ne, %convert_element_type3A, %cond3A : i32
      scf.if %cond3A_315 {
        %sub3A_961 = arith.constant 1 : i32
        %sub3A_962 = arith.subi %add3A_179, %sub3A_961 : i32
        %jit3A_963 = arith.constant 8 : i32
        %div3A_964 = arith.divsi %sub3A_962, %jit3A_963 : i32
        %sign3A_965 = arith.constant 0 : i32
        %sign3A_966 = arith.cmpi sgt, %sub3A_962, %sign3A_965 : i32
        %sign3A_967 = arith.extui %sign3A_966 : i1 to i32
        %sign3A_968 = arith.constant 0 : i32
        %sign3A_969 = arith.cmpi slt, %sub3A_962, %sign3A_968 : i32
        %sign3A_970 = arith.extui %sign3A_969 : i1 to i32
        %sign3A_971 = arith.subi %sign3A_967, %sign3A_970 : i32
        %sign3A_972 = arith.constant 0 : i32
        %sign3A_973 = arith.cmpi sgt, %jit3A_963, %sign3A_972 : i32
        %sign3A_974 = arith.extui %sign3A_973 : i1 to i32
        %sign3A_975 = arith.constant 0 : i32
        %sign3A_976 = arith.cmpi slt, %jit3A_963, %sign3A_975 : i32
        %sign3A_977 = arith.extui %sign3A_976 : i1 to i32
        %sign3A_978 = arith.subi %sign3A_974, %sign3A_977 : i32
        %ne3A_979 = arith.cmpi ne, %sign3A_971, %sign3A_978 : i32
        %rem3A_980 = arith.remsi %sub3A_962, %jit3A_963 : i32
        %ne3A_981 = arith.constant 0 : i32
        %ne3A_982 = arith.cmpi ne, %rem3A_980, %ne3A_981 : i32
        %and3A_983 = arith.andi %ne3A_979, %ne3A_982 : i1
        %sub3A_984 = arith.constant 1 : i32
        %sub3A_985 = arith.subi %div3A_964, %sub3A_984 : i32
        %select_n3A_986 = arith.select %and3A_983, %sub3A_985, %div3A_964 : i32
        %jit3A_987 = arith.constant 2 : i32
        %eq3A_988 = arith.constant 0 : i32
        %eq3A_989 = arith.cmpi eq, %jit3A_987, %eq3A_988 : i32
        %jit3A_990 = arith.constant 1 : i32
        %select_n3A_991 = arith.select %eq3A_989, %jit3A_990, %jit3A_987 : i32
        %rem3A_992 = arith.remsi %select_n3A_986, %select_n3A_991 : i32
        %ne3A_993 = arith.constant 0 : i32
        %ne3A_994 = arith.cmpi ne, %rem3A_992, %ne3A_993 : i32
        %lt3A_995 = arith.constant 0 : i32
        %lt3A_996 = arith.cmpi slt, %rem3A_992, %lt3A_995 : i32
        %lt3A_997 = arith.constant 0 : i32
        %lt3A_998 = arith.cmpi slt, %select_n3A_991, %lt3A_997 : i32
        %ne3A_999 = arith.xori %lt3A_996, %lt3A_998 : i1
        %and3A_1000 = arith.andi %ne3A_999, %ne3A_994 : i1
        %add3A_1001 = arith.addi %rem3A_992, %select_n3A_991 : i32
        %select_n3A_1002 = arith.select %and3A_1000, %add3A_1001, %rem3A_992 : i32
        %jit3A_1003 = arith.constant 8 : i32
        %eq3A_1004 = arith.constant 0 : i32
        %eq3A_1005 = arith.cmpi eq, %jit3A_1003, %eq3A_1004 : i32
        %jit3A_1006 = arith.constant 1 : i32
        %select_n3A_1007 = arith.select %eq3A_1005, %jit3A_1006, %jit3A_1003 : i32
        %rem3A_1008 = arith.remsi %sub3A_962, %select_n3A_1007 : i32
        %ne3A_1009 = arith.constant 0 : i32
        %ne3A_1010 = arith.cmpi ne, %rem3A_1008, %ne3A_1009 : i32
        %lt3A_1011 = arith.constant 0 : i32
        %lt3A_1012 = arith.cmpi slt, %rem3A_1008, %lt3A_1011 : i32
        %lt3A_1013 = arith.constant 0 : i32
        %lt3A_1014 = arith.cmpi slt, %select_n3A_1007, %lt3A_1013 : i32
        %ne3A_1015 = arith.xori %lt3A_1012, %lt3A_1014 : i1
        %and3A_1016 = arith.andi %ne3A_1015, %ne3A_1010 : i1
        %add3A_1017 = arith.addi %rem3A_1008, %select_n3A_1007 : i32
        %select_n3A_1018 = arith.select %and3A_1016, %add3A_1017, %rem3A_1008 : i32
        %dma_wait3A_1019 = arith.constant 3 : i32
        %dma_wait3A_1020 = arith.constant 0 : i32
        %dma_wait3A_1021 = arith.constant 0 : i32
        %dma_wait3A_1022 = tpu.memref_slice %arg7[%dma_wait3A_1019, %dma_wait3A_1020, %dma_wait3A_1021] : memref<4x64x128xf32, #tpu.memory_space<vmem>> -> memref<1x64x128xf32, #tpu.memory_space<vmem>>
        %dma_wait3A_1023 = tpu.memref_squeeze %dma_wait3A_1022 : memref<1x64x128xf32, #tpu.memory_space<vmem>> -> memref<64x128xf32, #tpu.memory_space<vmem>>
        %dma_wait3A_1024 = arith.constant 0 : i32
        %dma_wait3A_1025 = tpu.memref_slice %arg6[%select_n3A_1002, %select_n3A_1018, %dma_wait3A_1024] : memref<2x8x64xi32, #tpu.memory_space<vmem>> -> memref<1x1x64xi32, #tpu.memory_space<vmem>>
        %dma_wait3A_1026 = tpu.memref_squeeze %dma_wait3A_1025 : memref<1x1x64xi32, #tpu.memory_space<vmem>> -> memref<64xi32, #tpu.memory_space<vmem>>
        %dma_wait3A_1027 = arith.constant 0 : i32
        %dma_wait3A_1028 = arith.constant 0 : i32
        %dma_wait3A_1029 = tpu.memref_slice %arg8[%dma_wait3A_1027, %dma_wait3A_1028] : memref<10240x128xf32, #tpu.memory_space<vmem_shared>> -> memref<10240x128xf32, #tpu.memory_space<vmem_shared>>
        tpu.wait_indirect_dma semaphore(%arg16 : memref<!tpu.dma_semaphore, #tpu.memory_space<semaphore_mem>>) src(%dma_wait3A_1023 : memref<64x128xf32, #tpu.memory_space<vmem>>) dst(%dma_wait3A_1029 : memref<10240x128xf32, #tpu.memory_space<vmem_shared>>)
      } else {
      }
      %add3A_316 = arith.constant 3 : i32
      %add3A_317 = arith.addi %add3A_179, %add3A_316 : i32
      %jit3A_318 = arith.constant 8 : i32
      %eq3A_319 = arith.constant 0 : i32
      %eq3A_320 = arith.cmpi eq, %jit3A_318, %eq3A_319 : i32
      %jit3A_321 = arith.constant 1 : i32
      %select_n3A_322 = arith.select %eq3A_320, %jit3A_321, %jit3A_318 : i32
      %rem3A_323 = arith.remsi %add3A_179, %select_n3A_322 : i32
      %ne3A_324 = arith.constant 0 : i32
      %ne3A_325 = arith.cmpi ne, %rem3A_323, %ne3A_324 : i32
      %lt3A_326 = arith.constant 0 : i32
      %lt3A_327 = arith.cmpi slt, %rem3A_323, %lt3A_326 : i32
      %lt3A_328 = arith.constant 0 : i32
      %lt3A_329 = arith.cmpi slt, %select_n3A_322, %lt3A_328 : i32
      %ne3A_330 = arith.xori %lt3A_327, %lt3A_329 : i1
      %and3A_331 = arith.andi %ne3A_330, %ne3A_325 : i1
      %add3A_332 = arith.addi %rem3A_323, %select_n3A_322 : i32
      %select_n3A_333 = arith.select %and3A_331, %add3A_332, %rem3A_323 : i32
      %eq3A_334 = arith.constant 2 : i32
      %eq3A_335 = arith.cmpi eq, %select_n3A_333, %eq3A_334 : i32
      %sub3A_336 = arith.constant 8 : i32
      %sub3A_337 = arith.subi %mul3A_12, %sub3A_336 : i32
      %lt3A_338 = arith.cmpi slt, %add3A_179, %sub3A_337 : i32
      %and3A_339 = arith.andi %eq3A_335, %lt3A_338 : i1
      %convert_element_type3A_340 = arith.extui %and3A_339 : i1 to i32
      %cond3A_341 = arith.constant 0 : i32
      %cond3A_342 = arith.cmpi ne, %convert_element_type3A_340, %cond3A_341 : i32
      scf.if %cond3A_342 {
        %jit3A_961 = arith.constant 8 : i32
        %div3A_962 = arith.divsi %add3A_179, %jit3A_961 : i32
        %sign3A_963 = arith.constant 0 : i32
        %sign3A_964 = arith.cmpi sgt, %add3A_179, %sign3A_963 : i32
        %sign3A_965 = arith.extui %sign3A_964 : i1 to i32
        %sign3A_966 = arith.constant 0 : i32
        %sign3A_967 = arith.cmpi slt, %add3A_179, %sign3A_966 : i32
        %sign3A_968 = arith.extui %sign3A_967 : i1 to i32
        %sign3A_969 = arith.subi %sign3A_965, %sign3A_968 : i32
        %sign3A_970 = arith.constant 0 : i32
        %sign3A_971 = arith.cmpi sgt, %jit3A_961, %sign3A_970 : i32
        %sign3A_972 = arith.extui %sign3A_971 : i1 to i32
        %sign3A_973 = arith.constant 0 : i32
        %sign3A_974 = arith.cmpi slt, %jit3A_961, %sign3A_973 : i32
        %sign3A_975 = arith.extui %sign3A_974 : i1 to i32
        %sign3A_976 = arith.subi %sign3A_972, %sign3A_975 : i32
        %ne3A_977 = arith.cmpi ne, %sign3A_969, %sign3A_976 : i32
        %rem3A_978 = arith.remsi %add3A_179, %jit3A_961 : i32
        %ne3A_979 = arith.constant 0 : i32
        %ne3A_980 = arith.cmpi ne, %rem3A_978, %ne3A_979 : i32
        %and3A_981 = arith.andi %ne3A_977, %ne3A_980 : i1
        %sub3A_982 = arith.constant 1 : i32
        %sub3A_983 = arith.subi %div3A_962, %sub3A_982 : i32
        %select_n3A_984 = arith.select %and3A_981, %sub3A_983, %div3A_962 : i32
        %add3A_985 = arith.constant 1 : i32
        %add3A_986 = arith.addi %select_n3A_984, %add3A_985 : i32
        %jit3A_987 = arith.constant 2 : i32
        %eq3A_988 = arith.constant 0 : i32
        %eq3A_989 = arith.cmpi eq, %jit3A_987, %eq3A_988 : i32
        %jit3A_990 = arith.constant 1 : i32
        %select_n3A_991 = arith.select %eq3A_989, %jit3A_990, %jit3A_987 : i32
        %rem3A_992 = arith.remsi %add3A_986, %select_n3A_991 : i32
        %ne3A_993 = arith.constant 0 : i32
        %ne3A_994 = arith.cmpi ne, %rem3A_992, %ne3A_993 : i32
        %lt3A_995 = arith.constant 0 : i32
        %lt3A_996 = arith.cmpi slt, %rem3A_992, %lt3A_995 : i32
        %lt3A_997 = arith.constant 0 : i32
        %lt3A_998 = arith.cmpi slt, %select_n3A_991, %lt3A_997 : i32
        %ne3A_999 = arith.xori %lt3A_996, %lt3A_998 : i1
        %and3A_1000 = arith.andi %ne3A_999, %ne3A_994 : i1
        %add3A_1001 = arith.addi %rem3A_992, %select_n3A_991 : i32
        %select_n3A_1002 = arith.select %and3A_1000, %add3A_1001, %rem3A_992 : i32
        %mul3A_1003 = arith.constant 8 : i32
        %mul3A_1004 = arith.muli %add3A_986, %mul3A_1003 : i32
        %add3A_1005 = arith.addi %mul3A_6, %mul3A_1004 : i32
        %dma_start3A_1006 = arith.constant 0 : i32
        %dma_start3A_1007 = arith.constant 0 : i32
        %dma_start3A_1008 = arith.constant 0 : i32
        %dma_start3A_1009 = tpu.memref_slice %arg5[%select_n3A_1002, %dma_start3A_1007, %dma_start3A_1008] : memref<2x8x64xi32, #tpu.memory_space<vmem>> -> memref<1x8x64xi32, #tpu.memory_space<vmem>>
        %dma_start3A_1010 = tpu.memref_squeeze %dma_start3A_1009 : memref<1x8x64xi32, #tpu.memory_space<vmem>> -> memref<8x64xi32, #tpu.memory_space<vmem>>
        %dma_start3A_1011 = arith.constant 0 : i32
        %dma_start3A_1012 = tpu.memref_slice %arg3[%dma_start3A_1006, %add3A_1005, %dma_start3A_1011] : memref<2x5000x64xi32, #tpu.memory_space<hbm>> -> memref<1x8x64xi32, #tpu.memory_space<hbm>>
        %dma_start3A_1013 = tpu.memref_squeeze %dma_start3A_1012 : memref<1x8x64xi32, #tpu.memory_space<hbm>> -> memref<8x64xi32, #tpu.memory_space<hbm>>
        %dma_start3A_1014 = arith.constant 0 : i32
        %dma_start3A_1015 = arith.constant 0 : i32
        %dma_start3A_1016 = tpu.memref_slice %arg5[%select_n3A_1002, %dma_start3A_1014, %dma_start3A_1015] : memref<2x8x64xi32, #tpu.memory_space<vmem>> -> memref<1x8x64xi32, #tpu.memory_space<vmem>>
        %dma_start3A_1017 = tpu.memref_squeeze %dma_start3A_1016 : memref<1x8x64xi32, #tpu.memory_space<vmem>> -> memref<8x64xi32, #tpu.memory_space<vmem>>
        %dma_start3A_1018 = arith.constant 0 : i32
        %dma_start3A_1019 = tpu.memref_slice %arg3[%dma_start3A_1006, %add3A_1005, %dma_start3A_1018] : memref<2x5000x64xi32, #tpu.memory_space<hbm>> -> memref<1x8x64xi32, #tpu.memory_space<hbm>>
        %dma_start3A_1020 = tpu.memref_squeeze %dma_start3A_1019 : memref<1x8x64xi32, #tpu.memory_space<hbm>> -> memref<8x64xi32, #tpu.memory_space<hbm>>
        tpu.enqueue_dma source(%dma_start3A_1020 : memref<8x64xi32, #tpu.memory_space<hbm>>) target(%dma_start3A_1017 : memref<8x64xi32, #tpu.memory_space<vmem>>) target_semaphore(%arg17 : memref<!tpu.dma_semaphore, #tpu.memory_space<semaphore_mem>>)
        %dma_start3A_1021 = arith.constant 1 : i32
        %dma_start3A_1022 = arith.constant 0 : i32
        %dma_start3A_1023 = arith.constant 0 : i32
        %dma_start3A_1024 = tpu.memref_slice %arg6[%select_n3A_1002, %dma_start3A_1022, %dma_start3A_1023] : memref<2x8x64xi32, #tpu.memory_space<vmem>> -> memref<1x8x64xi32, #tpu.memory_space<vmem>>
        %dma_start3A_1025 = tpu.memref_squeeze %dma_start3A_1024 : memref<1x8x64xi32, #tpu.memory_space<vmem>> -> memref<8x64xi32, #tpu.memory_space<vmem>>
        %dma_start3A_1026 = arith.constant 0 : i32
        %dma_start3A_1027 = tpu.memref_slice %arg3[%dma_start3A_1021, %add3A_1005, %dma_start3A_1026] : memref<2x5000x64xi32, #tpu.memory_space<hbm>> -> memref<1x8x64xi32, #tpu.memory_space<hbm>>
        %dma_start3A_1028 = tpu.memref_squeeze %dma_start3A_1027 : memref<1x8x64xi32, #tpu.memory_space<hbm>> -> memref<8x64xi32, #tpu.memory_space<hbm>>
        %dma_start3A_1029 = arith.constant 0 : i32
        %dma_start3A_1030 = arith.constant 0 : i32
        %dma_start3A_1031 = tpu.memref_slice %arg6[%select_n3A_1002, %dma_start3A_1029, %dma_start3A_1030] : memref<2x8x64xi32, #tpu.memory_space<vmem>> -> memref<1x8x64xi32, #tpu.memory_space<vmem>>
        %dma_start3A_1032 = tpu.memref_squeeze %dma_start3A_1031 : memref<1x8x64xi32, #tpu.memory_space<vmem>> -> memref<8x64xi32, #tpu.memory_space<vmem>>
        %dma_start3A_1033 = arith.constant 0 : i32
        %dma_start3A_1034 = tpu.memref_slice %arg3[%dma_start3A_1021, %add3A_1005, %dma_start3A_1033] : memref<2x5000x64xi32, #tpu.memory_space<hbm>> -> memref<1x8x64xi32, #tpu.memory_space<hbm>>
        %dma_start3A_1035 = tpu.memref_squeeze %dma_start3A_1034 : memref<1x8x64xi32, #tpu.memory_space<hbm>> -> memref<8x64xi32, #tpu.memory_space<hbm>>
        tpu.enqueue_dma source(%dma_start3A_1035 : memref<8x64xi32, #tpu.memory_space<hbm>>) target(%dma_start3A_1032 : memref<8x64xi32, #tpu.memory_space<vmem>>) target_semaphore(%arg17 : memref<!tpu.dma_semaphore, #tpu.memory_space<semaphore_mem>>)
      } else {
      }
      %jit3A_343 = arith.constant 8 : i32
      %eq3A_344 = arith.constant 0 : i32
      %eq3A_345 = arith.cmpi eq, %jit3A_343, %eq3A_344 : i32
      %jit3A_346 = arith.constant 1 : i32
      %select_n3A_347 = arith.select %eq3A_345, %jit3A_346, %jit3A_343 : i32
      %rem3A_348 = arith.remsi %add3A_317, %select_n3A_347 : i32
      %ne3A_349 = arith.constant 0 : i32
      %ne3A_350 = arith.cmpi ne, %rem3A_348, %ne3A_349 : i32
      %lt3A_351 = arith.constant 0 : i32
      %lt3A_352 = arith.cmpi slt, %rem3A_348, %lt3A_351 : i32
      %lt3A_353 = arith.constant 0 : i32
      %lt3A_354 = arith.cmpi slt, %select_n3A_347, %lt3A_353 : i32
      %ne3A_355 = arith.xori %lt3A_352, %lt3A_354 : i1
      %and3A_356 = arith.andi %ne3A_355, %ne3A_350 : i1
      %add3A_357 = arith.addi %rem3A_348, %select_n3A_347 : i32
      %select_n3A_358 = arith.select %and3A_356, %add3A_357, %rem3A_348 : i32
      %eq3A_359 = arith.constant 0 : i32
      %eq3A_360 = arith.cmpi eq, %select_n3A_358, %eq3A_359 : i32
      %lt3A_361 = arith.cmpi slt, %add3A_317, %mul3A_12 : i32
      %and3A_362 = arith.andi %eq3A_360, %lt3A_361 : i1
      %convert_element_type3A_363 = arith.extui %and3A_362 : i1 to i32
      %cond3A_364 = arith.constant 0 : i32
      %cond3A_365 = arith.cmpi ne, %convert_element_type3A_363, %cond3A_364 : i32
      scf.if %cond3A_365 {
        %jit3A_961 = arith.constant 8 : i32
        %div3A_962 = arith.divsi %add3A_317, %jit3A_961 : i32
        %sign3A_963 = arith.constant 0 : i32
        %sign3A_964 = arith.cmpi sgt, %add3A_317, %sign3A_963 : i32
        %sign3A_965 = arith.extui %sign3A_964 : i1 to i32
        %sign3A_966 = arith.constant 0 : i32
        %sign3A_967 = arith.cmpi slt, %add3A_317, %sign3A_966 : i32
        %sign3A_968 = arith.extui %sign3A_967 : i1 to i32
        %sign3A_969 = arith.subi %sign3A_965, %sign3A_968 : i32
        %sign3A_970 = arith.constant 0 : i32
        %sign3A_971 = arith.cmpi sgt, %jit3A_961, %sign3A_970 : i32
        %sign3A_972 = arith.extui %sign3A_971 : i1 to i32
        %sign3A_973 = arith.constant 0 : i32
        %sign3A_974 = arith.cmpi slt, %jit3A_961, %sign3A_973 : i32
        %sign3A_975 = arith.extui %sign3A_974 : i1 to i32
        %sign3A_976 = arith.subi %sign3A_972, %sign3A_975 : i32
        %ne3A_977 = arith.cmpi ne, %sign3A_969, %sign3A_976 : i32
        %rem3A_978 = arith.remsi %add3A_317, %jit3A_961 : i32
        %ne3A_979 = arith.constant 0 : i32
        %ne3A_980 = arith.cmpi ne, %rem3A_978, %ne3A_979 : i32
        %and3A_981 = arith.andi %ne3A_977, %ne3A_980 : i1
        %sub3A_982 = arith.constant 1 : i32
        %sub3A_983 = arith.subi %div3A_962, %sub3A_982 : i32
        %select_n3A_984 = arith.select %and3A_981, %sub3A_983, %div3A_962 : i32
        %jit3A_985 = arith.constant 8 : i32
        %div3A_986 = arith.divsi %add3A_317, %jit3A_985 : i32
        %sign3A_987 = arith.constant 0 : i32
        %sign3A_988 = arith.cmpi sgt, %add3A_317, %sign3A_987 : i32
        %sign3A_989 = arith.extui %sign3A_988 : i1 to i32
        %sign3A_990 = arith.constant 0 : i32
        %sign3A_991 = arith.cmpi slt, %add3A_317, %sign3A_990 : i32
        %sign3A_992 = arith.extui %sign3A_991 : i1 to i32
        %sign3A_993 = arith.subi %sign3A_989, %sign3A_992 : i32
        %sign3A_994 = arith.constant 0 : i32
        %sign3A_995 = arith.cmpi sgt, %jit3A_985, %sign3A_994 : i32
        %sign3A_996 = arith.extui %sign3A_995 : i1 to i32
        %sign3A_997 = arith.constant 0 : i32
        %sign3A_998 = arith.cmpi slt, %jit3A_985, %sign3A_997 : i32
        %sign3A_999 = arith.extui %sign3A_998 : i1 to i32
        %sign3A_1000 = arith.subi %sign3A_996, %sign3A_999 : i32
        %ne3A_1001 = arith.cmpi ne, %sign3A_993, %sign3A_1000 : i32
        %rem3A_1002 = arith.remsi %add3A_317, %jit3A_985 : i32
        %ne3A_1003 = arith.constant 0 : i32
        %ne3A_1004 = arith.cmpi ne, %rem3A_1002, %ne3A_1003 : i32
        %and3A_1005 = arith.andi %ne3A_1001, %ne3A_1004 : i1
        %sub3A_1006 = arith.constant 1 : i32
        %sub3A_1007 = arith.subi %div3A_986, %sub3A_1006 : i32
        %select_n3A_1008 = arith.select %and3A_1005, %sub3A_1007, %div3A_986 : i32
        %jit3A_1009 = arith.constant 2 : i32
        %eq3A_1010 = arith.constant 0 : i32
        %eq3A_1011 = arith.cmpi eq, %jit3A_1009, %eq3A_1010 : i32
        %jit3A_1012 = arith.constant 1 : i32
        %select_n3A_1013 = arith.select %eq3A_1011, %jit3A_1012, %jit3A_1009 : i32
        %rem3A_1014 = arith.remsi %select_n3A_1008, %select_n3A_1013 : i32
        %ne3A_1015 = arith.constant 0 : i32
        %ne3A_1016 = arith.cmpi ne, %rem3A_1014, %ne3A_1015 : i32
        %lt3A_1017 = arith.constant 0 : i32
        %lt3A_1018 = arith.cmpi slt, %rem3A_1014, %lt3A_1017 : i32
        %lt3A_1019 = arith.constant 0 : i32
        %lt3A_1020 = arith.cmpi slt, %select_n3A_1013, %lt3A_1019 : i32
        %ne3A_1021 = arith.xori %lt3A_1018, %lt3A_1020 : i1
        %and3A_1022 = arith.andi %ne3A_1021, %ne3A_1016 : i1
        %add3A_1023 = arith.addi %rem3A_1014, %select_n3A_1013 : i32
        %select_n3A_1024 = arith.select %and3A_1022, %add3A_1023, %rem3A_1014 : i32
        %mul3A_1025 = arith.constant 8 : i32
        %mul3A_1026 = arith.muli %select_n3A_984, %mul3A_1025 : i32
        %add3A_1027 = arith.addi %mul3A_6, %mul3A_1026 : i32
        %dma_wait3A_1028 = arith.constant 0 : i32
        %dma_wait3A_1029 = arith.constant 0 : i32
        %dma_wait3A_1030 = arith.constant 0 : i32
        %dma_wait3A_1031 = tpu.memref_slice %arg5[%select_n3A_1024, %dma_wait3A_1029, %dma_wait3A_1030] : memref<2x8x64xi32, #tpu.memory_space<vmem>> -> memref<1x8x64xi32, #tpu.memory_space<vmem>>
        %dma_wait3A_1032 = tpu.memref_squeeze %dma_wait3A_1031 : memref<1x8x64xi32, #tpu.memory_space<vmem>> -> memref<8x64xi32, #tpu.memory_space<vmem>>
        %dma_wait3A_1033 = arith.constant 0 : i32
        %dma_wait3A_1034 = tpu.memref_slice %arg3[%dma_wait3A_1028, %add3A_1027, %dma_wait3A_1033] : memref<2x5000x64xi32, #tpu.memory_space<hbm>> -> memref<1x8x64xi32, #tpu.memory_space<hbm>>
        %dma_wait3A_1035 = tpu.memref_squeeze %dma_wait3A_1034 : memref<1x8x64xi32, #tpu.memory_space<hbm>> -> memref<8x64xi32, #tpu.memory_space<hbm>>
        %dma_wait3A_1036 = arith.constant 0 : i32
        %dma_wait3A_1037 = arith.constant 0 : i32
        %dma_wait3A_1038 = tpu.memref_slice %arg5[%select_n3A_1024, %dma_wait3A_1036, %dma_wait3A_1037] : memref<2x8x64xi32, #tpu.memory_space<vmem>> -> memref<1x8x64xi32, #tpu.memory_space<vmem>>
        %dma_wait3A_1039 = tpu.memref_squeeze %dma_wait3A_1038 : memref<1x8x64xi32, #tpu.memory_space<vmem>> -> memref<8x64xi32, #tpu.memory_space<vmem>>
        %dma_wait3A_1040 = arith.constant 0 : i32
        %dma_wait3A_1041 = tpu.memref_slice %arg3[%dma_wait3A_1028, %add3A_1027, %dma_wait3A_1040] : memref<2x5000x64xi32, #tpu.memory_space<hbm>> -> memref<1x8x64xi32, #tpu.memory_space<hbm>>
        %dma_wait3A_1042 = tpu.memref_squeeze %dma_wait3A_1041 : memref<1x8x64xi32, #tpu.memory_space<hbm>> -> memref<8x64xi32, #tpu.memory_space<hbm>>
        tpu.wait_dma2 semaphore(%arg17 : memref<!tpu.dma_semaphore, #tpu.memory_space<semaphore_mem>>) src(%dma_wait3A_1042 : memref<8x64xi32, #tpu.memory_space<hbm>>) dst(%dma_wait3A_1039 : memref<8x64xi32, #tpu.memory_space<vmem>>)
        %dma_wait3A_1043 = arith.constant 1 : i32
        %dma_wait3A_1044 = arith.constant 0 : i32
        %dma_wait3A_1045 = arith.constant 0 : i32
        %dma_wait3A_1046 = tpu.memref_slice %arg6[%select_n3A_1024, %dma_wait3A_1044, %dma_wait3A_1045] : memref<2x8x64xi32, #tpu.memory_space<vmem>> -> memref<1x8x64xi32, #tpu.memory_space<vmem>>
        %dma_wait3A_1047 = tpu.memref_squeeze %dma_wait3A_1046 : memref<1x8x64xi32, #tpu.memory_space<vmem>> -> memref<8x64xi32, #tpu.memory_space<vmem>>
        %dma_wait3A_1048 = arith.constant 0 : i32
        %dma_wait3A_1049 = tpu.memref_slice %arg3[%dma_wait3A_1043, %add3A_1027, %dma_wait3A_1048] : memref<2x5000x64xi32, #tpu.memory_space<hbm>> -> memref<1x8x64xi32, #tpu.memory_space<hbm>>
        %dma_wait3A_1050 = tpu.memref_squeeze %dma_wait3A_1049 : memref<1x8x64xi32, #tpu.memory_space<hbm>> -> memref<8x64xi32, #tpu.memory_space<hbm>>
        %dma_wait3A_1051 = arith.constant 0 : i32
        %dma_wait3A_1052 = arith.constant 0 : i32
        %dma_wait3A_1053 = tpu.memref_slice %arg6[%select_n3A_1024, %dma_wait3A_1051, %dma_wait3A_1052] : memref<2x8x64xi32, #tpu.memory_space<vmem>> -> memref<1x8x64xi32, #tpu.memory_space<vmem>>
        %dma_wait3A_1054 = tpu.memref_squeeze %dma_wait3A_1053 : memref<1x8x64xi32, #tpu.memory_space<vmem>> -> memref<8x64xi32, #tpu.memory_space<vmem>>
        %dma_wait3A_1055 = arith.constant 0 : i32
        %dma_wait3A_1056 = tpu.memref_slice %arg3[%dma_wait3A_1043, %add3A_1027, %dma_wait3A_1055] : memref<2x5000x64xi32, #tpu.memory_space<hbm>> -> memref<1x8x64xi32, #tpu.memory_space<hbm>>
        %dma_wait3A_1057 = tpu.memref_squeeze %dma_wait3A_1056 : memref<1x8x64xi32, #tpu.memory_space<hbm>> -> memref<8x64xi32, #tpu.memory_space<hbm>>
        tpu.wait_dma2 semaphore(%arg17 : memref<!tpu.dma_semaphore, #tpu.memory_space<semaphore_mem>>) src(%dma_wait3A_1057 : memref<8x64xi32, #tpu.memory_space<hbm>>) dst(%dma_wait3A_1054 : memref<8x64xi32, #tpu.memory_space<vmem>>)
      } else {
      }
      %lt3A_366 = arith.cmpi slt, %add3A_317, %mul3A_12 : i32
      %convert_element_type3A_367 = arith.extui %lt3A_366 : i1 to i32
      %cond3A_368 = arith.constant 0 : i32
      %cond3A_369 = arith.cmpi ne, %convert_element_type3A_367, %cond3A_368 : i32
      scf.if %cond3A_369 {
        %jit3A_961 = arith.constant 8 : i32
        %div3A_962 = arith.divsi %add3A_317, %jit3A_961 : i32
        %sign3A_963 = arith.constant 0 : i32
        %sign3A_964 = arith.cmpi sgt, %add3A_317, %sign3A_963 : i32
        %sign3A_965 = arith.extui %sign3A_964 : i1 to i32
        %sign3A_966 = arith.constant 0 : i32
        %sign3A_967 = arith.cmpi slt, %add3A_317, %sign3A_966 : i32
        %sign3A_968 = arith.extui %sign3A_967 : i1 to i32
        %sign3A_969 = arith.subi %sign3A_965, %sign3A_968 : i32
        %sign3A_970 = arith.constant 0 : i32
        %sign3A_971 = arith.cmpi sgt, %jit3A_961, %sign3A_970 : i32
        %sign3A_972 = arith.extui %sign3A_971 : i1 to i32
        %sign3A_973 = arith.constant 0 : i32
        %sign3A_974 = arith.cmpi slt, %jit3A_961, %sign3A_973 : i32
        %sign3A_975 = arith.extui %sign3A_974 : i1 to i32
        %sign3A_976 = arith.subi %sign3A_972, %sign3A_975 : i32
        %ne3A_977 = arith.cmpi ne, %sign3A_969, %sign3A_976 : i32
        %rem3A_978 = arith.remsi %add3A_317, %jit3A_961 : i32
        %ne3A_979 = arith.constant 0 : i32
        %ne3A_980 = arith.cmpi ne, %rem3A_978, %ne3A_979 : i32
        %and3A_981 = arith.andi %ne3A_977, %ne3A_980 : i1
        %sub3A_982 = arith.constant 1 : i32
        %sub3A_983 = arith.subi %div3A_962, %sub3A_982 : i32
        %select_n3A_984 = arith.select %and3A_981, %sub3A_983, %div3A_962 : i32
        %jit3A_985 = arith.constant 2 : i32
        %eq3A_986 = arith.constant 0 : i32
        %eq3A_987 = arith.cmpi eq, %jit3A_985, %eq3A_986 : i32
        %jit3A_988 = arith.constant 1 : i32
        %select_n3A_989 = arith.select %eq3A_987, %jit3A_988, %jit3A_985 : i32
        %rem3A_990 = arith.remsi %select_n3A_984, %select_n3A_989 : i32
        %ne3A_991 = arith.constant 0 : i32
        %ne3A_992 = arith.cmpi ne, %rem3A_990, %ne3A_991 : i32
        %lt3A_993 = arith.constant 0 : i32
        %lt3A_994 = arith.cmpi slt, %rem3A_990, %lt3A_993 : i32
        %lt3A_995 = arith.constant 0 : i32
        %lt3A_996 = arith.cmpi slt, %select_n3A_989, %lt3A_995 : i32
        %ne3A_997 = arith.xori %lt3A_994, %lt3A_996 : i1
        %and3A_998 = arith.andi %ne3A_997, %ne3A_992 : i1
        %add3A_999 = arith.addi %rem3A_990, %select_n3A_989 : i32
        %select_n3A_1000 = arith.select %and3A_998, %add3A_999, %rem3A_990 : i32
        %jit3A_1001 = arith.constant 8 : i32
        %eq3A_1002 = arith.constant 0 : i32
        %eq3A_1003 = arith.cmpi eq, %jit3A_1001, %eq3A_1002 : i32
        %jit3A_1004 = arith.constant 1 : i32
        %select_n3A_1005 = arith.select %eq3A_1003, %jit3A_1004, %jit3A_1001 : i32
        %rem3A_1006 = arith.remsi %add3A_317, %select_n3A_1005 : i32
        %ne3A_1007 = arith.constant 0 : i32
        %ne3A_1008 = arith.cmpi ne, %rem3A_1006, %ne3A_1007 : i32
        %lt3A_1009 = arith.constant 0 : i32
        %lt3A_1010 = arith.cmpi slt, %rem3A_1006, %lt3A_1009 : i32
        %lt3A_1011 = arith.constant 0 : i32
        %lt3A_1012 = arith.cmpi slt, %select_n3A_1005, %lt3A_1011 : i32
        %ne3A_1013 = arith.xori %lt3A_1010, %lt3A_1012 : i1
        %and3A_1014 = arith.andi %ne3A_1013, %ne3A_1008 : i1
        %add3A_1015 = arith.addi %rem3A_1006, %select_n3A_1005 : i32
        %select_n3A_1016 = arith.select %and3A_1014, %add3A_1015, %rem3A_1006 : i32
        %dma_start3A_1017 = arith.constant 3 : i32
        %dma_start3A_1018 = arith.constant 0 : i32
        %dma_start3A_1019 = arith.constant 0 : i32
        %dma_start3A_1020 = tpu.memref_slice %arg7[%dma_start3A_1017, %dma_start3A_1018, %dma_start3A_1019] : memref<4x64x128xf32, #tpu.memory_space<vmem>> -> memref<1x64x128xf32, #tpu.memory_space<vmem>>
        %dma_start3A_1021 = tpu.memref_squeeze %dma_start3A_1020 : memref<1x64x128xf32, #tpu.memory_space<vmem>> -> memref<64x128xf32, #tpu.memory_space<vmem>>
        %dma_start3A_1022 = arith.constant 0 : i32
        %dma_start3A_1023 = tpu.memref_slice %arg5[%select_n3A_1000, %select_n3A_1016, %dma_start3A_1022] : memref<2x8x64xi32, #tpu.memory_space<vmem>> -> memref<1x1x64xi32, #tpu.memory_space<vmem>>
        %dma_start3A_1024 = tpu.memref_squeeze %dma_start3A_1023 : memref<1x1x64xi32, #tpu.memory_space<vmem>> -> memref<64xi32, #tpu.memory_space<vmem>>
        %dma_start3A_1025 = arith.constant 0 : i32
        %dma_start3A_1026 = arith.constant 0 : i32
        %dma_start3A_1027 = tpu.memref_slice %arg2[%dma_start3A_1025, %dma_start3A_1026] : memref<10000x128xf32, #tpu.memory_space<hbm>> -> memref<10000x128xf32, #tpu.memory_space<hbm>>
        tpu.enqueue_indirect_dma source(%dma_start3A_1027 : memref<10000x128xf32, #tpu.memory_space<hbm>>) target(%dma_start3A_1021 : memref<64x128xf32, #tpu.memory_space<vmem>>) offsets(%dma_start3A_1024 : memref<64xi32, #tpu.memory_space<vmem>>) semaphore(%arg12 : memref<!tpu.dma_semaphore, #tpu.memory_space<semaphore_mem>>)
      } else {
      }
      %mul3A_370 = arith.constant 4 : i32
      %mul3A_371 = arith.muli %while3A_175, %mul3A_370 : i32
      %add3A_372 = arith.constant 1 : i32
      %add3A_373 = arith.addi %mul3A_371, %add3A_372 : i32
      %jit3A_374 = arith.constant 8 : i32
      %div3A_375 = arith.divsi %add3A_373, %jit3A_374 : i32
      %sign3A_376 = arith.constant 0 : i32
      %sign3A_377 = arith.cmpi sgt, %add3A_373, %sign3A_376 : i32
      %sign3A_378 = arith.extui %sign3A_377 : i1 to i32
      %sign3A_379 = arith.constant 0 : i32
      %sign3A_380 = arith.cmpi slt, %add3A_373, %sign3A_379 : i32
      %sign3A_381 = arith.extui %sign3A_380 : i1 to i32
      %sign3A_382 = arith.subi %sign3A_378, %sign3A_381 : i32
      %sign3A_383 = arith.constant 0 : i32
      %sign3A_384 = arith.cmpi sgt, %jit3A_374, %sign3A_383 : i32
      %sign3A_385 = arith.extui %sign3A_384 : i1 to i32
      %sign3A_386 = arith.constant 0 : i32
      %sign3A_387 = arith.cmpi slt, %jit3A_374, %sign3A_386 : i32
      %sign3A_388 = arith.extui %sign3A_387 : i1 to i32
      %sign3A_389 = arith.subi %sign3A_385, %sign3A_388 : i32
      %ne3A_390 = arith.cmpi ne, %sign3A_382, %sign3A_389 : i32
      %rem3A_391 = arith.remsi %add3A_373, %jit3A_374 : i32
      %ne3A_392 = arith.constant 0 : i32
      %ne3A_393 = arith.cmpi ne, %rem3A_391, %ne3A_392 : i32
      %and3A_394 = arith.andi %ne3A_390, %ne3A_393 : i1
      %sub3A_395 = arith.constant 1 : i32
      %sub3A_396 = arith.subi %div3A_375, %sub3A_395 : i32
      %select_n3A_397 = arith.select %and3A_394, %sub3A_396, %div3A_375 : i32
      %jit3A_398 = arith.constant 2 : i32
      %eq3A_399 = arith.constant 0 : i32
      %eq3A_400 = arith.cmpi eq, %jit3A_398, %eq3A_399 : i32
      %jit3A_401 = arith.constant 1 : i32
      %select_n3A_402 = arith.select %eq3A_400, %jit3A_401, %jit3A_398 : i32
      %rem3A_403 = arith.remsi %select_n3A_397, %select_n3A_402 : i32
      %ne3A_404 = arith.constant 0 : i32
      %ne3A_405 = arith.cmpi ne, %rem3A_403, %ne3A_404 : i32
      %lt3A_406 = arith.constant 0 : i32
      %lt3A_407 = arith.cmpi slt, %rem3A_403, %lt3A_406 : i32
      %lt3A_408 = arith.constant 0 : i32
      %lt3A_409 = arith.cmpi slt, %select_n3A_402, %lt3A_408 : i32
      %ne3A_410 = arith.xori %lt3A_407, %lt3A_409 : i1
      %and3A_411 = arith.andi %ne3A_410, %ne3A_405 : i1
      %add3A_412 = arith.addi %rem3A_403, %select_n3A_402 : i32
      %select_n3A_413 = arith.select %and3A_411, %add3A_412, %rem3A_403 : i32
      %jit3A_414 = arith.constant 8 : i32
      %eq3A_415 = arith.constant 0 : i32
      %eq3A_416 = arith.cmpi eq, %jit3A_414, %eq3A_415 : i32
      %jit3A_417 = arith.constant 1 : i32
      %select_n3A_418 = arith.select %eq3A_416, %jit3A_417, %jit3A_414 : i32
      %rem3A_419 = arith.remsi %add3A_373, %select_n3A_418 : i32
      %ne3A_420 = arith.constant 0 : i32
      %ne3A_421 = arith.cmpi ne, %rem3A_419, %ne3A_420 : i32
      %lt3A_422 = arith.constant 0 : i32
      %lt3A_423 = arith.cmpi slt, %rem3A_419, %lt3A_422 : i32
      %lt3A_424 = arith.constant 0 : i32
      %lt3A_425 = arith.cmpi slt, %select_n3A_418, %lt3A_424 : i32
      %ne3A_426 = arith.xori %lt3A_423, %lt3A_425 : i1
      %and3A_427 = arith.andi %ne3A_426, %ne3A_421 : i1
      %add3A_428 = arith.addi %rem3A_419, %select_n3A_418 : i32
      %select_n3A_429 = arith.select %and3A_427, %add3A_428, %rem3A_419 : i32
      %dma_wait3A_430 = arith.constant 1 : i32
      %dma_wait3A_431 = arith.constant 0 : i32
      %dma_wait3A_432 = arith.constant 0 : i32
      %dma_wait3A_433 = tpu.memref_slice %arg7[%dma_wait3A_430, %dma_wait3A_431, %dma_wait3A_432] : memref<4x64x128xf32, #tpu.memory_space<vmem>> -> memref<1x64x128xf32, #tpu.memory_space<vmem>>
      %dma_wait3A_434 = tpu.memref_squeeze %dma_wait3A_433 : memref<1x64x128xf32, #tpu.memory_space<vmem>> -> memref<64x128xf32, #tpu.memory_space<vmem>>
      %dma_wait3A_435 = arith.constant 0 : i32
      %dma_wait3A_436 = tpu.memref_slice %arg5[%select_n3A_413, %select_n3A_429, %dma_wait3A_435] : memref<2x8x64xi32, #tpu.memory_space<vmem>> -> memref<1x1x64xi32, #tpu.memory_space<vmem>>
      %dma_wait3A_437 = tpu.memref_squeeze %dma_wait3A_436 : memref<1x1x64xi32, #tpu.memory_space<vmem>> -> memref<64xi32, #tpu.memory_space<vmem>>
      %dma_wait3A_438 = arith.constant 0 : i32
      %dma_wait3A_439 = arith.constant 0 : i32
      %dma_wait3A_440 = tpu.memref_slice %arg2[%dma_wait3A_438, %dma_wait3A_439] : memref<10000x128xf32, #tpu.memory_space<hbm>> -> memref<10000x128xf32, #tpu.memory_space<hbm>>
      tpu.wait_indirect_dma semaphore(%arg10 : memref<!tpu.dma_semaphore, #tpu.memory_space<semaphore_mem>>) src(%dma_wait3A_440 : memref<10000x128xf32, #tpu.memory_space<hbm>>) dst(%dma_wait3A_434 : memref<64x128xf32, #tpu.memory_space<vmem>>)
      %jit3A_441 = arith.constant 8 : i32
      %div3A_442 = arith.divsi %add3A_373, %jit3A_441 : i32
      %sign3A_443 = arith.constant 0 : i32
      %sign3A_444 = arith.cmpi sgt, %add3A_373, %sign3A_443 : i32
      %sign3A_445 = arith.extui %sign3A_444 : i1 to i32
      %sign3A_446 = arith.constant 0 : i32
      %sign3A_447 = arith.cmpi slt, %add3A_373, %sign3A_446 : i32
      %sign3A_448 = arith.extui %sign3A_447 : i1 to i32
      %sign3A_449 = arith.subi %sign3A_445, %sign3A_448 : i32
      %sign3A_450 = arith.constant 0 : i32
      %sign3A_451 = arith.cmpi sgt, %jit3A_441, %sign3A_450 : i32
      %sign3A_452 = arith.extui %sign3A_451 : i1 to i32
      %sign3A_453 = arith.constant 0 : i32
      %sign3A_454 = arith.cmpi slt, %jit3A_441, %sign3A_453 : i32
      %sign3A_455 = arith.extui %sign3A_454 : i1 to i32
      %sign3A_456 = arith.subi %sign3A_452, %sign3A_455 : i32
      %ne3A_457 = arith.cmpi ne, %sign3A_449, %sign3A_456 : i32
      %rem3A_458 = arith.remsi %add3A_373, %jit3A_441 : i32
      %ne3A_459 = arith.constant 0 : i32
      %ne3A_460 = arith.cmpi ne, %rem3A_458, %ne3A_459 : i32
      %and3A_461 = arith.andi %ne3A_457, %ne3A_460 : i1
      %sub3A_462 = arith.constant 1 : i32
      %sub3A_463 = arith.subi %div3A_442, %sub3A_462 : i32
      %select_n3A_464 = arith.select %and3A_461, %sub3A_463, %div3A_442 : i32
      %jit3A_465 = arith.constant 2 : i32
      %eq3A_466 = arith.constant 0 : i32
      %eq3A_467 = arith.cmpi eq, %jit3A_465, %eq3A_466 : i32
      %jit3A_468 = arith.constant 1 : i32
      %select_n3A_469 = arith.select %eq3A_467, %jit3A_468, %jit3A_465 : i32
      %rem3A_470 = arith.remsi %select_n3A_464, %select_n3A_469 : i32
      %ne3A_471 = arith.constant 0 : i32
      %ne3A_472 = arith.cmpi ne, %rem3A_470, %ne3A_471 : i32
      %lt3A_473 = arith.constant 0 : i32
      %lt3A_474 = arith.cmpi slt, %rem3A_470, %lt3A_473 : i32
      %lt3A_475 = arith.constant 0 : i32
      %lt3A_476 = arith.cmpi slt, %select_n3A_469, %lt3A_475 : i32
      %ne3A_477 = arith.xori %lt3A_474, %lt3A_476 : i1
      %and3A_478 = arith.andi %ne3A_477, %ne3A_472 : i1
      %add3A_479 = arith.addi %rem3A_470, %select_n3A_469 : i32
      %select_n3A_480 = arith.select %and3A_478, %add3A_479, %rem3A_470 : i32
      %jit3A_481 = arith.constant 8 : i32
      %eq3A_482 = arith.constant 0 : i32
      %eq3A_483 = arith.cmpi eq, %jit3A_481, %eq3A_482 : i32
      %jit3A_484 = arith.constant 1 : i32
      %select_n3A_485 = arith.select %eq3A_483, %jit3A_484, %jit3A_481 : i32
      %rem3A_486 = arith.remsi %add3A_373, %select_n3A_485 : i32
      %ne3A_487 = arith.constant 0 : i32
      %ne3A_488 = arith.cmpi ne, %rem3A_486, %ne3A_487 : i32
      %lt3A_489 = arith.constant 0 : i32
      %lt3A_490 = arith.cmpi slt, %rem3A_486, %lt3A_489 : i32
      %lt3A_491 = arith.constant 0 : i32
      %lt3A_492 = arith.cmpi slt, %select_n3A_485, %lt3A_491 : i32
      %ne3A_493 = arith.xori %lt3A_490, %lt3A_492 : i1
      %and3A_494 = arith.andi %ne3A_493, %ne3A_488 : i1
      %add3A_495 = arith.addi %rem3A_486, %select_n3A_485 : i32
      %select_n3A_496 = arith.select %and3A_494, %add3A_495, %rem3A_486 : i32
      %dma_start3A_497 = arith.constant 1 : i32
      %dma_start3A_498 = arith.constant 0 : i32
      %dma_start3A_499 = arith.constant 0 : i32
      %dma_start3A_500 = tpu.memref_slice %arg7[%dma_start3A_497, %dma_start3A_498, %dma_start3A_499] : memref<4x64x128xf32, #tpu.memory_space<vmem>> -> memref<1x64x128xf32, #tpu.memory_space<vmem>>
      %dma_start3A_501 = tpu.memref_squeeze %dma_start3A_500 : memref<1x64x128xf32, #tpu.memory_space<vmem>> -> memref<64x128xf32, #tpu.memory_space<vmem>>
      %dma_start3A_502 = arith.constant 0 : i32
      %dma_start3A_503 = tpu.memref_slice %arg6[%select_n3A_480, %select_n3A_496, %dma_start3A_502] : memref<2x8x64xi32, #tpu.memory_space<vmem>> -> memref<1x1x64xi32, #tpu.memory_space<vmem>>
      %dma_start3A_504 = tpu.memref_squeeze %dma_start3A_503 : memref<1x1x64xi32, #tpu.memory_space<vmem>> -> memref<64xi32, #tpu.memory_space<vmem>>
      %dma_start3A_505 = arith.constant 0 : i32
      %dma_start3A_506 = arith.constant 0 : i32
      %dma_start3A_507 = tpu.memref_slice %arg8[%dma_start3A_505, %dma_start3A_506] : memref<10240x128xf32, #tpu.memory_space<vmem_shared>> -> memref<10240x128xf32, #tpu.memory_space<vmem_shared>>
      tpu.enqueue_indirect_dma source(%dma_start3A_501 : memref<64x128xf32, #tpu.memory_space<vmem>>) target(%dma_start3A_507 : memref<10240x128xf32, #tpu.memory_space<vmem_shared>>) offsets(%dma_start3A_504 : memref<64xi32, #tpu.memory_space<vmem>>) semaphore(%arg14 : memref<!tpu.dma_semaphore, #tpu.memory_space<semaphore_mem>>) {add = true}
      %ge3A_508 = arith.constant 1 : i32
      %ge3A_509 = arith.cmpi sge, %add3A_373, %ge3A_508 : i32
      %convert_element_type3A_510 = arith.extui %ge3A_509 : i1 to i32
      %cond3A_511 = arith.constant 0 : i32
      %cond3A_512 = arith.cmpi ne, %convert_element_type3A_510, %cond3A_511 : i32
      scf.if %cond3A_512 {
        %sub3A_961 = arith.constant 1 : i32
        %sub3A_962 = arith.subi %add3A_373, %sub3A_961 : i32
        %jit3A_963 = arith.constant 8 : i32
        %div3A_964 = arith.divsi %sub3A_962, %jit3A_963 : i32
        %sign3A_965 = arith.constant 0 : i32
        %sign3A_966 = arith.cmpi sgt, %sub3A_962, %sign3A_965 : i32
        %sign3A_967 = arith.extui %sign3A_966 : i1 to i32
        %sign3A_968 = arith.constant 0 : i32
        %sign3A_969 = arith.cmpi slt, %sub3A_962, %sign3A_968 : i32
        %sign3A_970 = arith.extui %sign3A_969 : i1 to i32
        %sign3A_971 = arith.subi %sign3A_967, %sign3A_970 : i32
        %sign3A_972 = arith.constant 0 : i32
        %sign3A_973 = arith.cmpi sgt, %jit3A_963, %sign3A_972 : i32
        %sign3A_974 = arith.extui %sign3A_973 : i1 to i32
        %sign3A_975 = arith.constant 0 : i32
        %sign3A_976 = arith.cmpi slt, %jit3A_963, %sign3A_975 : i32
        %sign3A_977 = arith.extui %sign3A_976 : i1 to i32
        %sign3A_978 = arith.subi %sign3A_974, %sign3A_977 : i32
        %ne3A_979 = arith.cmpi ne, %sign3A_971, %sign3A_978 : i32
        %rem3A_980 = arith.remsi %sub3A_962, %jit3A_963 : i32
        %ne3A_981 = arith.constant 0 : i32
        %ne3A_982 = arith.cmpi ne, %rem3A_980, %ne3A_981 : i32
        %and3A_983 = arith.andi %ne3A_979, %ne3A_982 : i1
        %sub3A_984 = arith.constant 1 : i32
        %sub3A_985 = arith.subi %div3A_964, %sub3A_984 : i32
        %select_n3A_986 = arith.select %and3A_983, %sub3A_985, %div3A_964 : i32
        %jit3A_987 = arith.constant 2 : i32
        %eq3A_988 = arith.constant 0 : i32
        %eq3A_989 = arith.cmpi eq, %jit3A_987, %eq3A_988 : i32
        %jit3A_990 = arith.constant 1 : i32
        %select_n3A_991 = arith.select %eq3A_989, %jit3A_990, %jit3A_987 : i32
        %rem3A_992 = arith.remsi %select_n3A_986, %select_n3A_991 : i32
        %ne3A_993 = arith.constant 0 : i32
        %ne3A_994 = arith.cmpi ne, %rem3A_992, %ne3A_993 : i32
        %lt3A_995 = arith.constant 0 : i32
        %lt3A_996 = arith.cmpi slt, %rem3A_992, %lt3A_995 : i32
        %lt3A_997 = arith.constant 0 : i32
        %lt3A_998 = arith.cmpi slt, %select_n3A_991, %lt3A_997 : i32
        %ne3A_999 = arith.xori %lt3A_996, %lt3A_998 : i1
        %and3A_1000 = arith.andi %ne3A_999, %ne3A_994 : i1
        %add3A_1001 = arith.addi %rem3A_992, %select_n3A_991 : i32
        %select_n3A_1002 = arith.select %and3A_1000, %add3A_1001, %rem3A_992 : i32
        %jit3A_1003 = arith.constant 8 : i32
        %eq3A_1004 = arith.constant 0 : i32
        %eq3A_1005 = arith.cmpi eq, %jit3A_1003, %eq3A_1004 : i32
        %jit3A_1006 = arith.constant 1 : i32
        %select_n3A_1007 = arith.select %eq3A_1005, %jit3A_1006, %jit3A_1003 : i32
        %rem3A_1008 = arith.remsi %sub3A_962, %select_n3A_1007 : i32
        %ne3A_1009 = arith.constant 0 : i32
        %ne3A_1010 = arith.cmpi ne, %rem3A_1008, %ne3A_1009 : i32
        %lt3A_1011 = arith.constant 0 : i32
        %lt3A_1012 = arith.cmpi slt, %rem3A_1008, %lt3A_1011 : i32
        %lt3A_1013 = arith.constant 0 : i32
        %lt3A_1014 = arith.cmpi slt, %select_n3A_1007, %lt3A_1013 : i32
        %ne3A_1015 = arith.xori %lt3A_1012, %lt3A_1014 : i1
        %and3A_1016 = arith.andi %ne3A_1015, %ne3A_1010 : i1
        %add3A_1017 = arith.addi %rem3A_1008, %select_n3A_1007 : i32
        %select_n3A_1018 = arith.select %and3A_1016, %add3A_1017, %rem3A_1008 : i32
        %dma_wait3A_1019 = arith.constant 0 : i32
        %dma_wait3A_1020 = arith.constant 0 : i32
        %dma_wait3A_1021 = arith.constant 0 : i32
        %dma_wait3A_1022 = tpu.memref_slice %arg7[%dma_wait3A_1019, %dma_wait3A_1020, %dma_wait3A_1021] : memref<4x64x128xf32, #tpu.memory_space<vmem>> -> memref<1x64x128xf32, #tpu.memory_space<vmem>>
        %dma_wait3A_1023 = tpu.memref_squeeze %dma_wait3A_1022 : memref<1x64x128xf32, #tpu.memory_space<vmem>> -> memref<64x128xf32, #tpu.memory_space<vmem>>
        %dma_wait3A_1024 = arith.constant 0 : i32
        %dma_wait3A_1025 = tpu.memref_slice %arg6[%select_n3A_1002, %select_n3A_1018, %dma_wait3A_1024] : memref<2x8x64xi32, #tpu.memory_space<vmem>> -> memref<1x1x64xi32, #tpu.memory_space<vmem>>
        %dma_wait3A_1026 = tpu.memref_squeeze %dma_wait3A_1025 : memref<1x1x64xi32, #tpu.memory_space<vmem>> -> memref<64xi32, #tpu.memory_space<vmem>>
        %dma_wait3A_1027 = arith.constant 0 : i32
        %dma_wait3A_1028 = arith.constant 0 : i32
        %dma_wait3A_1029 = tpu.memref_slice %arg8[%dma_wait3A_1027, %dma_wait3A_1028] : memref<10240x128xf32, #tpu.memory_space<vmem_shared>> -> memref<10240x128xf32, #tpu.memory_space<vmem_shared>>
        tpu.wait_indirect_dma semaphore(%arg13 : memref<!tpu.dma_semaphore, #tpu.memory_space<semaphore_mem>>) src(%dma_wait3A_1023 : memref<64x128xf32, #tpu.memory_space<vmem>>) dst(%dma_wait3A_1029 : memref<10240x128xf32, #tpu.memory_space<vmem_shared>>)
      } else {
      }
      %add3A_513 = arith.constant 3 : i32
      %add3A_514 = arith.addi %add3A_373, %add3A_513 : i32
      %jit3A_515 = arith.constant 8 : i32
      %eq3A_516 = arith.constant 0 : i32
      %eq3A_517 = arith.cmpi eq, %jit3A_515, %eq3A_516 : i32
      %jit3A_518 = arith.constant 1 : i32
      %select_n3A_519 = arith.select %eq3A_517, %jit3A_518, %jit3A_515 : i32
      %rem3A_520 = arith.remsi %add3A_373, %select_n3A_519 : i32
      %ne3A_521 = arith.constant 0 : i32
      %ne3A_522 = arith.cmpi ne, %rem3A_520, %ne3A_521 : i32
      %lt3A_523 = arith.constant 0 : i32
      %lt3A_524 = arith.cmpi slt, %rem3A_520, %lt3A_523 : i32
      %lt3A_525 = arith.constant 0 : i32
      %lt3A_526 = arith.cmpi slt, %select_n3A_519, %lt3A_525 : i32
      %ne3A_527 = arith.xori %lt3A_524, %lt3A_526 : i1
      %and3A_528 = arith.andi %ne3A_527, %ne3A_522 : i1
      %add3A_529 = arith.addi %rem3A_520, %select_n3A_519 : i32
      %select_n3A_530 = arith.select %and3A_528, %add3A_529, %rem3A_520 : i32
      %eq3A_531 = arith.constant 2 : i32
      %eq3A_532 = arith.cmpi eq, %select_n3A_530, %eq3A_531 : i32
      %sub3A_533 = arith.constant 8 : i32
      %sub3A_534 = arith.subi %mul3A_12, %sub3A_533 : i32
      %lt3A_535 = arith.cmpi slt, %add3A_373, %sub3A_534 : i32
      %and3A_536 = arith.andi %eq3A_532, %lt3A_535 : i1
      %convert_element_type3A_537 = arith.extui %and3A_536 : i1 to i32
      %cond3A_538 = arith.constant 0 : i32
      %cond3A_539 = arith.cmpi ne, %convert_element_type3A_537, %cond3A_538 : i32
      scf.if %cond3A_539 {
        %jit3A_961 = arith.constant 8 : i32
        %div3A_962 = arith.divsi %add3A_373, %jit3A_961 : i32
        %sign3A_963 = arith.constant 0 : i32
        %sign3A_964 = arith.cmpi sgt, %add3A_373, %sign3A_963 : i32
        %sign3A_965 = arith.extui %sign3A_964 : i1 to i32
        %sign3A_966 = arith.constant 0 : i32
        %sign3A_967 = arith.cmpi slt, %add3A_373, %sign3A_966 : i32
        %sign3A_968 = arith.extui %sign3A_967 : i1 to i32
        %sign3A_969 = arith.subi %sign3A_965, %sign3A_968 : i32
        %sign3A_970 = arith.constant 0 : i32
        %sign3A_971 = arith.cmpi sgt, %jit3A_961, %sign3A_970 : i32
        %sign3A_972 = arith.extui %sign3A_971 : i1 to i32
        %sign3A_973 = arith.constant 0 : i32
        %sign3A_974 = arith.cmpi slt, %jit3A_961, %sign3A_973 : i32
        %sign3A_975 = arith.extui %sign3A_974 : i1 to i32
        %sign3A_976 = arith.subi %sign3A_972, %sign3A_975 : i32
        %ne3A_977 = arith.cmpi ne, %sign3A_969, %sign3A_976 : i32
        %rem3A_978 = arith.remsi %add3A_373, %jit3A_961 : i32
        %ne3A_979 = arith.constant 0 : i32
        %ne3A_980 = arith.cmpi ne, %rem3A_978, %ne3A_979 : i32
        %and3A_981 = arith.andi %ne3A_977, %ne3A_980 : i1
        %sub3A_982 = arith.constant 1 : i32
        %sub3A_983 = arith.subi %div3A_962, %sub3A_982 : i32
        %select_n3A_984 = arith.select %and3A_981, %sub3A_983, %div3A_962 : i32
        %add3A_985 = arith.constant 1 : i32
        %add3A_986 = arith.addi %select_n3A_984, %add3A_985 : i32
        %jit3A_987 = arith.constant 2 : i32
        %eq3A_988 = arith.constant 0 : i32
        %eq3A_989 = arith.cmpi eq, %jit3A_987, %eq3A_988 : i32
        %jit3A_990 = arith.constant 1 : i32
        %select_n3A_991 = arith.select %eq3A_989, %jit3A_990, %jit3A_987 : i32
        %rem3A_992 = arith.remsi %add3A_986, %select_n3A_991 : i32
        %ne3A_993 = arith.constant 0 : i32
        %ne3A_994 = arith.cmpi ne, %rem3A_992, %ne3A_993 : i32
        %lt3A_995 = arith.constant 0 : i32
        %lt3A_996 = arith.cmpi slt, %rem3A_992, %lt3A_995 : i32
        %lt3A_997 = arith.constant 0 : i32
        %lt3A_998 = arith.cmpi slt, %select_n3A_991, %lt3A_997 : i32
        %ne3A_999 = arith.xori %lt3A_996, %lt3A_998 : i1
        %and3A_1000 = arith.andi %ne3A_999, %ne3A_994 : i1
        %add3A_1001 = arith.addi %rem3A_992, %select_n3A_991 : i32
        %select_n3A_1002 = arith.select %and3A_1000, %add3A_1001, %rem3A_992 : i32
        %mul3A_1003 = arith.constant 8 : i32
        %mul3A_1004 = arith.muli %add3A_986, %mul3A_1003 : i32
        %add3A_1005 = arith.addi %mul3A_6, %mul3A_1004 : i32
        %dma_start3A_1006 = arith.constant 0 : i32
        %dma_start3A_1007 = arith.constant 0 : i32
        %dma_start3A_1008 = arith.constant 0 : i32
        %dma_start3A_1009 = tpu.memref_slice %arg5[%select_n3A_1002, %dma_start3A_1007, %dma_start3A_1008] : memref<2x8x64xi32, #tpu.memory_space<vmem>> -> memref<1x8x64xi32, #tpu.memory_space<vmem>>
        %dma_start3A_1010 = tpu.memref_squeeze %dma_start3A_1009 : memref<1x8x64xi32, #tpu.memory_space<vmem>> -> memref<8x64xi32, #tpu.memory_space<vmem>>
        %dma_start3A_1011 = arith.constant 0 : i32
        %dma_start3A_1012 = tpu.memref_slice %arg3[%dma_start3A_1006, %add3A_1005, %dma_start3A_1011] : memref<2x5000x64xi32, #tpu.memory_space<hbm>> -> memref<1x8x64xi32, #tpu.memory_space<hbm>>
        %dma_start3A_1013 = tpu.memref_squeeze %dma_start3A_1012 : memref<1x8x64xi32, #tpu.memory_space<hbm>> -> memref<8x64xi32, #tpu.memory_space<hbm>>
        %dma_start3A_1014 = arith.constant 0 : i32
        %dma_start3A_1015 = arith.constant 0 : i32
        %dma_start3A_1016 = tpu.memref_slice %arg5[%select_n3A_1002, %dma_start3A_1014, %dma_start3A_1015] : memref<2x8x64xi32, #tpu.memory_space<vmem>> -> memref<1x8x64xi32, #tpu.memory_space<vmem>>
        %dma_start3A_1017 = tpu.memref_squeeze %dma_start3A_1016 : memref<1x8x64xi32, #tpu.memory_space<vmem>> -> memref<8x64xi32, #tpu.memory_space<vmem>>
        %dma_start3A_1018 = arith.constant 0 : i32
        %dma_start3A_1019 = tpu.memref_slice %arg3[%dma_start3A_1006, %add3A_1005, %dma_start3A_1018] : memref<2x5000x64xi32, #tpu.memory_space<hbm>> -> memref<1x8x64xi32, #tpu.memory_space<hbm>>
        %dma_start3A_1020 = tpu.memref_squeeze %dma_start3A_1019 : memref<1x8x64xi32, #tpu.memory_space<hbm>> -> memref<8x64xi32, #tpu.memory_space<hbm>>
        tpu.enqueue_dma source(%dma_start3A_1020 : memref<8x64xi32, #tpu.memory_space<hbm>>) target(%dma_start3A_1017 : memref<8x64xi32, #tpu.memory_space<vmem>>) target_semaphore(%arg17 : memref<!tpu.dma_semaphore, #tpu.memory_space<semaphore_mem>>)
        %dma_start3A_1021 = arith.constant 1 : i32
        %dma_start3A_1022 = arith.constant 0 : i32
        %dma_start3A_1023 = arith.constant 0 : i32
        %dma_start3A_1024 = tpu.memref_slice %arg6[%select_n3A_1002, %dma_start3A_1022, %dma_start3A_1023] : memref<2x8x64xi32, #tpu.memory_space<vmem>> -> memref<1x8x64xi32, #tpu.memory_space<vmem>>
        %dma_start3A_1025 = tpu.memref_squeeze %dma_start3A_1024 : memref<1x8x64xi32, #tpu.memory_space<vmem>> -> memref<8x64xi32, #tpu.memory_space<vmem>>
        %dma_start3A_1026 = arith.constant 0 : i32
        %dma_start3A_1027 = tpu.memref_slice %arg3[%dma_start3A_1021, %add3A_1005, %dma_start3A_1026] : memref<2x5000x64xi32, #tpu.memory_space<hbm>> -> memref<1x8x64xi32, #tpu.memory_space<hbm>>
        %dma_start3A_1028 = tpu.memref_squeeze %dma_start3A_1027 : memref<1x8x64xi32, #tpu.memory_space<hbm>> -> memref<8x64xi32, #tpu.memory_space<hbm>>
        %dma_start3A_1029 = arith.constant 0 : i32
        %dma_start3A_1030 = arith.constant 0 : i32
        %dma_start3A_1031 = tpu.memref_slice %arg6[%select_n3A_1002, %dma_start3A_1029, %dma_start3A_1030] : memref<2x8x64xi32, #tpu.memory_space<vmem>> -> memref<1x8x64xi32, #tpu.memory_space<vmem>>
        %dma_start3A_1032 = tpu.memref_squeeze %dma_start3A_1031 : memref<1x8x64xi32, #tpu.memory_space<vmem>> -> memref<8x64xi32, #tpu.memory_space<vmem>>
        %dma_start3A_1033 = arith.constant 0 : i32
        %dma_start3A_1034 = tpu.memref_slice %arg3[%dma_start3A_1021, %add3A_1005, %dma_start3A_1033] : memref<2x5000x64xi32, #tpu.memory_space<hbm>> -> memref<1x8x64xi32, #tpu.memory_space<hbm>>
        %dma_start3A_1035 = tpu.memref_squeeze %dma_start3A_1034 : memref<1x8x64xi32, #tpu.memory_space<hbm>> -> memref<8x64xi32, #tpu.memory_space<hbm>>
        tpu.enqueue_dma source(%dma_start3A_1035 : memref<8x64xi32, #tpu.memory_space<hbm>>) target(%dma_start3A_1032 : memref<8x64xi32, #tpu.memory_space<vmem>>) target_semaphore(%arg17 : memref<!tpu.dma_semaphore, #tpu.memory_space<semaphore_mem>>)
      } else {
      }
      %jit3A_540 = arith.constant 8 : i32
      %eq3A_541 = arith.constant 0 : i32
      %eq3A_542 = arith.cmpi eq, %jit3A_540, %eq3A_541 : i32
      %jit3A_543 = arith.constant 1 : i32
      %select_n3A_544 = arith.select %eq3A_542, %jit3A_543, %jit3A_540 : i32
      %rem3A_545 = arith.remsi %add3A_514, %select_n3A_544 : i32
      %ne3A_546 = arith.constant 0 : i32
      %ne3A_547 = arith.cmpi ne, %rem3A_545, %ne3A_546 : i32
      %lt3A_548 = arith.constant 0 : i32
      %lt3A_549 = arith.cmpi slt, %rem3A_545, %lt3A_548 : i32
      %lt3A_550 = arith.constant 0 : i32
      %lt3A_551 = arith.cmpi slt, %select_n3A_544, %lt3A_550 : i32
      %ne3A_552 = arith.xori %lt3A_549, %lt3A_551 : i1
      %and3A_553 = arith.andi %ne3A_552, %ne3A_547 : i1
      %add3A_554 = arith.addi %rem3A_545, %select_n3A_544 : i32
      %select_n3A_555 = arith.select %and3A_553, %add3A_554, %rem3A_545 : i32
      %eq3A_556 = arith.constant 0 : i32
      %eq3A_557 = arith.cmpi eq, %select_n3A_555, %eq3A_556 : i32
      %lt3A_558 = arith.cmpi slt, %add3A_514, %mul3A_12 : i32
      %and3A_559 = arith.andi %eq3A_557, %lt3A_558 : i1
      %convert_element_type3A_560 = arith.extui %and3A_559 : i1 to i32
      %cond3A_561 = arith.constant 0 : i32
      %cond3A_562 = arith.cmpi ne, %convert_element_type3A_560, %cond3A_561 : i32
      scf.if %cond3A_562 {
        %jit3A_961 = arith.constant 8 : i32
        %div3A_962 = arith.divsi %add3A_514, %jit3A_961 : i32
        %sign3A_963 = arith.constant 0 : i32
        %sign3A_964 = arith.cmpi sgt, %add3A_514, %sign3A_963 : i32
        %sign3A_965 = arith.extui %sign3A_964 : i1 to i32
        %sign3A_966 = arith.constant 0 : i32
        %sign3A_967 = arith.cmpi slt, %add3A_514, %sign3A_966 : i32
        %sign3A_968 = arith.extui %sign3A_967 : i1 to i32
        %sign3A_969 = arith.subi %sign3A_965, %sign3A_968 : i32
        %sign3A_970 = arith.constant 0 : i32
        %sign3A_971 = arith.cmpi sgt, %jit3A_961, %sign3A_970 : i32
        %sign3A_972 = arith.extui %sign3A_971 : i1 to i32
        %sign3A_973 = arith.constant 0 : i32
        %sign3A_974 = arith.cmpi slt, %jit3A_961, %sign3A_973 : i32
        %sign3A_975 = arith.extui %sign3A_974 : i1 to i32
        %sign3A_976 = arith.subi %sign3A_972, %sign3A_975 : i32
        %ne3A_977 = arith.cmpi ne, %sign3A_969, %sign3A_976 : i32
        %rem3A_978 = arith.remsi %add3A_514, %jit3A_961 : i32
        %ne3A_979 = arith.constant 0 : i32
        %ne3A_980 = arith.cmpi ne, %rem3A_978, %ne3A_979 : i32
        %and3A_981 = arith.andi %ne3A_977, %ne3A_980 : i1
        %sub3A_982 = arith.constant 1 : i32
        %sub3A_983 = arith.subi %div3A_962, %sub3A_982 : i32
        %select_n3A_984 = arith.select %and3A_981, %sub3A_983, %div3A_962 : i32
        %jit3A_985 = arith.constant 8 : i32
        %div3A_986 = arith.divsi %add3A_514, %jit3A_985 : i32
        %sign3A_987 = arith.constant 0 : i32
        %sign3A_988 = arith.cmpi sgt, %add3A_514, %sign3A_987 : i32
        %sign3A_989 = arith.extui %sign3A_988 : i1 to i32
        %sign3A_990 = arith.constant 0 : i32
        %sign3A_991 = arith.cmpi slt, %add3A_514, %sign3A_990 : i32
        %sign3A_992 = arith.extui %sign3A_991 : i1 to i32
        %sign3A_993 = arith.subi %sign3A_989, %sign3A_992 : i32
        %sign3A_994 = arith.constant 0 : i32
        %sign3A_995 = arith.cmpi sgt, %jit3A_985, %sign3A_994 : i32
        %sign3A_996 = arith.extui %sign3A_995 : i1 to i32
        %sign3A_997 = arith.constant 0 : i32
        %sign3A_998 = arith.cmpi slt, %jit3A_985, %sign3A_997 : i32
        %sign3A_999 = arith.extui %sign3A_998 : i1 to i32
        %sign3A_1000 = arith.subi %sign3A_996, %sign3A_999 : i32
        %ne3A_1001 = arith.cmpi ne, %sign3A_993, %sign3A_1000 : i32
        %rem3A_1002 = arith.remsi %add3A_514, %jit3A_985 : i32
        %ne3A_1003 = arith.constant 0 : i32
        %ne3A_1004 = arith.cmpi ne, %rem3A_1002, %ne3A_1003 : i32
        %and3A_1005 = arith.andi %ne3A_1001, %ne3A_1004 : i1
        %sub3A_1006 = arith.constant 1 : i32
        %sub3A_1007 = arith.subi %div3A_986, %sub3A_1006 : i32
        %select_n3A_1008 = arith.select %and3A_1005, %sub3A_1007, %div3A_986 : i32
        %jit3A_1009 = arith.constant 2 : i32
        %eq3A_1010 = arith.constant 0 : i32
        %eq3A_1011 = arith.cmpi eq, %jit3A_1009, %eq3A_1010 : i32
        %jit3A_1012 = arith.constant 1 : i32
        %select_n3A_1013 = arith.select %eq3A_1011, %jit3A_1012, %jit3A_1009 : i32
        %rem3A_1014 = arith.remsi %select_n3A_1008, %select_n3A_1013 : i32
        %ne3A_1015 = arith.constant 0 : i32
        %ne3A_1016 = arith.cmpi ne, %rem3A_1014, %ne3A_1015 : i32
        %lt3A_1017 = arith.constant 0 : i32
        %lt3A_1018 = arith.cmpi slt, %rem3A_1014, %lt3A_1017 : i32
        %lt3A_1019 = arith.constant 0 : i32
        %lt3A_1020 = arith.cmpi slt, %select_n3A_1013, %lt3A_1019 : i32
        %ne3A_1021 = arith.xori %lt3A_1018, %lt3A_1020 : i1
        %and3A_1022 = arith.andi %ne3A_1021, %ne3A_1016 : i1
        %add3A_1023 = arith.addi %rem3A_1014, %select_n3A_1013 : i32
        %select_n3A_1024 = arith.select %and3A_1022, %add3A_1023, %rem3A_1014 : i32
        %mul3A_1025 = arith.constant 8 : i32
        %mul3A_1026 = arith.muli %select_n3A_984, %mul3A_1025 : i32
        %add3A_1027 = arith.addi %mul3A_6, %mul3A_1026 : i32
        %dma_wait3A_1028 = arith.constant 0 : i32
        %dma_wait3A_1029 = arith.constant 0 : i32
        %dma_wait3A_1030 = arith.constant 0 : i32
        %dma_wait3A_1031 = tpu.memref_slice %arg5[%select_n3A_1024, %dma_wait3A_1029, %dma_wait3A_1030] : memref<2x8x64xi32, #tpu.memory_space<vmem>> -> memref<1x8x64xi32, #tpu.memory_space<vmem>>
        %dma_wait3A_1032 = tpu.memref_squeeze %dma_wait3A_1031 : memref<1x8x64xi32, #tpu.memory_space<vmem>> -> memref<8x64xi32, #tpu.memory_space<vmem>>
        %dma_wait3A_1033 = arith.constant 0 : i32
        %dma_wait3A_1034 = tpu.memref_slice %arg3[%dma_wait3A_1028, %add3A_1027, %dma_wait3A_1033] : memref<2x5000x64xi32, #tpu.memory_space<hbm>> -> memref<1x8x64xi32, #tpu.memory_space<hbm>>
        %dma_wait3A_1035 = tpu.memref_squeeze %dma_wait3A_1034 : memref<1x8x64xi32, #tpu.memory_space<hbm>> -> memref<8x64xi32, #tpu.memory_space<hbm>>
        %dma_wait3A_1036 = arith.constant 0 : i32
        %dma_wait3A_1037 = arith.constant 0 : i32
        %dma_wait3A_1038 = tpu.memref_slice %arg5[%select_n3A_1024, %dma_wait3A_1036, %dma_wait3A_1037] : memref<2x8x64xi32, #tpu.memory_space<vmem>> -> memref<1x8x64xi32, #tpu.memory_space<vmem>>
        %dma_wait3A_1039 = tpu.memref_squeeze %dma_wait3A_1038 : memref<1x8x64xi32, #tpu.memory_space<vmem>> -> memref<8x64xi32, #tpu.memory_space<vmem>>
        %dma_wait3A_1040 = arith.constant 0 : i32
        %dma_wait3A_1041 = tpu.memref_slice %arg3[%dma_wait3A_1028, %add3A_1027, %dma_wait3A_1040] : memref<2x5000x64xi32, #tpu.memory_space<hbm>> -> memref<1x8x64xi32, #tpu.memory_space<hbm>>
        %dma_wait3A_1042 = tpu.memref_squeeze %dma_wait3A_1041 : memref<1x8x64xi32, #tpu.memory_space<hbm>> -> memref<8x64xi32, #tpu.memory_space<hbm>>
        tpu.wait_dma2 semaphore(%arg17 : memref<!tpu.dma_semaphore, #tpu.memory_space<semaphore_mem>>) src(%dma_wait3A_1042 : memref<8x64xi32, #tpu.memory_space<hbm>>) dst(%dma_wait3A_1039 : memref<8x64xi32, #tpu.memory_space<vmem>>)
        %dma_wait3A_1043 = arith.constant 1 : i32
        %dma_wait3A_1044 = arith.constant 0 : i32
        %dma_wait3A_1045 = arith.constant 0 : i32
        %dma_wait3A_1046 = tpu.memref_slice %arg6[%select_n3A_1024, %dma_wait3A_1044, %dma_wait3A_1045] : memref<2x8x64xi32, #tpu.memory_space<vmem>> -> memref<1x8x64xi32, #tpu.memory_space<vmem>>
        %dma_wait3A_1047 = tpu.memref_squeeze %dma_wait3A_1046 : memref<1x8x64xi32, #tpu.memory_space<vmem>> -> memref<8x64xi32, #tpu.memory_space<vmem>>
        %dma_wait3A_1048 = arith.constant 0 : i32
        %dma_wait3A_1049 = tpu.memref_slice %arg3[%dma_wait3A_1043, %add3A_1027, %dma_wait3A_1048] : memref<2x5000x64xi32, #tpu.memory_space<hbm>> -> memref<1x8x64xi32, #tpu.memory_space<hbm>>
        %dma_wait3A_1050 = tpu.memref_squeeze %dma_wait3A_1049 : memref<1x8x64xi32, #tpu.memory_space<hbm>> -> memref<8x64xi32, #tpu.memory_space<hbm>>
        %dma_wait3A_1051 = arith.constant 0 : i32
        %dma_wait3A_1052 = arith.constant 0 : i32
        %dma_wait3A_1053 = tpu.memref_slice %arg6[%select_n3A_1024, %dma_wait3A_1051, %dma_wait3A_1052] : memref<2x8x64xi32, #tpu.memory_space<vmem>> -> memref<1x8x64xi32, #tpu.memory_space<vmem>>
        %dma_wait3A_1054 = tpu.memref_squeeze %dma_wait3A_1053 : memref<1x8x64xi32, #tpu.memory_space<vmem>> -> memref<8x64xi32, #tpu.memory_space<vmem>>
        %dma_wait3A_1055 = arith.constant 0 : i32
        %dma_wait3A_1056 = tpu.memref_slice %arg3[%dma_wait3A_1043, %add3A_1027, %dma_wait3A_1055] : memref<2x5000x64xi32, #tpu.memory_space<hbm>> -> memref<1x8x64xi32, #tpu.memory_space<hbm>>
        %dma_wait3A_1057 = tpu.memref_squeeze %dma_wait3A_1056 : memref<1x8x64xi32, #tpu.memory_space<hbm>> -> memref<8x64xi32, #tpu.memory_space<hbm>>
        tpu.wait_dma2 semaphore(%arg17 : memref<!tpu.dma_semaphore, #tpu.memory_space<semaphore_mem>>) src(%dma_wait3A_1057 : memref<8x64xi32, #tpu.memory_space<hbm>>) dst(%dma_wait3A_1054 : memref<8x64xi32, #tpu.memory_space<vmem>>)
      } else {
      }
      %lt3A_563 = arith.cmpi slt, %add3A_514, %mul3A_12 : i32
      %convert_element_type3A_564 = arith.extui %lt3A_563 : i1 to i32
      %cond3A_565 = arith.constant 0 : i32
      %cond3A_566 = arith.cmpi ne, %convert_element_type3A_564, %cond3A_565 : i32
      scf.if %cond3A_566 {
        %jit3A_961 = arith.constant 8 : i32
        %div3A_962 = arith.divsi %add3A_514, %jit3A_961 : i32
        %sign3A_963 = arith.constant 0 : i32
        %sign3A_964 = arith.cmpi sgt, %add3A_514, %sign3A_963 : i32
        %sign3A_965 = arith.extui %sign3A_964 : i1 to i32
        %sign3A_966 = arith.constant 0 : i32
        %sign3A_967 = arith.cmpi slt, %add3A_514, %sign3A_966 : i32
        %sign3A_968 = arith.extui %sign3A_967 : i1 to i32
        %sign3A_969 = arith.subi %sign3A_965, %sign3A_968 : i32
        %sign3A_970 = arith.constant 0 : i32
        %sign3A_971 = arith.cmpi sgt, %jit3A_961, %sign3A_970 : i32
        %sign3A_972 = arith.extui %sign3A_971 : i1 to i32
        %sign3A_973 = arith.constant 0 : i32
        %sign3A_974 = arith.cmpi slt, %jit3A_961, %sign3A_973 : i32
        %sign3A_975 = arith.extui %sign3A_974 : i1 to i32
        %sign3A_976 = arith.subi %sign3A_972, %sign3A_975 : i32
        %ne3A_977 = arith.cmpi ne, %sign3A_969, %sign3A_976 : i32
        %rem3A_978 = arith.remsi %add3A_514, %jit3A_961 : i32
        %ne3A_979 = arith.constant 0 : i32
        %ne3A_980 = arith.cmpi ne, %rem3A_978, %ne3A_979 : i32
        %and3A_981 = arith.andi %ne3A_977, %ne3A_980 : i1
        %sub3A_982 = arith.constant 1 : i32
        %sub3A_983 = arith.subi %div3A_962, %sub3A_982 : i32
        %select_n3A_984 = arith.select %and3A_981, %sub3A_983, %div3A_962 : i32
        %jit3A_985 = arith.constant 2 : i32
        %eq3A_986 = arith.constant 0 : i32
        %eq3A_987 = arith.cmpi eq, %jit3A_985, %eq3A_986 : i32
        %jit3A_988 = arith.constant 1 : i32
        %select_n3A_989 = arith.select %eq3A_987, %jit3A_988, %jit3A_985 : i32
        %rem3A_990 = arith.remsi %select_n3A_984, %select_n3A_989 : i32
        %ne3A_991 = arith.constant 0 : i32
        %ne3A_992 = arith.cmpi ne, %rem3A_990, %ne3A_991 : i32
        %lt3A_993 = arith.constant 0 : i32
        %lt3A_994 = arith.cmpi slt, %rem3A_990, %lt3A_993 : i32
        %lt3A_995 = arith.constant 0 : i32
        %lt3A_996 = arith.cmpi slt, %select_n3A_989, %lt3A_995 : i32
        %ne3A_997 = arith.xori %lt3A_994, %lt3A_996 : i1
        %and3A_998 = arith.andi %ne3A_997, %ne3A_992 : i1
        %add3A_999 = arith.addi %rem3A_990, %select_n3A_989 : i32
        %select_n3A_1000 = arith.select %and3A_998, %add3A_999, %rem3A_990 : i32
        %jit3A_1001 = arith.constant 8 : i32
        %eq3A_1002 = arith.constant 0 : i32
        %eq3A_1003 = arith.cmpi eq, %jit3A_1001, %eq3A_1002 : i32
        %jit3A_1004 = arith.constant 1 : i32
        %select_n3A_1005 = arith.select %eq3A_1003, %jit3A_1004, %jit3A_1001 : i32
        %rem3A_1006 = arith.remsi %add3A_514, %select_n3A_1005 : i32
        %ne3A_1007 = arith.constant 0 : i32
        %ne3A_1008 = arith.cmpi ne, %rem3A_1006, %ne3A_1007 : i32
        %lt3A_1009 = arith.constant 0 : i32
        %lt3A_1010 = arith.cmpi slt, %rem3A_1006, %lt3A_1009 : i32
        %lt3A_1011 = arith.constant 0 : i32
        %lt3A_1012 = arith.cmpi slt, %select_n3A_1005, %lt3A_1011 : i32
        %ne3A_1013 = arith.xori %lt3A_1010, %lt3A_1012 : i1
        %and3A_1014 = arith.andi %ne3A_1013, %ne3A_1008 : i1
        %add3A_1015 = arith.addi %rem3A_1006, %select_n3A_1005 : i32
        %select_n3A_1016 = arith.select %and3A_1014, %add3A_1015, %rem3A_1006 : i32
        %dma_start3A_1017 = arith.constant 0 : i32
        %dma_start3A_1018 = arith.constant 0 : i32
        %dma_start3A_1019 = arith.constant 0 : i32
        %dma_start3A_1020 = tpu.memref_slice %arg7[%dma_start3A_1017, %dma_start3A_1018, %dma_start3A_1019] : memref<4x64x128xf32, #tpu.memory_space<vmem>> -> memref<1x64x128xf32, #tpu.memory_space<vmem>>
        %dma_start3A_1021 = tpu.memref_squeeze %dma_start3A_1020 : memref<1x64x128xf32, #tpu.memory_space<vmem>> -> memref<64x128xf32, #tpu.memory_space<vmem>>
        %dma_start3A_1022 = arith.constant 0 : i32
        %dma_start3A_1023 = tpu.memref_slice %arg5[%select_n3A_1000, %select_n3A_1016, %dma_start3A_1022] : memref<2x8x64xi32, #tpu.memory_space<vmem>> -> memref<1x1x64xi32, #tpu.memory_space<vmem>>
        %dma_start3A_1024 = tpu.memref_squeeze %dma_start3A_1023 : memref<1x1x64xi32, #tpu.memory_space<vmem>> -> memref<64xi32, #tpu.memory_space<vmem>>
        %dma_start3A_1025 = arith.constant 0 : i32
        %dma_start3A_1026 = arith.constant 0 : i32
        %dma_start3A_1027 = tpu.memref_slice %arg2[%dma_start3A_1025, %dma_start3A_1026] : memref<10000x128xf32, #tpu.memory_space<hbm>> -> memref<10000x128xf32, #tpu.memory_space<hbm>>
        tpu.enqueue_indirect_dma source(%dma_start3A_1027 : memref<10000x128xf32, #tpu.memory_space<hbm>>) target(%dma_start3A_1021 : memref<64x128xf32, #tpu.memory_space<vmem>>) offsets(%dma_start3A_1024 : memref<64xi32, #tpu.memory_space<vmem>>) semaphore(%arg9 : memref<!tpu.dma_semaphore, #tpu.memory_space<semaphore_mem>>)
      } else {
      }
      %mul3A_567 = arith.constant 4 : i32
      %mul3A_568 = arith.muli %while3A_175, %mul3A_567 : i32
      %add3A_569 = arith.constant 2 : i32
      %add3A_570 = arith.addi %mul3A_568, %add3A_569 : i32
      %jit3A_571 = arith.constant 8 : i32
      %div3A_572 = arith.divsi %add3A_570, %jit3A_571 : i32
      %sign3A_573 = arith.constant 0 : i32
      %sign3A_574 = arith.cmpi sgt, %add3A_570, %sign3A_573 : i32
      %sign3A_575 = arith.extui %sign3A_574 : i1 to i32
      %sign3A_576 = arith.constant 0 : i32
      %sign3A_577 = arith.cmpi slt, %add3A_570, %sign3A_576 : i32
      %sign3A_578 = arith.extui %sign3A_577 : i1 to i32
      %sign3A_579 = arith.subi %sign3A_575, %sign3A_578 : i32
      %sign3A_580 = arith.constant 0 : i32
      %sign3A_581 = arith.cmpi sgt, %jit3A_571, %sign3A_580 : i32
      %sign3A_582 = arith.extui %sign3A_581 : i1 to i32
      %sign3A_583 = arith.constant 0 : i32
      %sign3A_584 = arith.cmpi slt, %jit3A_571, %sign3A_583 : i32
      %sign3A_585 = arith.extui %sign3A_584 : i1 to i32
      %sign3A_586 = arith.subi %sign3A_582, %sign3A_585 : i32
      %ne3A_587 = arith.cmpi ne, %sign3A_579, %sign3A_586 : i32
      %rem3A_588 = arith.remsi %add3A_570, %jit3A_571 : i32
      %ne3A_589 = arith.constant 0 : i32
      %ne3A_590 = arith.cmpi ne, %rem3A_588, %ne3A_589 : i32
      %and3A_591 = arith.andi %ne3A_587, %ne3A_590 : i1
      %sub3A_592 = arith.constant 1 : i32
      %sub3A_593 = arith.subi %div3A_572, %sub3A_592 : i32
      %select_n3A_594 = arith.select %and3A_591, %sub3A_593, %div3A_572 : i32
      %jit3A_595 = arith.constant 2 : i32
      %eq3A_596 = arith.constant 0 : i32
      %eq3A_597 = arith.cmpi eq, %jit3A_595, %eq3A_596 : i32
      %jit3A_598 = arith.constant 1 : i32
      %select_n3A_599 = arith.select %eq3A_597, %jit3A_598, %jit3A_595 : i32
      %rem3A_600 = arith.remsi %select_n3A_594, %select_n3A_599 : i32
      %ne3A_601 = arith.constant 0 : i32
      %ne3A_602 = arith.cmpi ne, %rem3A_600, %ne3A_601 : i32
      %lt3A_603 = arith.constant 0 : i32
      %lt3A_604 = arith.cmpi slt, %rem3A_600, %lt3A_603 : i32
      %lt3A_605 = arith.constant 0 : i32
      %lt3A_606 = arith.cmpi slt, %select_n3A_599, %lt3A_605 : i32
      %ne3A_607 = arith.xori %lt3A_604, %lt3A_606 : i1
      %and3A_608 = arith.andi %ne3A_607, %ne3A_602 : i1
      %add3A_609 = arith.addi %rem3A_600, %select_n3A_599 : i32
      %select_n3A_610 = arith.select %and3A_608, %add3A_609, %rem3A_600 : i32
      %jit3A_611 = arith.constant 8 : i32
      %eq3A_612 = arith.constant 0 : i32
      %eq3A_613 = arith.cmpi eq, %jit3A_611, %eq3A_612 : i32
      %jit3A_614 = arith.constant 1 : i32
      %select_n3A_615 = arith.select %eq3A_613, %jit3A_614, %jit3A_611 : i32
      %rem3A_616 = arith.remsi %add3A_570, %select_n3A_615 : i32
      %ne3A_617 = arith.constant 0 : i32
      %ne3A_618 = arith.cmpi ne, %rem3A_616, %ne3A_617 : i32
      %lt3A_619 = arith.constant 0 : i32
      %lt3A_620 = arith.cmpi slt, %rem3A_616, %lt3A_619 : i32
      %lt3A_621 = arith.constant 0 : i32
      %lt3A_622 = arith.cmpi slt, %select_n3A_615, %lt3A_621 : i32
      %ne3A_623 = arith.xori %lt3A_620, %lt3A_622 : i1
      %and3A_624 = arith.andi %ne3A_623, %ne3A_618 : i1
      %add3A_625 = arith.addi %rem3A_616, %select_n3A_615 : i32
      %select_n3A_626 = arith.select %and3A_624, %add3A_625, %rem3A_616 : i32
      %dma_wait3A_627 = arith.constant 2 : i32
      %dma_wait3A_628 = arith.constant 0 : i32
      %dma_wait3A_629 = arith.constant 0 : i32
      %dma_wait3A_630 = tpu.memref_slice %arg7[%dma_wait3A_627, %dma_wait3A_628, %dma_wait3A_629] : memref<4x64x128xf32, #tpu.memory_space<vmem>> -> memref<1x64x128xf32, #tpu.memory_space<vmem>>
      %dma_wait3A_631 = tpu.memref_squeeze %dma_wait3A_630 : memref<1x64x128xf32, #tpu.memory_space<vmem>> -> memref<64x128xf32, #tpu.memory_space<vmem>>
      %dma_wait3A_632 = arith.constant 0 : i32
      %dma_wait3A_633 = tpu.memref_slice %arg5[%select_n3A_610, %select_n3A_626, %dma_wait3A_632] : memref<2x8x64xi32, #tpu.memory_space<vmem>> -> memref<1x1x64xi32, #tpu.memory_space<vmem>>
      %dma_wait3A_634 = tpu.memref_squeeze %dma_wait3A_633 : memref<1x1x64xi32, #tpu.memory_space<vmem>> -> memref<64xi32, #tpu.memory_space<vmem>>
      %dma_wait3A_635 = arith.constant 0 : i32
      %dma_wait3A_636 = arith.constant 0 : i32
      %dma_wait3A_637 = tpu.memref_slice %arg2[%dma_wait3A_635, %dma_wait3A_636] : memref<10000x128xf32, #tpu.memory_space<hbm>> -> memref<10000x128xf32, #tpu.memory_space<hbm>>
      tpu.wait_indirect_dma semaphore(%arg11 : memref<!tpu.dma_semaphore, #tpu.memory_space<semaphore_mem>>) src(%dma_wait3A_637 : memref<10000x128xf32, #tpu.memory_space<hbm>>) dst(%dma_wait3A_631 : memref<64x128xf32, #tpu.memory_space<vmem>>)
      %jit3A_638 = arith.constant 8 : i32
      %div3A_639 = arith.divsi %add3A_570, %jit3A_638 : i32
      %sign3A_640 = arith.constant 0 : i32
      %sign3A_641 = arith.cmpi sgt, %add3A_570, %sign3A_640 : i32
      %sign3A_642 = arith.extui %sign3A_641 : i1 to i32
      %sign3A_643 = arith.constant 0 : i32
      %sign3A_644 = arith.cmpi slt, %add3A_570, %sign3A_643 : i32
      %sign3A_645 = arith.extui %sign3A_644 : i1 to i32
      %sign3A_646 = arith.subi %sign3A_642, %sign3A_645 : i32
      %sign3A_647 = arith.constant 0 : i32
      %sign3A_648 = arith.cmpi sgt, %jit3A_638, %sign3A_647 : i32
      %sign3A_649 = arith.extui %sign3A_648 : i1 to i32
      %sign3A_650 = arith.constant 0 : i32
      %sign3A_651 = arith.cmpi slt, %jit3A_638, %sign3A_650 : i32
      %sign3A_652 = arith.extui %sign3A_651 : i1 to i32
      %sign3A_653 = arith.subi %sign3A_649, %sign3A_652 : i32
      %ne3A_654 = arith.cmpi ne, %sign3A_646, %sign3A_653 : i32
      %rem3A_655 = arith.remsi %add3A_570, %jit3A_638 : i32
      %ne3A_656 = arith.constant 0 : i32
      %ne3A_657 = arith.cmpi ne, %rem3A_655, %ne3A_656 : i32
      %and3A_658 = arith.andi %ne3A_654, %ne3A_657 : i1
      %sub3A_659 = arith.constant 1 : i32
      %sub3A_660 = arith.subi %div3A_639, %sub3A_659 : i32
      %select_n3A_661 = arith.select %and3A_658, %sub3A_660, %div3A_639 : i32
      %jit3A_662 = arith.constant 2 : i32
      %eq3A_663 = arith.constant 0 : i32
      %eq3A_664 = arith.cmpi eq, %jit3A_662, %eq3A_663 : i32
      %jit3A_665 = arith.constant 1 : i32
      %select_n3A_666 = arith.select %eq3A_664, %jit3A_665, %jit3A_662 : i32
      %rem3A_667 = arith.remsi %select_n3A_661, %select_n3A_666 : i32
      %ne3A_668 = arith.constant 0 : i32
      %ne3A_669 = arith.cmpi ne, %rem3A_667, %ne3A_668 : i32
      %lt3A_670 = arith.constant 0 : i32
      %lt3A_671 = arith.cmpi slt, %rem3A_667, %lt3A_670 : i32
      %lt3A_672 = arith.constant 0 : i32
      %lt3A_673 = arith.cmpi slt, %select_n3A_666, %lt3A_672 : i32
      %ne3A_674 = arith.xori %lt3A_671, %lt3A_673 : i1
      %and3A_675 = arith.andi %ne3A_674, %ne3A_669 : i1
      %add3A_676 = arith.addi %rem3A_667, %select_n3A_666 : i32
      %select_n3A_677 = arith.select %and3A_675, %add3A_676, %rem3A_667 : i32
      %jit3A_678 = arith.constant 8 : i32
      %eq3A_679 = arith.constant 0 : i32
      %eq3A_680 = arith.cmpi eq, %jit3A_678, %eq3A_679 : i32
      %jit3A_681 = arith.constant 1 : i32
      %select_n3A_682 = arith.select %eq3A_680, %jit3A_681, %jit3A_678 : i32
      %rem3A_683 = arith.remsi %add3A_570, %select_n3A_682 : i32
      %ne3A_684 = arith.constant 0 : i32
      %ne3A_685 = arith.cmpi ne, %rem3A_683, %ne3A_684 : i32
      %lt3A_686 = arith.constant 0 : i32
      %lt3A_687 = arith.cmpi slt, %rem3A_683, %lt3A_686 : i32
      %lt3A_688 = arith.constant 0 : i32
      %lt3A_689 = arith.cmpi slt, %select_n3A_682, %lt3A_688 : i32
      %ne3A_690 = arith.xori %lt3A_687, %lt3A_689 : i1
      %and3A_691 = arith.andi %ne3A_690, %ne3A_685 : i1
      %add3A_692 = arith.addi %rem3A_683, %select_n3A_682 : i32
      %select_n3A_693 = arith.select %and3A_691, %add3A_692, %rem3A_683 : i32
      %dma_start3A_694 = arith.constant 2 : i32
      %dma_start3A_695 = arith.constant 0 : i32
      %dma_start3A_696 = arith.constant 0 : i32
      %dma_start3A_697 = tpu.memref_slice %arg7[%dma_start3A_694, %dma_start3A_695, %dma_start3A_696] : memref<4x64x128xf32, #tpu.memory_space<vmem>> -> memref<1x64x128xf32, #tpu.memory_space<vmem>>
      %dma_start3A_698 = tpu.memref_squeeze %dma_start3A_697 : memref<1x64x128xf32, #tpu.memory_space<vmem>> -> memref<64x128xf32, #tpu.memory_space<vmem>>
      %dma_start3A_699 = arith.constant 0 : i32
      %dma_start3A_700 = tpu.memref_slice %arg6[%select_n3A_677, %select_n3A_693, %dma_start3A_699] : memref<2x8x64xi32, #tpu.memory_space<vmem>> -> memref<1x1x64xi32, #tpu.memory_space<vmem>>
      %dma_start3A_701 = tpu.memref_squeeze %dma_start3A_700 : memref<1x1x64xi32, #tpu.memory_space<vmem>> -> memref<64xi32, #tpu.memory_space<vmem>>
      %dma_start3A_702 = arith.constant 0 : i32
      %dma_start3A_703 = arith.constant 0 : i32
      %dma_start3A_704 = tpu.memref_slice %arg8[%dma_start3A_702, %dma_start3A_703] : memref<10240x128xf32, #tpu.memory_space<vmem_shared>> -> memref<10240x128xf32, #tpu.memory_space<vmem_shared>>
      tpu.enqueue_indirect_dma source(%dma_start3A_698 : memref<64x128xf32, #tpu.memory_space<vmem>>) target(%dma_start3A_704 : memref<10240x128xf32, #tpu.memory_space<vmem_shared>>) offsets(%dma_start3A_701 : memref<64xi32, #tpu.memory_space<vmem>>) semaphore(%arg15 : memref<!tpu.dma_semaphore, #tpu.memory_space<semaphore_mem>>) {add = true}
      %ge3A_705 = arith.constant 1 : i32
      %ge3A_706 = arith.cmpi sge, %add3A_570, %ge3A_705 : i32
      %convert_element_type3A_707 = arith.extui %ge3A_706 : i1 to i32
      %cond3A_708 = arith.constant 0 : i32
      %cond3A_709 = arith.cmpi ne, %convert_element_type3A_707, %cond3A_708 : i32
      scf.if %cond3A_709 {
        %sub3A_961 = arith.constant 1 : i32
        %sub3A_962 = arith.subi %add3A_570, %sub3A_961 : i32
        %jit3A_963 = arith.constant 8 : i32
        %div3A_964 = arith.divsi %sub3A_962, %jit3A_963 : i32
        %sign3A_965 = arith.constant 0 : i32
        %sign3A_966 = arith.cmpi sgt, %sub3A_962, %sign3A_965 : i32
        %sign3A_967 = arith.extui %sign3A_966 : i1 to i32
        %sign3A_968 = arith.constant 0 : i32
        %sign3A_969 = arith.cmpi slt, %sub3A_962, %sign3A_968 : i32
        %sign3A_970 = arith.extui %sign3A_969 : i1 to i32
        %sign3A_971 = arith.subi %sign3A_967, %sign3A_970 : i32
        %sign3A_972 = arith.constant 0 : i32
        %sign3A_973 = arith.cmpi sgt, %jit3A_963, %sign3A_972 : i32
        %sign3A_974 = arith.extui %sign3A_973 : i1 to i32
        %sign3A_975 = arith.constant 0 : i32
        %sign3A_976 = arith.cmpi slt, %jit3A_963, %sign3A_975 : i32
        %sign3A_977 = arith.extui %sign3A_976 : i1 to i32
        %sign3A_978 = arith.subi %sign3A_974, %sign3A_977 : i32
        %ne3A_979 = arith.cmpi ne, %sign3A_971, %sign3A_978 : i32
        %rem3A_980 = arith.remsi %sub3A_962, %jit3A_963 : i32
        %ne3A_981 = arith.constant 0 : i32
        %ne3A_982 = arith.cmpi ne, %rem3A_980, %ne3A_981 : i32
        %and3A_983 = arith.andi %ne3A_979, %ne3A_982 : i1
        %sub3A_984 = arith.constant 1 : i32
        %sub3A_985 = arith.subi %div3A_964, %sub3A_984 : i32
        %select_n3A_986 = arith.select %and3A_983, %sub3A_985, %div3A_964 : i32
        %jit3A_987 = arith.constant 2 : i32
        %eq3A_988 = arith.constant 0 : i32
        %eq3A_989 = arith.cmpi eq, %jit3A_987, %eq3A_988 : i32
        %jit3A_990 = arith.constant 1 : i32
        %select_n3A_991 = arith.select %eq3A_989, %jit3A_990, %jit3A_987 : i32
        %rem3A_992 = arith.remsi %select_n3A_986, %select_n3A_991 : i32
        %ne3A_993 = arith.constant 0 : i32
        %ne3A_994 = arith.cmpi ne, %rem3A_992, %ne3A_993 : i32
        %lt3A_995 = arith.constant 0 : i32
        %lt3A_996 = arith.cmpi slt, %rem3A_992, %lt3A_995 : i32
        %lt3A_997 = arith.constant 0 : i32
        %lt3A_998 = arith.cmpi slt, %select_n3A_991, %lt3A_997 : i32
        %ne3A_999 = arith.xori %lt3A_996, %lt3A_998 : i1
        %and3A_1000 = arith.andi %ne3A_999, %ne3A_994 : i1
        %add3A_1001 = arith.addi %rem3A_992, %select_n3A_991 : i32
        %select_n3A_1002 = arith.select %and3A_1000, %add3A_1001, %rem3A_992 : i32
        %jit3A_1003 = arith.constant 8 : i32
        %eq3A_1004 = arith.constant 0 : i32
        %eq3A_1005 = arith.cmpi eq, %jit3A_1003, %eq3A_1004 : i32
        %jit3A_1006 = arith.constant 1 : i32
        %select_n3A_1007 = arith.select %eq3A_1005, %jit3A_1006, %jit3A_1003 : i32
        %rem3A_1008 = arith.remsi %sub3A_962, %select_n3A_1007 : i32
        %ne3A_1009 = arith.constant 0 : i32
        %ne3A_1010 = arith.cmpi ne, %rem3A_1008, %ne3A_1009 : i32
        %lt3A_1011 = arith.constant 0 : i32
        %lt3A_1012 = arith.cmpi slt, %rem3A_1008, %lt3A_1011 : i32
        %lt3A_1013 = arith.constant 0 : i32
        %lt3A_1014 = arith.cmpi slt, %select_n3A_1007, %lt3A_1013 : i32
        %ne3A_1015 = arith.xori %lt3A_1012, %lt3A_1014 : i1
        %and3A_1016 = arith.andi %ne3A_1015, %ne3A_1010 : i1
        %add3A_1017 = arith.addi %rem3A_1008, %select_n3A_1007 : i32
        %select_n3A_1018 = arith.select %and3A_1016, %add3A_1017, %rem3A_1008 : i32
        %dma_wait3A_1019 = arith.constant 1 : i32
        %dma_wait3A_1020 = arith.constant 0 : i32
        %dma_wait3A_1021 = arith.constant 0 : i32
        %dma_wait3A_1022 = tpu.memref_slice %arg7[%dma_wait3A_1019, %dma_wait3A_1020, %dma_wait3A_1021] : memref<4x64x128xf32, #tpu.memory_space<vmem>> -> memref<1x64x128xf32, #tpu.memory_space<vmem>>
        %dma_wait3A_1023 = tpu.memref_squeeze %dma_wait3A_1022 : memref<1x64x128xf32, #tpu.memory_space<vmem>> -> memref<64x128xf32, #tpu.memory_space<vmem>>
        %dma_wait3A_1024 = arith.constant 0 : i32
        %dma_wait3A_1025 = tpu.memref_slice %arg6[%select_n3A_1002, %select_n3A_1018, %dma_wait3A_1024] : memref<2x8x64xi32, #tpu.memory_space<vmem>> -> memref<1x1x64xi32, #tpu.memory_space<vmem>>
        %dma_wait3A_1026 = tpu.memref_squeeze %dma_wait3A_1025 : memref<1x1x64xi32, #tpu.memory_space<vmem>> -> memref<64xi32, #tpu.memory_space<vmem>>
        %dma_wait3A_1027 = arith.constant 0 : i32
        %dma_wait3A_1028 = arith.constant 0 : i32
        %dma_wait3A_1029 = tpu.memref_slice %arg8[%dma_wait3A_1027, %dma_wait3A_1028] : memref<10240x128xf32, #tpu.memory_space<vmem_shared>> -> memref<10240x128xf32, #tpu.memory_space<vmem_shared>>
        tpu.wait_indirect_dma semaphore(%arg14 : memref<!tpu.dma_semaphore, #tpu.memory_space<semaphore_mem>>) src(%dma_wait3A_1023 : memref<64x128xf32, #tpu.memory_space<vmem>>) dst(%dma_wait3A_1029 : memref<10240x128xf32, #tpu.memory_space<vmem_shared>>)
      } else {
      }
      %add3A_710 = arith.constant 3 : i32
      %add3A_711 = arith.addi %add3A_570, %add3A_710 : i32
      %jit3A_712 = arith.constant 8 : i32
      %eq3A_713 = arith.constant 0 : i32
      %eq3A_714 = arith.cmpi eq, %jit3A_712, %eq3A_713 : i32
      %jit3A_715 = arith.constant 1 : i32
      %select_n3A_716 = arith.select %eq3A_714, %jit3A_715, %jit3A_712 : i32
      %rem3A_717 = arith.remsi %add3A_570, %select_n3A_716 : i32
      %ne3A_718 = arith.constant 0 : i32
      %ne3A_719 = arith.cmpi ne, %rem3A_717, %ne3A_718 : i32
      %lt3A_720 = arith.constant 0 : i32
      %lt3A_721 = arith.cmpi slt, %rem3A_717, %lt3A_720 : i32
      %lt3A_722 = arith.constant 0 : i32
      %lt3A_723 = arith.cmpi slt, %select_n3A_716, %lt3A_722 : i32
      %ne3A_724 = arith.xori %lt3A_721, %lt3A_723 : i1
      %and3A_725 = arith.andi %ne3A_724, %ne3A_719 : i1
      %add3A_726 = arith.addi %rem3A_717, %select_n3A_716 : i32
      %select_n3A_727 = arith.select %and3A_725, %add3A_726, %rem3A_717 : i32
      %eq3A_728 = arith.constant 2 : i32
      %eq3A_729 = arith.cmpi eq, %select_n3A_727, %eq3A_728 : i32
      %sub3A_730 = arith.constant 8 : i32
      %sub3A_731 = arith.subi %mul3A_12, %sub3A_730 : i32
      %lt3A_732 = arith.cmpi slt, %add3A_570, %sub3A_731 : i32
      %and3A_733 = arith.andi %eq3A_729, %lt3A_732 : i1
      %convert_element_type3A_734 = arith.extui %and3A_733 : i1 to i32
      %cond3A_735 = arith.constant 0 : i32
      %cond3A_736 = arith.cmpi ne, %convert_element_type3A_734, %cond3A_735 : i32
      scf.if %cond3A_736 {
        %jit3A_961 = arith.constant 8 : i32
        %div3A_962 = arith.divsi %add3A_570, %jit3A_961 : i32
        %sign3A_963 = arith.constant 0 : i32
        %sign3A_964 = arith.cmpi sgt, %add3A_570, %sign3A_963 : i32
        %sign3A_965 = arith.extui %sign3A_964 : i1 to i32
        %sign3A_966 = arith.constant 0 : i32
        %sign3A_967 = arith.cmpi slt, %add3A_570, %sign3A_966 : i32
        %sign3A_968 = arith.extui %sign3A_967 : i1 to i32
        %sign3A_969 = arith.subi %sign3A_965, %sign3A_968 : i32
        %sign3A_970 = arith.constant 0 : i32
        %sign3A_971 = arith.cmpi sgt, %jit3A_961, %sign3A_970 : i32
        %sign3A_972 = arith.extui %sign3A_971 : i1 to i32
        %sign3A_973 = arith.constant 0 : i32
        %sign3A_974 = arith.cmpi slt, %jit3A_961, %sign3A_973 : i32
        %sign3A_975 = arith.extui %sign3A_974 : i1 to i32
        %sign3A_976 = arith.subi %sign3A_972, %sign3A_975 : i32
        %ne3A_977 = arith.cmpi ne, %sign3A_969, %sign3A_976 : i32
        %rem3A_978 = arith.remsi %add3A_570, %jit3A_961 : i32
        %ne3A_979 = arith.constant 0 : i32
        %ne3A_980 = arith.cmpi ne, %rem3A_978, %ne3A_979 : i32
        %and3A_981 = arith.andi %ne3A_977, %ne3A_980 : i1
        %sub3A_982 = arith.constant 1 : i32
        %sub3A_983 = arith.subi %div3A_962, %sub3A_982 : i32
        %select_n3A_984 = arith.select %and3A_981, %sub3A_983, %div3A_962 : i32
        %add3A_985 = arith.constant 1 : i32
        %add3A_986 = arith.addi %select_n3A_984, %add3A_985 : i32
        %jit3A_987 = arith.constant 2 : i32
        %eq3A_988 = arith.constant 0 : i32
        %eq3A_989 = arith.cmpi eq, %jit3A_987, %eq3A_988 : i32
        %jit3A_990 = arith.constant 1 : i32
        %select_n3A_991 = arith.select %eq3A_989, %jit3A_990, %jit3A_987 : i32
        %rem3A_992 = arith.remsi %add3A_986, %select_n3A_991 : i32
        %ne3A_993 = arith.constant 0 : i32
        %ne3A_994 = arith.cmpi ne, %rem3A_992, %ne3A_993 : i32
        %lt3A_995 = arith.constant 0 : i32
        %lt3A_996 = arith.cmpi slt, %rem3A_992, %lt3A_995 : i32
        %lt3A_997 = arith.constant 0 : i32
        %lt3A_998 = arith.cmpi slt, %select_n3A_991, %lt3A_997 : i32
        %ne3A_999 = arith.xori %lt3A_996, %lt3A_998 : i1
        %and3A_1000 = arith.andi %ne3A_999, %ne3A_994 : i1
        %add3A_1001 = arith.addi %rem3A_992, %select_n3A_991 : i32
        %select_n3A_1002 = arith.select %and3A_1000, %add3A_1001, %rem3A_992 : i32
        %mul3A_1003 = arith.constant 8 : i32
        %mul3A_1004 = arith.muli %add3A_986, %mul3A_1003 : i32
        %add3A_1005 = arith.addi %mul3A_6, %mul3A_1004 : i32
        %dma_start3A_1006 = arith.constant 0 : i32
        %dma_start3A_1007 = arith.constant 0 : i32
        %dma_start3A_1008 = arith.constant 0 : i32
        %dma_start3A_1009 = tpu.memref_slice %arg5[%select_n3A_1002, %dma_start3A_1007, %dma_start3A_1008] : memref<2x8x64xi32, #tpu.memory_space<vmem>> -> memref<1x8x64xi32, #tpu.memory_space<vmem>>
        %dma_start3A_1010 = tpu.memref_squeeze %dma_start3A_1009 : memref<1x8x64xi32, #tpu.memory_space<vmem>> -> memref<8x64xi32, #tpu.memory_space<vmem>>
        %dma_start3A_1011 = arith.constant 0 : i32
        %dma_start3A_1012 = tpu.memref_slice %arg3[%dma_start3A_1006, %add3A_1005, %dma_start3A_1011] : memref<2x5000x64xi32, #tpu.memory_space<hbm>> -> memref<1x8x64xi32, #tpu.memory_space<hbm>>
        %dma_start3A_1013 = tpu.memref_squeeze %dma_start3A_1012 : memref<1x8x64xi32, #tpu.memory_space<hbm>> -> memref<8x64xi32, #tpu.memory_space<hbm>>
        %dma_start3A_1014 = arith.constant 0 : i32
        %dma_start3A_1015 = arith.constant 0 : i32
        %dma_start3A_1016 = tpu.memref_slice %arg5[%select_n3A_1002, %dma_start3A_1014, %dma_start3A_1015] : memref<2x8x64xi32, #tpu.memory_space<vmem>> -> memref<1x8x64xi32, #tpu.memory_space<vmem>>
        %dma_start3A_1017 = tpu.memref_squeeze %dma_start3A_1016 : memref<1x8x64xi32, #tpu.memory_space<vmem>> -> memref<8x64xi32, #tpu.memory_space<vmem>>
        %dma_start3A_1018 = arith.constant 0 : i32
        %dma_start3A_1019 = tpu.memref_slice %arg3[%dma_start3A_1006, %add3A_1005, %dma_start3A_1018] : memref<2x5000x64xi32, #tpu.memory_space<hbm>> -> memref<1x8x64xi32, #tpu.memory_space<hbm>>
        %dma_start3A_1020 = tpu.memref_squeeze %dma_start3A_1019 : memref<1x8x64xi32, #tpu.memory_space<hbm>> -> memref<8x64xi32, #tpu.memory_space<hbm>>
        tpu.enqueue_dma source(%dma_start3A_1020 : memref<8x64xi32, #tpu.memory_space<hbm>>) target(%dma_start3A_1017 : memref<8x64xi32, #tpu.memory_space<vmem>>) target_semaphore(%arg17 : memref<!tpu.dma_semaphore, #tpu.memory_space<semaphore_mem>>)
        %dma_start3A_1021 = arith.constant 1 : i32
        %dma_start3A_1022 = arith.constant 0 : i32
        %dma_start3A_1023 = arith.constant 0 : i32
        %dma_start3A_1024 = tpu.memref_slice %arg6[%select_n3A_1002, %dma_start3A_1022, %dma_start3A_1023] : memref<2x8x64xi32, #tpu.memory_space<vmem>> -> memref<1x8x64xi32, #tpu.memory_space<vmem>>
        %dma_start3A_1025 = tpu.memref_squeeze %dma_start3A_1024 : memref<1x8x64xi32, #tpu.memory_space<vmem>> -> memref<8x64xi32, #tpu.memory_space<vmem>>
        %dma_start3A_1026 = arith.constant 0 : i32
        %dma_start3A_1027 = tpu.memref_slice %arg3[%dma_start3A_1021, %add3A_1005, %dma_start3A_1026] : memref<2x5000x64xi32, #tpu.memory_space<hbm>> -> memref<1x8x64xi32, #tpu.memory_space<hbm>>
        %dma_start3A_1028 = tpu.memref_squeeze %dma_start3A_1027 : memref<1x8x64xi32, #tpu.memory_space<hbm>> -> memref<8x64xi32, #tpu.memory_space<hbm>>
        %dma_start3A_1029 = arith.constant 0 : i32
        %dma_start3A_1030 = arith.constant 0 : i32
        %dma_start3A_1031 = tpu.memref_slice %arg6[%select_n3A_1002, %dma_start3A_1029, %dma_start3A_1030] : memref<2x8x64xi32, #tpu.memory_space<vmem>> -> memref<1x8x64xi32, #tpu.memory_space<vmem>>
        %dma_start3A_1032 = tpu.memref_squeeze %dma_start3A_1031 : memref<1x8x64xi32, #tpu.memory_space<vmem>> -> memref<8x64xi32, #tpu.memory_space<vmem>>
        %dma_start3A_1033 = arith.constant 0 : i32
        %dma_start3A_1034 = tpu.memref_slice %arg3[%dma_start3A_1021, %add3A_1005, %dma_start3A_1033] : memref<2x5000x64xi32, #tpu.memory_space<hbm>> -> memref<1x8x64xi32, #tpu.memory_space<hbm>>
        %dma_start3A_1035 = tpu.memref_squeeze %dma_start3A_1034 : memref<1x8x64xi32, #tpu.memory_space<hbm>> -> memref<8x64xi32, #tpu.memory_space<hbm>>
        tpu.enqueue_dma source(%dma_start3A_1035 : memref<8x64xi32, #tpu.memory_space<hbm>>) target(%dma_start3A_1032 : memref<8x64xi32, #tpu.memory_space<vmem>>) target_semaphore(%arg17 : memref<!tpu.dma_semaphore, #tpu.memory_space<semaphore_mem>>)
      } else {
      }
      %jit3A_737 = arith.constant 8 : i32
      %eq3A_738 = arith.constant 0 : i32
      %eq3A_739 = arith.cmpi eq, %jit3A_737, %eq3A_738 : i32
      %jit3A_740 = arith.constant 1 : i32
      %select_n3A_741 = arith.select %eq3A_739, %jit3A_740, %jit3A_737 : i32
      %rem3A_742 = arith.remsi %add3A_711, %select_n3A_741 : i32
      %ne3A_743 = arith.constant 0 : i32
      %ne3A_744 = arith.cmpi ne, %rem3A_742, %ne3A_743 : i32
      %lt3A_745 = arith.constant 0 : i32
      %lt3A_746 = arith.cmpi slt, %rem3A_742, %lt3A_745 : i32
      %lt3A_747 = arith.constant 0 : i32
      %lt3A_748 = arith.cmpi slt, %select_n3A_741, %lt3A_747 : i32
      %ne3A_749 = arith.xori %lt3A_746, %lt3A_748 : i1
      %and3A_750 = arith.andi %ne3A_749, %ne3A_744 : i1
      %add3A_751 = arith.addi %rem3A_742, %select_n3A_741 : i32
      %select_n3A_752 = arith.select %and3A_750, %add3A_751, %rem3A_742 : i32
      %eq3A_753 = arith.constant 0 : i32
      %eq3A_754 = arith.cmpi eq, %select_n3A_752, %eq3A_753 : i32
      %lt3A_755 = arith.cmpi slt, %add3A_711, %mul3A_12 : i32
      %and3A_756 = arith.andi %eq3A_754, %lt3A_755 : i1
      %convert_element_type3A_757 = arith.extui %and3A_756 : i1 to i32
      %cond3A_758 = arith.constant 0 : i32
      %cond3A_759 = arith.cmpi ne, %convert_element_type3A_757, %cond3A_758 : i32
      scf.if %cond3A_759 {
        %jit3A_961 = arith.constant 8 : i32
        %div3A_962 = arith.divsi %add3A_711, %jit3A_961 : i32
        %sign3A_963 = arith.constant 0 : i32
        %sign3A_964 = arith.cmpi sgt, %add3A_711, %sign3A_963 : i32
        %sign3A_965 = arith.extui %sign3A_964 : i1 to i32
        %sign3A_966 = arith.constant 0 : i32
        %sign3A_967 = arith.cmpi slt, %add3A_711, %sign3A_966 : i32
        %sign3A_968 = arith.extui %sign3A_967 : i1 to i32
        %sign3A_969 = arith.subi %sign3A_965, %sign3A_968 : i32
        %sign3A_970 = arith.constant 0 : i32
        %sign3A_971 = arith.cmpi sgt, %jit3A_961, %sign3A_970 : i32
        %sign3A_972 = arith.extui %sign3A_971 : i1 to i32
        %sign3A_973 = arith.constant 0 : i32
        %sign3A_974 = arith.cmpi slt, %jit3A_961, %sign3A_973 : i32
        %sign3A_975 = arith.extui %sign3A_974 : i1 to i32
        %sign3A_976 = arith.subi %sign3A_972, %sign3A_975 : i32
        %ne3A_977 = arith.cmpi ne, %sign3A_969, %sign3A_976 : i32
        %rem3A_978 = arith.remsi %add3A_711, %jit3A_961 : i32
        %ne3A_979 = arith.constant 0 : i32
        %ne3A_980 = arith.cmpi ne, %rem3A_978, %ne3A_979 : i32
        %and3A_981 = arith.andi %ne3A_977, %ne3A_980 : i1
        %sub3A_982 = arith.constant 1 : i32
        %sub3A_983 = arith.subi %div3A_962, %sub3A_982 : i32
        %select_n3A_984 = arith.select %and3A_981, %sub3A_983, %div3A_962 : i32
        %jit3A_985 = arith.constant 8 : i32
        %div3A_986 = arith.divsi %add3A_711, %jit3A_985 : i32
        %sign3A_987 = arith.constant 0 : i32
        %sign3A_988 = arith.cmpi sgt, %add3A_711, %sign3A_987 : i32
        %sign3A_989 = arith.extui %sign3A_988 : i1 to i32
        %sign3A_990 = arith.constant 0 : i32
        %sign3A_991 = arith.cmpi slt, %add3A_711, %sign3A_990 : i32
        %sign3A_992 = arith.extui %sign3A_991 : i1 to i32
        %sign3A_993 = arith.subi %sign3A_989, %sign3A_992 : i32
        %sign3A_994 = arith.constant 0 : i32
        %sign3A_995 = arith.cmpi sgt, %jit3A_985, %sign3A_994 : i32
        %sign3A_996 = arith.extui %sign3A_995 : i1 to i32
        %sign3A_997 = arith.constant 0 : i32
        %sign3A_998 = arith.cmpi slt, %jit3A_985, %sign3A_997 : i32
        %sign3A_999 = arith.extui %sign3A_998 : i1 to i32
        %sign3A_1000 = arith.subi %sign3A_996, %sign3A_999 : i32
        %ne3A_1001 = arith.cmpi ne, %sign3A_993, %sign3A_1000 : i32
        %rem3A_1002 = arith.remsi %add3A_711, %jit3A_985 : i32
        %ne3A_1003 = arith.constant 0 : i32
        %ne3A_1004 = arith.cmpi ne, %rem3A_1002, %ne3A_1003 : i32
        %and3A_1005 = arith.andi %ne3A_1001, %ne3A_1004 : i1
        %sub3A_1006 = arith.constant 1 : i32
        %sub3A_1007 = arith.subi %div3A_986, %sub3A_1006 : i32
        %select_n3A_1008 = arith.select %and3A_1005, %sub3A_1007, %div3A_986 : i32
        %jit3A_1009 = arith.constant 2 : i32
        %eq3A_1010 = arith.constant 0 : i32
        %eq3A_1011 = arith.cmpi eq, %jit3A_1009, %eq3A_1010 : i32
        %jit3A_1012 = arith.constant 1 : i32
        %select_n3A_1013 = arith.select %eq3A_1011, %jit3A_1012, %jit3A_1009 : i32
        %rem3A_1014 = arith.remsi %select_n3A_1008, %select_n3A_1013 : i32
        %ne3A_1015 = arith.constant 0 : i32
        %ne3A_1016 = arith.cmpi ne, %rem3A_1014, %ne3A_1015 : i32
        %lt3A_1017 = arith.constant 0 : i32
        %lt3A_1018 = arith.cmpi slt, %rem3A_1014, %lt3A_1017 : i32
        %lt3A_1019 = arith.constant 0 : i32
        %lt3A_1020 = arith.cmpi slt, %select_n3A_1013, %lt3A_1019 : i32
        %ne3A_1021 = arith.xori %lt3A_1018, %lt3A_1020 : i1
        %and3A_1022 = arith.andi %ne3A_1021, %ne3A_1016 : i1
        %add3A_1023 = arith.addi %rem3A_1014, %select_n3A_1013 : i32
        %select_n3A_1024 = arith.select %and3A_1022, %add3A_1023, %rem3A_1014 : i32
        %mul3A_1025 = arith.constant 8 : i32
        %mul3A_1026 = arith.muli %select_n3A_984, %mul3A_1025 : i32
        %add3A_1027 = arith.addi %mul3A_6, %mul3A_1026 : i32
        %dma_wait3A_1028 = arith.constant 0 : i32
        %dma_wait3A_1029 = arith.constant 0 : i32
        %dma_wait3A_1030 = arith.constant 0 : i32
        %dma_wait3A_1031 = tpu.memref_slice %arg5[%select_n3A_1024, %dma_wait3A_1029, %dma_wait3A_1030] : memref<2x8x64xi32, #tpu.memory_space<vmem>> -> memref<1x8x64xi32, #tpu.memory_space<vmem>>
        %dma_wait3A_1032 = tpu.memref_squeeze %dma_wait3A_1031 : memref<1x8x64xi32, #tpu.memory_space<vmem>> -> memref<8x64xi32, #tpu.memory_space<vmem>>
        %dma_wait3A_1033 = arith.constant 0 : i32
        %dma_wait3A_1034 = tpu.memref_slice %arg3[%dma_wait3A_1028, %add3A_1027, %dma_wait3A_1033] : memref<2x5000x64xi32, #tpu.memory_space<hbm>> -> memref<1x8x64xi32, #tpu.memory_space<hbm>>
        %dma_wait3A_1035 = tpu.memref_squeeze %dma_wait3A_1034 : memref<1x8x64xi32, #tpu.memory_space<hbm>> -> memref<8x64xi32, #tpu.memory_space<hbm>>
        %dma_wait3A_1036 = arith.constant 0 : i32
        %dma_wait3A_1037 = arith.constant 0 : i32
        %dma_wait3A_1038 = tpu.memref_slice %arg5[%select_n3A_1024, %dma_wait3A_1036, %dma_wait3A_1037] : memref<2x8x64xi32, #tpu.memory_space<vmem>> -> memref<1x8x64xi32, #tpu.memory_space<vmem>>
        %dma_wait3A_1039 = tpu.memref_squeeze %dma_wait3A_1038 : memref<1x8x64xi32, #tpu.memory_space<vmem>> -> memref<8x64xi32, #tpu.memory_space<vmem>>
        %dma_wait3A_1040 = arith.constant 0 : i32
        %dma_wait3A_1041 = tpu.memref_slice %arg3[%dma_wait3A_1028, %add3A_1027, %dma_wait3A_1040] : memref<2x5000x64xi32, #tpu.memory_space<hbm>> -> memref<1x8x64xi32, #tpu.memory_space<hbm>>
        %dma_wait3A_1042 = tpu.memref_squeeze %dma_wait3A_1041 : memref<1x8x64xi32, #tpu.memory_space<hbm>> -> memref<8x64xi32, #tpu.memory_space<hbm>>
        tpu.wait_dma2 semaphore(%arg17 : memref<!tpu.dma_semaphore, #tpu.memory_space<semaphore_mem>>) src(%dma_wait3A_1042 : memref<8x64xi32, #tpu.memory_space<hbm>>) dst(%dma_wait3A_1039 : memref<8x64xi32, #tpu.memory_space<vmem>>)
        %dma_wait3A_1043 = arith.constant 1 : i32
        %dma_wait3A_1044 = arith.constant 0 : i32
        %dma_wait3A_1045 = arith.constant 0 : i32
        %dma_wait3A_1046 = tpu.memref_slice %arg6[%select_n3A_1024, %dma_wait3A_1044, %dma_wait3A_1045] : memref<2x8x64xi32, #tpu.memory_space<vmem>> -> memref<1x8x64xi32, #tpu.memory_space<vmem>>
        %dma_wait3A_1047 = tpu.memref_squeeze %dma_wait3A_1046 : memref<1x8x64xi32, #tpu.memory_space<vmem>> -> memref<8x64xi32, #tpu.memory_space<vmem>>
        %dma_wait3A_1048 = arith.constant 0 : i32
        %dma_wait3A_1049 = tpu.memref_slice %arg3[%dma_wait3A_1043, %add3A_1027, %dma_wait3A_1048] : memref<2x5000x64xi32, #tpu.memory_space<hbm>> -> memref<1x8x64xi32, #tpu.memory_space<hbm>>
        %dma_wait3A_1050 = tpu.memref_squeeze %dma_wait3A_1049 : memref<1x8x64xi32, #tpu.memory_space<hbm>> -> memref<8x64xi32, #tpu.memory_space<hbm>>
        %dma_wait3A_1051 = arith.constant 0 : i32
        %dma_wait3A_1052 = arith.constant 0 : i32
        %dma_wait3A_1053 = tpu.memref_slice %arg6[%select_n3A_1024, %dma_wait3A_1051, %dma_wait3A_1052] : memref<2x8x64xi32, #tpu.memory_space<vmem>> -> memref<1x8x64xi32, #tpu.memory_space<vmem>>
        %dma_wait3A_1054 = tpu.memref_squeeze %dma_wait3A_1053 : memref<1x8x64xi32, #tpu.memory_space<vmem>> -> memref<8x64xi32, #tpu.memory_space<vmem>>
        %dma_wait3A_1055 = arith.constant 0 : i32
        %dma_wait3A_1056 = tpu.memref_slice %arg3[%dma_wait3A_1043, %add3A_1027, %dma_wait3A_1055] : memref<2x5000x64xi32, #tpu.memory_space<hbm>> -> memref<1x8x64xi32, #tpu.memory_space<hbm>>
        %dma_wait3A_1057 = tpu.memref_squeeze %dma_wait3A_1056 : memref<1x8x64xi32, #tpu.memory_space<hbm>> -> memref<8x64xi32, #tpu.memory_space<hbm>>
        tpu.wait_dma2 semaphore(%arg17 : memref<!tpu.dma_semaphore, #tpu.memory_space<semaphore_mem>>) src(%dma_wait3A_1057 : memref<8x64xi32, #tpu.memory_space<hbm>>) dst(%dma_wait3A_1054 : memref<8x64xi32, #tpu.memory_space<vmem>>)
      } else {
      }
      %lt3A_760 = arith.cmpi slt, %add3A_711, %mul3A_12 : i32
      %convert_element_type3A_761 = arith.extui %lt3A_760 : i1 to i32
      %cond3A_762 = arith.constant 0 : i32
      %cond3A_763 = arith.cmpi ne, %convert_element_type3A_761, %cond3A_762 : i32
      scf.if %cond3A_763 {
        %jit3A_961 = arith.constant 8 : i32
        %div3A_962 = arith.divsi %add3A_711, %jit3A_961 : i32
        %sign3A_963 = arith.constant 0 : i32
        %sign3A_964 = arith.cmpi sgt, %add3A_711, %sign3A_963 : i32
        %sign3A_965 = arith.extui %sign3A_964 : i1 to i32
        %sign3A_966 = arith.constant 0 : i32
        %sign3A_967 = arith.cmpi slt, %add3A_711, %sign3A_966 : i32
        %sign3A_968 = arith.extui %sign3A_967 : i1 to i32
        %sign3A_969 = arith.subi %sign3A_965, %sign3A_968 : i32
        %sign3A_970 = arith.constant 0 : i32
        %sign3A_971 = arith.cmpi sgt, %jit3A_961, %sign3A_970 : i32
        %sign3A_972 = arith.extui %sign3A_971 : i1 to i32
        %sign3A_973 = arith.constant 0 : i32
        %sign3A_974 = arith.cmpi slt, %jit3A_961, %sign3A_973 : i32
        %sign3A_975 = arith.extui %sign3A_974 : i1 to i32
        %sign3A_976 = arith.subi %sign3A_972, %sign3A_975 : i32
        %ne3A_977 = arith.cmpi ne, %sign3A_969, %sign3A_976 : i32
        %rem3A_978 = arith.remsi %add3A_711, %jit3A_961 : i32
        %ne3A_979 = arith.constant 0 : i32
        %ne3A_980 = arith.cmpi ne, %rem3A_978, %ne3A_979 : i32
        %and3A_981 = arith.andi %ne3A_977, %ne3A_980 : i1
        %sub3A_982 = arith.constant 1 : i32
        %sub3A_983 = arith.subi %div3A_962, %sub3A_982 : i32
        %select_n3A_984 = arith.select %and3A_981, %sub3A_983, %div3A_962 : i32
        %jit3A_985 = arith.constant 2 : i32
        %eq3A_986 = arith.constant 0 : i32
        %eq3A_987 = arith.cmpi eq, %jit3A_985, %eq3A_986 : i32
        %jit3A_988 = arith.constant 1 : i32
        %select_n3A_989 = arith.select %eq3A_987, %jit3A_988, %jit3A_985 : i32
        %rem3A_990 = arith.remsi %select_n3A_984, %select_n3A_989 : i32
        %ne3A_991 = arith.constant 0 : i32
        %ne3A_992 = arith.cmpi ne, %rem3A_990, %ne3A_991 : i32
        %lt3A_993 = arith.constant 0 : i32
        %lt3A_994 = arith.cmpi slt, %rem3A_990, %lt3A_993 : i32
        %lt3A_995 = arith.constant 0 : i32
        %lt3A_996 = arith.cmpi slt, %select_n3A_989, %lt3A_995 : i32
        %ne3A_997 = arith.xori %lt3A_994, %lt3A_996 : i1
        %and3A_998 = arith.andi %ne3A_997, %ne3A_992 : i1
        %add3A_999 = arith.addi %rem3A_990, %select_n3A_989 : i32
        %select_n3A_1000 = arith.select %and3A_998, %add3A_999, %rem3A_990 : i32
        %jit3A_1001 = arith.constant 8 : i32
        %eq3A_1002 = arith.constant 0 : i32
        %eq3A_1003 = arith.cmpi eq, %jit3A_1001, %eq3A_1002 : i32
        %jit3A_1004 = arith.constant 1 : i32
        %select_n3A_1005 = arith.select %eq3A_1003, %jit3A_1004, %jit3A_1001 : i32
        %rem3A_1006 = arith.remsi %add3A_711, %select_n3A_1005 : i32
        %ne3A_1007 = arith.constant 0 : i32
        %ne3A_1008 = arith.cmpi ne, %rem3A_1006, %ne3A_1007 : i32
        %lt3A_1009 = arith.constant 0 : i32
        %lt3A_1010 = arith.cmpi slt, %rem3A_1006, %lt3A_1009 : i32
        %lt3A_1011 = arith.constant 0 : i32
        %lt3A_1012 = arith.cmpi slt, %select_n3A_1005, %lt3A_1011 : i32
        %ne3A_1013 = arith.xori %lt3A_1010, %lt3A_1012 : i1
        %and3A_1014 = arith.andi %ne3A_1013, %ne3A_1008 : i1
        %add3A_1015 = arith.addi %rem3A_1006, %select_n3A_1005 : i32
        %select_n3A_1016 = arith.select %and3A_1014, %add3A_1015, %rem3A_1006 : i32
        %dma_start3A_1017 = arith.constant 1 : i32
        %dma_start3A_1018 = arith.constant 0 : i32
        %dma_start3A_1019 = arith.constant 0 : i32
        %dma_start3A_1020 = tpu.memref_slice %arg7[%dma_start3A_1017, %dma_start3A_1018, %dma_start3A_1019] : memref<4x64x128xf32, #tpu.memory_space<vmem>> -> memref<1x64x128xf32, #tpu.memory_space<vmem>>
        %dma_start3A_1021 = tpu.memref_squeeze %dma_start3A_1020 : memref<1x64x128xf32, #tpu.memory_space<vmem>> -> memref<64x128xf32, #tpu.memory_space<vmem>>
        %dma_start3A_1022 = arith.constant 0 : i32
        %dma_start3A_1023 = tpu.memref_slice %arg5[%select_n3A_1000, %select_n3A_1016, %dma_start3A_1022] : memref<2x8x64xi32, #tpu.memory_space<vmem>> -> memref<1x1x64xi32, #tpu.memory_space<vmem>>
        %dma_start3A_1024 = tpu.memref_squeeze %dma_start3A_1023 : memref<1x1x64xi32, #tpu.memory_space<vmem>> -> memref<64xi32, #tpu.memory_space<vmem>>
        %dma_start3A_1025 = arith.constant 0 : i32
        %dma_start3A_1026 = arith.constant 0 : i32
        %dma_start3A_1027 = tpu.memref_slice %arg2[%dma_start3A_1025, %dma_start3A_1026] : memref<10000x128xf32, #tpu.memory_space<hbm>> -> memref<10000x128xf32, #tpu.memory_space<hbm>>
        tpu.enqueue_indirect_dma source(%dma_start3A_1027 : memref<10000x128xf32, #tpu.memory_space<hbm>>) target(%dma_start3A_1021 : memref<64x128xf32, #tpu.memory_space<vmem>>) offsets(%dma_start3A_1024 : memref<64xi32, #tpu.memory_space<vmem>>) semaphore(%arg10 : memref<!tpu.dma_semaphore, #tpu.memory_space<semaphore_mem>>)
      } else {
      }
      %mul3A_764 = arith.constant 4 : i32
      %mul3A_765 = arith.muli %while3A_175, %mul3A_764 : i32
      %add3A_766 = arith.constant 3 : i32
      %add3A_767 = arith.addi %mul3A_765, %add3A_766 : i32
      %jit3A_768 = arith.constant 8 : i32
      %div3A_769 = arith.divsi %add3A_767, %jit3A_768 : i32
      %sign3A_770 = arith.constant 0 : i32
      %sign3A_771 = arith.cmpi sgt, %add3A_767, %sign3A_770 : i32
      %sign3A_772 = arith.extui %sign3A_771 : i1 to i32
      %sign3A_773 = arith.constant 0 : i32
      %sign3A_774 = arith.cmpi slt, %add3A_767, %sign3A_773 : i32
      %sign3A_775 = arith.extui %sign3A_774 : i1 to i32
      %sign3A_776 = arith.subi %sign3A_772, %sign3A_775 : i32
      %sign3A_777 = arith.constant 0 : i32
      %sign3A_778 = arith.cmpi sgt, %jit3A_768, %sign3A_777 : i32
      %sign3A_779 = arith.extui %sign3A_778 : i1 to i32
      %sign3A_780 = arith.constant 0 : i32
      %sign3A_781 = arith.cmpi slt, %jit3A_768, %sign3A_780 : i32
      %sign3A_782 = arith.extui %sign3A_781 : i1 to i32
      %sign3A_783 = arith.subi %sign3A_779, %sign3A_782 : i32
      %ne3A_784 = arith.cmpi ne, %sign3A_776, %sign3A_783 : i32
      %rem3A_785 = arith.remsi %add3A_767, %jit3A_768 : i32
      %ne3A_786 = arith.constant 0 : i32
      %ne3A_787 = arith.cmpi ne, %rem3A_785, %ne3A_786 : i32
      %and3A_788 = arith.andi %ne3A_784, %ne3A_787 : i1
      %sub3A_789 = arith.constant 1 : i32
      %sub3A_790 = arith.subi %div3A_769, %sub3A_789 : i32
      %select_n3A_791 = arith.select %and3A_788, %sub3A_790, %div3A_769 : i32
      %jit3A_792 = arith.constant 2 : i32
      %eq3A_793 = arith.constant 0 : i32
      %eq3A_794 = arith.cmpi eq, %jit3A_792, %eq3A_793 : i32
      %jit3A_795 = arith.constant 1 : i32
      %select_n3A_796 = arith.select %eq3A_794, %jit3A_795, %jit3A_792 : i32
      %rem3A_797 = arith.remsi %select_n3A_791, %select_n3A_796 : i32
      %ne3A_798 = arith.constant 0 : i32
      %ne3A_799 = arith.cmpi ne, %rem3A_797, %ne3A_798 : i32
      %lt3A_800 = arith.constant 0 : i32
      %lt3A_801 = arith.cmpi slt, %rem3A_797, %lt3A_800 : i32
      %lt3A_802 = arith.constant 0 : i32
      %lt3A_803 = arith.cmpi slt, %select_n3A_796, %lt3A_802 : i32
      %ne3A_804 = arith.xori %lt3A_801, %lt3A_803 : i1
      %and3A_805 = arith.andi %ne3A_804, %ne3A_799 : i1
      %add3A_806 = arith.addi %rem3A_797, %select_n3A_796 : i32
      %select_n3A_807 = arith.select %and3A_805, %add3A_806, %rem3A_797 : i32
      %jit3A_808 = arith.constant 8 : i32
      %eq3A_809 = arith.constant 0 : i32
      %eq3A_810 = arith.cmpi eq, %jit3A_808, %eq3A_809 : i32
      %jit3A_811 = arith.constant 1 : i32
      %select_n3A_812 = arith.select %eq3A_810, %jit3A_811, %jit3A_808 : i32
      %rem3A_813 = arith.remsi %add3A_767, %select_n3A_812 : i32
      %ne3A_814 = arith.constant 0 : i32
      %ne3A_815 = arith.cmpi ne, %rem3A_813, %ne3A_814 : i32
      %lt3A_816 = arith.constant 0 : i32
      %lt3A_817 = arith.cmpi slt, %rem3A_813, %lt3A_816 : i32
      %lt3A_818 = arith.constant 0 : i32
      %lt3A_819 = arith.cmpi slt, %select_n3A_812, %lt3A_818 : i32
      %ne3A_820 = arith.xori %lt3A_817, %lt3A_819 : i1
      %and3A_821 = arith.andi %ne3A_820, %ne3A_815 : i1
      %add3A_822 = arith.addi %rem3A_813, %select_n3A_812 : i32
      %select_n3A_823 = arith.select %and3A_821, %add3A_822, %rem3A_813 : i32
      %dma_wait3A_824 = arith.constant 3 : i32
      %dma_wait3A_825 = arith.constant 0 : i32
      %dma_wait3A_826 = arith.constant 0 : i32
      %dma_wait3A_827 = tpu.memref_slice %arg7[%dma_wait3A_824, %dma_wait3A_825, %dma_wait3A_826] : memref<4x64x128xf32, #tpu.memory_space<vmem>> -> memref<1x64x128xf32, #tpu.memory_space<vmem>>
      %dma_wait3A_828 = tpu.memref_squeeze %dma_wait3A_827 : memref<1x64x128xf32, #tpu.memory_space<vmem>> -> memref<64x128xf32, #tpu.memory_space<vmem>>
      %dma_wait3A_829 = arith.constant 0 : i32
      %dma_wait3A_830 = tpu.memref_slice %arg5[%select_n3A_807, %select_n3A_823, %dma_wait3A_829] : memref<2x8x64xi32, #tpu.memory_space<vmem>> -> memref<1x1x64xi32, #tpu.memory_space<vmem>>
      %dma_wait3A_831 = tpu.memref_squeeze %dma_wait3A_830 : memref<1x1x64xi32, #tpu.memory_space<vmem>> -> memref<64xi32, #tpu.memory_space<vmem>>
      %dma_wait3A_832 = arith.constant 0 : i32
      %dma_wait3A_833 = arith.constant 0 : i32
      %dma_wait3A_834 = tpu.memref_slice %arg2[%dma_wait3A_832, %dma_wait3A_833] : memref<10000x128xf32, #tpu.memory_space<hbm>> -> memref<10000x128xf32, #tpu.memory_space<hbm>>
      tpu.wait_indirect_dma semaphore(%arg12 : memref<!tpu.dma_semaphore, #tpu.memory_space<semaphore_mem>>) src(%dma_wait3A_834 : memref<10000x128xf32, #tpu.memory_space<hbm>>) dst(%dma_wait3A_828 : memref<64x128xf32, #tpu.memory_space<vmem>>)
      %jit3A_835 = arith.constant 8 : i32
      %div3A_836 = arith.divsi %add3A_767, %jit3A_835 : i32
      %sign3A_837 = arith.constant 0 : i32
      %sign3A_838 = arith.cmpi sgt, %add3A_767, %sign3A_837 : i32
      %sign3A_839 = arith.extui %sign3A_838 : i1 to i32
      %sign3A_840 = arith.constant 0 : i32
      %sign3A_841 = arith.cmpi slt, %add3A_767, %sign3A_840 : i32
      %sign3A_842 = arith.extui %sign3A_841 : i1 to i32
      %sign3A_843 = arith.subi %sign3A_839, %sign3A_842 : i32
      %sign3A_844 = arith.constant 0 : i32
      %sign3A_845 = arith.cmpi sgt, %jit3A_835, %sign3A_844 : i32
      %sign3A_846 = arith.extui %sign3A_845 : i1 to i32
      %sign3A_847 = arith.constant 0 : i32
      %sign3A_848 = arith.cmpi slt, %jit3A_835, %sign3A_847 : i32
      %sign3A_849 = arith.extui %sign3A_848 : i1 to i32
      %sign3A_850 = arith.subi %sign3A_846, %sign3A_849 : i32
      %ne3A_851 = arith.cmpi ne, %sign3A_843, %sign3A_850 : i32
      %rem3A_852 = arith.remsi %add3A_767, %jit3A_835 : i32
      %ne3A_853 = arith.constant 0 : i32
      %ne3A_854 = arith.cmpi ne, %rem3A_852, %ne3A_853 : i32
      %and3A_855 = arith.andi %ne3A_851, %ne3A_854 : i1
      %sub3A_856 = arith.constant 1 : i32
      %sub3A_857 = arith.subi %div3A_836, %sub3A_856 : i32
      %select_n3A_858 = arith.select %and3A_855, %sub3A_857, %div3A_836 : i32
      %jit3A_859 = arith.constant 2 : i32
      %eq3A_860 = arith.constant 0 : i32
      %eq3A_861 = arith.cmpi eq, %jit3A_859, %eq3A_860 : i32
      %jit3A_862 = arith.constant 1 : i32
      %select_n3A_863 = arith.select %eq3A_861, %jit3A_862, %jit3A_859 : i32
      %rem3A_864 = arith.remsi %select_n3A_858, %select_n3A_863 : i32
      %ne3A_865 = arith.constant 0 : i32
      %ne3A_866 = arith.cmpi ne, %rem3A_864, %ne3A_865 : i32
      %lt3A_867 = arith.constant 0 : i32
      %lt3A_868 = arith.cmpi slt, %rem3A_864, %lt3A_867 : i32
      %lt3A_869 = arith.constant 0 : i32
      %lt3A_870 = arith.cmpi slt, %select_n3A_863, %lt3A_869 : i32
      %ne3A_871 = arith.xori %lt3A_868, %lt3A_870 : i1
      %and3A_872 = arith.andi %ne3A_871, %ne3A_866 : i1
      %add3A_873 = arith.addi %rem3A_864, %select_n3A_863 : i32
      %select_n3A_874 = arith.select %and3A_872, %add3A_873, %rem3A_864 : i32
      %jit3A_875 = arith.constant 8 : i32
      %eq3A_876 = arith.constant 0 : i32
      %eq3A_877 = arith.cmpi eq, %jit3A_875, %eq3A_876 : i32
      %jit3A_878 = arith.constant 1 : i32
      %select_n3A_879 = arith.select %eq3A_877, %jit3A_878, %jit3A_875 : i32
      %rem3A_880 = arith.remsi %add3A_767, %select_n3A_879 : i32
      %ne3A_881 = arith.constant 0 : i32
      %ne3A_882 = arith.cmpi ne, %rem3A_880, %ne3A_881 : i32
      %lt3A_883 = arith.constant 0 : i32
      %lt3A_884 = arith.cmpi slt, %rem3A_880, %lt3A_883 : i32
      %lt3A_885 = arith.constant 0 : i32
      %lt3A_886 = arith.cmpi slt, %select_n3A_879, %lt3A_885 : i32
      %ne3A_887 = arith.xori %lt3A_884, %lt3A_886 : i1
      %and3A_888 = arith.andi %ne3A_887, %ne3A_882 : i1
      %add3A_889 = arith.addi %rem3A_880, %select_n3A_879 : i32
      %select_n3A_890 = arith.select %and3A_888, %add3A_889, %rem3A_880 : i32
      %dma_start3A_891 = arith.constant 3 : i32
      %dma_start3A_892 = arith.constant 0 : i32
      %dma_start3A_893 = arith.constant 0 : i32
      %dma_start3A_894 = tpu.memref_slice %arg7[%dma_start3A_891, %dma_start3A_892, %dma_start3A_893] : memref<4x64x128xf32, #tpu.memory_space<vmem>> -> memref<1x64x128xf32, #tpu.memory_space<vmem>>
      %dma_start3A_895 = tpu.memref_squeeze %dma_start3A_894 : memref<1x64x128xf32, #tpu.memory_space<vmem>> -> memref<64x128xf32, #tpu.memory_space<vmem>>
      %dma_start3A_896 = arith.constant 0 : i32
      %dma_start3A_897 = tpu.memref_slice %arg6[%select_n3A_874, %select_n3A_890, %dma_start3A_896] : memref<2x8x64xi32, #tpu.memory_space<vmem>> -> memref<1x1x64xi32, #tpu.memory_space<vmem>>
      %dma_start3A_898 = tpu.memref_squeeze %dma_start3A_897 : memref<1x1x64xi32, #tpu.memory_space<vmem>> -> memref<64xi32, #tpu.memory_space<vmem>>
      %dma_start3A_899 = arith.constant 0 : i32
      %dma_start3A_900 = arith.constant 0 : i32
      %dma_start3A_901 = tpu.memref_slice %arg8[%dma_start3A_899, %dma_start3A_900] : memref<10240x128xf32, #tpu.memory_space<vmem_shared>> -> memref<10240x128xf32, #tpu.memory_space<vmem_shared>>
      tpu.enqueue_indirect_dma source(%dma_start3A_895 : memref<64x128xf32, #tpu.memory_space<vmem>>) target(%dma_start3A_901 : memref<10240x128xf32, #tpu.memory_space<vmem_shared>>) offsets(%dma_start3A_898 : memref<64xi32, #tpu.memory_space<vmem>>) semaphore(%arg16 : memref<!tpu.dma_semaphore, #tpu.memory_space<semaphore_mem>>) {add = true}
      %ge3A_902 = arith.constant 1 : i32
      %ge3A_903 = arith.cmpi sge, %add3A_767, %ge3A_902 : i32
      %convert_element_type3A_904 = arith.extui %ge3A_903 : i1 to i32
      %cond3A_905 = arith.constant 0 : i32
      %cond3A_906 = arith.cmpi ne, %convert_element_type3A_904, %cond3A_905 : i32
      scf.if %cond3A_906 {
        %sub3A_961 = arith.constant 1 : i32
        %sub3A_962 = arith.subi %add3A_767, %sub3A_961 : i32
        %jit3A_963 = arith.constant 8 : i32
        %div3A_964 = arith.divsi %sub3A_962, %jit3A_963 : i32
        %sign3A_965 = arith.constant 0 : i32
        %sign3A_966 = arith.cmpi sgt, %sub3A_962, %sign3A_965 : i32
        %sign3A_967 = arith.extui %sign3A_966 : i1 to i32
        %sign3A_968 = arith.constant 0 : i32
        %sign3A_969 = arith.cmpi slt, %sub3A_962, %sign3A_968 : i32
        %sign3A_970 = arith.extui %sign3A_969 : i1 to i32
        %sign3A_971 = arith.subi %sign3A_967, %sign3A_970 : i32
        %sign3A_972 = arith.constant 0 : i32
        %sign3A_973 = arith.cmpi sgt, %jit3A_963, %sign3A_972 : i32
        %sign3A_974 = arith.extui %sign3A_973 : i1 to i32
        %sign3A_975 = arith.constant 0 : i32
        %sign3A_976 = arith.cmpi slt, %jit3A_963, %sign3A_975 : i32
        %sign3A_977 = arith.extui %sign3A_976 : i1 to i32
        %sign3A_978 = arith.subi %sign3A_974, %sign3A_977 : i32
        %ne3A_979 = arith.cmpi ne, %sign3A_971, %sign3A_978 : i32
        %rem3A_980 = arith.remsi %sub3A_962, %jit3A_963 : i32
        %ne3A_981 = arith.constant 0 : i32
        %ne3A_982 = arith.cmpi ne, %rem3A_980, %ne3A_981 : i32
        %and3A_983 = arith.andi %ne3A_979, %ne3A_982 : i1
        %sub3A_984 = arith.constant 1 : i32
        %sub3A_985 = arith.subi %div3A_964, %sub3A_984 : i32
        %select_n3A_986 = arith.select %and3A_983, %sub3A_985, %div3A_964 : i32
        %jit3A_987 = arith.constant 2 : i32
        %eq3A_988 = arith.constant 0 : i32
        %eq3A_989 = arith.cmpi eq, %jit3A_987, %eq3A_988 : i32
        %jit3A_990 = arith.constant 1 : i32
        %select_n3A_991 = arith.select %eq3A_989, %jit3A_990, %jit3A_987 : i32
        %rem3A_992 = arith.remsi %select_n3A_986, %select_n3A_991 : i32
        %ne3A_993 = arith.constant 0 : i32
        %ne3A_994 = arith.cmpi ne, %rem3A_992, %ne3A_993 : i32
        %lt3A_995 = arith.constant 0 : i32
        %lt3A_996 = arith.cmpi slt, %rem3A_992, %lt3A_995 : i32
        %lt3A_997 = arith.constant 0 : i32
        %lt3A_998 = arith.cmpi slt, %select_n3A_991, %lt3A_997 : i32
        %ne3A_999 = arith.xori %lt3A_996, %lt3A_998 : i1
        %and3A_1000 = arith.andi %ne3A_999, %ne3A_994 : i1
        %add3A_1001 = arith.addi %rem3A_992, %select_n3A_991 : i32
        %select_n3A_1002 = arith.select %and3A_1000, %add3A_1001, %rem3A_992 : i32
        %jit3A_1003 = arith.constant 8 : i32
        %eq3A_1004 = arith.constant 0 : i32
        %eq3A_1005 = arith.cmpi eq, %jit3A_1003, %eq3A_1004 : i32
        %jit3A_1006 = arith.constant 1 : i32
        %select_n3A_1007 = arith.select %eq3A_1005, %jit3A_1006, %jit3A_1003 : i32
        %rem3A_1008 = arith.remsi %sub3A_962, %select_n3A_1007 : i32
        %ne3A_1009 = arith.constant 0 : i32
        %ne3A_1010 = arith.cmpi ne, %rem3A_1008, %ne3A_1009 : i32
        %lt3A_1011 = arith.constant 0 : i32
        %lt3A_1012 = arith.cmpi slt, %rem3A_1008, %lt3A_1011 : i32
        %lt3A_1013 = arith.constant 0 : i32
        %lt3A_1014 = arith.cmpi slt, %select_n3A_1007, %lt3A_1013 : i32
        %ne3A_1015 = arith.xori %lt3A_1012, %lt3A_1014 : i1
        %and3A_1016 = arith.andi %ne3A_1015, %ne3A_1010 : i1
        %add3A_1017 = arith.addi %rem3A_1008, %select_n3A_1007 : i32
        %select_n3A_1018 = arith.select %and3A_1016, %add3A_1017, %rem3A_1008 : i32
        %dma_wait3A_1019 = arith.constant 2 : i32
        %dma_wait3A_1020 = arith.constant 0 : i32
        %dma_wait3A_1021 = arith.constant 0 : i32
        %dma_wait3A_1022 = tpu.memref_slice %arg7[%dma_wait3A_1019, %dma_wait3A_1020, %dma_wait3A_1021] : memref<4x64x128xf32, #tpu.memory_space<vmem>> -> memref<1x64x128xf32, #tpu.memory_space<vmem>>
        %dma_wait3A_1023 = tpu.memref_squeeze %dma_wait3A_1022 : memref<1x64x128xf32, #tpu.memory_space<vmem>> -> memref<64x128xf32, #tpu.memory_space<vmem>>
        %dma_wait3A_1024 = arith.constant 0 : i32
        %dma_wait3A_1025 = tpu.memref_slice %arg6[%select_n3A_1002, %select_n3A_1018, %dma_wait3A_1024] : memref<2x8x64xi32, #tpu.memory_space<vmem>> -> memref<1x1x64xi32, #tpu.memory_space<vmem>>
        %dma_wait3A_1026 = tpu.memref_squeeze %dma_wait3A_1025 : memref<1x1x64xi32, #tpu.memory_space<vmem>> -> memref<64xi32, #tpu.memory_space<vmem>>
        %dma_wait3A_1027 = arith.constant 0 : i32
        %dma_wait3A_1028 = arith.constant 0 : i32
        %dma_wait3A_1029 = tpu.memref_slice %arg8[%dma_wait3A_1027, %dma_wait3A_1028] : memref<10240x128xf32, #tpu.memory_space<vmem_shared>> -> memref<10240x128xf32, #tpu.memory_space<vmem_shared>>
        tpu.wait_indirect_dma semaphore(%arg15 : memref<!tpu.dma_semaphore, #tpu.memory_space<semaphore_mem>>) src(%dma_wait3A_1023 : memref<64x128xf32, #tpu.memory_space<vmem>>) dst(%dma_wait3A_1029 : memref<10240x128xf32, #tpu.memory_space<vmem_shared>>)
      } else {
      }
      %add3A_907 = arith.constant 3 : i32
      %add3A_908 = arith.addi %add3A_767, %add3A_907 : i32
      %jit3A_909 = arith.constant 8 : i32
      %eq3A_910 = arith.constant 0 : i32
      %eq3A_911 = arith.cmpi eq, %jit3A_909, %eq3A_910 : i32
      %jit3A_912 = arith.constant 1 : i32
      %select_n3A_913 = arith.select %eq3A_911, %jit3A_912, %jit3A_909 : i32
      %rem3A_914 = arith.remsi %add3A_767, %select_n3A_913 : i32
      %ne3A_915 = arith.constant 0 : i32
      %ne3A_916 = arith.cmpi ne, %rem3A_914, %ne3A_915 : i32
      %lt3A_917 = arith.constant 0 : i32
      %lt3A_918 = arith.cmpi slt, %rem3A_914, %lt3A_917 : i32
      %lt3A_919 = arith.constant 0 : i32
      %lt3A_920 = arith.cmpi slt, %select_n3A_913, %lt3A_919 : i32
      %ne3A_921 = arith.xori %lt3A_918, %lt3A_920 : i1
      %and3A_922 = arith.andi %ne3A_921, %ne3A_916 : i1
      %add3A_923 = arith.addi %rem3A_914, %select_n3A_913 : i32
      %select_n3A_924 = arith.select %and3A_922, %add3A_923, %rem3A_914 : i32
      %eq3A_925 = arith.constant 2 : i32
      %eq3A_926 = arith.cmpi eq, %select_n3A_924, %eq3A_925 : i32
      %sub3A_927 = arith.constant 8 : i32
      %sub3A_928 = arith.subi %mul3A_12, %sub3A_927 : i32
      %lt3A_929 = arith.cmpi slt, %add3A_767, %sub3A_928 : i32
      %and3A_930 = arith.andi %eq3A_926, %lt3A_929 : i1
      %convert_element_type3A_931 = arith.extui %and3A_930 : i1 to i32
      %cond3A_932 = arith.constant 0 : i32
      %cond3A_933 = arith.cmpi ne, %convert_element_type3A_931, %cond3A_932 : i32
      scf.if %cond3A_933 {
        %jit3A_961 = arith.constant 8 : i32
        %div3A_962 = arith.divsi %add3A_767, %jit3A_961 : i32
        %sign3A_963 = arith.constant 0 : i32
        %sign3A_964 = arith.cmpi sgt, %add3A_767, %sign3A_963 : i32
        %sign3A_965 = arith.extui %sign3A_964 : i1 to i32
        %sign3A_966 = arith.constant 0 : i32
        %sign3A_967 = arith.cmpi slt, %add3A_767, %sign3A_966 : i32
        %sign3A_968 = arith.extui %sign3A_967 : i1 to i32
        %sign3A_969 = arith.subi %sign3A_965, %sign3A_968 : i32
        %sign3A_970 = arith.constant 0 : i32
        %sign3A_971 = arith.cmpi sgt, %jit3A_961, %sign3A_970 : i32
        %sign3A_972 = arith.extui %sign3A_971 : i1 to i32
        %sign3A_973 = arith.constant 0 : i32
        %sign3A_974 = arith.cmpi slt, %jit3A_961, %sign3A_973 : i32
        %sign3A_975 = arith.extui %sign3A_974 : i1 to i32
        %sign3A_976 = arith.subi %sign3A_972, %sign3A_975 : i32
        %ne3A_977 = arith.cmpi ne, %sign3A_969, %sign3A_976 : i32
        %rem3A_978 = arith.remsi %add3A_767, %jit3A_961 : i32
        %ne3A_979 = arith.constant 0 : i32
        %ne3A_980 = arith.cmpi ne, %rem3A_978, %ne3A_979 : i32
        %and3A_981 = arith.andi %ne3A_977, %ne3A_980 : i1
        %sub3A_982 = arith.constant 1 : i32
        %sub3A_983 = arith.subi %div3A_962, %sub3A_982 : i32
        %select_n3A_984 = arith.select %and3A_981, %sub3A_983, %div3A_962 : i32
        %add3A_985 = arith.constant 1 : i32
        %add3A_986 = arith.addi %select_n3A_984, %add3A_985 : i32
        %jit3A_987 = arith.constant 2 : i32
        %eq3A_988 = arith.constant 0 : i32
        %eq3A_989 = arith.cmpi eq, %jit3A_987, %eq3A_988 : i32
        %jit3A_990 = arith.constant 1 : i32
        %select_n3A_991 = arith.select %eq3A_989, %jit3A_990, %jit3A_987 : i32
        %rem3A_992 = arith.remsi %add3A_986, %select_n3A_991 : i32
        %ne3A_993 = arith.constant 0 : i32
        %ne3A_994 = arith.cmpi ne, %rem3A_992, %ne3A_993 : i32
        %lt3A_995 = arith.constant 0 : i32
        %lt3A_996 = arith.cmpi slt, %rem3A_992, %lt3A_995 : i32
        %lt3A_997 = arith.constant 0 : i32
        %lt3A_998 = arith.cmpi slt, %select_n3A_991, %lt3A_997 : i32
        %ne3A_999 = arith.xori %lt3A_996, %lt3A_998 : i1
        %and3A_1000 = arith.andi %ne3A_999, %ne3A_994 : i1
        %add3A_1001 = arith.addi %rem3A_992, %select_n3A_991 : i32
        %select_n3A_1002 = arith.select %and3A_1000, %add3A_1001, %rem3A_992 : i32
        %mul3A_1003 = arith.constant 8 : i32
        %mul3A_1004 = arith.muli %add3A_986, %mul3A_1003 : i32
        %add3A_1005 = arith.addi %mul3A_6, %mul3A_1004 : i32
        %dma_start3A_1006 = arith.constant 0 : i32
        %dma_start3A_1007 = arith.constant 0 : i32
        %dma_start3A_1008 = arith.constant 0 : i32
        %dma_start3A_1009 = tpu.memref_slice %arg5[%select_n3A_1002, %dma_start3A_1007, %dma_start3A_1008] : memref<2x8x64xi32, #tpu.memory_space<vmem>> -> memref<1x8x64xi32, #tpu.memory_space<vmem>>
        %dma_start3A_1010 = tpu.memref_squeeze %dma_start3A_1009 : memref<1x8x64xi32, #tpu.memory_space<vmem>> -> memref<8x64xi32, #tpu.memory_space<vmem>>
        %dma_start3A_1011 = arith.constant 0 : i32
        %dma_start3A_1012 = tpu.memref_slice %arg3[%dma_start3A_1006, %add3A_1005, %dma_start3A_1011] : memref<2x5000x64xi32, #tpu.memory_space<hbm>> -> memref<1x8x64xi32, #tpu.memory_space<hbm>>
        %dma_start3A_1013 = tpu.memref_squeeze %dma_start3A_1012 : memref<1x8x64xi32, #tpu.memory_space<hbm>> -> memref<8x64xi32, #tpu.memory_space<hbm>>
        %dma_start3A_1014 = arith.constant 0 : i32
        %dma_start3A_1015 = arith.constant 0 : i32
        %dma_start3A_1016 = tpu.memref_slice %arg5[%select_n3A_1002, %dma_start3A_1014, %dma_start3A_1015] : memref<2x8x64xi32, #tpu.memory_space<vmem>> -> memref<1x8x64xi32, #tpu.memory_space<vmem>>
        %dma_start3A_1017 = tpu.memref_squeeze %dma_start3A_1016 : memref<1x8x64xi32, #tpu.memory_space<vmem>> -> memref<8x64xi32, #tpu.memory_space<vmem>>
        %dma_start3A_1018 = arith.constant 0 : i32
        %dma_start3A_1019 = tpu.memref_slice %arg3[%dma_start3A_1006, %add3A_1005, %dma_start3A_1018] : memref<2x5000x64xi32, #tpu.memory_space<hbm>> -> memref<1x8x64xi32, #tpu.memory_space<hbm>>
        %dma_start3A_1020 = tpu.memref_squeeze %dma_start3A_1019 : memref<1x8x64xi32, #tpu.memory_space<hbm>> -> memref<8x64xi32, #tpu.memory_space<hbm>>
        tpu.enqueue_dma source(%dma_start3A_1020 : memref<8x64xi32, #tpu.memory_space<hbm>>) target(%dma_start3A_1017 : memref<8x64xi32, #tpu.memory_space<vmem>>) target_semaphore(%arg17 : memref<!tpu.dma_semaphore, #tpu.memory_space<semaphore_mem>>)
        %dma_start3A_1021 = arith.constant 1 : i32
        %dma_start3A_1022 = arith.constant 0 : i32
        %dma_start3A_1023 = arith.constant 0 : i32
        %dma_start3A_1024 = tpu.memref_slice %arg6[%select_n3A_1002, %dma_start3A_1022, %dma_start3A_1023] : memref<2x8x64xi32, #tpu.memory_space<vmem>> -> memref<1x8x64xi32, #tpu.memory_space<vmem>>
        %dma_start3A_1025 = tpu.memref_squeeze %dma_start3A_1024 : memref<1x8x64xi32, #tpu.memory_space<vmem>> -> memref<8x64xi32, #tpu.memory_space<vmem>>
        %dma_start3A_1026 = arith.constant 0 : i32
        %dma_start3A_1027 = tpu.memref_slice %arg3[%dma_start3A_1021, %add3A_1005, %dma_start3A_1026] : memref<2x5000x64xi32, #tpu.memory_space<hbm>> -> memref<1x8x64xi32, #tpu.memory_space<hbm>>
        %dma_start3A_1028 = tpu.memref_squeeze %dma_start3A_1027 : memref<1x8x64xi32, #tpu.memory_space<hbm>> -> memref<8x64xi32, #tpu.memory_space<hbm>>
        %dma_start3A_1029 = arith.constant 0 : i32
        %dma_start3A_1030 = arith.constant 0 : i32
        %dma_start3A_1031 = tpu.memref_slice %arg6[%select_n3A_1002, %dma_start3A_1029, %dma_start3A_1030] : memref<2x8x64xi32, #tpu.memory_space<vmem>> -> memref<1x8x64xi32, #tpu.memory_space<vmem>>
        %dma_start3A_1032 = tpu.memref_squeeze %dma_start3A_1031 : memref<1x8x64xi32, #tpu.memory_space<vmem>> -> memref<8x64xi32, #tpu.memory_space<vmem>>
        %dma_start3A_1033 = arith.constant 0 : i32
        %dma_start3A_1034 = tpu.memref_slice %arg3[%dma_start3A_1021, %add3A_1005, %dma_start3A_1033] : memref<2x5000x64xi32, #tpu.memory_space<hbm>> -> memref<1x8x64xi32, #tpu.memory_space<hbm>>
        %dma_start3A_1035 = tpu.memref_squeeze %dma_start3A_1034 : memref<1x8x64xi32, #tpu.memory_space<hbm>> -> memref<8x64xi32, #tpu.memory_space<hbm>>
        tpu.enqueue_dma source(%dma_start3A_1035 : memref<8x64xi32, #tpu.memory_space<hbm>>) target(%dma_start3A_1032 : memref<8x64xi32, #tpu.memory_space<vmem>>) target_semaphore(%arg17 : memref<!tpu.dma_semaphore, #tpu.memory_space<semaphore_mem>>)
      } else {
      }
      %jit3A_934 = arith.constant 8 : i32
      %eq3A_935 = arith.constant 0 : i32
      %eq3A_936 = arith.cmpi eq, %jit3A_934, %eq3A_935 : i32
      %jit3A_937 = arith.constant 1 : i32
      %select_n3A_938 = arith.select %eq3A_936, %jit3A_937, %jit3A_934 : i32
      %rem3A_939 = arith.remsi %add3A_908, %select_n3A_938 : i32
      %ne3A_940 = arith.constant 0 : i32
      %ne3A_941 = arith.cmpi ne, %rem3A_939, %ne3A_940 : i32
      %lt3A_942 = arith.constant 0 : i32
      %lt3A_943 = arith.cmpi slt, %rem3A_939, %lt3A_942 : i32
      %lt3A_944 = arith.constant 0 : i32
      %lt3A_945 = arith.cmpi slt, %select_n3A_938, %lt3A_944 : i32
      %ne3A_946 = arith.xori %lt3A_943, %lt3A_945 : i1
      %and3A_947 = arith.andi %ne3A_946, %ne3A_941 : i1
      %add3A_948 = arith.addi %rem3A_939, %select_n3A_938 : i32
      %select_n3A_949 = arith.select %and3A_947, %add3A_948, %rem3A_939 : i32
      %eq3A_950 = arith.constant 0 : i32
      %eq3A_951 = arith.cmpi eq, %select_n3A_949, %eq3A_950 : i32
      %lt3A_952 = arith.cmpi slt, %add3A_908, %mul3A_12 : i32
      %and3A_953 = arith.andi %eq3A_951, %lt3A_952 : i1
      %convert_element_type3A_954 = arith.extui %and3A_953 : i1 to i32
      %cond3A_955 = arith.constant 0 : i32
      %cond3A_956 = arith.cmpi ne, %convert_element_type3A_954, %cond3A_955 : i32
      scf.if %cond3A_956 {
        %jit3A_961 = arith.constant 8 : i32
        %div3A_962 = arith.divsi %add3A_908, %jit3A_961 : i32
        %sign3A_963 = arith.constant 0 : i32
        %sign3A_964 = arith.cmpi sgt, %add3A_908, %sign3A_963 : i32
        %sign3A_965 = arith.extui %sign3A_964 : i1 to i32
        %sign3A_966 = arith.constant 0 : i32
        %sign3A_967 = arith.cmpi slt, %add3A_908, %sign3A_966 : i32
        %sign3A_968 = arith.extui %sign3A_967 : i1 to i32
        %sign3A_969 = arith.subi %sign3A_965, %sign3A_968 : i32
        %sign3A_970 = arith.constant 0 : i32
        %sign3A_971 = arith.cmpi sgt, %jit3A_961, %sign3A_970 : i32
        %sign3A_972 = arith.extui %sign3A_971 : i1 to i32
        %sign3A_973 = arith.constant 0 : i32
        %sign3A_974 = arith.cmpi slt, %jit3A_961, %sign3A_973 : i32
        %sign3A_975 = arith.extui %sign3A_974 : i1 to i32
        %sign3A_976 = arith.subi %sign3A_972, %sign3A_975 : i32
        %ne3A_977 = arith.cmpi ne, %sign3A_969, %sign3A_976 : i32
        %rem3A_978 = arith.remsi %add3A_908, %jit3A_961 : i32
        %ne3A_979 = arith.constant 0 : i32
        %ne3A_980 = arith.cmpi ne, %rem3A_978, %ne3A_979 : i32
        %and3A_981 = arith.andi %ne3A_977, %ne3A_980 : i1
        %sub3A_982 = arith.constant 1 : i32
        %sub3A_983 = arith.subi %div3A_962, %sub3A_982 : i32
        %select_n3A_984 = arith.select %and3A_981, %sub3A_983, %div3A_962 : i32
        %jit3A_985 = arith.constant 8 : i32
        %div3A_986 = arith.divsi %add3A_908, %jit3A_985 : i32
        %sign3A_987 = arith.constant 0 : i32
        %sign3A_988 = arith.cmpi sgt, %add3A_908, %sign3A_987 : i32
        %sign3A_989 = arith.extui %sign3A_988 : i1 to i32
        %sign3A_990 = arith.constant 0 : i32
        %sign3A_991 = arith.cmpi slt, %add3A_908, %sign3A_990 : i32
        %sign3A_992 = arith.extui %sign3A_991 : i1 to i32
        %sign3A_993 = arith.subi %sign3A_989, %sign3A_992 : i32
        %sign3A_994 = arith.constant 0 : i32
        %sign3A_995 = arith.cmpi sgt, %jit3A_985, %sign3A_994 : i32
        %sign3A_996 = arith.extui %sign3A_995 : i1 to i32
        %sign3A_997 = arith.constant 0 : i32
        %sign3A_998 = arith.cmpi slt, %jit3A_985, %sign3A_997 : i32
        %sign3A_999 = arith.extui %sign3A_998 : i1 to i32
        %sign3A_1000 = arith.subi %sign3A_996, %sign3A_999 : i32
        %ne3A_1001 = arith.cmpi ne, %sign3A_993, %sign3A_1000 : i32
        %rem3A_1002 = arith.remsi %add3A_908, %jit3A_985 : i32
        %ne3A_1003 = arith.constant 0 : i32
        %ne3A_1004 = arith.cmpi ne, %rem3A_1002, %ne3A_1003 : i32
        %and3A_1005 = arith.andi %ne3A_1001, %ne3A_1004 : i1
        %sub3A_1006 = arith.constant 1 : i32
        %sub3A_1007 = arith.subi %div3A_986, %sub3A_1006 : i32
        %select_n3A_1008 = arith.select %and3A_1005, %sub3A_1007, %div3A_986 : i32
        %jit3A_1009 = arith.constant 2 : i32
        %eq3A_1010 = arith.constant 0 : i32
        %eq3A_1011 = arith.cmpi eq, %jit3A_1009, %eq3A_1010 : i32
        %jit3A_1012 = arith.constant 1 : i32
        %select_n3A_1013 = arith.select %eq3A_1011, %jit3A_1012, %jit3A_1009 : i32
        %rem3A_1014 = arith.remsi %select_n3A_1008, %select_n3A_1013 : i32
        %ne3A_1015 = arith.constant 0 : i32
        %ne3A_1016 = arith.cmpi ne, %rem3A_1014, %ne3A_1015 : i32
        %lt3A_1017 = arith.constant 0 : i32
        %lt3A_1018 = arith.cmpi slt, %rem3A_1014, %lt3A_1017 : i32
        %lt3A_1019 = arith.constant 0 : i32
        %lt3A_1020 = arith.cmpi slt, %select_n3A_1013, %lt3A_1019 : i32
        %ne3A_1021 = arith.xori %lt3A_1018, %lt3A_1020 : i1
        %and3A_1022 = arith.andi %ne3A_1021, %ne3A_1016 : i1
        %add3A_1023 = arith.addi %rem3A_1014, %select_n3A_1013 : i32
        %select_n3A_1024 = arith.select %and3A_1022, %add3A_1023, %rem3A_1014 : i32
        %mul3A_1025 = arith.constant 8 : i32
        %mul3A_1026 = arith.muli %select_n3A_984, %mul3A_1025 : i32
        %add3A_1027 = arith.addi %mul3A_6, %mul3A_1026 : i32
        %dma_wait3A_1028 = arith.constant 0 : i32
        %dma_wait3A_1029 = arith.constant 0 : i32
        %dma_wait3A_1030 = arith.constant 0 : i32
        %dma_wait3A_1031 = tpu.memref_slice %arg5[%select_n3A_1024, %dma_wait3A_1029, %dma_wait3A_1030] : memref<2x8x64xi32, #tpu.memory_space<vmem>> -> memref<1x8x64xi32, #tpu.memory_space<vmem>>
        %dma_wait3A_1032 = tpu.memref_squeeze %dma_wait3A_1031 : memref<1x8x64xi32, #tpu.memory_space<vmem>> -> memref<8x64xi32, #tpu.memory_space<vmem>>
        %dma_wait3A_1033 = arith.constant 0 : i32
        %dma_wait3A_1034 = tpu.memref_slice %arg3[%dma_wait3A_1028, %add3A_1027, %dma_wait3A_1033] : memref<2x5000x64xi32, #tpu.memory_space<hbm>> -> memref<1x8x64xi32, #tpu.memory_space<hbm>>
        %dma_wait3A_1035 = tpu.memref_squeeze %dma_wait3A_1034 : memref<1x8x64xi32, #tpu.memory_space<hbm>> -> memref<8x64xi32, #tpu.memory_space<hbm>>
        %dma_wait3A_1036 = arith.constant 0 : i32
        %dma_wait3A_1037 = arith.constant 0 : i32
        %dma_wait3A_1038 = tpu.memref_slice %arg5[%select_n3A_1024, %dma_wait3A_1036, %dma_wait3A_1037] : memref<2x8x64xi32, #tpu.memory_space<vmem>> -> memref<1x8x64xi32, #tpu.memory_space<vmem>>
        %dma_wait3A_1039 = tpu.memref_squeeze %dma_wait3A_1038 : memref<1x8x64xi32, #tpu.memory_space<vmem>> -> memref<8x64xi32, #tpu.memory_space<vmem>>
        %dma_wait3A_1040 = arith.constant 0 : i32
        %dma_wait3A_1041 = tpu.memref_slice %arg3[%dma_wait3A_1028, %add3A_1027, %dma_wait3A_1040] : memref<2x5000x64xi32, #tpu.memory_space<hbm>> -> memref<1x8x64xi32, #tpu.memory_space<hbm>>
        %dma_wait3A_1042 = tpu.memref_squeeze %dma_wait3A_1041 : memref<1x8x64xi32, #tpu.memory_space<hbm>> -> memref<8x64xi32, #tpu.memory_space<hbm>>
        tpu.wait_dma2 semaphore(%arg17 : memref<!tpu.dma_semaphore, #tpu.memory_space<semaphore_mem>>) src(%dma_wait3A_1042 : memref<8x64xi32, #tpu.memory_space<hbm>>) dst(%dma_wait3A_1039 : memref<8x64xi32, #tpu.memory_space<vmem>>)
        %dma_wait3A_1043 = arith.constant 1 : i32
        %dma_wait3A_1044 = arith.constant 0 : i32
        %dma_wait3A_1045 = arith.constant 0 : i32
        %dma_wait3A_1046 = tpu.memref_slice %arg6[%select_n3A_1024, %dma_wait3A_1044, %dma_wait3A_1045] : memref<2x8x64xi32, #tpu.memory_space<vmem>> -> memref<1x8x64xi32, #tpu.memory_space<vmem>>
        %dma_wait3A_1047 = tpu.memref_squeeze %dma_wait3A_1046 : memref<1x8x64xi32, #tpu.memory_space<vmem>> -> memref<8x64xi32, #tpu.memory_space<vmem>>
        %dma_wait3A_1048 = arith.constant 0 : i32
        %dma_wait3A_1049 = tpu.memref_slice %arg3[%dma_wait3A_1043, %add3A_1027, %dma_wait3A_1048] : memref<2x5000x64xi32, #tpu.memory_space<hbm>> -> memref<1x8x64xi32, #tpu.memory_space<hbm>>
        %dma_wait3A_1050 = tpu.memref_squeeze %dma_wait3A_1049 : memref<1x8x64xi32, #tpu.memory_space<hbm>> -> memref<8x64xi32, #tpu.memory_space<hbm>>
        %dma_wait3A_1051 = arith.constant 0 : i32
        %dma_wait3A_1052 = arith.constant 0 : i32
        %dma_wait3A_1053 = tpu.memref_slice %arg6[%select_n3A_1024, %dma_wait3A_1051, %dma_wait3A_1052] : memref<2x8x64xi32, #tpu.memory_space<vmem>> -> memref<1x8x64xi32, #tpu.memory_space<vmem>>
        %dma_wait3A_1054 = tpu.memref_squeeze %dma_wait3A_1053 : memref<1x8x64xi32, #tpu.memory_space<vmem>> -> memref<8x64xi32, #tpu.memory_space<vmem>>
        %dma_wait3A_1055 = arith.constant 0 : i32
        %dma_wait3A_1056 = tpu.memref_slice %arg3[%dma_wait3A_1043, %add3A_1027, %dma_wait3A_1055] : memref<2x5000x64xi32, #tpu.memory_space<hbm>> -> memref<1x8x64xi32, #tpu.memory_space<hbm>>
        %dma_wait3A_1057 = tpu.memref_squeeze %dma_wait3A_1056 : memref<1x8x64xi32, #tpu.memory_space<hbm>> -> memref<8x64xi32, #tpu.memory_space<hbm>>
        tpu.wait_dma2 semaphore(%arg17 : memref<!tpu.dma_semaphore, #tpu.memory_space<semaphore_mem>>) src(%dma_wait3A_1057 : memref<8x64xi32, #tpu.memory_space<hbm>>) dst(%dma_wait3A_1054 : memref<8x64xi32, #tpu.memory_space<vmem>>)
      } else {
      }
      %lt3A_957 = arith.cmpi slt, %add3A_908, %mul3A_12 : i32
      %convert_element_type3A_958 = arith.extui %lt3A_957 : i1 to i32
      %cond3A_959 = arith.constant 0 : i32
      %cond3A_960 = arith.cmpi ne, %convert_element_type3A_958, %cond3A_959 : i32
      scf.if %cond3A_960 {
        %jit3A_961 = arith.constant 8 : i32
        %div3A_962 = arith.divsi %add3A_908, %jit3A_961 : i32
        %sign3A_963 = arith.constant 0 : i32
        %sign3A_964 = arith.cmpi sgt, %add3A_908, %sign3A_963 : i32
        %sign3A_965 = arith.extui %sign3A_964 : i1 to i32
        %sign3A_966 = arith.constant 0 : i32
        %sign3A_967 = arith.cmpi slt, %add3A_908, %sign3A_966 : i32
        %sign3A_968 = arith.extui %sign3A_967 : i1 to i32
        %sign3A_969 = arith.subi %sign3A_965, %sign3A_968 : i32
        %sign3A_970 = arith.constant 0 : i32
        %sign3A_971 = arith.cmpi sgt, %jit3A_961, %sign3A_970 : i32
        %sign3A_972 = arith.extui %sign3A_971 : i1 to i32
        %sign3A_973 = arith.constant 0 : i32
        %sign3A_974 = arith.cmpi slt, %jit3A_961, %sign3A_973 : i32
        %sign3A_975 = arith.extui %sign3A_974 : i1 to i32
        %sign3A_976 = arith.subi %sign3A_972, %sign3A_975 : i32
        %ne3A_977 = arith.cmpi ne, %sign3A_969, %sign3A_976 : i32
        %rem3A_978 = arith.remsi %add3A_908, %jit3A_961 : i32
        %ne3A_979 = arith.constant 0 : i32
        %ne3A_980 = arith.cmpi ne, %rem3A_978, %ne3A_979 : i32
        %and3A_981 = arith.andi %ne3A_977, %ne3A_980 : i1
        %sub3A_982 = arith.constant 1 : i32
        %sub3A_983 = arith.subi %div3A_962, %sub3A_982 : i32
        %select_n3A_984 = arith.select %and3A_981, %sub3A_983, %div3A_962 : i32
        %jit3A_985 = arith.constant 2 : i32
        %eq3A_986 = arith.constant 0 : i32
        %eq3A_987 = arith.cmpi eq, %jit3A_985, %eq3A_986 : i32
        %jit3A_988 = arith.constant 1 : i32
        %select_n3A_989 = arith.select %eq3A_987, %jit3A_988, %jit3A_985 : i32
        %rem3A_990 = arith.remsi %select_n3A_984, %select_n3A_989 : i32
        %ne3A_991 = arith.constant 0 : i32
        %ne3A_992 = arith.cmpi ne, %rem3A_990, %ne3A_991 : i32
        %lt3A_993 = arith.constant 0 : i32
        %lt3A_994 = arith.cmpi slt, %rem3A_990, %lt3A_993 : i32
        %lt3A_995 = arith.constant 0 : i32
        %lt3A_996 = arith.cmpi slt, %select_n3A_989, %lt3A_995 : i32
        %ne3A_997 = arith.xori %lt3A_994, %lt3A_996 : i1
        %and3A_998 = arith.andi %ne3A_997, %ne3A_992 : i1
        %add3A_999 = arith.addi %rem3A_990, %select_n3A_989 : i32
        %select_n3A_1000 = arith.select %and3A_998, %add3A_999, %rem3A_990 : i32
        %jit3A_1001 = arith.constant 8 : i32
        %eq3A_1002 = arith.constant 0 : i32
        %eq3A_1003 = arith.cmpi eq, %jit3A_1001, %eq3A_1002 : i32
        %jit3A_1004 = arith.constant 1 : i32
        %select_n3A_1005 = arith.select %eq3A_1003, %jit3A_1004, %jit3A_1001 : i32
        %rem3A_1006 = arith.remsi %add3A_908, %select_n3A_1005 : i32
        %ne3A_1007 = arith.constant 0 : i32
        %ne3A_1008 = arith.cmpi ne, %rem3A_1006, %ne3A_1007 : i32
        %lt3A_1009 = arith.constant 0 : i32
        %lt3A_1010 = arith.cmpi slt, %rem3A_1006, %lt3A_1009 : i32
        %lt3A_1011 = arith.constant 0 : i32
        %lt3A_1012 = arith.cmpi slt, %select_n3A_1005, %lt3A_1011 : i32
        %ne3A_1013 = arith.xori %lt3A_1010, %lt3A_1012 : i1
        %and3A_1014 = arith.andi %ne3A_1013, %ne3A_1008 : i1
        %add3A_1015 = arith.addi %rem3A_1006, %select_n3A_1005 : i32
        %select_n3A_1016 = arith.select %and3A_1014, %add3A_1015, %rem3A_1006 : i32
        %dma_start3A_1017 = arith.constant 2 : i32
        %dma_start3A_1018 = arith.constant 0 : i32
        %dma_start3A_1019 = arith.constant 0 : i32
        %dma_start3A_1020 = tpu.memref_slice %arg7[%dma_start3A_1017, %dma_start3A_1018, %dma_start3A_1019] : memref<4x64x128xf32, #tpu.memory_space<vmem>> -> memref<1x64x128xf32, #tpu.memory_space<vmem>>
        %dma_start3A_1021 = tpu.memref_squeeze %dma_start3A_1020 : memref<1x64x128xf32, #tpu.memory_space<vmem>> -> memref<64x128xf32, #tpu.memory_space<vmem>>
        %dma_start3A_1022 = arith.constant 0 : i32
        %dma_start3A_1023 = tpu.memref_slice %arg5[%select_n3A_1000, %select_n3A_1016, %dma_start3A_1022] : memref<2x8x64xi32, #tpu.memory_space<vmem>> -> memref<1x1x64xi32, #tpu.memory_space<vmem>>
        %dma_start3A_1024 = tpu.memref_squeeze %dma_start3A_1023 : memref<1x1x64xi32, #tpu.memory_space<vmem>> -> memref<64xi32, #tpu.memory_space<vmem>>
        %dma_start3A_1025 = arith.constant 0 : i32
        %dma_start3A_1026 = arith.constant 0 : i32
        %dma_start3A_1027 = tpu.memref_slice %arg2[%dma_start3A_1025, %dma_start3A_1026] : memref<10000x128xf32, #tpu.memory_space<hbm>> -> memref<10000x128xf32, #tpu.memory_space<hbm>>
        tpu.enqueue_indirect_dma source(%dma_start3A_1027 : memref<10000x128xf32, #tpu.memory_space<hbm>>) target(%dma_start3A_1021 : memref<64x128xf32, #tpu.memory_space<vmem>>) offsets(%dma_start3A_1024 : memref<64xi32, #tpu.memory_space<vmem>>) semaphore(%arg11 : memref<!tpu.dma_semaphore, #tpu.memory_space<semaphore_mem>>)
      } else {
      }
    }
    %sub3A_100 = arith.constant 1 : i32
    %sub3A_101 = arith.subi %mul3A_12, %sub3A_100 : i32
    %jit3A_102 = arith.constant 8 : i32
    %div3A_103 = arith.divsi %sub3A_101, %jit3A_102 : i32
    %sign3A_104 = arith.constant 0 : i32
    %sign3A_105 = arith.cmpi sgt, %sub3A_101, %sign3A_104 : i32
    %sign3A_106 = arith.extui %sign3A_105 : i1 to i32
    %sign3A_107 = arith.constant 0 : i32
    %sign3A_108 = arith.cmpi slt, %sub3A_101, %sign3A_107 : i32
    %sign3A_109 = arith.extui %sign3A_108 : i1 to i32
    %sign3A_110 = arith.subi %sign3A_106, %sign3A_109 : i32
    %sign3A_111 = arith.constant 0 : i32
    %sign3A_112 = arith.cmpi sgt, %jit3A_102, %sign3A_111 : i32
    %sign3A_113 = arith.extui %sign3A_112 : i1 to i32
    %sign3A_114 = arith.constant 0 : i32
    %sign3A_115 = arith.cmpi slt, %jit3A_102, %sign3A_114 : i32
    %sign3A_116 = arith.extui %sign3A_115 : i1 to i32
    %sign3A_117 = arith.subi %sign3A_113, %sign3A_116 : i32
    %ne3A_118 = arith.cmpi ne, %sign3A_110, %sign3A_117 : i32
    %rem3A_119 = arith.remsi %sub3A_101, %jit3A_102 : i32
    %ne3A_120 = arith.constant 0 : i32
    %ne3A_121 = arith.cmpi ne, %rem3A_119, %ne3A_120 : i32
    %and3A_122 = arith.andi %ne3A_118, %ne3A_121 : i1
    %sub3A_123 = arith.constant 1 : i32
    %sub3A_124 = arith.subi %div3A_103, %sub3A_123 : i32
    %select_n3A_125 = arith.select %and3A_122, %sub3A_124, %div3A_103 : i32
    %jit3A_126 = arith.constant 2 : i32
    %eq3A = arith.constant 0 : i32
    %eq3A_127 = arith.cmpi eq, %jit3A_126, %eq3A : i32
    %jit3A_128 = arith.constant 1 : i32
    %select_n3A_129 = arith.select %eq3A_127, %jit3A_128, %jit3A_126 : i32
    %rem3A_130 = arith.remsi %select_n3A_125, %select_n3A_129 : i32
    %ne3A_131 = arith.constant 0 : i32
    %ne3A_132 = arith.cmpi ne, %rem3A_130, %ne3A_131 : i32
    %lt3A_133 = arith.constant 0 : i32
    %lt3A_134 = arith.cmpi slt, %rem3A_130, %lt3A_133 : i32
    %lt3A_135 = arith.constant 0 : i32
    %lt3A_136 = arith.cmpi slt, %select_n3A_129, %lt3A_135 : i32
    %ne3A_137 = arith.xori %lt3A_134, %lt3A_136 : i1
    %and3A_138 = arith.andi %ne3A_137, %ne3A_132 : i1
    %add3A_139 = arith.addi %rem3A_130, %select_n3A_129 : i32
    %select_n3A_140 = arith.select %and3A_138, %add3A_139, %rem3A_130 : i32
    %jit3A_141 = arith.constant 8 : i32
    %eq3A_142 = arith.constant 0 : i32
    %eq3A_143 = arith.cmpi eq, %jit3A_141, %eq3A_142 : i32
    %jit3A_144 = arith.constant 1 : i32
    %select_n3A_145 = arith.select %eq3A_143, %jit3A_144, %jit3A_141 : i32
    %rem3A_146 = arith.remsi %sub3A_101, %select_n3A_145 : i32
    %ne3A_147 = arith.constant 0 : i32
    %ne3A_148 = arith.cmpi ne, %rem3A_146, %ne3A_147 : i32
    %lt3A_149 = arith.constant 0 : i32
    %lt3A_150 = arith.cmpi slt, %rem3A_146, %lt3A_149 : i32
    %lt3A_151 = arith.constant 0 : i32
    %lt3A_152 = arith.cmpi slt, %select_n3A_145, %lt3A_151 : i32
    %ne3A_153 = arith.xori %lt3A_150, %lt3A_152 : i1
    %and3A_154 = arith.andi %ne3A_153, %ne3A_148 : i1
    %add3A_155 = arith.addi %rem3A_146, %select_n3A_145 : i32
    %select_n3A_156 = arith.select %and3A_154, %add3A_155, %rem3A_146 : i32
    %dma_wait3A = arith.constant 3 : i32
    %dma_wait3A_157 = arith.constant 0 : i32
    %dma_wait3A_158 = arith.constant 0 : i32
    %dma_wait3A_159 = tpu.memref_slice %arg7[%dma_wait3A, %dma_wait3A_157, %dma_wait3A_158] : memref<4x64x128xf32, #tpu.memory_space<vmem>> -> memref<1x64x128xf32, #tpu.memory_space<vmem>>
    %dma_wait3A_160 = tpu.memref_squeeze %dma_wait3A_159 : memref<1x64x128xf32, #tpu.memory_space<vmem>> -> memref<64x128xf32, #tpu.memory_space<vmem>>
    %dma_wait3A_161 = arith.constant 0 : i32
    %dma_wait3A_162 = tpu.memref_slice %arg6[%select_n3A_140, %select_n3A_156, %dma_wait3A_161] : memref<2x8x64xi32, #tpu.memory_space<vmem>> -> memref<1x1x64xi32, #tpu.memory_space<vmem>>
    %dma_wait3A_163 = tpu.memref_squeeze %dma_wait3A_162 : memref<1x1x64xi32, #tpu.memory_space<vmem>> -> memref<64xi32, #tpu.memory_space<vmem>>
    %dma_wait3A_164 = arith.constant 0 : i32
    %dma_wait3A_165 = arith.constant 0 : i32
    %dma_wait3A_166 = tpu.memref_slice %arg8[%dma_wait3A_164, %dma_wait3A_165] : memref<10240x128xf32, #tpu.memory_space<vmem_shared>> -> memref<10240x128xf32, #tpu.memory_space<vmem_shared>>
    tpu.wait_indirect_dma semaphore(%arg16 : memref<!tpu.dma_semaphore, #tpu.memory_space<semaphore_mem>>) src(%dma_wait3A_160 : memref<64x128xf32, #tpu.memory_space<vmem>>) dst(%dma_wait3A_166 : memref<10240x128xf32, #tpu.memory_space<vmem_shared>>)
    %barrier3A_167 = arith.constant 0 : index
    tpu.barrier barrier_id(%barrier3A_167)
    %mul3A_168 = arith.constant 10240 : i32
    %mul3A_169 = arith.muli %arg0, %mul3A_168 : i32
    %mul3A_170 = arith.constant 640 : i32
    %mul3A_171 = arith.muli %arg1, %mul3A_170 : i32
    %add3A_172 = arith.addi %mul3A_169, %mul3A_171 : i32
    %mul3A_173 = arith.constant 640 : i32
    %mul3A_174 = arith.muli %arg1, %mul3A_173 : i32
    "tpu.region"() ({
      %run_scoped3A_175 = tpu.sem_alloc : memref<!tpu.dma_semaphore, #tpu.memory_space<semaphore_mem>>
      %dma_start3A_176 = arith.constant 0 : i32
      %dma_start3A_177 = tpu.memref_slice %arg4[%add3A_172, %dma_start3A_176] : memref<20480x128xf32, #tpu.memory_space<hbm>> -> memref<640x128xf32, #tpu.memory_space<hbm>>
      %dma_start3A_178 = arith.constant 0 : i32
      %dma_start3A_179 = tpu.memref_slice %arg8[%mul3A_174, %dma_start3A_178] : memref<10240x128xf32, #tpu.memory_space<vmem_shared>> -> memref<640x128xf32, #tpu.memory_space<vmem_shared>>
      tpu.enqueue_dma source(%dma_start3A_179 : memref<640x128xf32, #tpu.memory_space<vmem_shared>>) target(%dma_start3A_177 : memref<640x128xf32, #tpu.memory_space<hbm>>) target_semaphore(%run_scoped3A_175 : memref<!tpu.dma_semaphore, #tpu.memory_space<semaphore_mem>>)
      %dma_wait3A_180 = arith.constant 0 : i32
      %dma_wait3A_181 = tpu.memref_slice %arg4[%add3A_172, %dma_wait3A_180] : memref<20480x128xf32, #tpu.memory_space<hbm>> -> memref<640x128xf32, #tpu.memory_space<hbm>>
      %dma_wait3A_182 = arith.constant 0 : i32
      %dma_wait3A_183 = tpu.memref_slice %arg8[%mul3A_174, %dma_wait3A_182] : memref<10240x128xf32, #tpu.memory_space<vmem_shared>> -> memref<640x128xf32, #tpu.memory_space<vmem_shared>>
      tpu.wait_dma2 semaphore(%run_scoped3A_175 : memref<!tpu.dma_semaphore, #tpu.memory_space<semaphore_mem>>) src(%dma_wait3A_183 : memref<640x128xf32, #tpu.memory_space<vmem_shared>>) dst(%dma_wait3A_181 : memref<640x128xf32, #tpu.memory_space<hbm>>)
      tpu.yield
    }) : () -> ()
    return
  }
}

module attributes {stable_mosaic.version = 14 : i64} {
  func.func @_tc_head_body(%arg0: i32, %arg1: memref<2x2000x128xf32, #tpu.memory_space<vmem>>, %arg2: memref<128x128xf32, #tpu.memory_space<vmem>>, %arg3: memref<1x128xf32, #tpu.memory_space<vmem>>, %arg4: memref<64x128xf32, #tpu.memory_space<vmem>>, %arg5: memref<1x64xf32, #tpu.memory_space<vmem>>, %arg6: memref<2000x64xf32, #tpu.memory_space<vmem>>) attributes {dimension_semantics = [#tpu.dimension_semantics<arbitrary>], iteration_bounds = array<i64: 5>, scalar_prefetch = 0 : i64, scratch_operands = 0 : i64, tpu.core_type = #tpu.core_type<tc>, window_params = [{transform_indices = @transform_0, window_bounds = array<i64: 2, 2000, 128>}, {pipeline_mode = #tpu.pipeline_mode<synchronous>, transform_indices = @transform_1, window_bounds = array<i64: 128, 128>}, {pipeline_mode = #tpu.pipeline_mode<synchronous>, transform_indices = @transform_2, window_bounds = array<i64: 1, 128>}, {pipeline_mode = #tpu.pipeline_mode<synchronous>, transform_indices = @transform_3, window_bounds = array<i64: 64, 128>}, {pipeline_mode = #tpu.pipeline_mode<synchronous>, transform_indices = @transform_4, window_bounds = array<i64: 1, 64>}, {transform_indices = @transform_5, window_bounds = array<i64: 2000, 64>}]} {
    %get3A = arith.constant 0 : index
    %get3A_0 = arith.constant 0 : index
    %get3A_1 = arith.constant 0 : index
    %get3A_2 = vector.load %arg1[%get3A, %get3A_0, %get3A_1] : memref<2x2000x128xf32, #tpu.memory_space<vmem>>, vector<1x2000x128xf32>
    %get3A_3 = vector.shape_cast %get3A_2 : vector<1x2000x128xf32> to vector<2000x128xf32>
    %get3A_4 = arith.constant 1 : index
    %get3A_5 = arith.constant 0 : index
    %get3A_6 = arith.constant 0 : index
    %get3A_7 = vector.load %arg1[%get3A_4, %get3A_5, %get3A_6] : memref<2x2000x128xf32, #tpu.memory_space<vmem>>, vector<1x2000x128xf32>
    %get3A_8 = vector.shape_cast %get3A_7 : vector<1x2000x128xf32> to vector<2000x128xf32>
    %add3A = arith.addf %get3A_3, %get3A_8 : vector<2000x128xf32>
    %get3A_9 = arith.constant 0 : index
    %get3A_10 = arith.constant 0 : index
    %get3A_11 = vector.load %arg2[%get3A_9, %get3A_10] : memref<128x128xf32, #tpu.memory_space<vmem>>, vector<128x128xf32>
    %dot_general3A = arith.constant dense<0.000000e+00> : vector<2000x128xf32>
    %dot_general3A_12 = tpu.matmul %add3A, %get3A_11, %dot_general3A {dimension_numbers = #tpu.dot_dimension_numbers<[1], [0], [0], [1], [0, 0, 1, 1], [], []>, precision = #tpu.contract_precision<fp32>, transpose_lhs_hint = false} : vector<2000x128xf32>, vector<128x128xf32>, vector<2000x128xf32> -> vector<2000x128xf32>
    %get3A_13 = arith.constant 0 : index
    %get3A_14 = arith.constant 0 : index
    %get3A_15 = vector.load %arg3[%get3A_13, %get3A_14] : memref<1x128xf32, #tpu.memory_space<vmem>>, vector<1x128xf32>
    %add3A_16 = vector.broadcast %get3A_15 : vector<1x128xf32> to vector<2000x128xf32>
    %add3A_17 = arith.addf %dot_general3A_12, %add3A_16 : vector<2000x128xf32>
    %max3A = arith.constant 0.000000e+00 : f32
    %max3A_18 = vector.broadcast %max3A : f32 to vector<2000x128xf32>
    %max3A_19 = arith.maximumf %add3A_17, %max3A_18 : vector<2000x128xf32>
    %get3A_20 = arith.constant 0 : index
    %get3A_21 = arith.constant 0 : index
    %get3A_22 = vector.load %arg4[%get3A_20, %get3A_21] : memref<64x128xf32, #tpu.memory_space<vmem>>, vector<64x128xf32>
    %dot_general3A_23 = arith.constant dense<0.000000e+00> : vector<2000x64xf32>
    %dot_general3A_24 = tpu.matmul %max3A_19, %get3A_22, %dot_general3A_23 {dimension_numbers = #tpu.dot_dimension_numbers<[1], [1], [0], [0], [0, 0, 1, 0], [], []>, precision = #tpu.contract_precision<fp32>, transpose_lhs_hint = false} : vector<2000x128xf32>, vector<64x128xf32>, vector<2000x64xf32> -> vector<2000x64xf32>
    %get3A_25 = arith.constant 0 : index
    %get3A_26 = arith.constant 0 : index
    %get3A_27 = vector.load %arg5[%get3A_25, %get3A_26] : memref<1x64xf32, #tpu.memory_space<vmem>>, vector<1x64xf32>
    %add3A_28 = vector.broadcast %get3A_27 : vector<1x64xf32> to vector<2000x64xf32>
    %add3A_29 = arith.addf %dot_general3A_24, %add3A_28 : vector<2000x64xf32>
    %swap3A = arith.constant 0 : index
    %swap3A_30 = arith.constant 0 : index
    %swap3A_31 = vector.load %arg6[%swap3A, %swap3A_30] : memref<2000x64xf32, #tpu.memory_space<vmem>>, vector<2000x64xf32>
    tpu.vector_store %arg6[%swap3A, %swap3A_30], %add3A_29 {strides = array<i32>} : memref<2000x64xf32, #tpu.memory_space<vmem>>, vector<2000x64xf32>,
    return
  }
  func.func @transform_0(%arg0: i32) -> (i32, i32, i32) {
    %c0_i32 = arith.constant 0 : i32
    %c0_i32_0 = arith.constant 0 : i32
    %c0_i32_1 = arith.constant 0 : i32
    return %c0_i32, %arg0, %c0_i32_0 : i32, i32, i32
  }
  func.func @transform_1(%arg0: i32) -> (i32, i32) {
    %c0_i32 = arith.constant 0 : i32
    %c0_i32_0 = arith.constant 0 : i32
    %c0_i32_1 = arith.constant 0 : i32
    return %c0_i32, %c0_i32_0 : i32, i32
  }
  func.func @transform_2(%arg0: i32) -> (i32, i32) {
    %c0_i32 = arith.constant 0 : i32
    %c0_i32_0 = arith.constant 0 : i32
    %c0_i32_1 = arith.constant 0 : i32
    return %c0_i32, %c0_i32_0 : i32, i32
  }
  func.func @transform_3(%arg0: i32) -> (i32, i32) {
    %c0_i32 = arith.constant 0 : i32
    %c0_i32_0 = arith.constant 0 : i32
    %c0_i32_1 = arith.constant 0 : i32
    return %c0_i32, %c0_i32_0 : i32, i32
  }
  func.func @transform_4(%arg0: i32) -> (i32, i32) {
    %c0_i32 = arith.constant 0 : i32
    %c0_i32_0 = arith.constant 0 : i32
    %c0_i32_1 = arith.constant 0 : i32
    return %c0_i32, %c0_i32_0 : i32, i32
  }
  func.func @transform_5(%arg0: i32) -> (i32, i32) {
    %c0_i32 = arith.constant 0 : i32
    %c0_i32_0 = arith.constant 0 : i32
    return %arg0, %c0_i32 : i32, i32
  }
}

</mosaic_0001>

<sc_bundles>
// kernel: kernel.4.cloned.1.call-start
scs
__scs_entry_jumppad:
0x0: {  	(pc) =	sbr.rel $0x88, $3  }
0x1: {  	(tag) =	ssettag $0x0;
	lr =	simm.s32 $0x1  }
0x2: {  	[smem:$0x3F9B] =	sst lr;
	_ =	strace $0xD0000000  }
0x3: {  	_ = 	snop  }
0x4: {  	_ = 	snop  }
0x5: {  	_ = 	snop  }
0x6: {  	_ = 	snop  }
0x7: {  	_ = 	snop  }
__scs_overlays_trampoline_lowered:
0x8: {  	[smem:$0x3FAA] =	sst s0  }
0x9: {  	[smem:$0x3FAB] =	sst s1  }
0xa: {  	[smem:$0x3FAC] =	sst s2  }
0xb: {  	[smem:$0x3FAD] =	sst s3  }
0xc: {  	[smem:$0x3FAE] =	sst s4  }
0xd: {  	[smem:$0x3FAF] =	sst s5  }
0xe: {  	[smem:$0x3FB0] =	sst s6  }
0xf: {  	[smem:$0x3FB1] =	sst s7  }
0x10: {  	[smem:$0x3FB2] =	sst s8  }
0x11: {  	[smem:$0x3FB3] =	sst s9;
	s0 =	simm.s32 @!p0 $0x0  }
0x12: {  	s1 =	sld [smem:$0x3F99];
	s0 =	simm.s32 @p0 $0x1  }
0x13: {  	[smem:$0x3FB4] =	sst s0;
	s0 =	simm.s32 @!p1 $0x0  }
0x14: {  	s2 =	sld [smem:$0x3F98];
	s0 =	simm.s32 @p1 $0x1  }
0x15: {  	[smem:$0x3FB5] =	sst s0;
	s0 =	simm.s32 @!p2 $0x0  }
0x16: {  	s3 =	sld [smem:$0x3FDB];
	s0 =	simm.s32 @p2 $0x1  }
0x17: {  	s4 =	simm.s32 $0x1BF5;
	[smem:$0x3FB7] =	sst s0  }
0x18: {  	s0 =	sld [smem:$0x3F9A];
	_ =	swait.ge [sflag:s4], $0x0  }
0x19: {  	s7 =	sld [smem:$0x3F9B]  }
0x1a: {  	s8 =	sadd.s32 $0xFFFFE003, lr  }
0x1b: {  	s9 =	sadd.s32 $0xFFFFFEF7, lr;
	s5 =	simm.s32 $0xFFFFFFFF;
	p2 =	slt.u32 s8, $0xFFFFF086  }
0x1c: {  	p1 =	slt.u32 s9, $0xF7A;
	s5 =	simm.s32 @!p2 $0x0  }
0x1d: {  	s5 =	simm.s32 @p1 $0x1;
	p0 =	seq.s32 s7, s2  }
0x1e: {  	s7 =	smul.u32 @!p0 $0xF7A, s2;
	p2 =	seq.s32 @!p0 s5, $0x0  }
0x1f: {  	s9 =	smul.u32 $0xF7A, s1;
	s8 =	simm.s32 @!p0 $0x1BF5;
	p2 =	por !p2, p0  }
0x20: {  	[sflag:s8] =	ssyncset.s32 @!p0 $0xFFFFF086;
	s6 =	sadd.s32 @!p0 s3, s7;
	s7 =	simm.s32 @!p0 $0x108  }
0x21: {  	s3 =	sadd.s32 s3, s9;
	s6 =	sadd.s32 @!p0 $0x88, s6;
	s7 =	simm.s32 @p2 $0x1082  }
0x22: {  	[simem:s7], [sflag:s8] =	dma.local @!p0 [hbm:s6], $0xF7A  }
0x23: {  	s9 =	sor.u32 $0xD0000000, s2;
	s6 =	simm.s32 $0x108;
	_ =	swait.ge @!p0 [sflag:s8], $0x0  }
0x24: {  	s3 =	sadd.s32 $0x88, s3;
	s6 =	simm.s32 @!p1 $0x1082;
	[sflag:s4] =	ssyncset.s32 $0xFFFFF086  }
0x25: {  	[simem:s6], [sflag:s4] =	dma.local [hbm:s3], $0xF7A  }
0x26: {  	[smem:$0x3F9B] =	sst s1;
	(tag) =	ssettag s2;
	_ =	strace s9  }
0x27: {  	s1 =	sld [smem:$0x3FAB]  }
0x28: {  	s2 =	sld [smem:$0x3FAC]  }
0x29: {  	s4 =	sld [smem:$0x3FAE]  }
0x2a: {  	p0 =	seq.s32 s5, $0x0;
	s5 =	sld [smem:$0x3FAF]  }
0x2b: {  	s6 =	sld [smem:$0x3FB0]  }
0x2c: {  	s7 =	sld [smem:$0x3FB1]  }
0x2d: {  	s3 =	simm.s32 $0x108;
	s8 =	sld [smem:$0x3FB2]  }
0x2e: {  	s3 =	simm.s32 @!p0 $0x1082;
	s9 =	sld [smem:$0x3FB3]  }
0x2f: {  	lr =	sadd.s32 s0, s3;
	s0 =	sld [smem:$0x3FAA]  }
0x30: {  	s3 =	sld [smem:$0x3FAD]  }
0x31: {  	[smem:$0x3FB6] =	sst s10  }
0x32: {  	s10 =	sld [smem:$0x3FB4];
	_ =	sdelay $0x3  }
0x33: {  	p0 =	seq.s32 s10, $0x1;
	s10 =	sld [smem:$0x3FB6];
	_ =	sdelay $0x3  }
0x34: {  	[smem:$0x3FB6] =	sst s10  }
0x35: {  	s10 =	sld [smem:$0x3FB5];
	_ =	sdelay $0x3  }
0x36: {  	p1 =	seq.s32 s10, $0x1;
	s10 =	sld [smem:$0x3FB6];
	_ =	sdelay $0x3  }
0x37: {  	[smem:$0x3FB6] =	sst s10  }
0x38: {  	s10 =	sld [smem:$0x3FB7]  }
0x39: {  	_ = 	snop;
	(pc) =	sbr.ind lr, $3  }
0x3a: {  	_ = 	snop  }
0x3b: {  	_ = 	snop  }
0x3c: {  	p2 =	seq.s32 s10, $0x1;
	s10 =	sld [smem:$0x3FB6]  }
0x3d: {  	_ =	shalt  }
0x3e: {  	_ =	shalt  }
0x3f: {  	_ =	shalt  }
0x40: {  	_ =	shalt  }
0x41: {  	_ =	shalt  }
0x42: {  	_ =	shalt  }
0x43: {  	_ =	shalt  }
0x44: {  	_ =	shalt  }
0x45: {  	_ =	shalt  }
0x46: {  	_ =	shalt  }
0x47: {  	_ =	shalt  }
0x48: {  	_ =	shalt  }
0x49: {  	_ =	shalt  }
0x4a: {  	_ =	shalt  }
0x4b: {  	_ =	shalt  }
0x4c: {  	_ =	shalt  }
0x4d: {  	_ =	shalt  }
0x4e: {  	_ =	shalt  }
0x4f: {  	_ =	shalt  }
0x50: {  	_ =	shalt  }
0x51: {  	_ =	shalt  }
0x52: {  	_ =	shalt  }
0x53: {  	_ =	shalt  }
0x54: {  	_ =	shalt  }
0x55: {  	_ =	shalt  }
0x56: {  	_ =	shalt  }
0x57: {  	_ =	shalt  }
0x58: {  	_ =	shalt  }
0x59: {  	_ =	shalt  }
0x5a: {  	_ =	shalt  }
0x5b: {  	_ =	shalt  }
0x5c: {  	_ =	shalt  }
0x5d: {  	_ =	shalt  }
0x5e: {  	_ =	shalt  }
0x5f: {  	_ =	shalt  }
0x60: {  	_ =	shalt  }
0x61: {  	_ =	shalt  }
0x62: {  	_ =	shalt  }
0x63: {  	_ =	shalt  }
0x64: {  	_ =	shalt  }
0x65: {  	_ =	shalt  }
0x66: {  	_ =	shalt  }
0x67: {  	_ =	shalt  }
0x68: {  	_ =	shalt  }
0x69: {  	_ =	shalt  }
0x6a: {  	_ =	shalt  }
0x6b: {  	_ =	shalt  }
0x6c: {  	_ =	shalt  }
0x6d: {  	_ =	shalt  }
0x6e: {  	_ =	shalt  }
0x6f: {  	_ =	shalt  }
0x70: {  	_ =	shalt  }
0x71: {  	_ =	shalt  }
0x72: {  	_ =	shalt  }
0x73: {  	_ =	shalt  }
0x74: {  	_ =	shalt  }
0x75: {  	_ =	shalt  }
0x76: {  	_ =	shalt  }
0x77: {  	_ =	shalt  }
0x78: {  	_ =	shalt  }
0x79: {  	_ =	shalt  }
0x7a: {  	_ =	shalt  }
0x7b: {  	_ =	shalt  }
0x7c: {  	_ =	shalt  }
0x7d: {  	_ =	shalt  }
0x7e: {  	_ =	shalt  }
0x7f: {  	_ =	shalt  }
0x80: {  	_ =	shalt  }
0x81: {  	_ =	shalt  }
0x82: {  	_ =	shalt  }
0x83: {  	_ =	shalt  }
0x84: {  	_ =	shalt  }
0x85: {  	_ =	shalt  }
0x86: {  	_ =	shalt  }
0x87: {  	_ =	shalt  }
.Lfunc_end0:
.L_simem_size_0:
called_computation_lowered:
.L_overlay_start_0:
0x88: {  	s2 =	sld [smem:$0x3FD9]  }
0x89: {  	s3 =	sld [smem:$0x3FFE];
	_ =	sdelay $0x1  }
0x8a: {  	s1 =	srdreg.scid  }
0x8b: {  	s0 =	sand.u32 $0x1, s1  }
0x8c: {  	s17 =	sshll.u32 s0, $0xA;
	s2 =	sadd.s32 s3, s2  }
0x8d: {  	s2 =	sadd.s32 s2, s17  }
0x8e: {  	[smem:$0x3FC2] =	sst s2  }
0x8f: {  	_ = 	snop  }
0x90: {  	s2 =	sld [smem:$0x3FC9];
	(tm) =	ssettm $0x1  }
0x91: {  	s18 =	sld [smem:$0x3FFB];
	_ =	sdelay $0x3  }
0x92: {  	_ =	strace s18  }
0x93: {  	s3 =	sld [smem:$0x3FFC];
	_ =	sdelay $0x3  }
0x94: {  	_ =	strace s3  }
0x95: {  	s3 =	sld [smem:$0x3FFD];
	_ =	sdelay $0x3  }
0x96: {  	_ =	strace s3  }
0x97: {  	_ =	strace $0x8FFFFFFF  }
0x98: {  	s19 =	sld [smem:$0x3FDB];
	_ =	sdelay $0x1  }
0x99: {  	s4 =	simm.s32 $_scs_section_size  }
0x9a: {  	s5 =	simm.s32 $_size__tile_overlayer_lowered;
	s6 =	simm.s32 $_tile_overlayer_lowered  }
0x9b: {  	s22 =	simm.s32 $0x1BFF;
	s21 =	sshll.u32 s6, $0x1;
	s3 =	sadd.s32 s4, s19  }
0x9c: {  	s7 =	simm.s32 $0x0;
	s20 =	sshll.u32 s5, $0x1;
	s5 =	sadd.s32 s21, s3  }
0x9d: {  	[timem:s7], [sflag:s22] =	dma.local [hbm:s5], s20  }
0x9e: {  	_ =	swait.ge [sflag:s22], s20  }
0x9f: {  	s4 =	ssub.s32 $0x0, s20;
	[sflag:s22] =	ssyncset.done $0x0  }
0xa0: {  	[sflag:s22] =	ssyncadd.s32 s4;
	_ =	sdelay $0x1  }
0xa1: {  	s23 =	simm.s32 $0x1B8B  }
0xa2: {  	_ =	swait.ge [sflag:s23], $0x1  }
0xa3: {  	[sflag:s23] =	ssyncset.done $0x0  }
0xa4: {  	s25 =	simm.s32 $0x1B8E;
	s24 =	sld [smem:$0x3FFE];
	[sflag:s23] =	ssyncadd.s32 $0xFFFFFFFF  }
0xa5: {  	s26 =	simm.s32 $execute0_lowered;
	[smem:$0x3FD2] =	sst s25  }
0xa6: {  	s5 =	sshll.u32 s26, $0x1;
	_ =	strace $0x80000046;
	[dreg:$0x1] =	wrdreg $0xFFFFFFFF  }
0xa7: {  	s28 =	simm.s32 $_size_execute0_lowered;
	s3 =	sadd.s32 s3, s5;
	[dreg:$0x0] =	wrdreg $0x0  }
0xa8: {  	s5 =	sshll.u32 s28, $0x1;
	[dreg:$0x2] =	wrdreg s3  }
0xa9: {  	[dreg:$0x3] =	wrdreg s5  }
0xaa: {  	[dreg:$0x4] =	wrdreg $0xC0  }
0xab: {  	_ =	task [dreg:s7], $0x5FFFF  }
0xac: {  	[dreg:$0x1] =	wrdreg $0xFFFFFFFF  }
0xad: {  	[dreg:$0x0] =	wrdreg $0x60  }
0xae: {  	[dreg:$0x2] =	wrdreg s2  }
0xaf: {  	[dreg:$0x3] =	wrdreg s24  }
0xb0: {  	[dreg:$0x4] =	wrdreg $0x90000  }
0xb1: {  	[dreg:$0x5] =	wrdreg $0x9  }
0xb2: {  	_ =	task.clear_ibuf [dreg:s7], $0x6FFFF;
	_ =	strace $0x90000046  }
0xb3: {  	s29 =	simm.s32 $0x9;
	_ =	strace $0x80000048  }
0xb4: {  	_ =	swait.ge [sflag:s29], $0x1  }
0xb5: {  	[sflag:s29] =	ssyncadd.s32 $0xFFFFFFFF  }
0xb6: {  	_ =	strace $0x90000048  }
0xb7: {  	_ =	sfence  }
0xb8: {  	s30 =	sld [smem:$0x0];
	_ =	sdelay $0x2  }
0xb9: {  	s31 =	sshll.u32 s1, $0xD;
	s1 =	sshrl.u32 s1, $0x2  }
0xba: {  	s3 =	sand.u32 $0x4000, s31;
	s1 =	sadd.s32 s1, s30  }
0xbb: {  	s0 =	sor.u32 s3, s0;
	s1 =	sshll.u32 s1, $0x11  }
0xbc: {  	s0 =	sor.u32 s1, s0  }
0xbd: {  	s0 =	sadd.s32 $0x8F2B, s0  }
0xbe: {  	[sflag:s0] =	ssyncadd.remote.s32 $0x1  }
0xbf: {  	_ =	sfence.sel $0xFFFF  }
0xc0: {  	[dreg:$0x0] =	wrdreg $0xFFFFFFFF;
	(pc) =	sbr.abs _section_cstart, $3  }
0xc1: {  	[dreg:$0x1] =	wrdreg $0xFFFFFFFF  }
0xc2: {  	_ =	task.clear_ibuf [dreg:s7], $0x2FFFF;
	_ =	strace $0x9FFFFFFF  }
0xc3: {  	(tm) =	ssettm $0x7FFFFFFF  }
tec
execute0_lowered:
.L_overlay_start_1:
0x0: {  	(tag) =	ssettag $0x1  }
0x1: {  	s1 =	rddreg [dreg:$0x0]  }
0x2: {  	s0 =	rddreg [dreg:$0x1]  }
0x3: {  	s3 =	rddreg [dreg:$0x2];
	s11 =	stileid.u32  }
0x4: {  	s2 =	srdreg.scid;
	s4 =	simm.s32 $0x0;
	s7 =	smul.u32 $0x2800, s11  }
0x5: {  	s2 =	sand.u32 $0x1, s2;
	s5 =	sshll.u32 s11, $0x1;
	s24 =	smul.u32 $0x50000, s11  }
0x6: {  	[smem:$0x7FF] =	sst s4;
	s6 =	smul.u32 $0x28000, s2;
	s8 =	sor.u32 s2, s5  }
0x7: {  	_ =	strace $0x80000047;
	s5 =	sadd.s32 $0xE00, s0;
	s2 =	ssub.s32 $0x2, s2  }
0x8: {  	s9 =	smul.u32 $0x13, s8;
	s23 =	smin.u32 s8, $0x11;
	s10 =	sshrl.u32 s2, $0x1  }
0x9: {  	p0 =	slt.u32 s8, $0x11;
	s8 =	sshrl.u32 s24, $0x2;
	s24 =	simm.s32 $0x400  }
0xa: {  	s6 =	sadd.s32 s7, s6;
	s7 =	simm.s32 $0xA0;
	s2 =	ssub.s32 s2, s10  }
0xb: {  	[dreg:$0x6] =	wrdreg s24;
	s7 =	simm.s32 @!p0 $0x98;
	s13 =	smax.u32 s2, $0x1  }
0xc: {  	s0 =	sadd.s32 s6, s0;
	s26 =	sadd.s32 $0xFFFFFFF8, s7;
	[dreg:$0xc] =	wrdreg s13  }
0xd: {  	s6 =	sadd.s32 s23, s9;
	s0 =	sadd.s32 $0x28000, s0;
	[dreg:$0x4] =	wrdreg s26  }
0xe: {  	s9 =	sshll.u32 s6, $0x7;
	s23 =	sshll.u32 s7, $0x7;
	[dreg:$0xb] =	wrdreg s0  }
0xf: {  	s29 =	simm.s32 $0x3000;
	s25 =	sadd.s32 s5, s9;
	[dreg:$0x5] =	wrdreg s23  }
0x10: {  	s31 =	simm.s32 $0x5000;
	s26 =	simm.s32 $0x7000;
	[dreg:$0x9] =	wrdreg s25  }
0x11: {  	s9 =	sadd.s32 s8, s3;
	s12 =	sadd.s32 $0x13880, s25;
	[dreg:$0x8] =	wrdreg s26  }
0x12: {  	s28 =	simm.s32 $0x3;
	s14 =	sadd.s32 $0x2000, s9;
	[dreg:$0xa] =	wrdreg s12  }
0x13: {  	s30 =	simm.s32 $0x6;
	s15 =	sadd.s32 $0x4000, s9;
	[dreg:$0xd] =	wrdreg s14  }
0x14: {  	s11 =	simm.s32 $0x7;
	s16 =	sadd.s32 $0x6000, s9;
	[dreg:$0xe] =	wrdreg s15  }
0x15: {  	s24 =	simm.s32 $0xA;
	s17 =	sadd.s32 $0x8000, s9;
	[dreg:$0xf] =	wrdreg s16  }
0x16: {  	s10 =	simm.s32 $0x4;
	s18 =	sadd.s32 $0xA000, s9;
	[dreg:$0x10] =	wrdreg s17  }
0x17: {  	s2 =	simm.s32 $0x2;
	s19 =	sadd.s32 $0xC000, s9;
	[dreg:$0x11] =	wrdreg s18  }
0x18: {  	s23 =	simm.s32 $0x9;
	s20 =	sadd.s32 $0xE000, s9;
	[dreg:$0x12] =	wrdreg s19  }
0x19: {  	s0 =	simm.s32 $0x1;
	s21 =	sadd.s32 $0x10000, s9;
	[dreg:$0x13] =	wrdreg s20  }
0x1a: {  	s22 =	sadd.s32 $0x12000, s9;
	s25 =	simm.s32 $0xC00;
	[dreg:$0x14] =	wrdreg s21  }
0x1b: {  	s26 =	simm.s32 $0x40;
	[dreg:$0x15] =	wrdreg s22;
	s22 =	simm.s32 $0x1000  }
0x1c: {  	v0 =	vimm.f32 $0.0e+00;
	[dreg:$0x7] =	wrdreg s25;
	s25 =	simm.s32 $0x5;
	s12 =	simm.s32 $0x8  }
.LBB2_1:
0x1d: {  	s8 =	simm.s32 $0x0;
	s13 =	simm.s32 $0x200  }
.LBB2_2:
0x1e: {  	p0 =	sne.s32 s13, $0x7E00;
	[tilespmem:s8+$0x1070] =	vst v0  }
0x1f: {  	[tilespmem:s8+$0x1000] =	vst v0  }
0x20: {  	[tilespmem:s8+$0x1010] =	vst v0  }
.Ltmp0:
0x21: {  	[tilespmem:s8+$0x1020] =	vst v0;
	(pc) =	sbr.rel @p0 .LBB2_2-.Ltmp0, $4  }
0x22: {  	[tilespmem:s8+$0x1030] =	vst v0  }
0x23: {  	[tilespmem:s8+$0x1040] =	vst v0  }
0x24: {  	[tilespmem:s8+$0x1050] =	vst v0  }
0x25: {  	[tilespmem:s8+$0x1060] =	vst v0;
	s8 =	sshra.s32 s13, $0x2;
	s13 =	sadd.s32 $0x200, s13  }
0x26: {  	[tilespmem:s8+$0x1070] =	vst v0  }
0x27: {  	[tilespmem:s8+$0x1000] =	vst v0  }
0x28: {  	[tilespmem:s8+$0x1010] =	vst v0  }
0x29: {  	[tilespmem:s8+$0x1020] =	vst v0  }
0x2a: {  	[tilespmem:s8+$0x1030] =	vst v0  }
0x2b: {  	[tilespmem:s8+$0x1040] =	vst v0  }
0x2c: {  	[tilespmem:s8+$0x1050] =	vst v0  }
0x2d: {  	[tilespmem:s8+$0x1060] =	vst v0  }
0x2e: {  	[spmem:s9] =	stream.linear.scatter [tilespmem:s22], [sflag:$0x9], $0x2000, $0x38;
	[tilespmem:$0x1D000] =	vst v63  }
0x2f: {  	s18 =	rddreg [dreg:$0xd]  }
0x30: {  	[spmem:s18] =	stream.linear.scatter [tilespmem:s22], [sflag:$0x9], $0x2000, $0x38;
	[tilespmem:$0x1D000] =	vst v63  }
0x31: {  	s19 =	rddreg [dreg:$0xe]  }
0x32: {  	[spmem:s19] =	stream.linear.scatter [tilespmem:s22], [sflag:$0x9], $0x2000, $0x38;
	[tilespmem:$0x1D000] =	vst v63  }
0x33: {  	s20 =	rddreg [dreg:$0xf]  }
0x34: {  	[spmem:s20] =	stream.linear.scatter [tilespmem:s22], [sflag:$0x9], $0x2000, $0x38;
	[tilespmem:$0x1D000] =	vst v63  }
0x35: {  	s21 =	rddreg [dreg:$0x10]  }
0x36: {  	[spmem:s21] =	stream.linear.scatter [tilespmem:s22], [sflag:$0x9], $0x2000, $0x38;
	[tilespmem:$0x1D000] =	vst v63  }
0x37: {  	s13 =	rddreg [dreg:$0x11]  }
0x38: {  	[spmem:s13] =	stream.linear.scatter [tilespmem:s22], [sflag:$0x9], $0x2000, $0x38;
	[tilespmem:$0x1D000] =	vst v63  }
0x39: {  	s14 =	rddreg [dreg:$0x12]  }
0x3a: {  	[spmem:s14] =	stream.linear.scatter [tilespmem:s22], [sflag:$0x9], $0x2000, $0x38;
	[tilespmem:$0x1D000] =	vst v63  }
0x3b: {  	s15 =	rddreg [dreg:$0x13]  }
0x3c: {  	[spmem:s15] =	stream.linear.scatter [tilespmem:s22], [sflag:$0x9], $0x2000, $0x38;
	[tilespmem:$0x1D000] =	vst v63  }
0x3d: {  	s16 =	rddreg [dreg:$0x14]  }
0x3e: {  	[spmem:s16] =	stream.linear.scatter [tilespmem:s22], [sflag:$0x9], $0x2000, $0x38;
	[tilespmem:$0x1D000] =	vst v63  }
0x3f: {  	s17 =	rddreg [dreg:$0x15]  }
0x40: {  	[spmem:s17] =	stream.linear.scatter [tilespmem:s22], [sflag:$0x9], $0x2000, $0x38;
	[tilespmem:$0x1D000] =	vst v63  }
0x41: {  	_ =	swait.ge [sflag:s23], $0x2000  }
0x42: {  	[sflag:s23] =	ssyncset.done $0x0  }
0x43: {  	[sflag:s23] =	ssyncadd.s32 $0xFFFFE000  }
0x44: {  	_ =	swait.ge [sflag:s23], $0x2000  }
0x45: {  	[sflag:s23] =	ssyncset.done $0x0  }
0x46: {  	[sflag:s23] =	ssyncadd.s32 $0xFFFFE000  }
0x47: {  	_ =	swait.ge [sflag:s23], $0x2000  }
0x48: {  	[sflag:s23] =	ssyncset.done $0x0  }
0x49: {  	[sflag:s23] =	ssyncadd.s32 $0xFFFFE000  }
0x4a: {  	_ =	swait.ge [sflag:s23], $0x2000  }
0x4b: {  	[sflag:s23] =	ssyncset.done $0x0  }
0x4c: {  	[sflag:s23] =	ssyncadd.s32 $0xFFFFE000  }
0x4d: {  	_ =	swait.ge [sflag:s23], $0x2000  }
0x4e: {  	[sflag:s23] =	ssyncset.done $0x0  }
0x4f: {  	[sflag:s23] =	ssyncadd.s32 $0xFFFFE000  }
0x50: {  	_ =	swait.ge [sflag:s23], $0x2000  }
0x51: {  	[sflag:s23] =	ssyncset.done $0x0  }
0x52: {  	[sflag:s23] =	ssyncadd.s32 $0xFFFFE000  }
0x53: {  	_ =	swait.ge [sflag:s23], $0x2000  }
0x54: {  	[sflag:s23] =	ssyncset.done $0x0  }
0x55: {  	[sflag:s23] =	ssyncadd.s32 $0xFFFFE000  }
0x56: {  	_ =	swait.ge [sflag:s23], $0x2000  }
0x57: {  	[sflag:s23] =	ssyncset.done $0x0  }
0x58: {  	[sflag:s23] =	ssyncadd.s32 $0xFFFFE000  }
0x59: {  	_ =	swait.ge [sflag:s23], $0x2000  }
0x5a: {  	[sflag:s23] =	ssyncset.done $0x0  }
0x5b: {  	[sflag:s23] =	ssyncadd.s32 $0xFFFFE000  }
0x5c: {  	_ =	swait.ge [sflag:s23], $0x2000  }
0x5d: {  	[sflag:s23] =	ssyncset.done $0x0  }
0x5e: {  	[sflag:s23] =	ssyncadd.s32 $0xFFFFE000  }
0x5f: {  	[bflag:$0x0] =	sbarrier.arrive $0xFFFF  }
0x60: {  	s14 =	simm.s32 $0x0;
	s18 =	rddreg [dreg:$0x9]  }
0x61: {  	[tilespmem:s14], [sflag:$0xA] =	stream.linear.gather [hbm4b:s18+s14], $0x400, $0x38;
	[tilespmem:$0x1D000] =	vst v63  }
0x62: {  	_ =	swait.ge [sflag:s24], $0x400  }
0x63: {  	[sflag:s24] =	ssyncset.done $0x0  }
0x64: {  	s13 =	simm.s32 $0x800;
	s19 =	rddreg [dreg:$0xa];
	[sflag:s24] =	ssyncadd.s32 $0xFFFFFC00  }
0x65: {  	[tilespmem:s13], [sflag:$0xA] =	stream.linear.gather [hbm4b:s19+s14], $0x400, $0x38;
	[tilespmem:$0x1D000] =	vst v63  }
0x66: {  	_ =	swait.ge [sflag:s24], $0x400  }
0x67: {  	[sflag:s24] =	ssyncset.done $0x0  }
0x68: {  	[sflag:s24] =	ssyncadd.s32 $0xFFFFFC00  }
0x69: {  	[tilespmem:s22], [sflag:$0x1] =	stream.indirect.gather [hbm4b:s1+s26], $0x80, s14, s26, $0xb8;
	[tilespmem:$0x1D000] =	vst v63  }
0x6a: {  	s20 =	simm.s32 $0x80  }
0x6b: {  	[tilespmem:s29], [sflag:$0x2] =	stream.indirect.gather [hbm4b:s1+s26], $0x80, s20, s26, $0xb8;
	[tilespmem:$0x1D000] =	vst v63  }
0x6c: {  	s21 =	simm.s32 $0x100;
	s13 =	simm.s32 $0x0  }
0x6d: {  	[tilespmem:s31], [sflag:$0x3] =	stream.indirect.gather [hbm4b:s1+s26], $0x80, s21, s26, $0xb8;
	[tilespmem:$0x1D000] =	vst v63  }
.LBB2_4:
0x6e: {  	s16 =	sshrl.u32 s14, $0x3  }
0x6f: {  	_ =	swait.ge [sflag:s0], $0x2000;
	s15 =	sand.u32 $0x1, s16  }
0x70: {  	s21 =	sand.u32 $0x200, s13;
	s8 =	rddreg [dreg:$0x6];
	p0 =	seq.s32 s15, $0x1  }
0x71: {  	p1 =	seq.s32 s14, $0x0;
	s20 =	sadd.s32 $0x3, s14;
	s8 =	simm.s32 @!p0 $0x0  }
0x72: {  	[sflag:s0] =	ssyncset.done $0x0;
	s17 =	simm.s32 @!p1 $0x8;
	s8 =	sor.u32 s21, s8  }
0x73: {  	p2 =	sge.u32 s20, s7;
	[sflag:s0] =	ssyncadd.s32 $0xFFFFE000;
	s8 =	sor.u32 $0x800, s8  }
0x74: {  	[spmem:s3] =	stream.indirect.scatter.add.f32 [tilespmem:s22], [sflag:$0x5], $0x80, s8, s26, $0xb8;
	[tilespmem:$0x1D000] =	vst v63  }
0x75: {  	s18 =	simm.s32 @!p2 $0x400;
	_ =	swait.ge @!p1 [sflag:s17], $0x2000  }
0x76: {  	p3 =	por !p0, p2;
	s8 =	sand.u32 $0x7, s20;
	[sflag:s17] =	ssyncset.done @!p1 $0x0  }
0x77: {  	s18 =	simm.s32 @p3 $0x0;
	[sflag:s17] =	ssyncadd.s32 @!p1 $0xFFFFE000;
	s17 =	sshll.u32 @!p2 s8, $0x7  }
0x78: {  	s19 =	simm.s32 @!p2 $0x7000;
	s17 =	sor.u32 @!p2 s17, s18;
	s18 =	simm.s32 @!p2 $0x40  }
0x79: {  	[tilespmem:s19], [sflag:$0x4] =	stream.indirect.gather @!p2 [hbm4b:s1+s18], $0x80, s17, s18, $0xb8;
	[tilespmem:$0x1D000] =	vst v63  }
0x7a: {  	_ =	swait.ge [sflag:s2], $0x2000  }
0x7b: {  	s17 =	rddreg [dreg:$0x7]  }
0x7c: {  	s17 =	simm.s32 @!p0 $0x800  }
0x7d: {  	[sflag:s2] =	ssyncset.done $0x0;
	s15 =	sor.u32 s21, s17  }
0x7e: {  	[sflag:s2] =	ssyncadd.s32 $0xFFFFE000;
	s15 =	sadd.s32 $0x80, s15  }
0x7f: {  	[spmem:s3] =	stream.indirect.scatter.add.f32 [tilespmem:s29], [sflag:$0x6], $0x80, s15, s26, $0xb8;
	[tilespmem:$0x1D000] =	vst v63  }
0x80: {  	s15 =	sadd.s32 $0x4, s14  }
0x81: {  	s18 =	sand.u32 $0x4, s15;
	p0 =	sge.u32 s15, s7  }
0x82: {  	_ =	swait.ge [sflag:s25], $0x2000;
	p1 =	sne.s32 @!p0 s18, $0x0  }
0x83: {  	[sflag:s25] =	ssyncset.done $0x0;
	p1 =	por p1, p0  }
0x84: {  	[sflag:s25] =	ssyncadd.s32 $0xFFFFE000;
	s19 =	simm.s32 @!p1 $0x9  }
0x85: {  	_ =	swait.ge @!p1 [sflag:s19], $0x400  }
0x86: {  	[sflag:s19] =	ssyncset.done @!p1 $0x0  }
0x87: {  	[sflag:s19] =	ssyncadd.s32 @!p1 $0xFFFFFC00  }
0x88: {  	_ =	swait.ge @!p1 [sflag:s19], $0x400  }
0x89: {  	s20 =	sadd.s32 @!p0 $0x200, s13;
	[sflag:s19] =	ssyncset.done @!p1 $0x0  }
0x8a: {  	s18 =	sshll.u32 @!p0 s18, $0x7;
	[sflag:s19] =	ssyncadd.s32 @!p1 $0xFFFFFC00;
	s19 =	sand.u32 @!p0 $0x400, s20  }
0x8b: {  	s20 =	simm.s32 @!p0 $0x1000;
	s18 =	sor.u32 @!p0 s18, s19;
	s19 =	simm.s32 @!p0 $0x40  }
0x8c: {  	[tilespmem:s20], [sflag:$0x1] =	stream.indirect.gather @!p0 [hbm4b:s1+s19], $0x80, s18, s19, $0xb8;
	[tilespmem:$0x1D000] =	vst v63  }
0x8d: {  	s18 =	sadd.s32 $0x2, s14  }
0x8e: {  	s21 =	sshll.u32 s16, $0xA;
	s19 =	sand.u32 $0x6, s18  }
0x8f: {  	s20 =	sand.u32 $0x400, s21;
	_ =	swait.ge [sflag:s28], $0x2000;
	s21 =	sshll.u32 s19, $0x7  }
0x90: {  	[sflag:s28] =	ssyncset.done $0x0;
	s20 =	sor.u32 s21, s20  }
0x91: {  	[sflag:s28] =	ssyncadd.s32 $0xFFFFE000;
	s20 =	sor.u32 $0x800, s20  }
0x92: {  	[spmem:s3] =	stream.indirect.scatter.add.f32 [tilespmem:s31], [sflag:$0x7], $0x80, s20, s26, $0xb8;
	[tilespmem:$0x1D000] =	vst v63  }
0x93: {  	_ =	swait.ge [sflag:s30], $0x2000  }
0x94: {  	s21 =	rddreg [dreg:$0x4]  }
0x95: {  	p0 =	sge.u32 s18, s21  }
0x96: {  	p1 =	sne.s32 @!p0 s19, $0x2  }
0x97: {  	p0 =	por p1, p0  }
0x98: {  	s16 =	sadd.s32 @!p0 $0x1, s16  }
0x99: {  	[sflag:s30] =	ssyncset.done $0x0;
	s18 =	sadd.s32 @!p0 s6, s16  }
0x9a: {  	[sflag:s30] =	ssyncadd.s32 $0xFFFFE000;
	s20 =	simm.s32 @!p0 $0x0;
	s18 =	sshll.u32 @!p0 s18, $0xA  }
0x9b: {  	s16 =	sshll.u32 @!p0 s16, $0xA;
	s19 =	sshrl.u32 @!p0 s18, $0x3;
	s18 =	sadd.s32 @!p0 $0x9C400, s18  }
0x9c: {  	s16 =	sand.u32 @!p0 $0x400, s16;
	s19 =	sadd.s32 @!p0 s5, s19;
	s18 =	sshrl.u32 @!p0 s18, $0x3  }
0x9d: {  	[tilespmem:s16], [sflag:$0x9] =	stream.linear.gather @!p0 [hbm4b:s19+s20], $0x400, $0x38;
	[tilespmem:$0x1D000] =	vst v63  }
0x9e: {  	s21 =	sadd.s32 $0x5, s14;
	s16 =	sor.u32 @!p0 $0x800, s16;
	s18 =	sadd.s32 @!p0 s5, s18  }
0x9f: {  	[tilespmem:s16], [sflag:$0x9] =	stream.linear.gather @!p0 [hbm4b:s18+s20], $0x400, $0x38;
	[tilespmem:$0x1D000] =	vst v63  }
0xa0: {  	p0 =	sge.u32 s21, s7  }
0xa1: {  	s16 =	sadd.s32 @!p0 $0x280, s13  }
0xa2: {  	s18 =	simm.s32 @!p0 $0x40;
	s19 =	simm.s32 @!p0 $0x3000;
	s16 =	sand.u32 @!p0 $0x680, s16  }
0xa3: {  	[tilespmem:s19], [sflag:$0x2] =	stream.indirect.gather @!p0 [hbm4b:s1+s18], $0x80, s16, s18, $0xb8;
	[tilespmem:$0x1D000] =	vst v63  }
0xa4: {  	s8 =	sshll.u32 s8, $0x7;
	_ =	swait.ge [sflag:s10], $0x2000  }
0xa5: {  	s8 =	sadd.s32 s8, s17;
	s20 =	sadd.s32 $0x6, s14;
	[sflag:s10] =	ssyncset.done $0x0  }
0xa6: {  	p0 =	sge.u32 s20, s7;
	s19 =	rddreg [dreg:$0x8];
	[sflag:s10] =	ssyncadd.s32 $0xFFFFE000  }
0xa7: {  	[spmem:s3] =	stream.indirect.scatter.add.f32 [tilespmem:s19], [sflag:$0x8], $0x80, s8, s26, $0xb8;
	[tilespmem:$0x1D000] =	vst v63  }
0xa8: {  	s14 =	simm.s32 @!p0 $0x40;
	s16 =	simm.s32 @!p0 $0x5000;
	_ =	swait.ge [sflag:s11], $0x2000  }
0xa9: {  	s8 =	sadd.s32 @!p0 $0x300, s13;
	s13 =	sadd.s32 $0x200, s13;
	[sflag:s11] =	ssyncset.done $0x0  }
0xaa: {  	s8 =	sand.u32 @!p0 $0x700, s8;
	s21 =	rddreg [dreg:$0x5];
	[sflag:s11] =	ssyncadd.s32 $0xFFFFE000  }
0xab: {  	[tilespmem:s16], [sflag:$0x3] =	stream.indirect.gather @!p0 [hbm4b:s1+s14], $0x80, s8, s14, $0xb8;
	[tilespmem:$0x1D000] =	vst v63  }
0xac: {  	p0 =	sne.s32 s21, s13  }
.Ltmp1:
0xad: {  	_ = 	snop;
	(pc) =	sbr.rel @p0 .LBB2_4-.Ltmp1, $2  }
0xae: {  	_ =	sdelay $0x2  }
0xaf: {  	s14 =	smov.u32 s15  }
0xb0: {  	_ =	swait.ge [sflag:s12], $0x2000  }
0xb1: {  	[sflag:s12] =	ssyncset.done $0x0  }
0xb2: {  	s8 =	stileid.u32;
	[sflag:s12] =	ssyncadd.s32 $0xFFFFE000  }
0xb3: {  	s8 =	sshll.u32 s8, $0x6;
	[bflag:$0x0] =	sbarrier.arrive $0xFFFF  }
0xb4: {  	s13 =	sshrl.u32 s9, $0x3;
	s8 =	sor.u32 $0x1C0A, s8;
	s14 =	rddreg [dreg:$0xb]  }
0xb5: {  	[hbm:s14], [sflag:s8] =	dma.local [spmem:s13], $0x2800  }
0xb6: {  	_ =	swait.ge [sflag:s24], $0x2800  }
0xb7: {  	s4 =	sadd.s32 $0x1, s4;
	s21 =	rddreg [dreg:$0xc]  }
0xb8: {  	p0 =	sne.s32 s4, s21  }
.Ltmp2:
0xb9: {  	_ = 	snop;
	(pc) =	sbr.rel @p0 .LBB2_1-.Ltmp2, $3  }
0xba: {  	_ =	sdelay $0x1  }
0xbb: {  	[sflag:s24] =	ssyncset.done $0x0  }
0xbc: {  	[sflag:s24] =	ssyncadd.s32 $0xFFFFD800  }
0xbd: {  	_ =	sfence.sel $0x180000  }
0xbe: {  	[bflag:$0x0] =	sbarrier.arrive $0xFFFF  }
0xbf: {  	_ =	strace $0x90000047  }
0xc0: {  	s0 =	stileid.u32;
	[bflag:$0x2] =	sbarrier.arrive $0xFFFF  }
0xc1: {  	p0 =	sne.s32 s0, $0x0;
	s0 =	rddreg [dreg:$0x3]  }
0xc2: {  	s0 =	sadd.s32 @!p0 $0x100000, s0  }
0xc3: {  	[sflag:s0] =	ssyncadd.tile.s32 @!p0 $0x1;
	_ =	shalt  }
.Lfunc_end2:
_tile_overlayer_lowered:
.L_overlay_start_2:
0xc4: {  	(tag) =	ssettag $0x2  }
0xc5: {  	s0 =	rddreg [dreg:$0x0];
	s2 =	stileid.u32  }
0xc6: {  	s1 =	rddreg [dreg:$0x1];
	p0 =	sne.s32 s2, $0x0  }
0xc7: {  	s3 =	rddreg [dreg:$0x2];
	[bflag:$0x3] =	sbarrier.arrive $0xFFFF;
	s2 =	simm.s32 @!p0 $0x1C0A  }
0xc8: {  	[timem:s3], [sflag:s2] =	dma.local @!p0 [hbm:s0], s1  }
0xc9: {  	s0 =	simm.s32 @!p0 $0xA  }
0xca: {  	_ =	swait.ge @!p0 [sflag:s0], s1  }
0xcb: {  	s1 =	ssub.s32 @!p0 $0x0, s1;
	[sflag:s0] =	ssyncset.done @!p0 $0x0  }
0xcc: {  	[sflag:s0] =	ssyncadd.s32 @!p0 s1  }
0xcd: {  	[bflag:$0x3] =	sbarrier.arrive $0xFFFF  }
0xce: {  	_ =	shalt  }

</sc_bundles>
